<compile_context>
chip_gen: v7x
topology: tpu7x:2x2x1
jax: 0.10.2.dev20260603
libtpu: 0.0.44.dev20260713+nightly
codegen_flags: <defaults>
</compile_context>

<pallas_src>
import functools

import jax
import jax.numpy as jnp
from jax import lax
from jax.experimental import pallas as pl
from jax.experimental.pallas import tpu as pltpu
from jax.experimental.pallas import tpu_sc as plsc

_NC = 2
_NT = 16
_NW = _NC * _NT
_GK = 5
_GGW = 80
_GCH = _GK * _GGW
_SK = 2
_SGW = 80
_SCH = _SK * _SGW


def _sc_gather(table, idx3, token):
    nchunk = idx3.shape[0]
    D = table.shape[1]
    E = nchunk * _GCH
    per_w = nchunk // _NW
    dt = table.dtype
    mesh = plsc.VectorSubcoreMesh(core_axis_name="c", subcore_axis_name="s")

    @functools.partial(
        pl.kernel,
        out_type=jax.ShapeDtypeStruct((E, D), dt),
        mesh=mesh,
        scratch_types=[
            pltpu.VMEM((_GK, _GGW), jnp.int32),
            pltpu.VMEM((_GK, _GGW), jnp.int32),
            pltpu.VMEM((_GCH, D), dt),
            pltpu.VMEM((_GCH, D), dt),
            pltpu.SemaphoreType.DMA,
            pltpu.SemaphoreType.DMA,
        ],
    )
    def k(table_hbm, idx_hbm, token_hbm, out_hbm,
          idx0, idx1, rows0, rows1, sem0, sem1):
        del token_hbm
        wid = lax.axis_index("s") * _NC + lax.axis_index("c")
        bufs = ((idx0, rows0, sem0), (idx1, rows1, sem1))

        def issue(k_, b):
            idx_v, rows_v, sem = bufs[b]
            cid = k_ * _NW + wid
            pltpu.sync_copy(idx_hbm.at[cid], idx_v)
            for j in range(_GK):
                pltpu.async_copy(table_hbm.at[idx_v.at[j]],
                                 rows_v.at[pl.ds(j * _GGW, _GGW)], sem)

        def drain_out(k_, b):
            idx_v, rows_v, sem = bufs[b]
            cid = k_ * _NW + wid
            for j in range(_GK):
                pltpu.make_async_copy(table_hbm.at[idx_v.at[j]],
                                      rows_v.at[pl.ds(j * _GGW, _GGW)],
                                      sem).wait()
            pltpu.sync_copy(rows_v, out_hbm.at[pl.ds(cid * _GCH, _GCH)])

        issue(0, 0)

        @pl.loop(0, per_w - 1, step=2)
        def _(k_):
            issue(k_ + 1, 1)
            drain_out(k_, 0)

            @pl.when(k_ + 2 < per_w)
            def _():
                issue(k_ + 2, 0)

            drain_out(k_ + 1, 1)

        if per_w % 2 == 1:
            drain_out(per_w - 1, 0)

    return k(table, idx3, token)


def _sc_scatter(h, idx3, T, token):
    nchunk = idx3.shape[0]
    D = h.shape[1] // 2
    ZR = 624
    ZC = 48
    TAIL = T - _NT * ZR
    per_t = nchunk // _NT
    mesh = plsc.VectorSubcoreMesh(core_axis_name="c", subcore_axis_name="s")

    @functools.partial(
        pl.kernel,
        out_type=jax.ShapeDtypeStruct((T, 2 * D), jnp.float32),
        mesh=mesh,
        scratch_types=[
            pltpu.VMEM((_SK, _SGW), jnp.int32),
            pltpu.VMEM((_SK, _SGW), jnp.int32),
            pltpu.VMEM((_SCH, D), jnp.float32),
            pltpu.VMEM((_SCH, D), jnp.float32),
            pltpu.VMEM((ZC, D), jnp.float32),
            pltpu.VMEM_SHARED((T, D), jnp.float32),
            pltpu.SemaphoreType.DMA,
            pltpu.SemaphoreType.DMA,
        ],
    )
    def k(h_hbm, idx_hbm, token_hbm, agg_hbm, idx0, idx1, rows0, rows1,
          zb_v, acc_sh, sem0, sem1):
        del token_hbm
        c = lax.axis_index("c")
        s = lax.axis_index("s")
        bufs = ((idx0, rows0, sem0), (idx1, rows1, sem1))

        def issue(k_, b):
            idx_v, rows_v, sem = bufs[b]
            cid = k_ * _NT + s
            pltpu.sync_copy(idx_hbm.at[cid], idx_v)
            pltpu.async_copy(
                h_hbm.at[pl.ds(cid * _SCH, _SCH), pl.ds(c * D, D)],
                rows_v, sem)

        def drain_scatter(k_, b):
            idx_v, rows_v, sem = bufs[b]
            cid = k_ * _NT + s
            pltpu.make_async_copy(
                h_hbm.at[pl.ds(cid * _SCH, _SCH), pl.ds(c * D, D)],
                rows_v, sem).wait()
            for j in range(_SK):
                pltpu.sync_copy(rows_v.at[pl.ds(j * _SGW, _SGW)],
                                acc_sh.at[idx_v.at[j]], add=True)

        issue(0, 0)

        @pl.loop(0, ZC)
        def _(r):
            @pl.loop(0, D, step=16)
            def _(c0):
                zb_v.at[r, pl.ds(c0, 16)][...] = jnp.zeros((16,), jnp.float32)

        @pl.loop(0, ZR, step=ZC)
        def _(r0):
            pltpu.sync_copy(zb_v, acc_sh.at[pl.ds(s * ZR + r0, ZC)])

        @pl.when(s == _NT - 1)
        def _():
            pltpu.sync_copy(zb_v.at[pl.ds(0, TAIL)],
                            acc_sh.at[pl.ds(_NT * ZR, TAIL)])

        plsc.subcore_barrier()

        @pl.loop(0, per_t - 1, step=2)
        def _(k_):
            issue(k_ + 1, 1)
            drain_scatter(k_, 0)

            @pl.when(k_ + 2 < per_t)
            def _():
                issue(k_ + 2, 0)

            drain_scatter(k_ + 1, 1)

        if per_t % 2 == 1:
            drain_scatter(per_t - 1, 0)

        plsc.subcore_barrier()

        pltpu.sync_copy(acc_sh.at[pl.ds(s * ZR, ZR)],
                        agg_hbm.at[pl.ds(s * ZR, ZR), pl.ds(c * D, D)])

        @pl.when(s == _NT - 1)
        def _():
            pltpu.sync_copy(acc_sh.at[pl.ds(_NT * ZR, TAIL)],
                            agg_hbm.at[pl.ds(_NT * ZR, TAIL), pl.ds(c * D, D)])

    return k(h, idx3, token)


def _leaky(x):
    return jnp.where(x >= 0, x, 0.1 * x)


def _tc_edge_mlp(G, EA, W1a, b1a, W1b, b1b, off):
    Es, D = G.shape
    BE = 2560
    nblk = Es // BE
    f = jnp.float32

    @functools.partial(
        pl.pallas_call,
        grid=(nblk,),
        in_specs=[
            pl.BlockSpec((BE, D), lambda i: (i, 0)),
            pl.BlockSpec((BE, D), lambda i: (off + i, 0)),
            pl.BlockSpec((2 * D, 2 * D), lambda i: (0, 0)),
            pl.BlockSpec((1, 2 * D), lambda i: (0, 0)),
            pl.BlockSpec((2 * D, 2 * D), lambda i: (0, 0)),
            pl.BlockSpec((1, 2 * D), lambda i: (0, 0)),
        ],
        out_specs=pl.BlockSpec((BE, 2 * D), lambda i: (i, 0)),
        out_shape=jax.ShapeDtypeStruct((Es, 2 * D), f),
    )
    def k(g_ref, ea_ref, wa_ref, ba_ref, wb_ref, bb_ref, o_ref):
        b16 = jnp.bfloat16
        wa = wa_ref[...].astype(b16)
        h1 = (lax.dot_general(g_ref[...].astype(b16), wa[:, :D],
                              (((1,), (1,)), ((), ())),
                              preferred_element_type=f)
              + lax.dot_general(ea_ref[...].astype(b16), wa[:, D:],
                                (((1,), (1,)), ((), ())),
                                preferred_element_type=f)
              + ba_ref[...])
        o_ref[...] = lax.dot_general(_leaky(h1).astype(b16),
                                     wb_ref[...].astype(b16),
                                     (((1,), (1,)), ((), ())),
                                     preferred_element_type=f) + bb_ref[...]

    return k(G, EA, W1a, b1a.reshape(1, -1), W1b, b1b.reshape(1, -1))


def _tc_node_mlp(x_t, aggs, u, W2a, b2a, W2b, b2b):
    T, D = x_t.shape
    F2 = 4 * D
    BN = 2000
    ns = len(aggs)
    f = jnp.float32

    @functools.partial(
        pl.pallas_call,
        grid=(T // BN,),
        in_specs=[
            pl.BlockSpec((BN, D), lambda i: (i, 0)),
        ] + [
            pl.BlockSpec((BN, 2 * D), lambda i: (i, 0)) for _ in range(ns)
        ] + [
            pl.BlockSpec((1, D), lambda i: (0, 0)),
            pl.BlockSpec((F2, F2), lambda i: (0, 0)),
            pl.BlockSpec((1, F2), lambda i: (0, 0)),
            pl.BlockSpec((D, F2), lambda i: (0, 0)),
            pl.BlockSpec((1, D), lambda i: (0, 0)),
        ],
        out_specs=(
            pl.BlockSpec((BN, D), lambda i: (i, 0)),
            pl.BlockSpec((8, D), lambda i: (0, 0)),
            pl.BlockSpec((8, D), lambda i: (0, 0)),
        ),
        out_shape=(
            jax.ShapeDtypeStruct((T, D), f),
            jax.ShapeDtypeStruct((8, D), f),
            jax.ShapeDtypeStruct((8, D), f),
        ),
    )
    def k(xt_ref, *rest):
        (u_ref, w2a_ref, b2a_ref, w2b_ref, b2b_ref,
         h2_ref, s1_ref, s2_ref) = rest[ns:]
        b16 = jnp.bfloat16
        a = rest[0][...]
        for r in rest[1:ns]:
            a = a + r[...]
        i = pl.program_id(0)
        w2a = w2a_ref[...].astype(b16)
        a1 = w2a[:, :D]
        a2 = w2a[:, D:3 * D]
        a3 = w2a[:, 3 * D:]
        urow = lax.dot_general(u_ref[...].astype(b16), a3,
                               (((1,), (1,)), ((), ())),
                               preferred_element_type=f) + b2a_ref[...]
        h1 = (lax.dot_general(xt_ref[...].astype(b16), a1,
                              (((1,), (1,)), ((), ())),
                              preferred_element_type=f)
              + lax.dot_general(a.astype(b16), a2, (((1,), (1,)), ((), ())),
                                preferred_element_type=f)
              + urow)
        h2 = lax.dot_general(_leaky(h1).astype(b16),
                             w2b_ref[...].astype(b16),
                             (((1,), (1,)), ((), ())),
                             preferred_element_type=f) + b2b_ref[...]
        h2_ref[...] = h2

        @pl.when(i == 0)
        def _():
            s1_ref[...] = jnp.zeros_like(s1_ref)
            s2_ref[...] = jnp.zeros_like(s2_ref)

        s1_ref[...] += jnp.broadcast_to(jnp.sum(h2, axis=0)[None, :], (8, D))
        s2_ref[...] += jnp.broadcast_to(jnp.sum(h2 * h2, axis=0)[None, :], (8, D))

    return k(x_t, *aggs, u, W2a, b2a.reshape(1, -1), W2b, b2b.reshape(1, -1))


def _tc_batchnorm(h2, s1, s2, gamma, beta):
    T, D = h2.shape
    BN = 2000
    f = jnp.float32

    @functools.partial(
        pl.pallas_call,
        grid=(T // BN,),
        in_specs=[
            pl.BlockSpec((BN, D), lambda i: (i, 0)),
            pl.BlockSpec((8, D), lambda i: (0, 0)),
            pl.BlockSpec((8, D), lambda i: (0, 0)),
            pl.BlockSpec((1, D), lambda i: (0, 0)),
            pl.BlockSpec((1, D), lambda i: (0, 0)),
        ],
        out_specs=pl.BlockSpec((BN, D), lambda i: (i, 0)),
        out_shape=jax.ShapeDtypeStruct((T, D), f),
    )
    def k(h2_ref, s1_ref, s2_ref, g_ref, b_ref, o_ref):
        n = f(T)
        mean = s1_ref[0:1, :] / n
        var = s2_ref[0:1, :] / n - mean * mean
        scale = g_ref[...] * lax.rsqrt(var + 1e-5)
        shift = b_ref[...] - mean * scale
        o_ref[...] = h2_ref[...] * scale + shift

    return k(h2, s1, s2, gamma.reshape(1, -1), beta.reshape(1, -1))


def kernel(x_s, x_t, edge_index, edge_attr, u,
           W1a, b1a, W1b, b1b, W2a, b2a, W2b, b2b, gamma, beta):
    T = x_t.shape[0]
    E = edge_attr.shape[0]
    src = edge_index[0].astype(jnp.int32)
    tgt = edge_index[1].astype(jnp.int32)
    src3 = src.reshape(E // _GCH, _GK, _GGW)
    tgt3 = tgt.reshape(E // _SCH, _SK, _SGW)

    esplit = (166400, 153600) if E == 320000 else (E,)
    ns = len(esplit)
    gb, sb, mb = [0], [0], [0]
    for es in esplit:
        gb.append(gb[-1] + es // _GCH)
        sb.append(sb[-1] + es // _SCH)
        mb.append(mb[-1] + es // 2560)

    def gat(q, token):
        return _sc_gather(x_s, src3[gb[q]:gb[q + 1]], token)

    G = [None] * ns
    A = [None] * ns
    G[0] = gat(0, u)
    if ns > 1:
        G[1] = gat(1, G[0])
    for q in range(ns):
        Hq = _tc_edge_mlp(G[q], edge_attr, W1a, b1a, W1b, b1b, mb[q])
        stok = G[q + 1] if q + 1 < ns else A[q - 1] if q else G[q]
        A[q] = _sc_scatter(Hq, tgt3[sb[q]:sb[q + 1]], T, stok)
        if q + 2 < ns:
            G[q + 2] = gat(q + 2, A[q])
    h2, s1, s2 = _tc_node_mlp(x_t, tuple(A), u, W2a, b2a, W2b, b2b)
    return _tc_batchnorm(h2, s1, s2, gamma, beta)

# --- scband reference (transcript-rebuilt; emitter-appended) ---
"""Pipeline reference for scband-tmodel-26276609917536 (READ-ONLY COPY).

The authoritative reference and input builder live on the scoring server;
editing this copy changes nothing except your own understanding.
"""

import jax, jax.numpy as jnp
import numpy as np

FDIM = 128
S = 10000
T = 10000
E = 320000

def _init_linear(key, out_f, in_f):
    k1, k2 = jax.random.split(key)
    bound = 1.0 / np.sqrt(in_f)
    W = jax.random.uniform(k1, (out_f, in_f), minval=-bound, maxval=bound, dtype=jnp.float32)
    b = jax.random.uniform(k2, (out_f,), minval=-bound, maxval=bound, dtype=jnp.float32)
    return W, b

def setup_inputs(seed: int = 0) -> dict:
    key = jax.random.key(seed)
    ks = jax.random.split(key, 10)
    x_s = jax.random.normal(ks[0], (S, FDIM), dtype=jnp.float32)
    x_t = jax.random.normal(ks[1], (T, FDIM), dtype=jnp.float32)
    edge_index = jax.random.randint(ks[2], (2, E), 0, T, dtype=jnp.int64)
    edge_attr = jax.random.normal(ks[3], (E, FDIM), dtype=jnp.float32)
    u = jax.random.normal(ks[4], (1, FDIM), dtype=jnp.float32)
    F_msg = 2 * FDIM
    F_msg2 = 4 * FDIM
    W1a, b1a = _init_linear(ks[5], F_msg, F_msg)
    W1b, b1b = _init_linear(ks[6], F_msg, F_msg)
    W2a, b2a = _init_linear(ks[7], F_msg2, F_msg2)
    W2b, b2b = _init_linear(ks[8], FDIM, F_msg2)
    gamma = jnp.ones((FDIM,), dtype=jnp.float32)
    beta = jnp.zeros((FDIM,), dtype=jnp.float32)
    return {"x_s": x_s, "x_t": x_t, "edge_index": edge_index, "edge_attr": edge_attr, "u": u,
            "W1a": W1a, "b1a": b1a, "W1b": W1b, "b1b": b1b,
            "W2a": W2a, "b2a": b2a, "W2b": W2b, "b2b": b2b,
            "gamma": gamma, "beta": beta}

def _leaky_relu(x):
    return jnp.where(x >= 0, x, 0.1 * x)

def reference(x_s, x_t, edge_index, edge_attr, u, W1a, b1a, W1b, b1b, W2a, b2a, W2b, b2b, gamma, beta):
    src = edge_index[0]
    tgt = edge_index[1]
    # message: gather source features, concat edge attrs
    msg = jnp.concatenate([jnp.take(x_s, src, axis=0), edge_attr], axis=1)
    # node_mlp_1
    h = msg @ W1a.T + b1a
    h = _leaky_relu(h)
    h = h @ W1b.T + b1b
    # scatter-add aggregation to target nodes
    agg = jax.ops.segment_sum(h, tgt, num_segments=x_t.shape[0])
    # concat [x_t, agg, u expanded]
    u_exp = jnp.broadcast_to(u, (x_t.shape[0], u.shape[1]))
    h_cat = jnp.concatenate([x_t, agg, u_exp], axis=-1)
    # node_mlp_2
    h2 = h_cat @ W2a.T + b2a
    h2 = _leaky_relu(h2)
    h2 = h2 @ W2b.T + b2b
    # BatchNorm1d (training mode: batch statistics, biased variance, eps=1e-5)
    mean = jnp.mean(h2, axis=0)
    var = jnp.var(h2, axis=0)
    out = (h2 - mean) / jnp.sqrt(var + 1e-5) * gamma + beta
    return out

if __name__ == "__main__":
    import jax
    _d = setup_inputs()
    print(jax.jit(kernel)(*tuple(_d.values())))

</pallas_src>

<mosaic_0001>
#map = affine_map<(d0, d1) -> (0, 0)>
#map1 = affine_map<(d0, d1) -> (0, 0, 0)>
module attributes {stable_mosaic.version = 14 : i64} {
  func.func @k(%arg0: i32, %arg1: i32, %arg2: memref<153600x256xf32, #tpu.memory_space<hbm>>, %arg3: memref<960x2x80xi32, #tpu.memory_space<hbm>>, %arg4: memref<10000x256xf32, #tpu.memory_space<hbm>>, %arg5: memref<10000x256xf32, #tpu.memory_space<hbm>>, %arg6: memref<2x80xi32, #tpu.memory_space<vmem>>, %arg7: memref<2x80xi32, #tpu.memory_space<vmem>>, %arg8: memref<160x128xf32, #tpu.memory_space<vmem>>, %arg9: memref<160x128xf32, #tpu.memory_space<vmem>>, %arg10: memref<48x128xf32, #tpu.memory_space<vmem>>, %arg11: memref<10000x128xf32, #tpu.memory_space<vmem_shared>>, %arg12: memref<!tpu.dma_semaphore, #tpu.memory_space<semaphore_mem>>, %arg13: memref<!tpu.dma_semaphore, #tpu.memory_space<semaphore_mem>>) attributes {dimension_semantics = [#tpu.dimension_semantics<core_parallel>, #tpu.dimension_semantics<subcore_parallel>], iteration_bounds = array<i64: 2, 16>, scalar_prefetch = 0 : i64, scratch_operands = 8 : i64, tpu.core_type = #tpu.core_type<sc_vector_subcore>, window_params = [{transform_indices = #map}, {transform_indices = #map1}, {transform_indices = #map}, {transform_indices = #map}]} {
    %add3A = arith.constant 0 : i32
    %add3A_0 = arith.addi %add3A, %arg1 : i32
    "tpu.region"() ({
      %run_scoped3A = tpu.sem_alloc : memref<!tpu.dma_semaphore, #tpu.memory_space<semaphore_mem>>
      %dma_start3A_33 = arith.constant 0 : i32
      %dma_start3A_34 = arith.constant 0 : i32
      %dma_start3A_35 = tpu.memref_slice %arg3[%add3A_0, %dma_start3A_33, %dma_start3A_34] : memref<960x2x80xi32, #tpu.memory_space<hbm>> -> memref<1x2x80xi32, #tpu.memory_space<hbm>>
      %dma_start3A_36 = tpu.memref_squeeze %dma_start3A_35 : memref<1x2x80xi32, #tpu.memory_space<hbm>> -> memref<2x80xi32, #tpu.memory_space<hbm>>
      %dma_start3A_37 = arith.constant 0 : i32
      %dma_start3A_38 = arith.constant 0 : i32
      %dma_start3A_39 = tpu.memref_slice %arg3[%add3A_0, %dma_start3A_37, %dma_start3A_38] : memref<960x2x80xi32, #tpu.memory_space<hbm>> -> memref<1x2x80xi32, #tpu.memory_space<hbm>>
      %dma_start3A_40 = tpu.memref_squeeze %dma_start3A_39 : memref<1x2x80xi32, #tpu.memory_space<hbm>> -> memref<2x80xi32, #tpu.memory_space<hbm>>
      tpu.enqueue_dma source(%dma_start3A_40 : memref<2x80xi32, #tpu.memory_space<hbm>>) target(%arg6 : memref<2x80xi32, #tpu.memory_space<vmem>>) target_semaphore(%run_scoped3A : memref<!tpu.dma_semaphore, #tpu.memory_space<semaphore_mem>>)
      %dma_wait3A = arith.constant 0 : i32
      %dma_wait3A_41 = arith.constant 0 : i32
      %dma_wait3A_42 = tpu.memref_slice %arg3[%add3A_0, %dma_wait3A, %dma_wait3A_41] : memref<960x2x80xi32, #tpu.memory_space<hbm>> -> memref<1x2x80xi32, #tpu.memory_space<hbm>>
      %dma_wait3A_43 = tpu.memref_squeeze %dma_wait3A_42 : memref<1x2x80xi32, #tpu.memory_space<hbm>> -> memref<2x80xi32, #tpu.memory_space<hbm>>
      %dma_wait3A_44 = arith.constant 0 : i32
      %dma_wait3A_45 = arith.constant 0 : i32
      %dma_wait3A_46 = tpu.memref_slice %arg3[%add3A_0, %dma_wait3A_44, %dma_wait3A_45] : memref<960x2x80xi32, #tpu.memory_space<hbm>> -> memref<1x2x80xi32, #tpu.memory_space<hbm>>
      %dma_wait3A_47 = tpu.memref_squeeze %dma_wait3A_46 : memref<1x2x80xi32, #tpu.memory_space<hbm>> -> memref<2x80xi32, #tpu.memory_space<hbm>>
      tpu.wait_dma2 semaphore(%run_scoped3A : memref<!tpu.dma_semaphore, #tpu.memory_space<semaphore_mem>>) src(%dma_wait3A_47 : memref<2x80xi32, #tpu.memory_space<hbm>>) dst(%arg6 : memref<2x80xi32, #tpu.memory_space<vmem>>)
      tpu.yield
    }) : () -> ()
    %mul3A = arith.constant 160 : i32
    %mul3A_1 = arith.muli %add3A_0, %mul3A : i32
    %mul3A_2 = arith.constant 128 : i32
    %mul3A_3 = arith.muli %arg0, %mul3A_2 : i32
    %dma_start3A = tpu.memref_slice %arg2[%mul3A_1, %mul3A_3] : memref<153600x256xf32, #tpu.memory_space<hbm>> -> memref<160x128xf32, #tpu.memory_space<hbm>>
    %dma_start3A_4 = tpu.memref_slice %arg2[%mul3A_1, %mul3A_3] : memref<153600x256xf32, #tpu.memory_space<hbm>> -> memref<160x128xf32, #tpu.memory_space<hbm>>
    tpu.enqueue_dma source(%dma_start3A_4 : memref<160x128xf32, #tpu.memory_space<hbm>>) target(%arg8 : memref<160x128xf32, #tpu.memory_space<vmem>>) target_semaphore(%arg12 : memref<!tpu.dma_semaphore, #tpu.memory_space<semaphore_mem>>)
    %scan3A = arith.constant 0 : i32
    %scan3A_5 = arith.constant 48 : i32
    %scan3A_6 = arith.addi %scan3A, %scan3A_5 : i32
    %scan3A_7 = arith.constant 1 : i32
    scf.for %scan3A_33 = %scan3A to %scan3A_6 step %scan3A_7  : i32 {
      %mul3A_34 = arith.constant 1 : i32
      %mul3A_35 = arith.muli %scan3A_33, %mul3A_34 : i32
      %add3A_36 = arith.constant 0 : i32
      %add3A_37 = arith.addi %add3A_36, %mul3A_35 : i32
      %scan3A_38 = arith.constant 0 : i32
      %scan3A_39 = arith.constant 8 : i32
      %scan3A_40 = arith.addi %scan3A_38, %scan3A_39 : i32
      %scan3A_41 = arith.constant 1 : i32
      scf.for %scan3A_43 = %scan3A_38 to %scan3A_40 step %scan3A_41  : i32 {
        %mul3A_44 = arith.constant 16 : i32
        %mul3A_45 = arith.muli %scan3A_43, %mul3A_44 : i32
        %add3A_46 = arith.constant 0 : i32
        %add3A_47 = arith.addi %add3A_46, %mul3A_45 : i32
        %broadcast_in_dim3A = arith.constant 0.000000e+00 : f32
        %broadcast_in_dim3A_48 = vector.broadcast %broadcast_in_dim3A : f32 to vector<16xf32>
        %swap3A = arith.index_cast %add3A_37 : i32 to index
        %swap3A_49 = arith.index_cast %add3A_47 : i32 to index
        %swap3A_50 = tpu.vector_load %arg10[%swap3A, %swap3A_49] {strides = array<i32>} : memref<48x128xf32, #tpu.memory_space<vmem>>, vector<1x16xf32>,
        %swap3A_51 = vector.shape_cast %swap3A_50 : vector<1x16xf32> to vector<16xf32>
        %swap3A_52 = vector.shape_cast %broadcast_in_dim3A_48 : vector<16xf32> to vector<1x16xf32>
        tpu.vector_store %arg10[%swap3A, %swap3A_49], %swap3A_52 {strides = array<i32>} : memref<48x128xf32, #tpu.memory_space<vmem>>, vector<1x16xf32>,
      }
      %scan3A_42 = arith.constant 8 : i32
    }
    %scan3A_8 = arith.constant 48 : i32
    %scan3A_9 = arith.constant 0 : i32
    %scan3A_10 = arith.constant 13 : i32
    %scan3A_11 = arith.addi %scan3A_9, %scan3A_10 : i32
    %scan3A_12 = arith.constant 1 : i32
    scf.for %scan3A_33 = %scan3A_9 to %scan3A_11 step %scan3A_12  : i32 {
      %mul3A_34 = arith.constant 48 : i32
      %mul3A_35 = arith.muli %scan3A_33, %mul3A_34 : i32
      %add3A_36 = arith.constant 0 : i32
      %add3A_37 = arith.addi %add3A_36, %mul3A_35 : i32
      %mul3A_38 = arith.constant 624 : i32
      %mul3A_39 = arith.muli %arg1, %mul3A_38 : i32
      %add3A_40 = arith.addi %mul3A_39, %add3A_37 : i32
      "tpu.region"() ({
        %run_scoped3A = tpu.sem_alloc : memref<!tpu.dma_semaphore, #tpu.memory_space<semaphore_mem>>
        %dma_start3A_41 = arith.constant 0 : i32
        %dma_start3A_42 = tpu.memref_slice %arg11[%add3A_40, %dma_start3A_41] : memref<10000x128xf32, #tpu.memory_space<vmem_shared>> -> memref<48x128xf32, #tpu.memory_space<vmem_shared>>
        %dma_start3A_43 = arith.constant 0 : i32
        %dma_start3A_44 = tpu.memref_slice %arg11[%add3A_40, %dma_start3A_43] : memref<10000x128xf32, #tpu.memory_space<vmem_shared>> -> memref<48x128xf32, #tpu.memory_space<vmem_shared>>
        tpu.enqueue_dma source(%arg10 : memref<48x128xf32, #tpu.memory_space<vmem>>) target(%dma_start3A_44 : memref<48x128xf32, #tpu.memory_space<vmem_shared>>) target_semaphore(%run_scoped3A : memref<!tpu.dma_semaphore, #tpu.memory_space<semaphore_mem>>)
        %dma_wait3A = arith.constant 0 : i32
        %dma_wait3A_45 = tpu.memref_slice %arg11[%add3A_40, %dma_wait3A] : memref<10000x128xf32, #tpu.memory_space<vmem_shared>> -> memref<48x128xf32, #tpu.memory_space<vmem_shared>>
        %dma_wait3A_46 = arith.constant 0 : i32
        %dma_wait3A_47 = tpu.memref_slice %arg11[%add3A_40, %dma_wait3A_46] : memref<10000x128xf32, #tpu.memory_space<vmem_shared>> -> memref<48x128xf32, #tpu.memory_space<vmem_shared>>
        tpu.wait_dma2 semaphore(%run_scoped3A : memref<!tpu.dma_semaphore, #tpu.memory_space<semaphore_mem>>) src(%arg10 : memref<48x128xf32, #tpu.memory_space<vmem>>) dst(%dma_wait3A_47 : memref<48x128xf32, #tpu.memory_space<vmem_shared>>)
        tpu.yield
      }) : () -> ()
    }
    %scan3A_13 = arith.constant 13 : i32
    %eq3A = arith.constant 15 : i32
    %eq3A_14 = arith.cmpi eq, %arg1, %eq3A : i32
    %convert_element_type3A = arith.extui %eq3A_14 : i1 to i32
    %cond3A = arith.constant 0 : i32
    %cond3A_15 = arith.cmpi ne, %convert_element_type3A, %cond3A : i32
    scf.if %cond3A_15 {
      "tpu.region"() ({
        %run_scoped3A = tpu.sem_alloc : memref<!tpu.dma_semaphore, #tpu.memory_space<semaphore_mem>>
        %dma_start3A_33 = arith.constant 0 : i32
        %dma_start3A_34 = arith.constant 0 : i32
        %dma_start3A_35 = tpu.memref_slice %arg10[%dma_start3A_33, %dma_start3A_34] : memref<48x128xf32, #tpu.memory_space<vmem>> -> memref<16x128xf32, #tpu.memory_space<vmem>>
        %dma_start3A_36 = arith.constant 9984 : i32
        %dma_start3A_37 = arith.constant 0 : i32
        %dma_start3A_38 = tpu.memref_slice %arg11[%dma_start3A_36, %dma_start3A_37] : memref<10000x128xf32, #tpu.memory_space<vmem_shared>> -> memref<16x128xf32, #tpu.memory_space<vmem_shared>>
        %dma_start3A_39 = arith.constant 9984 : i32
        %dma_start3A_40 = arith.constant 0 : i32
        %dma_start3A_41 = tpu.memref_slice %arg11[%dma_start3A_39, %dma_start3A_40] : memref<10000x128xf32, #tpu.memory_space<vmem_shared>> -> memref<16x128xf32, #tpu.memory_space<vmem_shared>>
        %dma_start3A_42 = arith.constant 0 : i32
        %dma_start3A_43 = arith.constant 0 : i32
        %dma_start3A_44 = tpu.memref_slice %arg10[%dma_start3A_42, %dma_start3A_43] : memref<48x128xf32, #tpu.memory_space<vmem>> -> memref<16x128xf32, #tpu.memory_space<vmem>>
        tpu.enqueue_dma source(%dma_start3A_44 : memref<16x128xf32, #tpu.memory_space<vmem>>) target(%dma_start3A_41 : memref<16x128xf32, #tpu.memory_space<vmem_shared>>) target_semaphore(%run_scoped3A : memref<!tpu.dma_semaphore, #tpu.memory_space<semaphore_mem>>)
        %dma_wait3A = arith.constant 0 : i32
        %dma_wait3A_45 = arith.constant 0 : i32
        %dma_wait3A_46 = tpu.memref_slice %arg10[%dma_wait3A, %dma_wait3A_45] : memref<48x128xf32, #tpu.memory_space<vmem>> -> memref<16x128xf32, #tpu.memory_space<vmem>>
        %dma_wait3A_47 = arith.constant 9984 : i32
        %dma_wait3A_48 = arith.constant 0 : i32
        %dma_wait3A_49 = tpu.memref_slice %arg11[%dma_wait3A_47, %dma_wait3A_48] : memref<10000x128xf32, #tpu.memory_space<vmem_shared>> -> memref<16x128xf32, #tpu.memory_space<vmem_shared>>
        %dma_wait3A_50 = arith.constant 9984 : i32
        %dma_wait3A_51 = arith.constant 0 : i32
        %dma_wait3A_52 = tpu.memref_slice %arg11[%dma_wait3A_50, %dma_wait3A_51] : memref<10000x128xf32, #tpu.memory_space<vmem_shared>> -> memref<16x128xf32, #tpu.memory_space<vmem_shared>>
        %dma_wait3A_53 = arith.constant 0 : i32
        %dma_wait3A_54 = arith.constant 0 : i32
        %dma_wait3A_55 = tpu.memref_slice %arg10[%dma_wait3A_53, %dma_wait3A_54] : memref<48x128xf32, #tpu.memory_space<vmem>> -> memref<16x128xf32, #tpu.memory_space<vmem>>
        tpu.wait_dma2 semaphore(%run_scoped3A : memref<!tpu.dma_semaphore, #tpu.memory_space<semaphore_mem>>) src(%dma_wait3A_55 : memref<16x128xf32, #tpu.memory_space<vmem>>) dst(%dma_wait3A_52 : memref<16x128xf32, #tpu.memory_space<vmem_shared>>)
        tpu.yield
      }) : () -> ()
    } else {
    }
    %barrier3A = arith.constant 0 : index
    tpu.barrier barrier_id(%barrier3A)
    %scan3A_16 = arith.constant 0 : i32
    %scan3A_17 = arith.constant 30 : i32
    %scan3A_18 = arith.addi %scan3A_16, %scan3A_17 : i32
    %scan3A_19 = arith.constant 1 : i32
    scf.for %scan3A_33 = %scan3A_16 to %scan3A_18 step %scan3A_19  : i32 {
      %mul3A_34 = arith.constant 2 : i32
      %mul3A_35 = arith.muli %scan3A_33, %mul3A_34 : i32
      %add3A_36 = arith.constant 0 : i32
      %add3A_37 = arith.addi %add3A_36, %mul3A_35 : i32
      %add3A_38 = arith.constant 1 : i32
      %add3A_39 = arith.addi %add3A_37, %add3A_38 : i32
      %mul3A_40 = arith.constant 16 : i32
      %mul3A_41 = arith.muli %add3A_39, %mul3A_40 : i32
      %add3A_42 = arith.addi %mul3A_41, %arg1 : i32
      "tpu.region"() ({
        %run_scoped3A_77 = tpu.sem_alloc : memref<!tpu.dma_semaphore, #tpu.memory_space<semaphore_mem>>
        %dma_start3A_78 = arith.constant 0 : i32
        %dma_start3A_79 = arith.constant 0 : i32
        %dma_start3A_80 = tpu.memref_slice %arg3[%add3A_42, %dma_start3A_78, %dma_start3A_79] : memref<960x2x80xi32, #tpu.memory_space<hbm>> -> memref<1x2x80xi32, #tpu.memory_space<hbm>>
        %dma_start3A_81 = tpu.memref_squeeze %dma_start3A_80 : memref<1x2x80xi32, #tpu.memory_space<hbm>> -> memref<2x80xi32, #tpu.memory_space<hbm>>
        %dma_start3A_82 = arith.constant 0 : i32
        %dma_start3A_83 = arith.constant 0 : i32
        %dma_start3A_84 = tpu.memref_slice %arg3[%add3A_42, %dma_start3A_82, %dma_start3A_83] : memref<960x2x80xi32, #tpu.memory_space<hbm>> -> memref<1x2x80xi32, #tpu.memory_space<hbm>>
        %dma_start3A_85 = tpu.memref_squeeze %dma_start3A_84 : memref<1x2x80xi32, #tpu.memory_space<hbm>> -> memref<2x80xi32, #tpu.memory_space<hbm>>
        tpu.enqueue_dma source(%dma_start3A_85 : memref<2x80xi32, #tpu.memory_space<hbm>>) target(%arg7 : memref<2x80xi32, #tpu.memory_space<vmem>>) target_semaphore(%run_scoped3A_77 : memref<!tpu.dma_semaphore, #tpu.memory_space<semaphore_mem>>)
        %dma_wait3A_86 = arith.constant 0 : i32
        %dma_wait3A_87 = arith.constant 0 : i32
        %dma_wait3A_88 = tpu.memref_slice %arg3[%add3A_42, %dma_wait3A_86, %dma_wait3A_87] : memref<960x2x80xi32, #tpu.memory_space<hbm>> -> memref<1x2x80xi32, #tpu.memory_space<hbm>>
        %dma_wait3A_89 = tpu.memref_squeeze %dma_wait3A_88 : memref<1x2x80xi32, #tpu.memory_space<hbm>> -> memref<2x80xi32, #tpu.memory_space<hbm>>
        %dma_wait3A_90 = arith.constant 0 : i32
        %dma_wait3A_91 = arith.constant 0 : i32
        %dma_wait3A_92 = tpu.memref_slice %arg3[%add3A_42, %dma_wait3A_90, %dma_wait3A_91] : memref<960x2x80xi32, #tpu.memory_space<hbm>> -> memref<1x2x80xi32, #tpu.memory_space<hbm>>
        %dma_wait3A_93 = tpu.memref_squeeze %dma_wait3A_92 : memref<1x2x80xi32, #tpu.memory_space<hbm>> -> memref<2x80xi32, #tpu.memory_space<hbm>>
        tpu.wait_dma2 semaphore(%run_scoped3A_77 : memref<!tpu.dma_semaphore, #tpu.memory_space<semaphore_mem>>) src(%dma_wait3A_93 : memref<2x80xi32, #tpu.memory_space<hbm>>) dst(%arg7 : memref<2x80xi32, #tpu.memory_space<vmem>>)
        tpu.yield
      }) : () -> ()
      %mul3A_43 = arith.constant 160 : i32
      %mul3A_44 = arith.muli %add3A_42, %mul3A_43 : i32
      %mul3A_45 = arith.constant 128 : i32
      %mul3A_46 = arith.muli %arg0, %mul3A_45 : i32
      %dma_start3A_47 = tpu.memref_slice %arg2[%mul3A_44, %mul3A_46] : memref<153600x256xf32, #tpu.memory_space<hbm>> -> memref<160x128xf32, #tpu.memory_space<hbm>>
      %dma_start3A_48 = tpu.memref_slice %arg2[%mul3A_44, %mul3A_46] : memref<153600x256xf32, #tpu.memory_space<hbm>> -> memref<160x128xf32, #tpu.memory_space<hbm>>
      tpu.enqueue_dma source(%dma_start3A_48 : memref<160x128xf32, #tpu.memory_space<hbm>>) target(%arg9 : memref<160x128xf32, #tpu.memory_space<vmem>>) target_semaphore(%arg13 : memref<!tpu.dma_semaphore, #tpu.memory_space<semaphore_mem>>)
      %mul3A_49 = arith.constant 16 : i32
      %mul3A_50 = arith.muli %add3A_37, %mul3A_49 : i32
      %add3A_51 = arith.addi %mul3A_50, %arg1 : i32
      %mul3A_52 = arith.constant 160 : i32
      %mul3A_53 = arith.muli %add3A_51, %mul3A_52 : i32
      %mul3A_54 = arith.constant 128 : i32
      %mul3A_55 = arith.muli %arg0, %mul3A_54 : i32
      %dma_wait3A = tpu.memref_slice %arg2[%mul3A_53, %mul3A_55] : memref<153600x256xf32, #tpu.memory_space<hbm>> -> memref<160x128xf32, #tpu.memory_space<hbm>>
      %dma_wait3A_56 = tpu.memref_slice %arg2[%mul3A_53, %mul3A_55] : memref<153600x256xf32, #tpu.memory_space<hbm>> -> memref<160x128xf32, #tpu.memory_space<hbm>>
      tpu.wait_dma2 semaphore(%arg12 : memref<!tpu.dma_semaphore, #tpu.memory_space<semaphore_mem>>) src(%dma_wait3A_56 : memref<160x128xf32, #tpu.memory_space<hbm>>) dst(%arg8 : memref<160x128xf32, #tpu.memory_space<vmem>>)
      %run_scoped3A = arith.constant 0 : i32
      "tpu.region"() ({
        %run_scoped3A_77 = tpu.sem_alloc : memref<!tpu.dma_semaphore, #tpu.memory_space<semaphore_mem>>
        %dma_start3A_78 = arith.constant 0 : i32
        %dma_start3A_79 = arith.constant 0 : i32
        %dma_start3A_80 = tpu.memref_slice %arg8[%dma_start3A_78, %dma_start3A_79] : memref<160x128xf32, #tpu.memory_space<vmem>> -> memref<80x128xf32, #tpu.memory_space<vmem>>
        %dma_start3A_81 = arith.constant 0 : i32
        %dma_start3A_82 = tpu.memref_slice %arg6[%run_scoped3A, %dma_start3A_81] : memref<2x80xi32, #tpu.memory_space<vmem>> -> memref<1x80xi32, #tpu.memory_space<vmem>>
        %dma_start3A_83 = tpu.memref_squeeze %dma_start3A_82 : memref<1x80xi32, #tpu.memory_space<vmem>> -> memref<80xi32, #tpu.memory_space<vmem>>
        %dma_start3A_84 = arith.constant 0 : i32
        %dma_start3A_85 = arith.constant 0 : i32
        %dma_start3A_86 = tpu.memref_slice %arg11[%dma_start3A_84, %dma_start3A_85] : memref<10000x128xf32, #tpu.memory_space<vmem_shared>> -> memref<10000x128xf32, #tpu.memory_space<vmem_shared>>
        tpu.enqueue_indirect_dma source(%dma_start3A_80 : memref<80x128xf32, #tpu.memory_space<vmem>>) target(%dma_start3A_86 : memref<10000x128xf32, #tpu.memory_space<vmem_shared>>) offsets(%dma_start3A_83 : memref<80xi32, #tpu.memory_space<vmem>>) semaphore(%run_scoped3A_77 : memref<!tpu.dma_semaphore, #tpu.memory_space<semaphore_mem>>) {add = true}
        %dma_wait3A_87 = arith.constant 0 : i32
        %dma_wait3A_88 = arith.constant 0 : i32
        %dma_wait3A_89 = tpu.memref_slice %arg8[%dma_wait3A_87, %dma_wait3A_88] : memref<160x128xf32, #tpu.memory_space<vmem>> -> memref<80x128xf32, #tpu.memory_space<vmem>>
        %dma_wait3A_90 = arith.constant 0 : i32
        %dma_wait3A_91 = tpu.memref_slice %arg6[%run_scoped3A, %dma_wait3A_90] : memref<2x80xi32, #tpu.memory_space<vmem>> -> memref<1x80xi32, #tpu.memory_space<vmem>>
        %dma_wait3A_92 = tpu.memref_squeeze %dma_wait3A_91 : memref<1x80xi32, #tpu.memory_space<vmem>> -> memref<80xi32, #tpu.memory_space<vmem>>
        %dma_wait3A_93 = arith.constant 0 : i32
        %dma_wait3A_94 = arith.constant 0 : i32
        %dma_wait3A_95 = tpu.memref_slice %arg11[%dma_wait3A_93, %dma_wait3A_94] : memref<10000x128xf32, #tpu.memory_space<vmem_shared>> -> memref<10000x128xf32, #tpu.memory_space<vmem_shared>>
        tpu.wait_indirect_dma semaphore(%run_scoped3A_77 : memref<!tpu.dma_semaphore, #tpu.memory_space<semaphore_mem>>) src(%dma_wait3A_89 : memref<80x128xf32, #tpu.memory_space<vmem>>) dst(%dma_wait3A_95 : memref<10000x128xf32, #tpu.memory_space<vmem_shared>>)
        tpu.yield
      }) : () -> ()
      %run_scoped3A_57 = arith.constant 1 : i32
      "tpu.region"() ({
        %run_scoped3A_77 = tpu.sem_alloc : memref<!tpu.dma_semaphore, #tpu.memory_space<semaphore_mem>>
        %dma_start3A_78 = arith.constant 80 : i32
        %dma_start3A_79 = arith.constant 0 : i32
        %dma_start3A_80 = tpu.memref_slice %arg8[%dma_start3A_78, %dma_start3A_79] : memref<160x128xf32, #tpu.memory_space<vmem>> -> memref<80x128xf32, #tpu.memory_space<vmem>>
        %dma_start3A_81 = arith.constant 0 : i32
        %dma_start3A_82 = tpu.memref_slice %arg6[%run_scoped3A_57, %dma_start3A_81] : memref<2x80xi32, #tpu.memory_space<vmem>> -> memref<1x80xi32, #tpu.memory_space<vmem>>
        %dma_start3A_83 = tpu.memref_squeeze %dma_start3A_82 : memref<1x80xi32, #tpu.memory_space<vmem>> -> memref<80xi32, #tpu.memory_space<vmem>>
        %dma_start3A_84 = arith.constant 0 : i32
        %dma_start3A_85 = arith.constant 0 : i32
        %dma_start3A_86 = tpu.memref_slice %arg11[%dma_start3A_84, %dma_start3A_85] : memref<10000x128xf32, #tpu.memory_space<vmem_shared>> -> memref<10000x128xf32, #tpu.memory_space<vmem_shared>>
        tpu.enqueue_indirect_dma source(%dma_start3A_80 : memref<80x128xf32, #tpu.memory_space<vmem>>) target(%dma_start3A_86 : memref<10000x128xf32, #tpu.memory_space<vmem_shared>>) offsets(%dma_start3A_83 : memref<80xi32, #tpu.memory_space<vmem>>) semaphore(%run_scoped3A_77 : memref<!tpu.dma_semaphore, #tpu.memory_space<semaphore_mem>>) {add = true}
        %dma_wait3A_87 = arith.constant 80 : i32
        %dma_wait3A_88 = arith.constant 0 : i32
        %dma_wait3A_89 = tpu.memref_slice %arg8[%dma_wait3A_87, %dma_wait3A_88] : memref<160x128xf32, #tpu.memory_space<vmem>> -> memref<80x128xf32, #tpu.memory_space<vmem>>
        %dma_wait3A_90 = arith.constant 0 : i32
        %dma_wait3A_91 = tpu.memref_slice %arg6[%run_scoped3A_57, %dma_wait3A_90] : memref<2x80xi32, #tpu.memory_space<vmem>> -> memref<1x80xi32, #tpu.memory_space<vmem>>
        %dma_wait3A_92 = tpu.memref_squeeze %dma_wait3A_91 : memref<1x80xi32, #tpu.memory_space<vmem>> -> memref<80xi32, #tpu.memory_space<vmem>>
        %dma_wait3A_93 = arith.constant 0 : i32
        %dma_wait3A_94 = arith.constant 0 : i32
        %dma_wait3A_95 = tpu.memref_slice %arg11[%dma_wait3A_93, %dma_wait3A_94] : memref<10000x128xf32, #tpu.memory_space<vmem_shared>> -> memref<10000x128xf32, #tpu.memory_space<vmem_shared>>
        tpu.wait_indirect_dma semaphore(%run_scoped3A_77 : memref<!tpu.dma_semaphore, #tpu.memory_space<semaphore_mem>>) src(%dma_wait3A_89 : memref<80x128xf32, #tpu.memory_space<vmem>>) dst(%dma_wait3A_95 : memref<10000x128xf32, #tpu.memory_space<vmem_shared>>)
        tpu.yield
      }) : () -> ()
      %add3A_58 = arith.constant 2 : i32
      %add3A_59 = arith.addi %add3A_37, %add3A_58 : i32
      %lt3A = arith.constant 60 : i32
      %lt3A_60 = arith.cmpi slt, %add3A_59, %lt3A : i32
      %convert_element_type3A_61 = arith.extui %lt3A_60 : i1 to i32
      %cond3A_62 = arith.constant 0 : i32
      %cond3A_63 = arith.cmpi ne, %convert_element_type3A_61, %cond3A_62 : i32
      scf.if %cond3A_63 {
        %add3A_77 = arith.constant 2 : i32
        %add3A_78 = arith.addi %add3A_37, %add3A_77 : i32
        %mul3A_79 = arith.constant 16 : i32
        %mul3A_80 = arith.muli %add3A_78, %mul3A_79 : i32
        %add3A_81 = arith.addi %mul3A_80, %arg1 : i32
        "tpu.region"() ({
          %run_scoped3A_88 = tpu.sem_alloc : memref<!tpu.dma_semaphore, #tpu.memory_space<semaphore_mem>>
          %dma_start3A_89 = arith.constant 0 : i32
          %dma_start3A_90 = arith.constant 0 : i32
          %dma_start3A_91 = tpu.memref_slice %arg3[%add3A_81, %dma_start3A_89, %dma_start3A_90] : memref<960x2x80xi32, #tpu.memory_space<hbm>> -> memref<1x2x80xi32, #tpu.memory_space<hbm>>
          %dma_start3A_92 = tpu.memref_squeeze %dma_start3A_91 : memref<1x2x80xi32, #tpu.memory_space<hbm>> -> memref<2x80xi32, #tpu.memory_space<hbm>>
          %dma_start3A_93 = arith.constant 0 : i32
          %dma_start3A_94 = arith.constant 0 : i32
          %dma_start3A_95 = tpu.memref_slice %arg3[%add3A_81, %dma_start3A_93, %dma_start3A_94] : memref<960x2x80xi32, #tpu.memory_space<hbm>> -> memref<1x2x80xi32, #tpu.memory_space<hbm>>
          %dma_start3A_96 = tpu.memref_squeeze %dma_start3A_95 : memref<1x2x80xi32, #tpu.memory_space<hbm>> -> memref<2x80xi32, #tpu.memory_space<hbm>>
          tpu.enqueue_dma source(%dma_start3A_96 : memref<2x80xi32, #tpu.memory_space<hbm>>) target(%arg6 : memref<2x80xi32, #tpu.memory_space<vmem>>) target_semaphore(%run_scoped3A_88 : memref<!tpu.dma_semaphore, #tpu.memory_space<semaphore_mem>>)
          %dma_wait3A_97 = arith.constant 0 : i32
          %dma_wait3A_98 = arith.constant 0 : i32
          %dma_wait3A_99 = tpu.memref_slice %arg3[%add3A_81, %dma_wait3A_97, %dma_wait3A_98] : memref<960x2x80xi32, #tpu.memory_space<hbm>> -> memref<1x2x80xi32, #tpu.memory_space<hbm>>
          %dma_wait3A_100 = tpu.memref_squeeze %dma_wait3A_99 : memref<1x2x80xi32, #tpu.memory_space<hbm>> -> memref<2x80xi32, #tpu.memory_space<hbm>>
          %dma_wait3A_101 = arith.constant 0 : i32
          %dma_wait3A_102 = arith.constant 0 : i32
          %dma_wait3A_103 = tpu.memref_slice %arg3[%add3A_81, %dma_wait3A_101, %dma_wait3A_102] : memref<960x2x80xi32, #tpu.memory_space<hbm>> -> memref<1x2x80xi32, #tpu.memory_space<hbm>>
          %dma_wait3A_104 = tpu.memref_squeeze %dma_wait3A_103 : memref<1x2x80xi32, #tpu.memory_space<hbm>> -> memref<2x80xi32, #tpu.memory_space<hbm>>
          tpu.wait_dma2 semaphore(%run_scoped3A_88 : memref<!tpu.dma_semaphore, #tpu.memory_space<semaphore_mem>>) src(%dma_wait3A_104 : memref<2x80xi32, #tpu.memory_space<hbm>>) dst(%arg6 : memref<2x80xi32, #tpu.memory_space<vmem>>)
          tpu.yield
        }) : () -> ()
        %mul3A_82 = arith.constant 160 : i32
        %mul3A_83 = arith.muli %add3A_81, %mul3A_82 : i32
        %mul3A_84 = arith.constant 128 : i32
        %mul3A_85 = arith.muli %arg0, %mul3A_84 : i32
        %dma_start3A_86 = tpu.memref_slice %arg2[%mul3A_83, %mul3A_85] : memref<153600x256xf32, #tpu.memory_space<hbm>> -> memref<160x128xf32, #tpu.memory_space<hbm>>
        %dma_start3A_87 = tpu.memref_slice %arg2[%mul3A_83, %mul3A_85] : memref<153600x256xf32, #tpu.memory_space<hbm>> -> memref<160x128xf32, #tpu.memory_space<hbm>>
        tpu.enqueue_dma source(%dma_start3A_87 : memref<160x128xf32, #tpu.memory_space<hbm>>) target(%arg8 : memref<160x128xf32, #tpu.memory_space<vmem>>) target_semaphore(%arg12 : memref<!tpu.dma_semaphore, #tpu.memory_space<semaphore_mem>>)
      } else {
      }
      %add3A_64 = arith.constant 1 : i32
      %add3A_65 = arith.addi %add3A_37, %add3A_64 : i32
      %mul3A_66 = arith.constant 16 : i32
      %mul3A_67 = arith.muli %add3A_65, %mul3A_66 : i32
      %add3A_68 = arith.addi %mul3A_67, %arg1 : i32
      %mul3A_69 = arith.constant 160 : i32
      %mul3A_70 = arith.muli %add3A_68, %mul3A_69 : i32
      %mul3A_71 = arith.constant 128 : i32
      %mul3A_72 = arith.muli %arg0, %mul3A_71 : i32
      %dma_wait3A_73 = tpu.memref_slice %arg2[%mul3A_70, %mul3A_72] : memref<153600x256xf32, #tpu.memory_space<hbm>> -> memref<160x128xf32, #tpu.memory_space<hbm>>
      %dma_wait3A_74 = tpu.memref_slice %arg2[%mul3A_70, %mul3A_72] : memref<153600x256xf32, #tpu.memory_space<hbm>> -> memref<160x128xf32, #tpu.memory_space<hbm>>
      tpu.wait_dma2 semaphore(%arg13 : memref<!tpu.dma_semaphore, #tpu.memory_space<semaphore_mem>>) src(%dma_wait3A_74 : memref<160x128xf32, #tpu.memory_space<hbm>>) dst(%arg9 : memref<160x128xf32, #tpu.memory_space<vmem>>)
      %run_scoped3A_75 = arith.constant 0 : i32
      "tpu.region"() ({
        %run_scoped3A_77 = tpu.sem_alloc : memref<!tpu.dma_semaphore, #tpu.memory_space<semaphore_mem>>
        %dma_start3A_78 = arith.constant 0 : i32
        %dma_start3A_79 = arith.constant 0 : i32
        %dma_start3A_80 = tpu.memref_slice %arg9[%dma_start3A_78, %dma_start3A_79] : memref<160x128xf32, #tpu.memory_space<vmem>> -> memref<80x128xf32, #tpu.memory_space<vmem>>
        %dma_start3A_81 = arith.constant 0 : i32
        %dma_start3A_82 = tpu.memref_slice %arg7[%run_scoped3A_75, %dma_start3A_81] : memref<2x80xi32, #tpu.memory_space<vmem>> -> memref<1x80xi32, #tpu.memory_space<vmem>>
        %dma_start3A_83 = tpu.memref_squeeze %dma_start3A_82 : memref<1x80xi32, #tpu.memory_space<vmem>> -> memref<80xi32, #tpu.memory_space<vmem>>
        %dma_start3A_84 = arith.constant 0 : i32
        %dma_start3A_85 = arith.constant 0 : i32
        %dma_start3A_86 = tpu.memref_slice %arg11[%dma_start3A_84, %dma_start3A_85] : memref<10000x128xf32, #tpu.memory_space<vmem_shared>> -> memref<10000x128xf32, #tpu.memory_space<vmem_shared>>
        tpu.enqueue_indirect_dma source(%dma_start3A_80 : memref<80x128xf32, #tpu.memory_space<vmem>>) target(%dma_start3A_86 : memref<10000x128xf32, #tpu.memory_space<vmem_shared>>) offsets(%dma_start3A_83 : memref<80xi32, #tpu.memory_space<vmem>>) semaphore(%run_scoped3A_77 : memref<!tpu.dma_semaphore, #tpu.memory_space<semaphore_mem>>) {add = true}
        %dma_wait3A_87 = arith.constant 0 : i32
        %dma_wait3A_88 = arith.constant 0 : i32
        %dma_wait3A_89 = tpu.memref_slice %arg9[%dma_wait3A_87, %dma_wait3A_88] : memref<160x128xf32, #tpu.memory_space<vmem>> -> memref<80x128xf32, #tpu.memory_space<vmem>>
        %dma_wait3A_90 = arith.constant 0 : i32
        %dma_wait3A_91 = tpu.memref_slice %arg7[%run_scoped3A_75, %dma_wait3A_90] : memref<2x80xi32, #tpu.memory_space<vmem>> -> memref<1x80xi32, #tpu.memory_space<vmem>>
        %dma_wait3A_92 = tpu.memref_squeeze %dma_wait3A_91 : memref<1x80xi32, #tpu.memory_space<vmem>> -> memref<80xi32, #tpu.memory_space<vmem>>
        %dma_wait3A_93 = arith.constant 0 : i32
        %dma_wait3A_94 = arith.constant 0 : i32
        %dma_wait3A_95 = tpu.memref_slice %arg11[%dma_wait3A_93, %dma_wait3A_94] : memref<10000x128xf32, #tpu.memory_space<vmem_shared>> -> memref<10000x128xf32, #tpu.memory_space<vmem_shared>>
        tpu.wait_indirect_dma semaphore(%run_scoped3A_77 : memref<!tpu.dma_semaphore, #tpu.memory_space<semaphore_mem>>) src(%dma_wait3A_89 : memref<80x128xf32, #tpu.memory_space<vmem>>) dst(%dma_wait3A_95 : memref<10000x128xf32, #tpu.memory_space<vmem_shared>>)
        tpu.yield
      }) : () -> ()
      %run_scoped3A_76 = arith.constant 1 : i32
      "tpu.region"() ({
        %run_scoped3A_77 = tpu.sem_alloc : memref<!tpu.dma_semaphore, #tpu.memory_space<semaphore_mem>>
        %dma_start3A_78 = arith.constant 80 : i32
        %dma_start3A_79 = arith.constant 0 : i32
        %dma_start3A_80 = tpu.memref_slice %arg9[%dma_start3A_78, %dma_start3A_79] : memref<160x128xf32, #tpu.memory_space<vmem>> -> memref<80x128xf32, #tpu.memory_space<vmem>>
        %dma_start3A_81 = arith.constant 0 : i32
        %dma_start3A_82 = tpu.memref_slice %arg7[%run_scoped3A_76, %dma_start3A_81] : memref<2x80xi32, #tpu.memory_space<vmem>> -> memref<1x80xi32, #tpu.memory_space<vmem>>
        %dma_start3A_83 = tpu.memref_squeeze %dma_start3A_82 : memref<1x80xi32, #tpu.memory_space<vmem>> -> memref<80xi32, #tpu.memory_space<vmem>>
        %dma_start3A_84 = arith.constant 0 : i32
        %dma_start3A_85 = arith.constant 0 : i32
        %dma_start3A_86 = tpu.memref_slice %arg11[%dma_start3A_84, %dma_start3A_85] : memref<10000x128xf32, #tpu.memory_space<vmem_shared>> -> memref<10000x128xf32, #tpu.memory_space<vmem_shared>>
        tpu.enqueue_indirect_dma source(%dma_start3A_80 : memref<80x128xf32, #tpu.memory_space<vmem>>) target(%dma_start3A_86 : memref<10000x128xf32, #tpu.memory_space<vmem_shared>>) offsets(%dma_start3A_83 : memref<80xi32, #tpu.memory_space<vmem>>) semaphore(%run_scoped3A_77 : memref<!tpu.dma_semaphore, #tpu.memory_space<semaphore_mem>>) {add = true}
        %dma_wait3A_87 = arith.constant 80 : i32
        %dma_wait3A_88 = arith.constant 0 : i32
        %dma_wait3A_89 = tpu.memref_slice %arg9[%dma_wait3A_87, %dma_wait3A_88] : memref<160x128xf32, #tpu.memory_space<vmem>> -> memref<80x128xf32, #tpu.memory_space<vmem>>
        %dma_wait3A_90 = arith.constant 0 : i32
        %dma_wait3A_91 = tpu.memref_slice %arg7[%run_scoped3A_76, %dma_wait3A_90] : memref<2x80xi32, #tpu.memory_space<vmem>> -> memref<1x80xi32, #tpu.memory_space<vmem>>
        %dma_wait3A_92 = tpu.memref_squeeze %dma_wait3A_91 : memref<1x80xi32, #tpu.memory_space<vmem>> -> memref<80xi32, #tpu.memory_space<vmem>>
        %dma_wait3A_93 = arith.constant 0 : i32
        %dma_wait3A_94 = arith.constant 0 : i32
        %dma_wait3A_95 = tpu.memref_slice %arg11[%dma_wait3A_93, %dma_wait3A_94] : memref<10000x128xf32, #tpu.memory_space<vmem_shared>> -> memref<10000x128xf32, #tpu.memory_space<vmem_shared>>
        tpu.wait_indirect_dma semaphore(%run_scoped3A_77 : memref<!tpu.dma_semaphore, #tpu.memory_space<semaphore_mem>>) src(%dma_wait3A_89 : memref<80x128xf32, #tpu.memory_space<vmem>>) dst(%dma_wait3A_95 : memref<10000x128xf32, #tpu.memory_space<vmem_shared>>)
        tpu.yield
      }) : () -> ()
    }
    %scan3A_20 = arith.constant 30 : i32
    %barrier3A_21 = arith.constant 0 : index
    tpu.barrier barrier_id(%barrier3A_21)
    %mul3A_22 = arith.constant 624 : i32
    %mul3A_23 = arith.muli %arg1, %mul3A_22 : i32
    %mul3A_24 = arith.constant 624 : i32
    %mul3A_25 = arith.muli %arg1, %mul3A_24 : i32
    %mul3A_26 = arith.constant 128 : i32
    %mul3A_27 = arith.muli %arg0, %mul3A_26 : i32
    "tpu.region"() ({
      %run_scoped3A = tpu.sem_alloc : memref<!tpu.dma_semaphore, #tpu.memory_space<semaphore_mem>>
      %dma_start3A_33 = tpu.memref_slice %arg5[%mul3A_25, %mul3A_27] : memref<10000x256xf32, #tpu.memory_space<hbm>> -> memref<624x128xf32, #tpu.memory_space<hbm>>
      %dma_start3A_34 = arith.constant 0 : i32
      %dma_start3A_35 = tpu.memref_slice %arg11[%mul3A_23, %dma_start3A_34] : memref<10000x128xf32, #tpu.memory_space<vmem_shared>> -> memref<624x128xf32, #tpu.memory_space<vmem_shared>>
      tpu.enqueue_dma source(%dma_start3A_35 : memref<624x128xf32, #tpu.memory_space<vmem_shared>>) target(%dma_start3A_33 : memref<624x128xf32, #tpu.memory_space<hbm>>) target_semaphore(%run_scoped3A : memref<!tpu.dma_semaphore, #tpu.memory_space<semaphore_mem>>)
      %dma_wait3A = tpu.memref_slice %arg5[%mul3A_25, %mul3A_27] : memref<10000x256xf32, #tpu.memory_space<hbm>> -> memref<624x128xf32, #tpu.memory_space<hbm>>
      %dma_wait3A_36 = arith.constant 0 : i32
      %dma_wait3A_37 = tpu.memref_slice %arg11[%mul3A_23, %dma_wait3A_36] : memref<10000x128xf32, #tpu.memory_space<vmem_shared>> -> memref<624x128xf32, #tpu.memory_space<vmem_shared>>
      tpu.wait_dma2 semaphore(%run_scoped3A : memref<!tpu.dma_semaphore, #tpu.memory_space<semaphore_mem>>) src(%dma_wait3A_37 : memref<624x128xf32, #tpu.memory_space<vmem_shared>>) dst(%dma_wait3A : memref<624x128xf32, #tpu.memory_space<hbm>>)
      tpu.yield
    }) : () -> ()
    %eq3A_28 = arith.constant 15 : i32
    %eq3A_29 = arith.cmpi eq, %arg1, %eq3A_28 : i32
    %convert_element_type3A_30 = arith.extui %eq3A_29 : i1 to i32
    %cond3A_31 = arith.constant 0 : i32
    %cond3A_32 = arith.cmpi ne, %convert_element_type3A_30, %cond3A_31 : i32
    scf.if %cond3A_32 {
      %mul3A_33 = arith.constant 128 : i32
      %mul3A_34 = arith.muli %arg0, %mul3A_33 : i32
      "tpu.region"() ({
        %run_scoped3A = tpu.sem_alloc : memref<!tpu.dma_semaphore, #tpu.memory_space<semaphore_mem>>
        %dma_start3A_35 = arith.constant 9984 : i32
        %dma_start3A_36 = tpu.memref_slice %arg5[%dma_start3A_35, %mul3A_34] : memref<10000x256xf32, #tpu.memory_space<hbm>> -> memref<16x128xf32, #tpu.memory_space<hbm>>
        %dma_start3A_37 = arith.constant 9984 : i32
        %dma_start3A_38 = arith.constant 0 : i32
        %dma_start3A_39 = tpu.memref_slice %arg11[%dma_start3A_37, %dma_start3A_38] : memref<10000x128xf32, #tpu.memory_space<vmem_shared>> -> memref<16x128xf32, #tpu.memory_space<vmem_shared>>
        tpu.enqueue_dma source(%dma_start3A_39 : memref<16x128xf32, #tpu.memory_space<vmem_shared>>) target(%dma_start3A_36 : memref<16x128xf32, #tpu.memory_space<hbm>>) target_semaphore(%run_scoped3A : memref<!tpu.dma_semaphore, #tpu.memory_space<semaphore_mem>>)
        %dma_wait3A = arith.constant 9984 : i32
        %dma_wait3A_40 = tpu.memref_slice %arg5[%dma_wait3A, %mul3A_34] : memref<10000x256xf32, #tpu.memory_space<hbm>> -> memref<16x128xf32, #tpu.memory_space<hbm>>
        %dma_wait3A_41 = arith.constant 9984 : i32
        %dma_wait3A_42 = arith.constant 0 : i32
        %dma_wait3A_43 = tpu.memref_slice %arg11[%dma_wait3A_41, %dma_wait3A_42] : memref<10000x128xf32, #tpu.memory_space<vmem_shared>> -> memref<16x128xf32, #tpu.memory_space<vmem_shared>>
        tpu.wait_dma2 semaphore(%run_scoped3A : memref<!tpu.dma_semaphore, #tpu.memory_space<semaphore_mem>>) src(%dma_wait3A_43 : memref<16x128xf32, #tpu.memory_space<vmem_shared>>) dst(%dma_wait3A_40 : memref<16x128xf32, #tpu.memory_space<hbm>>)
        tpu.yield
      }) : () -> ()
    } else {
    }
    return
  }
}

#map = affine_map<(d0, d1) -> (0, 0)>
#map1 = affine_map<(d0, d1) -> (0, 0, 0)>
module attributes {stable_mosaic.version = 14 : i64} {
  func.func @k(%arg0: i32, %arg1: i32, %arg2: memref<166400x256xf32, #tpu.memory_space<hbm>>, %arg3: memref<1040x2x80xi32, #tpu.memory_space<hbm>>, %arg4: memref<153600x128xf32, #tpu.memory_space<hbm>>, %arg5: memref<10000x256xf32, #tpu.memory_space<hbm>>, %arg6: memref<2x80xi32, #tpu.memory_space<vmem>>, %arg7: memref<2x80xi32, #tpu.memory_space<vmem>>, %arg8: memref<160x128xf32, #tpu.memory_space<vmem>>, %arg9: memref<160x128xf32, #tpu.memory_space<vmem>>, %arg10: memref<48x128xf32, #tpu.memory_space<vmem>>, %arg11: memref<10000x128xf32, #tpu.memory_space<vmem_shared>>, %arg12: memref<!tpu.dma_semaphore, #tpu.memory_space<semaphore_mem>>, %arg13: memref<!tpu.dma_semaphore, #tpu.memory_space<semaphore_mem>>) attributes {dimension_semantics = [#tpu.dimension_semantics<core_parallel>, #tpu.dimension_semantics<subcore_parallel>], iteration_bounds = array<i64: 2, 16>, scalar_prefetch = 0 : i64, scratch_operands = 8 : i64, tpu.core_type = #tpu.core_type<sc_vector_subcore>, window_params = [{transform_indices = #map}, {transform_indices = #map1}, {transform_indices = #map}, {transform_indices = #map}]} {
    %add3A = arith.constant 0 : i32
    %add3A_0 = arith.addi %add3A, %arg1 : i32
    "tpu.region"() ({
      %run_scoped3A_41 = tpu.sem_alloc : memref<!tpu.dma_semaphore, #tpu.memory_space<semaphore_mem>>
      %dma_start3A_42 = arith.constant 0 : i32
      %dma_start3A_43 = arith.constant 0 : i32
      %dma_start3A_44 = tpu.memref_slice %arg3[%add3A_0, %dma_start3A_42, %dma_start3A_43] : memref<1040x2x80xi32, #tpu.memory_space<hbm>> -> memref<1x2x80xi32, #tpu.memory_space<hbm>>
      %dma_start3A_45 = tpu.memref_squeeze %dma_start3A_44 : memref<1x2x80xi32, #tpu.memory_space<hbm>> -> memref<2x80xi32, #tpu.memory_space<hbm>>
      %dma_start3A_46 = arith.constant 0 : i32
      %dma_start3A_47 = arith.constant 0 : i32
      %dma_start3A_48 = tpu.memref_slice %arg3[%add3A_0, %dma_start3A_46, %dma_start3A_47] : memref<1040x2x80xi32, #tpu.memory_space<hbm>> -> memref<1x2x80xi32, #tpu.memory_space<hbm>>
      %dma_start3A_49 = tpu.memref_squeeze %dma_start3A_48 : memref<1x2x80xi32, #tpu.memory_space<hbm>> -> memref<2x80xi32, #tpu.memory_space<hbm>>
      tpu.enqueue_dma source(%dma_start3A_49 : memref<2x80xi32, #tpu.memory_space<hbm>>) target(%arg6 : memref<2x80xi32, #tpu.memory_space<vmem>>) target_semaphore(%run_scoped3A_41 : memref<!tpu.dma_semaphore, #tpu.memory_space<semaphore_mem>>)
      %dma_wait3A_50 = arith.constant 0 : i32
      %dma_wait3A_51 = arith.constant 0 : i32
      %dma_wait3A_52 = tpu.memref_slice %arg3[%add3A_0, %dma_wait3A_50, %dma_wait3A_51] : memref<1040x2x80xi32, #tpu.memory_space<hbm>> -> memref<1x2x80xi32, #tpu.memory_space<hbm>>
      %dma_wait3A_53 = tpu.memref_squeeze %dma_wait3A_52 : memref<1x2x80xi32, #tpu.memory_space<hbm>> -> memref<2x80xi32, #tpu.memory_space<hbm>>
      %dma_wait3A_54 = arith.constant 0 : i32
      %dma_wait3A_55 = arith.constant 0 : i32
      %dma_wait3A_56 = tpu.memref_slice %arg3[%add3A_0, %dma_wait3A_54, %dma_wait3A_55] : memref<1040x2x80xi32, #tpu.memory_space<hbm>> -> memref<1x2x80xi32, #tpu.memory_space<hbm>>
      %dma_wait3A_57 = tpu.memref_squeeze %dma_wait3A_56 : memref<1x2x80xi32, #tpu.memory_space<hbm>> -> memref<2x80xi32, #tpu.memory_space<hbm>>
      tpu.wait_dma2 semaphore(%run_scoped3A_41 : memref<!tpu.dma_semaphore, #tpu.memory_space<semaphore_mem>>) src(%dma_wait3A_57 : memref<2x80xi32, #tpu.memory_space<hbm>>) dst(%arg6 : memref<2x80xi32, #tpu.memory_space<vmem>>)
      tpu.yield
    }) : () -> ()
    %mul3A = arith.constant 160 : i32
    %mul3A_1 = arith.muli %add3A_0, %mul3A : i32
    %mul3A_2 = arith.constant 128 : i32
    %mul3A_3 = arith.muli %arg0, %mul3A_2 : i32
    %dma_start3A = tpu.memref_slice %arg2[%mul3A_1, %mul3A_3] : memref<166400x256xf32, #tpu.memory_space<hbm>> -> memref<160x128xf32, #tpu.memory_space<hbm>>
    %dma_start3A_4 = tpu.memref_slice %arg2[%mul3A_1, %mul3A_3] : memref<166400x256xf32, #tpu.memory_space<hbm>> -> memref<160x128xf32, #tpu.memory_space<hbm>>
    tpu.enqueue_dma source(%dma_start3A_4 : memref<160x128xf32, #tpu.memory_space<hbm>>) target(%arg8 : memref<160x128xf32, #tpu.memory_space<vmem>>) target_semaphore(%arg12 : memref<!tpu.dma_semaphore, #tpu.memory_space<semaphore_mem>>)
    %scan3A = arith.constant 0 : i32
    %scan3A_5 = arith.constant 48 : i32
    %scan3A_6 = arith.addi %scan3A, %scan3A_5 : i32
    %scan3A_7 = arith.constant 1 : i32
    scf.for %scan3A_41 = %scan3A to %scan3A_6 step %scan3A_7  : i32 {
      %mul3A_42 = arith.constant 1 : i32
      %mul3A_43 = arith.muli %scan3A_41, %mul3A_42 : i32
      %add3A_44 = arith.constant 0 : i32
      %add3A_45 = arith.addi %add3A_44, %mul3A_43 : i32
      %scan3A_46 = arith.constant 0 : i32
      %scan3A_47 = arith.constant 8 : i32
      %scan3A_48 = arith.addi %scan3A_46, %scan3A_47 : i32
      %scan3A_49 = arith.constant 1 : i32
      scf.for %scan3A_51 = %scan3A_46 to %scan3A_48 step %scan3A_49  : i32 {
        %mul3A_52 = arith.constant 16 : i32
        %mul3A_53 = arith.muli %scan3A_51, %mul3A_52 : i32
        %add3A_54 = arith.constant 0 : i32
        %add3A_55 = arith.addi %add3A_54, %mul3A_53 : i32
        %broadcast_in_dim3A = arith.constant 0.000000e+00 : f32
        %broadcast_in_dim3A_56 = vector.broadcast %broadcast_in_dim3A : f32 to vector<16xf32>
        %swap3A = arith.index_cast %add3A_45 : i32 to index
        %swap3A_57 = arith.index_cast %add3A_55 : i32 to index
        %swap3A_58 = tpu.vector_load %arg10[%swap3A, %swap3A_57] {strides = array<i32>} : memref<48x128xf32, #tpu.memory_space<vmem>>, vector<1x16xf32>,
        %swap3A_59 = vector.shape_cast %swap3A_58 : vector<1x16xf32> to vector<16xf32>
        %swap3A_60 = vector.shape_cast %broadcast_in_dim3A_56 : vector<16xf32> to vector<1x16xf32>
        tpu.vector_store %arg10[%swap3A, %swap3A_57], %swap3A_60 {strides = array<i32>} : memref<48x128xf32, #tpu.memory_space<vmem>>, vector<1x16xf32>,
      }
      %scan3A_50 = arith.constant 8 : i32
    }
    %scan3A_8 = arith.constant 48 : i32
    %scan3A_9 = arith.constant 0 : i32
    %scan3A_10 = arith.constant 13 : i32
    %scan3A_11 = arith.addi %scan3A_9, %scan3A_10 : i32
    %scan3A_12 = arith.constant 1 : i32
    scf.for %scan3A_41 = %scan3A_9 to %scan3A_11 step %scan3A_12  : i32 {
      %mul3A_42 = arith.constant 48 : i32
      %mul3A_43 = arith.muli %scan3A_41, %mul3A_42 : i32
      %add3A_44 = arith.constant 0 : i32
      %add3A_45 = arith.addi %add3A_44, %mul3A_43 : i32
      %mul3A_46 = arith.constant 624 : i32
      %mul3A_47 = arith.muli %arg1, %mul3A_46 : i32
      %add3A_48 = arith.addi %mul3A_47, %add3A_45 : i32
      "tpu.region"() ({
        %run_scoped3A_49 = tpu.sem_alloc : memref<!tpu.dma_semaphore, #tpu.memory_space<semaphore_mem>>
        %dma_start3A_50 = arith.constant 0 : i32
        %dma_start3A_51 = tpu.memref_slice %arg11[%add3A_48, %dma_start3A_50] : memref<10000x128xf32, #tpu.memory_space<vmem_shared>> -> memref<48x128xf32, #tpu.memory_space<vmem_shared>>
        %dma_start3A_52 = arith.constant 0 : i32
        %dma_start3A_53 = tpu.memref_slice %arg11[%add3A_48, %dma_start3A_52] : memref<10000x128xf32, #tpu.memory_space<vmem_shared>> -> memref<48x128xf32, #tpu.memory_space<vmem_shared>>
        tpu.enqueue_dma source(%arg10 : memref<48x128xf32, #tpu.memory_space<vmem>>) target(%dma_start3A_53 : memref<48x128xf32, #tpu.memory_space<vmem_shared>>) target_semaphore(%run_scoped3A_49 : memref<!tpu.dma_semaphore, #tpu.memory_space<semaphore_mem>>)
        %dma_wait3A_54 = arith.constant 0 : i32
        %dma_wait3A_55 = tpu.memref_slice %arg11[%add3A_48, %dma_wait3A_54] : memref<10000x128xf32, #tpu.memory_space<vmem_shared>> -> memref<48x128xf32, #tpu.memory_space<vmem_shared>>
        %dma_wait3A_56 = arith.constant 0 : i32
        %dma_wait3A_57 = tpu.memref_slice %arg11[%add3A_48, %dma_wait3A_56] : memref<10000x128xf32, #tpu.memory_space<vmem_shared>> -> memref<48x128xf32, #tpu.memory_space<vmem_shared>>
        tpu.wait_dma2 semaphore(%run_scoped3A_49 : memref<!tpu.dma_semaphore, #tpu.memory_space<semaphore_mem>>) src(%arg10 : memref<48x128xf32, #tpu.memory_space<vmem>>) dst(%dma_wait3A_57 : memref<48x128xf32, #tpu.memory_space<vmem_shared>>)
        tpu.yield
      }) : () -> ()
    }
    %scan3A_13 = arith.constant 13 : i32
    %eq3A = arith.constant 15 : i32
    %eq3A_14 = arith.cmpi eq, %arg1, %eq3A : i32
    %convert_element_type3A = arith.extui %eq3A_14 : i1 to i32
    %cond3A = arith.constant 0 : i32
    %cond3A_15 = arith.cmpi ne, %convert_element_type3A, %cond3A : i32
    scf.if %cond3A_15 {
      "tpu.region"() ({
        %run_scoped3A_41 = tpu.sem_alloc : memref<!tpu.dma_semaphore, #tpu.memory_space<semaphore_mem>>
        %dma_start3A_42 = arith.constant 0 : i32
        %dma_start3A_43 = arith.constant 0 : i32
        %dma_start3A_44 = tpu.memref_slice %arg10[%dma_start3A_42, %dma_start3A_43] : memref<48x128xf32, #tpu.memory_space<vmem>> -> memref<16x128xf32, #tpu.memory_space<vmem>>
        %dma_start3A_45 = arith.constant 9984 : i32
        %dma_start3A_46 = arith.constant 0 : i32
        %dma_start3A_47 = tpu.memref_slice %arg11[%dma_start3A_45, %dma_start3A_46] : memref<10000x128xf32, #tpu.memory_space<vmem_shared>> -> memref<16x128xf32, #tpu.memory_space<vmem_shared>>
        %dma_start3A_48 = arith.constant 9984 : i32
        %dma_start3A_49 = arith.constant 0 : i32
        %dma_start3A_50 = tpu.memref_slice %arg11[%dma_start3A_48, %dma_start3A_49] : memref<10000x128xf32, #tpu.memory_space<vmem_shared>> -> memref<16x128xf32, #tpu.memory_space<vmem_shared>>
        %dma_start3A_51 = arith.constant 0 : i32
        %dma_start3A_52 = arith.constant 0 : i32
        %dma_start3A_53 = tpu.memref_slice %arg10[%dma_start3A_51, %dma_start3A_52] : memref<48x128xf32, #tpu.memory_space<vmem>> -> memref<16x128xf32, #tpu.memory_space<vmem>>
        tpu.enqueue_dma source(%dma_start3A_53 : memref<16x128xf32, #tpu.memory_space<vmem>>) target(%dma_start3A_50 : memref<16x128xf32, #tpu.memory_space<vmem_shared>>) target_semaphore(%run_scoped3A_41 : memref<!tpu.dma_semaphore, #tpu.memory_space<semaphore_mem>>)
        %dma_wait3A_54 = arith.constant 0 : i32
        %dma_wait3A_55 = arith.constant 0 : i32
        %dma_wait3A_56 = tpu.memref_slice %arg10[%dma_wait3A_54, %dma_wait3A_55] : memref<48x128xf32, #tpu.memory_space<vmem>> -> memref<16x128xf32, #tpu.memory_space<vmem>>
        %dma_wait3A_57 = arith.constant 9984 : i32
        %dma_wait3A_58 = arith.constant 0 : i32
        %dma_wait3A_59 = tpu.memref_slice %arg11[%dma_wait3A_57, %dma_wait3A_58] : memref<10000x128xf32, #tpu.memory_space<vmem_shared>> -> memref<16x128xf32, #tpu.memory_space<vmem_shared>>
        %dma_wait3A_60 = arith.constant 9984 : i32
        %dma_wait3A_61 = arith.constant 0 : i32
        %dma_wait3A_62 = tpu.memref_slice %arg11[%dma_wait3A_60, %dma_wait3A_61] : memref<10000x128xf32, #tpu.memory_space<vmem_shared>> -> memref<16x128xf32, #tpu.memory_space<vmem_shared>>
        %dma_wait3A_63 = arith.constant 0 : i32
        %dma_wait3A_64 = arith.constant 0 : i32
        %dma_wait3A_65 = tpu.memref_slice %arg10[%dma_wait3A_63, %dma_wait3A_64] : memref<48x128xf32, #tpu.memory_space<vmem>> -> memref<16x128xf32, #tpu.memory_space<vmem>>
        tpu.wait_dma2 semaphore(%run_scoped3A_41 : memref<!tpu.dma_semaphore, #tpu.memory_space<semaphore_mem>>) src(%dma_wait3A_65 : memref<16x128xf32, #tpu.memory_space<vmem>>) dst(%dma_wait3A_62 : memref<16x128xf32, #tpu.memory_space<vmem_shared>>)
        tpu.yield
      }) : () -> ()
    } else {
    }
    %barrier3A = arith.constant 0 : index
    tpu.barrier barrier_id(%barrier3A)
    %scan3A_16 = arith.constant 0 : i32
    %scan3A_17 = arith.constant 32 : i32
    %scan3A_18 = arith.addi %scan3A_16, %scan3A_17 : i32
    %scan3A_19 = arith.constant 1 : i32
    scf.for %scan3A_41 = %scan3A_16 to %scan3A_18 step %scan3A_19  : i32 {
      %mul3A_42 = arith.constant 2 : i32
      %mul3A_43 = arith.muli %scan3A_41, %mul3A_42 : i32
      %add3A_44 = arith.constant 0 : i32
      %add3A_45 = arith.addi %add3A_44, %mul3A_43 : i32
      %add3A_46 = arith.constant 1 : i32
      %add3A_47 = arith.addi %add3A_45, %add3A_46 : i32
      %mul3A_48 = arith.constant 16 : i32
      %mul3A_49 = arith.muli %add3A_47, %mul3A_48 : i32
      %add3A_50 = arith.addi %mul3A_49, %arg1 : i32
      "tpu.region"() ({
        %run_scoped3A_87 = tpu.sem_alloc : memref<!tpu.dma_semaphore, #tpu.memory_space<semaphore_mem>>
        %dma_start3A_88 = arith.constant 0 : i32
        %dma_start3A_89 = arith.constant 0 : i32
        %dma_start3A_90 = tpu.memref_slice %arg3[%add3A_50, %dma_start3A_88, %dma_start3A_89] : memref<1040x2x80xi32, #tpu.memory_space<hbm>> -> memref<1x2x80xi32, #tpu.memory_space<hbm>>
        %dma_start3A_91 = tpu.memref_squeeze %dma_start3A_90 : memref<1x2x80xi32, #tpu.memory_space<hbm>> -> memref<2x80xi32, #tpu.memory_space<hbm>>
        %dma_start3A_92 = arith.constant 0 : i32
        %dma_start3A_93 = arith.constant 0 : i32
        %dma_start3A_94 = tpu.memref_slice %arg3[%add3A_50, %dma_start3A_92, %dma_start3A_93] : memref<1040x2x80xi32, #tpu.memory_space<hbm>> -> memref<1x2x80xi32, #tpu.memory_space<hbm>>
        %dma_start3A_95 = tpu.memref_squeeze %dma_start3A_94 : memref<1x2x80xi32, #tpu.memory_space<hbm>> -> memref<2x80xi32, #tpu.memory_space<hbm>>
        tpu.enqueue_dma source(%dma_start3A_95 : memref<2x80xi32, #tpu.memory_space<hbm>>) target(%arg7 : memref<2x80xi32, #tpu.memory_space<vmem>>) target_semaphore(%run_scoped3A_87 : memref<!tpu.dma_semaphore, #tpu.memory_space<semaphore_mem>>)
        %dma_wait3A_96 = arith.constant 0 : i32
        %dma_wait3A_97 = arith.constant 0 : i32
        %dma_wait3A_98 = tpu.memref_slice %arg3[%add3A_50, %dma_wait3A_96, %dma_wait3A_97] : memref<1040x2x80xi32, #tpu.memory_space<hbm>> -> memref<1x2x80xi32, #tpu.memory_space<hbm>>
        %dma_wait3A_99 = tpu.memref_squeeze %dma_wait3A_98 : memref<1x2x80xi32, #tpu.memory_space<hbm>> -> memref<2x80xi32, #tpu.memory_space<hbm>>
        %dma_wait3A_100 = arith.constant 0 : i32
        %dma_wait3A_101 = arith.constant 0 : i32
        %dma_wait3A_102 = tpu.memref_slice %arg3[%add3A_50, %dma_wait3A_100, %dma_wait3A_101] : memref<1040x2x80xi32, #tpu.memory_space<hbm>> -> memref<1x2x80xi32, #tpu.memory_space<hbm>>
        %dma_wait3A_103 = tpu.memref_squeeze %dma_wait3A_102 : memref<1x2x80xi32, #tpu.memory_space<hbm>> -> memref<2x80xi32, #tpu.memory_space<hbm>>
        tpu.wait_dma2 semaphore(%run_scoped3A_87 : memref<!tpu.dma_semaphore, #tpu.memory_space<semaphore_mem>>) src(%dma_wait3A_103 : memref<2x80xi32, #tpu.memory_space<hbm>>) dst(%arg7 : memref<2x80xi32, #tpu.memory_space<vmem>>)
        tpu.yield
      }) : () -> ()
      %mul3A_51 = arith.constant 160 : i32
      %mul3A_52 = arith.muli %add3A_50, %mul3A_51 : i32
      %mul3A_53 = arith.constant 128 : i32
      %mul3A_54 = arith.muli %arg0, %mul3A_53 : i32
      %dma_start3A_55 = tpu.memref_slice %arg2[%mul3A_52, %mul3A_54] : memref<166400x256xf32, #tpu.memory_space<hbm>> -> memref<160x128xf32, #tpu.memory_space<hbm>>
      %dma_start3A_56 = tpu.memref_slice %arg2[%mul3A_52, %mul3A_54] : memref<166400x256xf32, #tpu.memory_space<hbm>> -> memref<160x128xf32, #tpu.memory_space<hbm>>
      tpu.enqueue_dma source(%dma_start3A_56 : memref<160x128xf32, #tpu.memory_space<hbm>>) target(%arg9 : memref<160x128xf32, #tpu.memory_space<vmem>>) target_semaphore(%arg13 : memref<!tpu.dma_semaphore, #tpu.memory_space<semaphore_mem>>)
      %mul3A_57 = arith.constant 16 : i32
      %mul3A_58 = arith.muli %add3A_45, %mul3A_57 : i32
      %add3A_59 = arith.addi %mul3A_58, %arg1 : i32
      %mul3A_60 = arith.constant 160 : i32
      %mul3A_61 = arith.muli %add3A_59, %mul3A_60 : i32
      %mul3A_62 = arith.constant 128 : i32
      %mul3A_63 = arith.muli %arg0, %mul3A_62 : i32
      %dma_wait3A_64 = tpu.memref_slice %arg2[%mul3A_61, %mul3A_63] : memref<166400x256xf32, #tpu.memory_space<hbm>> -> memref<160x128xf32, #tpu.memory_space<hbm>>
      %dma_wait3A_65 = tpu.memref_slice %arg2[%mul3A_61, %mul3A_63] : memref<166400x256xf32, #tpu.memory_space<hbm>> -> memref<160x128xf32, #tpu.memory_space<hbm>>
      tpu.wait_dma2 semaphore(%arg12 : memref<!tpu.dma_semaphore, #tpu.memory_space<semaphore_mem>>) src(%dma_wait3A_65 : memref<160x128xf32, #tpu.memory_space<hbm>>) dst(%arg8 : memref<160x128xf32, #tpu.memory_space<vmem>>)
      %run_scoped3A_66 = arith.constant 0 : i32
      "tpu.region"() ({
        %run_scoped3A_87 = tpu.sem_alloc : memref<!tpu.dma_semaphore, #tpu.memory_space<semaphore_mem>>
        %dma_start3A_88 = arith.constant 0 : i32
        %dma_start3A_89 = arith.constant 0 : i32
        %dma_start3A_90 = tpu.memref_slice %arg8[%dma_start3A_88, %dma_start3A_89] : memref<160x128xf32, #tpu.memory_space<vmem>> -> memref<80x128xf32, #tpu.memory_space<vmem>>
        %dma_start3A_91 = arith.constant 0 : i32
        %dma_start3A_92 = tpu.memref_slice %arg6[%run_scoped3A_66, %dma_start3A_91] : memref<2x80xi32, #tpu.memory_space<vmem>> -> memref<1x80xi32, #tpu.memory_space<vmem>>
        %dma_start3A_93 = tpu.memref_squeeze %dma_start3A_92 : memref<1x80xi32, #tpu.memory_space<vmem>> -> memref<80xi32, #tpu.memory_space<vmem>>
        %dma_start3A_94 = arith.constant 0 : i32
        %dma_start3A_95 = arith.constant 0 : i32
        %dma_start3A_96 = tpu.memref_slice %arg11[%dma_start3A_94, %dma_start3A_95] : memref<10000x128xf32, #tpu.memory_space<vmem_shared>> -> memref<10000x128xf32, #tpu.memory_space<vmem_shared>>
        tpu.enqueue_indirect_dma source(%dma_start3A_90 : memref<80x128xf32, #tpu.memory_space<vmem>>) target(%dma_start3A_96 : memref<10000x128xf32, #tpu.memory_space<vmem_shared>>) offsets(%dma_start3A_93 : memref<80xi32, #tpu.memory_space<vmem>>) semaphore(%run_scoped3A_87 : memref<!tpu.dma_semaphore, #tpu.memory_space<semaphore_mem>>) {add = true}
        %dma_wait3A_97 = arith.constant 0 : i32
        %dma_wait3A_98 = arith.constant 0 : i32
        %dma_wait3A_99 = tpu.memref_slice %arg8[%dma_wait3A_97, %dma_wait3A_98] : memref<160x128xf32, #tpu.memory_space<vmem>> -> memref<80x128xf32, #tpu.memory_space<vmem>>
        %dma_wait3A_100 = arith.constant 0 : i32
        %dma_wait3A_101 = tpu.memref_slice %arg6[%run_scoped3A_66, %dma_wait3A_100] : memref<2x80xi32, #tpu.memory_space<vmem>> -> memref<1x80xi32, #tpu.memory_space<vmem>>
        %dma_wait3A_102 = tpu.memref_squeeze %dma_wait3A_101 : memref<1x80xi32, #tpu.memory_space<vmem>> -> memref<80xi32, #tpu.memory_space<vmem>>
        %dma_wait3A_103 = arith.constant 0 : i32
        %dma_wait3A_104 = arith.constant 0 : i32
        %dma_wait3A_105 = tpu.memref_slice %arg11[%dma_wait3A_103, %dma_wait3A_104] : memref<10000x128xf32, #tpu.memory_space<vmem_shared>> -> memref<10000x128xf32, #tpu.memory_space<vmem_shared>>
        tpu.wait_indirect_dma semaphore(%run_scoped3A_87 : memref<!tpu.dma_semaphore, #tpu.memory_space<semaphore_mem>>) src(%dma_wait3A_99 : memref<80x128xf32, #tpu.memory_space<vmem>>) dst(%dma_wait3A_105 : memref<10000x128xf32, #tpu.memory_space<vmem_shared>>)
        tpu.yield
      }) : () -> ()
      %run_scoped3A_67 = arith.constant 1 : i32
      "tpu.region"() ({
        %run_scoped3A_87 = tpu.sem_alloc : memref<!tpu.dma_semaphore, #tpu.memory_space<semaphore_mem>>
        %dma_start3A_88 = arith.constant 80 : i32
        %dma_start3A_89 = arith.constant 0 : i32
        %dma_start3A_90 = tpu.memref_slice %arg8[%dma_start3A_88, %dma_start3A_89] : memref<160x128xf32, #tpu.memory_space<vmem>> -> memref<80x128xf32, #tpu.memory_space<vmem>>
        %dma_start3A_91 = arith.constant 0 : i32
        %dma_start3A_92 = tpu.memref_slice %arg6[%run_scoped3A_67, %dma_start3A_91] : memref<2x80xi32, #tpu.memory_space<vmem>> -> memref<1x80xi32, #tpu.memory_space<vmem>>
        %dma_start3A_93 = tpu.memref_squeeze %dma_start3A_92 : memref<1x80xi32, #tpu.memory_space<vmem>> -> memref<80xi32, #tpu.memory_space<vmem>>
        %dma_start3A_94 = arith.constant 0 : i32
        %dma_start3A_95 = arith.constant 0 : i32
        %dma_start3A_96 = tpu.memref_slice %arg11[%dma_start3A_94, %dma_start3A_95] : memref<10000x128xf32, #tpu.memory_space<vmem_shared>> -> memref<10000x128xf32, #tpu.memory_space<vmem_shared>>
        tpu.enqueue_indirect_dma source(%dma_start3A_90 : memref<80x128xf32, #tpu.memory_space<vmem>>) target(%dma_start3A_96 : memref<10000x128xf32, #tpu.memory_space<vmem_shared>>) offsets(%dma_start3A_93 : memref<80xi32, #tpu.memory_space<vmem>>) semaphore(%run_scoped3A_87 : memref<!tpu.dma_semaphore, #tpu.memory_space<semaphore_mem>>) {add = true}
        %dma_wait3A_97 = arith.constant 80 : i32
        %dma_wait3A_98 = arith.constant 0 : i32
        %dma_wait3A_99 = tpu.memref_slice %arg8[%dma_wait3A_97, %dma_wait3A_98] : memref<160x128xf32, #tpu.memory_space<vmem>> -> memref<80x128xf32, #tpu.memory_space<vmem>>
        %dma_wait3A_100 = arith.constant 0 : i32
        %dma_wait3A_101 = tpu.memref_slice %arg6[%run_scoped3A_67, %dma_wait3A_100] : memref<2x80xi32, #tpu.memory_space<vmem>> -> memref<1x80xi32, #tpu.memory_space<vmem>>
        %dma_wait3A_102 = tpu.memref_squeeze %dma_wait3A_101 : memref<1x80xi32, #tpu.memory_space<vmem>> -> memref<80xi32, #tpu.memory_space<vmem>>
        %dma_wait3A_103 = arith.constant 0 : i32
        %dma_wait3A_104 = arith.constant 0 : i32
        %dma_wait3A_105 = tpu.memref_slice %arg11[%dma_wait3A_103, %dma_wait3A_104] : memref<10000x128xf32, #tpu.memory_space<vmem_shared>> -> memref<10000x128xf32, #tpu.memory_space<vmem_shared>>
        tpu.wait_indirect_dma semaphore(%run_scoped3A_87 : memref<!tpu.dma_semaphore, #tpu.memory_space<semaphore_mem>>) src(%dma_wait3A_99 : memref<80x128xf32, #tpu.memory_space<vmem>>) dst(%dma_wait3A_105 : memref<10000x128xf32, #tpu.memory_space<vmem_shared>>)
        tpu.yield
      }) : () -> ()
      %add3A_68 = arith.constant 2 : i32
      %add3A_69 = arith.addi %add3A_45, %add3A_68 : i32
      %lt3A = arith.constant 65 : i32
      %lt3A_70 = arith.cmpi slt, %add3A_69, %lt3A : i32
      %convert_element_type3A_71 = arith.extui %lt3A_70 : i1 to i32
      %cond3A_72 = arith.constant 0 : i32
      %cond3A_73 = arith.cmpi ne, %convert_element_type3A_71, %cond3A_72 : i32
      scf.if %cond3A_73 {
        %add3A_87 = arith.constant 2 : i32
        %add3A_88 = arith.addi %add3A_45, %add3A_87 : i32
        %mul3A_89 = arith.constant 16 : i32
        %mul3A_90 = arith.muli %add3A_88, %mul3A_89 : i32
        %add3A_91 = arith.addi %mul3A_90, %arg1 : i32
        "tpu.region"() ({
          %run_scoped3A_98 = tpu.sem_alloc : memref<!tpu.dma_semaphore, #tpu.memory_space<semaphore_mem>>
          %dma_start3A_99 = arith.constant 0 : i32
          %dma_start3A_100 = arith.constant 0 : i32
          %dma_start3A_101 = tpu.memref_slice %arg3[%add3A_91, %dma_start3A_99, %dma_start3A_100] : memref<1040x2x80xi32, #tpu.memory_space<hbm>> -> memref<1x2x80xi32, #tpu.memory_space<hbm>>
          %dma_start3A_102 = tpu.memref_squeeze %dma_start3A_101 : memref<1x2x80xi32, #tpu.memory_space<hbm>> -> memref<2x80xi32, #tpu.memory_space<hbm>>
          %dma_start3A_103 = arith.constant 0 : i32
          %dma_start3A_104 = arith.constant 0 : i32
          %dma_start3A_105 = tpu.memref_slice %arg3[%add3A_91, %dma_start3A_103, %dma_start3A_104] : memref<1040x2x80xi32, #tpu.memory_space<hbm>> -> memref<1x2x80xi32, #tpu.memory_space<hbm>>
          %dma_start3A_106 = tpu.memref_squeeze %dma_start3A_105 : memref<1x2x80xi32, #tpu.memory_space<hbm>> -> memref<2x80xi32, #tpu.memory_space<hbm>>
          tpu.enqueue_dma source(%dma_start3A_106 : memref<2x80xi32, #tpu.memory_space<hbm>>) target(%arg6 : memref<2x80xi32, #tpu.memory_space<vmem>>) target_semaphore(%run_scoped3A_98 : memref<!tpu.dma_semaphore, #tpu.memory_space<semaphore_mem>>)
          %dma_wait3A_107 = arith.constant 0 : i32
          %dma_wait3A_108 = arith.constant 0 : i32
          %dma_wait3A_109 = tpu.memref_slice %arg3[%add3A_91, %dma_wait3A_107, %dma_wait3A_108] : memref<1040x2x80xi32, #tpu.memory_space<hbm>> -> memref<1x2x80xi32, #tpu.memory_space<hbm>>
          %dma_wait3A_110 = tpu.memref_squeeze %dma_wait3A_109 : memref<1x2x80xi32, #tpu.memory_space<hbm>> -> memref<2x80xi32, #tpu.memory_space<hbm>>
          %dma_wait3A_111 = arith.constant 0 : i32
          %dma_wait3A_112 = arith.constant 0 : i32
          %dma_wait3A_113 = tpu.memref_slice %arg3[%add3A_91, %dma_wait3A_111, %dma_wait3A_112] : memref<1040x2x80xi32, #tpu.memory_space<hbm>> -> memref<1x2x80xi32, #tpu.memory_space<hbm>>
          %dma_wait3A_114 = tpu.memref_squeeze %dma_wait3A_113 : memref<1x2x80xi32, #tpu.memory_space<hbm>> -> memref<2x80xi32, #tpu.memory_space<hbm>>
          tpu.wait_dma2 semaphore(%run_scoped3A_98 : memref<!tpu.dma_semaphore, #tpu.memory_space<semaphore_mem>>) src(%dma_wait3A_114 : memref<2x80xi32, #tpu.memory_space<hbm>>) dst(%arg6 : memref<2x80xi32, #tpu.memory_space<vmem>>)
          tpu.yield
        }) : () -> ()
        %mul3A_92 = arith.constant 160 : i32
        %mul3A_93 = arith.muli %add3A_91, %mul3A_92 : i32
        %mul3A_94 = arith.constant 128 : i32
        %mul3A_95 = arith.muli %arg0, %mul3A_94 : i32
        %dma_start3A_96 = tpu.memref_slice %arg2[%mul3A_93, %mul3A_95] : memref<166400x256xf32, #tpu.memory_space<hbm>> -> memref<160x128xf32, #tpu.memory_space<hbm>>
        %dma_start3A_97 = tpu.memref_slice %arg2[%mul3A_93, %mul3A_95] : memref<166400x256xf32, #tpu.memory_space<hbm>> -> memref<160x128xf32, #tpu.memory_space<hbm>>
        tpu.enqueue_dma source(%dma_start3A_97 : memref<160x128xf32, #tpu.memory_space<hbm>>) target(%arg8 : memref<160x128xf32, #tpu.memory_space<vmem>>) target_semaphore(%arg12 : memref<!tpu.dma_semaphore, #tpu.memory_space<semaphore_mem>>)
      } else {
      }
      %add3A_74 = arith.constant 1 : i32
      %add3A_75 = arith.addi %add3A_45, %add3A_74 : i32
      %mul3A_76 = arith.constant 16 : i32
      %mul3A_77 = arith.muli %add3A_75, %mul3A_76 : i32
      %add3A_78 = arith.addi %mul3A_77, %arg1 : i32
      %mul3A_79 = arith.constant 160 : i32
      %mul3A_80 = arith.muli %add3A_78, %mul3A_79 : i32
      %mul3A_81 = arith.constant 128 : i32
      %mul3A_82 = arith.muli %arg0, %mul3A_81 : i32
      %dma_wait3A_83 = tpu.memref_slice %arg2[%mul3A_80, %mul3A_82] : memref<166400x256xf32, #tpu.memory_space<hbm>> -> memref<160x128xf32, #tpu.memory_space<hbm>>
      %dma_wait3A_84 = tpu.memref_slice %arg2[%mul3A_80, %mul3A_82] : memref<166400x256xf32, #tpu.memory_space<hbm>> -> memref<160x128xf32, #tpu.memory_space<hbm>>
      tpu.wait_dma2 semaphore(%arg13 : memref<!tpu.dma_semaphore, #tpu.memory_space<semaphore_mem>>) src(%dma_wait3A_84 : memref<160x128xf32, #tpu.memory_space<hbm>>) dst(%arg9 : memref<160x128xf32, #tpu.memory_space<vmem>>)
      %run_scoped3A_85 = arith.constant 0 : i32
      "tpu.region"() ({
        %run_scoped3A_87 = tpu.sem_alloc : memref<!tpu.dma_semaphore, #tpu.memory_space<semaphore_mem>>
        %dma_start3A_88 = arith.constant 0 : i32
        %dma_start3A_89 = arith.constant 0 : i32
        %dma_start3A_90 = tpu.memref_slice %arg9[%dma_start3A_88, %dma_start3A_89] : memref<160x128xf32, #tpu.memory_space<vmem>> -> memref<80x128xf32, #tpu.memory_space<vmem>>
        %dma_start3A_91 = arith.constant 0 : i32
        %dma_start3A_92 = tpu.memref_slice %arg7[%run_scoped3A_85, %dma_start3A_91] : memref<2x80xi32, #tpu.memory_space<vmem>> -> memref<1x80xi32, #tpu.memory_space<vmem>>
        %dma_start3A_93 = tpu.memref_squeeze %dma_start3A_92 : memref<1x80xi32, #tpu.memory_space<vmem>> -> memref<80xi32, #tpu.memory_space<vmem>>
        %dma_start3A_94 = arith.constant 0 : i32
        %dma_start3A_95 = arith.constant 0 : i32
        %dma_start3A_96 = tpu.memref_slice %arg11[%dma_start3A_94, %dma_start3A_95] : memref<10000x128xf32, #tpu.memory_space<vmem_shared>> -> memref<10000x128xf32, #tpu.memory_space<vmem_shared>>
        tpu.enqueue_indirect_dma source(%dma_start3A_90 : memref<80x128xf32, #tpu.memory_space<vmem>>) target(%dma_start3A_96 : memref<10000x128xf32, #tpu.memory_space<vmem_shared>>) offsets(%dma_start3A_93 : memref<80xi32, #tpu.memory_space<vmem>>) semaphore(%run_scoped3A_87 : memref<!tpu.dma_semaphore, #tpu.memory_space<semaphore_mem>>) {add = true}
        %dma_wait3A_97 = arith.constant 0 : i32
        %dma_wait3A_98 = arith.constant 0 : i32
        %dma_wait3A_99 = tpu.memref_slice %arg9[%dma_wait3A_97, %dma_wait3A_98] : memref<160x128xf32, #tpu.memory_space<vmem>> -> memref<80x128xf32, #tpu.memory_space<vmem>>
        %dma_wait3A_100 = arith.constant 0 : i32
        %dma_wait3A_101 = tpu.memref_slice %arg7[%run_scoped3A_85, %dma_wait3A_100] : memref<2x80xi32, #tpu.memory_space<vmem>> -> memref<1x80xi32, #tpu.memory_space<vmem>>
        %dma_wait3A_102 = tpu.memref_squeeze %dma_wait3A_101 : memref<1x80xi32, #tpu.memory_space<vmem>> -> memref<80xi32, #tpu.memory_space<vmem>>
        %dma_wait3A_103 = arith.constant 0 : i32
        %dma_wait3A_104 = arith.constant 0 : i32
        %dma_wait3A_105 = tpu.memref_slice %arg11[%dma_wait3A_103, %dma_wait3A_104] : memref<10000x128xf32, #tpu.memory_space<vmem_shared>> -> memref<10000x128xf32, #tpu.memory_space<vmem_shared>>
        tpu.wait_indirect_dma semaphore(%run_scoped3A_87 : memref<!tpu.dma_semaphore, #tpu.memory_space<semaphore_mem>>) src(%dma_wait3A_99 : memref<80x128xf32, #tpu.memory_space<vmem>>) dst(%dma_wait3A_105 : memref<10000x128xf32, #tpu.memory_space<vmem_shared>>)
        tpu.yield
      }) : () -> ()
      %run_scoped3A_86 = arith.constant 1 : i32
      "tpu.region"() ({
        %run_scoped3A_87 = tpu.sem_alloc : memref<!tpu.dma_semaphore, #tpu.memory_space<semaphore_mem>>
        %dma_start3A_88 = arith.constant 80 : i32
        %dma_start3A_89 = arith.constant 0 : i32
        %dma_start3A_90 = tpu.memref_slice %arg9[%dma_start3A_88, %dma_start3A_89] : memref<160x128xf32, #tpu.memory_space<vmem>> -> memref<80x128xf32, #tpu.memory_space<vmem>>
        %dma_start3A_91 = arith.constant 0 : i32
        %dma_start3A_92 = tpu.memref_slice %arg7[%run_scoped3A_86, %dma_start3A_91] : memref<2x80xi32, #tpu.memory_space<vmem>> -> memref<1x80xi32, #tpu.memory_space<vmem>>
        %dma_start3A_93 = tpu.memref_squeeze %dma_start3A_92 : memref<1x80xi32, #tpu.memory_space<vmem>> -> memref<80xi32, #tpu.memory_space<vmem>>
        %dma_start3A_94 = arith.constant 0 : i32
        %dma_start3A_95 = arith.constant 0 : i32
        %dma_start3A_96 = tpu.memref_slice %arg11[%dma_start3A_94, %dma_start3A_95] : memref<10000x128xf32, #tpu.memory_space<vmem_shared>> -> memref<10000x128xf32, #tpu.memory_space<vmem_shared>>
        tpu.enqueue_indirect_dma source(%dma_start3A_90 : memref<80x128xf32, #tpu.memory_space<vmem>>) target(%dma_start3A_96 : memref<10000x128xf32, #tpu.memory_space<vmem_shared>>) offsets(%dma_start3A_93 : memref<80xi32, #tpu.memory_space<vmem>>) semaphore(%run_scoped3A_87 : memref<!tpu.dma_semaphore, #tpu.memory_space<semaphore_mem>>) {add = true}
        %dma_wait3A_97 = arith.constant 80 : i32
        %dma_wait3A_98 = arith.constant 0 : i32
        %dma_wait3A_99 = tpu.memref_slice %arg9[%dma_wait3A_97, %dma_wait3A_98] : memref<160x128xf32, #tpu.memory_space<vmem>> -> memref<80x128xf32, #tpu.memory_space<vmem>>
        %dma_wait3A_100 = arith.constant 0 : i32
        %dma_wait3A_101 = tpu.memref_slice %arg7[%run_scoped3A_86, %dma_wait3A_100] : memref<2x80xi32, #tpu.memory_space<vmem>> -> memref<1x80xi32, #tpu.memory_space<vmem>>
        %dma_wait3A_102 = tpu.memref_squeeze %dma_wait3A_101 : memref<1x80xi32, #tpu.memory_space<vmem>> -> memref<80xi32, #tpu.memory_space<vmem>>
        %dma_wait3A_103 = arith.constant 0 : i32
        %dma_wait3A_104 = arith.constant 0 : i32
        %dma_wait3A_105 = tpu.memref_slice %arg11[%dma_wait3A_103, %dma_wait3A_104] : memref<10000x128xf32, #tpu.memory_space<vmem_shared>> -> memref<10000x128xf32, #tpu.memory_space<vmem_shared>>
        tpu.wait_indirect_dma semaphore(%run_scoped3A_87 : memref<!tpu.dma_semaphore, #tpu.memory_space<semaphore_mem>>) src(%dma_wait3A_99 : memref<80x128xf32, #tpu.memory_space<vmem>>) dst(%dma_wait3A_105 : memref<10000x128xf32, #tpu.memory_space<vmem_shared>>)
        tpu.yield
      }) : () -> ()
    }
    %scan3A_20 = arith.constant 32 : i32
    %add3A_21 = arith.constant 1024 : i32
    %add3A_22 = arith.addi %add3A_21, %arg1 : i32
    %mul3A_23 = arith.constant 160 : i32
    %mul3A_24 = arith.muli %add3A_22, %mul3A_23 : i32
    %mul3A_25 = arith.constant 128 : i32
    %mul3A_26 = arith.muli %arg0, %mul3A_25 : i32
    %dma_wait3A = tpu.memref_slice %arg2[%mul3A_24, %mul3A_26] : memref<166400x256xf32, #tpu.memory_space<hbm>> -> memref<160x128xf32, #tpu.memory_space<hbm>>
    %dma_wait3A_27 = tpu.memref_slice %arg2[%mul3A_24, %mul3A_26] : memref<166400x256xf32, #tpu.memory_space<hbm>> -> memref<160x128xf32, #tpu.memory_space<hbm>>
    tpu.wait_dma2 semaphore(%arg12 : memref<!tpu.dma_semaphore, #tpu.memory_space<semaphore_mem>>) src(%dma_wait3A_27 : memref<160x128xf32, #tpu.memory_space<hbm>>) dst(%arg8 : memref<160x128xf32, #tpu.memory_space<vmem>>)
    %run_scoped3A = arith.constant 0 : i32
    "tpu.region"() ({
      %run_scoped3A_41 = tpu.sem_alloc : memref<!tpu.dma_semaphore, #tpu.memory_space<semaphore_mem>>
      %dma_start3A_42 = arith.constant 0 : i32
      %dma_start3A_43 = arith.constant 0 : i32
      %dma_start3A_44 = tpu.memref_slice %arg8[%dma_start3A_42, %dma_start3A_43] : memref<160x128xf32, #tpu.memory_space<vmem>> -> memref<80x128xf32, #tpu.memory_space<vmem>>
      %dma_start3A_45 = arith.constant 0 : i32
      %dma_start3A_46 = tpu.memref_slice %arg6[%run_scoped3A, %dma_start3A_45] : memref<2x80xi32, #tpu.memory_space<vmem>> -> memref<1x80xi32, #tpu.memory_space<vmem>>
      %dma_start3A_47 = tpu.memref_squeeze %dma_start3A_46 : memref<1x80xi32, #tpu.memory_space<vmem>> -> memref<80xi32, #tpu.memory_space<vmem>>
      %dma_start3A_48 = arith.constant 0 : i32
      %dma_start3A_49 = arith.constant 0 : i32
      %dma_start3A_50 = tpu.memref_slice %arg11[%dma_start3A_48, %dma_start3A_49] : memref<10000x128xf32, #tpu.memory_space<vmem_shared>> -> memref<10000x128xf32, #tpu.memory_space<vmem_shared>>
      tpu.enqueue_indirect_dma source(%dma_start3A_44 : memref<80x128xf32, #tpu.memory_space<vmem>>) target(%dma_start3A_50 : memref<10000x128xf32, #tpu.memory_space<vmem_shared>>) offsets(%dma_start3A_47 : memref<80xi32, #tpu.memory_space<vmem>>) semaphore(%run_scoped3A_41 : memref<!tpu.dma_semaphore, #tpu.memory_space<semaphore_mem>>) {add = true}
      %dma_wait3A_51 = arith.constant 0 : i32
      %dma_wait3A_52 = arith.constant 0 : i32
      %dma_wait3A_53 = tpu.memref_slice %arg8[%dma_wait3A_51, %dma_wait3A_52] : memref<160x128xf32, #tpu.memory_space<vmem>> -> memref<80x128xf32, #tpu.memory_space<vmem>>
      %dma_wait3A_54 = arith.constant 0 : i32
      %dma_wait3A_55 = tpu.memref_slice %arg6[%run_scoped3A, %dma_wait3A_54] : memref<2x80xi32, #tpu.memory_space<vmem>> -> memref<1x80xi32, #tpu.memory_space<vmem>>
      %dma_wait3A_56 = tpu.memref_squeeze %dma_wait3A_55 : memref<1x80xi32, #tpu.memory_space<vmem>> -> memref<80xi32, #tpu.memory_space<vmem>>
      %dma_wait3A_57 = arith.constant 0 : i32
      %dma_wait3A_58 = arith.constant 0 : i32
      %dma_wait3A_59 = tpu.memref_slice %arg11[%dma_wait3A_57, %dma_wait3A_58] : memref<10000x128xf32, #tpu.memory_space<vmem_shared>> -> memref<10000x128xf32, #tpu.memory_space<vmem_shared>>
      tpu.wait_indirect_dma semaphore(%run_scoped3A_41 : memref<!tpu.dma_semaphore, #tpu.memory_space<semaphore_mem>>) src(%dma_wait3A_53 : memref<80x128xf32, #tpu.memory_space<vmem>>) dst(%dma_wait3A_59 : memref<10000x128xf32, #tpu.memory_space<vmem_shared>>)
      tpu.yield
    }) : () -> ()
    %run_scoped3A_28 = arith.constant 1 : i32
    "tpu.region"() ({
      %run_scoped3A_41 = tpu.sem_alloc : memref<!tpu.dma_semaphore, #tpu.memory_space<semaphore_mem>>
      %dma_start3A_42 = arith.constant 80 : i32
      %dma_start3A_43 = arith.constant 0 : i32
      %dma_start3A_44 = tpu.memref_slice %arg8[%dma_start3A_42, %dma_start3A_43] : memref<160x128xf32, #tpu.memory_space<vmem>> -> memref<80x128xf32, #tpu.memory_space<vmem>>
      %dma_start3A_45 = arith.constant 0 : i32
      %dma_start3A_46 = tpu.memref_slice %arg6[%run_scoped3A_28, %dma_start3A_45] : memref<2x80xi32, #tpu.memory_space<vmem>> -> memref<1x80xi32, #tpu.memory_space<vmem>>
      %dma_start3A_47 = tpu.memref_squeeze %dma_start3A_46 : memref<1x80xi32, #tpu.memory_space<vmem>> -> memref<80xi32, #tpu.memory_space<vmem>>
      %dma_start3A_48 = arith.constant 0 : i32
      %dma_start3A_49 = arith.constant 0 : i32
      %dma_start3A_50 = tpu.memref_slice %arg11[%dma_start3A_48, %dma_start3A_49] : memref<10000x128xf32, #tpu.memory_space<vmem_shared>> -> memref<10000x128xf32, #tpu.memory_space<vmem_shared>>
      tpu.enqueue_indirect_dma source(%dma_start3A_44 : memref<80x128xf32, #tpu.memory_space<vmem>>) target(%dma_start3A_50 : memref<10000x128xf32, #tpu.memory_space<vmem_shared>>) offsets(%dma_start3A_47 : memref<80xi32, #tpu.memory_space<vmem>>) semaphore(%run_scoped3A_41 : memref<!tpu.dma_semaphore, #tpu.memory_space<semaphore_mem>>) {add = true}
      %dma_wait3A_51 = arith.constant 80 : i32
      %dma_wait3A_52 = arith.constant 0 : i32
      %dma_wait3A_53 = tpu.memref_slice %arg8[%dma_wait3A_51, %dma_wait3A_52] : memref<160x128xf32, #tpu.memory_space<vmem>> -> memref<80x128xf32, #tpu.memory_space<vmem>>
      %dma_wait3A_54 = arith.constant 0 : i32
      %dma_wait3A_55 = tpu.memref_slice %arg6[%run_scoped3A_28, %dma_wait3A_54] : memref<2x80xi32, #tpu.memory_space<vmem>> -> memref<1x80xi32, #tpu.memory_space<vmem>>
      %dma_wait3A_56 = tpu.memref_squeeze %dma_wait3A_55 : memref<1x80xi32, #tpu.memory_space<vmem>> -> memref<80xi32, #tpu.memory_space<vmem>>
      %dma_wait3A_57 = arith.constant 0 : i32
      %dma_wait3A_58 = arith.constant 0 : i32
      %dma_wait3A_59 = tpu.memref_slice %arg11[%dma_wait3A_57, %dma_wait3A_58] : memref<10000x128xf32, #tpu.memory_space<vmem_shared>> -> memref<10000x128xf32, #tpu.memory_space<vmem_shared>>
      tpu.wait_indirect_dma semaphore(%run_scoped3A_41 : memref<!tpu.dma_semaphore, #tpu.memory_space<semaphore_mem>>) src(%dma_wait3A_53 : memref<80x128xf32, #tpu.memory_space<vmem>>) dst(%dma_wait3A_59 : memref<10000x128xf32, #tpu.memory_space<vmem_shared>>)
      tpu.yield
    }) : () -> ()
    %barrier3A_29 = arith.constant 0 : index
    tpu.barrier barrier_id(%barrier3A_29)
    %mul3A_30 = arith.constant 624 : i32
    %mul3A_31 = arith.muli %arg1, %mul3A_30 : i32
    %mul3A_32 = arith.constant 624 : i32
    %mul3A_33 = arith.muli %arg1, %mul3A_32 : i32
    %mul3A_34 = arith.constant 128 : i32
    %mul3A_35 = arith.muli %arg0, %mul3A_34 : i32
    "tpu.region"() ({
      %run_scoped3A_41 = tpu.sem_alloc : memref<!tpu.dma_semaphore, #tpu.memory_space<semaphore_mem>>
      %dma_start3A_42 = tpu.memref_slice %arg5[%mul3A_33, %mul3A_35] : memref<10000x256xf32, #tpu.memory_space<hbm>> -> memref<624x128xf32, #tpu.memory_space<hbm>>
      %dma_start3A_43 = arith.constant 0 : i32
      %dma_start3A_44 = tpu.memref_slice %arg11[%mul3A_31, %dma_start3A_43] : memref<10000x128xf32, #tpu.memory_space<vmem_shared>> -> memref<624x128xf32, #tpu.memory_space<vmem_shared>>
      tpu.enqueue_dma source(%dma_start3A_44 : memref<624x128xf32, #tpu.memory_space<vmem_shared>>) target(%dma_start3A_42 : memref<624x128xf32, #tpu.memory_space<hbm>>) target_semaphore(%run_scoped3A_41 : memref<!tpu.dma_semaphore, #tpu.memory_space<semaphore_mem>>)
      %dma_wait3A_45 = tpu.memref_slice %arg5[%mul3A_33, %mul3A_35] : memref<10000x256xf32, #tpu.memory_space<hbm>> -> memref<624x128xf32, #tpu.memory_space<hbm>>
      %dma_wait3A_46 = arith.constant 0 : i32
      %dma_wait3A_47 = tpu.memref_slice %arg11[%mul3A_31, %dma_wait3A_46] : memref<10000x128xf32, #tpu.memory_space<vmem_shared>> -> memref<624x128xf32, #tpu.memory_space<vmem_shared>>
      tpu.wait_dma2 semaphore(%run_scoped3A_41 : memref<!tpu.dma_semaphore, #tpu.memory_space<semaphore_mem>>) src(%dma_wait3A_47 : memref<624x128xf32, #tpu.memory_space<vmem_shared>>) dst(%dma_wait3A_45 : memref<624x128xf32, #tpu.memory_space<hbm>>)
      tpu.yield
    }) : () -> ()
    %eq3A_36 = arith.constant 15 : i32
    %eq3A_37 = arith.cmpi eq, %arg1, %eq3A_36 : i32
    %convert_element_type3A_38 = arith.extui %eq3A_37 : i1 to i32
    %cond3A_39 = arith.constant 0 : i32
    %cond3A_40 = arith.cmpi ne, %convert_element_type3A_38, %cond3A_39 : i32
    scf.if %cond3A_40 {
      %mul3A_41 = arith.constant 128 : i32
      %mul3A_42 = arith.muli %arg0, %mul3A_41 : i32
      "tpu.region"() ({
        %run_scoped3A_43 = tpu.sem_alloc : memref<!tpu.dma_semaphore, #tpu.memory_space<semaphore_mem>>
        %dma_start3A_44 = arith.constant 9984 : i32
        %dma_start3A_45 = tpu.memref_slice %arg5[%dma_start3A_44, %mul3A_42] : memref<10000x256xf32, #tpu.memory_space<hbm>> -> memref<16x128xf32, #tpu.memory_space<hbm>>
        %dma_start3A_46 = arith.constant 9984 : i32
        %dma_start3A_47 = arith.constant 0 : i32
        %dma_start3A_48 = tpu.memref_slice %arg11[%dma_start3A_46, %dma_start3A_47] : memref<10000x128xf32, #tpu.memory_space<vmem_shared>> -> memref<16x128xf32, #tpu.memory_space<vmem_shared>>
        tpu.enqueue_dma source(%dma_start3A_48 : memref<16x128xf32, #tpu.memory_space<vmem_shared>>) target(%dma_start3A_45 : memref<16x128xf32, #tpu.memory_space<hbm>>) target_semaphore(%run_scoped3A_43 : memref<!tpu.dma_semaphore, #tpu.memory_space<semaphore_mem>>)
        %dma_wait3A_49 = arith.constant 9984 : i32
        %dma_wait3A_50 = tpu.memref_slice %arg5[%dma_wait3A_49, %mul3A_42] : memref<10000x256xf32, #tpu.memory_space<hbm>> -> memref<16x128xf32, #tpu.memory_space<hbm>>
        %dma_wait3A_51 = arith.constant 9984 : i32
        %dma_wait3A_52 = arith.constant 0 : i32
        %dma_wait3A_53 = tpu.memref_slice %arg11[%dma_wait3A_51, %dma_wait3A_52] : memref<10000x128xf32, #tpu.memory_space<vmem_shared>> -> memref<16x128xf32, #tpu.memory_space<vmem_shared>>
        tpu.wait_dma2 semaphore(%run_scoped3A_43 : memref<!tpu.dma_semaphore, #tpu.memory_space<semaphore_mem>>) src(%dma_wait3A_53 : memref<16x128xf32, #tpu.memory_space<vmem_shared>>) dst(%dma_wait3A_50 : memref<16x128xf32, #tpu.memory_space<hbm>>)
        tpu.yield
      }) : () -> ()
    } else {
    }
    return
  }
}

#map = affine_map<(d0, d1) -> (0, 0)>
#map1 = affine_map<(d0, d1) -> (0, 0, 0)>
module attributes {stable_mosaic.version = 14 : i64} {
  func.func @k(%arg0: i32, %arg1: i32, %arg2: memref<10000x128xf32, #tpu.memory_space<hbm>>, %arg3: memref<384x5x80xi32, #tpu.memory_space<hbm>>, %arg4: memref<166400x128xf32, #tpu.memory_space<hbm>>, %arg5: memref<153600x128xf32, #tpu.memory_space<hbm>>, %arg6: memref<5x80xi32, #tpu.memory_space<vmem>>, %arg7: memref<5x80xi32, #tpu.memory_space<vmem>>, %arg8: memref<400x128xf32, #tpu.memory_space<vmem>>, %arg9: memref<400x128xf32, #tpu.memory_space<vmem>>, %arg10: memref<!tpu.dma_semaphore, #tpu.memory_space<semaphore_mem>>, %arg11: memref<!tpu.dma_semaphore, #tpu.memory_space<semaphore_mem>>) attributes {dimension_semantics = [#tpu.dimension_semantics<core_parallel>, #tpu.dimension_semantics<subcore_parallel>], iteration_bounds = array<i64: 2, 16>, scalar_prefetch = 0 : i64, scratch_operands = 6 : i64, tpu.core_type = #tpu.core_type<sc_vector_subcore>, window_params = [{transform_indices = #map}, {transform_indices = #map1}, {transform_indices = #map}, {transform_indices = #map}]} {
    %mul3A = arith.constant 2 : i32
    %mul3A_0 = arith.muli %arg1, %mul3A : i32
    %add3A = arith.addi %mul3A_0, %arg0 : i32
    %add3A_1 = arith.constant 0 : i32
    %add3A_2 = arith.addi %add3A_1, %add3A : i32
    "tpu.region"() ({
      %run_scoped3A = tpu.sem_alloc : memref<!tpu.dma_semaphore, #tpu.memory_space<semaphore_mem>>
      %dma_start3A_56 = arith.constant 0 : i32
      %dma_start3A_57 = arith.constant 0 : i32
      %dma_start3A_58 = tpu.memref_slice %arg3[%add3A_2, %dma_start3A_56, %dma_start3A_57] : memref<384x5x80xi32, #tpu.memory_space<hbm>> -> memref<1x5x80xi32, #tpu.memory_space<hbm>>
      %dma_start3A_59 = tpu.memref_squeeze %dma_start3A_58 : memref<1x5x80xi32, #tpu.memory_space<hbm>> -> memref<5x80xi32, #tpu.memory_space<hbm>>
      %dma_start3A_60 = arith.constant 0 : i32
      %dma_start3A_61 = arith.constant 0 : i32
      %dma_start3A_62 = tpu.memref_slice %arg3[%add3A_2, %dma_start3A_60, %dma_start3A_61] : memref<384x5x80xi32, #tpu.memory_space<hbm>> -> memref<1x5x80xi32, #tpu.memory_space<hbm>>
      %dma_start3A_63 = tpu.memref_squeeze %dma_start3A_62 : memref<1x5x80xi32, #tpu.memory_space<hbm>> -> memref<5x80xi32, #tpu.memory_space<hbm>>
      tpu.enqueue_dma source(%dma_start3A_63 : memref<5x80xi32, #tpu.memory_space<hbm>>) target(%arg6 : memref<5x80xi32, #tpu.memory_space<vmem>>) target_semaphore(%run_scoped3A : memref<!tpu.dma_semaphore, #tpu.memory_space<semaphore_mem>>)
      %dma_wait3A = arith.constant 0 : i32
      %dma_wait3A_64 = arith.constant 0 : i32
      %dma_wait3A_65 = tpu.memref_slice %arg3[%add3A_2, %dma_wait3A, %dma_wait3A_64] : memref<384x5x80xi32, #tpu.memory_space<hbm>> -> memref<1x5x80xi32, #tpu.memory_space<hbm>>
      %dma_wait3A_66 = tpu.memref_squeeze %dma_wait3A_65 : memref<1x5x80xi32, #tpu.memory_space<hbm>> -> memref<5x80xi32, #tpu.memory_space<hbm>>
      %dma_wait3A_67 = arith.constant 0 : i32
      %dma_wait3A_68 = arith.constant 0 : i32
      %dma_wait3A_69 = tpu.memref_slice %arg3[%add3A_2, %dma_wait3A_67, %dma_wait3A_68] : memref<384x5x80xi32, #tpu.memory_space<hbm>> -> memref<1x5x80xi32, #tpu.memory_space<hbm>>
      %dma_wait3A_70 = tpu.memref_squeeze %dma_wait3A_69 : memref<1x5x80xi32, #tpu.memory_space<hbm>> -> memref<5x80xi32, #tpu.memory_space<hbm>>
      tpu.wait_dma2 semaphore(%run_scoped3A : memref<!tpu.dma_semaphore, #tpu.memory_space<semaphore_mem>>) src(%dma_wait3A_70 : memref<5x80xi32, #tpu.memory_space<hbm>>) dst(%arg6 : memref<5x80xi32, #tpu.memory_space<vmem>>)
      tpu.yield
    }) : () -> ()
    %dma_start3A = arith.constant 0 : i32
    %dma_start3A_3 = arith.constant 0 : i32
    %dma_start3A_4 = arith.constant 0 : i32
    %dma_start3A_5 = tpu.memref_slice %arg8[%dma_start3A_3, %dma_start3A_4] : memref<400x128xf32, #tpu.memory_space<vmem>> -> memref<80x128xf32, #tpu.memory_space<vmem>>
    %dma_start3A_6 = arith.constant 0 : i32
    %dma_start3A_7 = tpu.memref_slice %arg6[%dma_start3A, %dma_start3A_6] : memref<5x80xi32, #tpu.memory_space<vmem>> -> memref<1x80xi32, #tpu.memory_space<vmem>>
    %dma_start3A_8 = tpu.memref_squeeze %dma_start3A_7 : memref<1x80xi32, #tpu.memory_space<vmem>> -> memref<80xi32, #tpu.memory_space<vmem>>
    %dma_start3A_9 = arith.constant 0 : i32
    %dma_start3A_10 = arith.constant 0 : i32
    %dma_start3A_11 = tpu.memref_slice %arg2[%dma_start3A_9, %dma_start3A_10] : memref<10000x128xf32, #tpu.memory_space<hbm>> -> memref<10000x128xf32, #tpu.memory_space<hbm>>
    tpu.enqueue_indirect_dma source(%dma_start3A_11 : memref<10000x128xf32, #tpu.memory_space<hbm>>) target(%dma_start3A_5 : memref<80x128xf32, #tpu.memory_space<vmem>>) offsets(%dma_start3A_8 : memref<80xi32, #tpu.memory_space<vmem>>) semaphore(%arg10 : memref<!tpu.dma_semaphore, #tpu.memory_space<semaphore_mem>>)
    %dma_start3A_12 = arith.constant 1 : i32
    %dma_start3A_13 = arith.constant 80 : i32
    %dma_start3A_14 = arith.constant 0 : i32
    %dma_start3A_15 = tpu.memref_slice %arg8[%dma_start3A_13, %dma_start3A_14] : memref<400x128xf32, #tpu.memory_space<vmem>> -> memref<80x128xf32, #tpu.memory_space<vmem>>
    %dma_start3A_16 = arith.constant 0 : i32
    %dma_start3A_17 = tpu.memref_slice %arg6[%dma_start3A_12, %dma_start3A_16] : memref<5x80xi32, #tpu.memory_space<vmem>> -> memref<1x80xi32, #tpu.memory_space<vmem>>
    %dma_start3A_18 = tpu.memref_squeeze %dma_start3A_17 : memref<1x80xi32, #tpu.memory_space<vmem>> -> memref<80xi32, #tpu.memory_space<vmem>>
    %dma_start3A_19 = arith.constant 0 : i32
    %dma_start3A_20 = arith.constant 0 : i32
    %dma_start3A_21 = tpu.memref_slice %arg2[%dma_start3A_19, %dma_start3A_20] : memref<10000x128xf32, #tpu.memory_space<hbm>> -> memref<10000x128xf32, #tpu.memory_space<hbm>>
    tpu.enqueue_indirect_dma source(%dma_start3A_21 : memref<10000x128xf32, #tpu.memory_space<hbm>>) target(%dma_start3A_15 : memref<80x128xf32, #tpu.memory_space<vmem>>) offsets(%dma_start3A_18 : memref<80xi32, #tpu.memory_space<vmem>>) semaphore(%arg10 : memref<!tpu.dma_semaphore, #tpu.memory_space<semaphore_mem>>)
    %dma_start3A_22 = arith.constant 2 : i32
    %dma_start3A_23 = arith.constant 160 : i32
    %dma_start3A_24 = arith.constant 0 : i32
    %dma_start3A_25 = tpu.memref_slice %arg8[%dma_start3A_23, %dma_start3A_24] : memref<400x128xf32, #tpu.memory_space<vmem>> -> memref<80x128xf32, #tpu.memory_space<vmem>>
    %dma_start3A_26 = arith.constant 0 : i32
    %dma_start3A_27 = tpu.memref_slice %arg6[%dma_start3A_22, %dma_start3A_26] : memref<5x80xi32, #tpu.memory_space<vmem>> -> memref<1x80xi32, #tpu.memory_space<vmem>>
    %dma_start3A_28 = tpu.memref_squeeze %dma_start3A_27 : memref<1x80xi32, #tpu.memory_space<vmem>> -> memref<80xi32, #tpu.memory_space<vmem>>
    %dma_start3A_29 = arith.constant 0 : i32
    %dma_start3A_30 = arith.constant 0 : i32
    %dma_start3A_31 = tpu.memref_slice %arg2[%dma_start3A_29, %dma_start3A_30] : memref<10000x128xf32, #tpu.memory_space<hbm>> -> memref<10000x128xf32, #tpu.memory_space<hbm>>
    tpu.enqueue_indirect_dma source(%dma_start3A_31 : memref<10000x128xf32, #tpu.memory_space<hbm>>) target(%dma_start3A_25 : memref<80x128xf32, #tpu.memory_space<vmem>>) offsets(%dma_start3A_28 : memref<80xi32, #tpu.memory_space<vmem>>) semaphore(%arg10 : memref<!tpu.dma_semaphore, #tpu.memory_space<semaphore_mem>>)
    %dma_start3A_32 = arith.constant 3 : i32
    %dma_start3A_33 = arith.constant 240 : i32
    %dma_start3A_34 = arith.constant 0 : i32
    %dma_start3A_35 = tpu.memref_slice %arg8[%dma_start3A_33, %dma_start3A_34] : memref<400x128xf32, #tpu.memory_space<vmem>> -> memref<80x128xf32, #tpu.memory_space<vmem>>
    %dma_start3A_36 = arith.constant 0 : i32
    %dma_start3A_37 = tpu.memref_slice %arg6[%dma_start3A_32, %dma_start3A_36] : memref<5x80xi32, #tpu.memory_space<vmem>> -> memref<1x80xi32, #tpu.memory_space<vmem>>
    %dma_start3A_38 = tpu.memref_squeeze %dma_start3A_37 : memref<1x80xi32, #tpu.memory_space<vmem>> -> memref<80xi32, #tpu.memory_space<vmem>>
    %dma_start3A_39 = arith.constant 0 : i32
    %dma_start3A_40 = arith.constant 0 : i32
    %dma_start3A_41 = tpu.memref_slice %arg2[%dma_start3A_39, %dma_start3A_40] : memref<10000x128xf32, #tpu.memory_space<hbm>> -> memref<10000x128xf32, #tpu.memory_space<hbm>>
    tpu.enqueue_indirect_dma source(%dma_start3A_41 : memref<10000x128xf32, #tpu.memory_space<hbm>>) target(%dma_start3A_35 : memref<80x128xf32, #tpu.memory_space<vmem>>) offsets(%dma_start3A_38 : memref<80xi32, #tpu.memory_space<vmem>>) semaphore(%arg10 : memref<!tpu.dma_semaphore, #tpu.memory_space<semaphore_mem>>)
    %dma_start3A_42 = arith.constant 4 : i32
    %dma_start3A_43 = arith.constant 320 : i32
    %dma_start3A_44 = arith.constant 0 : i32
    %dma_start3A_45 = tpu.memref_slice %arg8[%dma_start3A_43, %dma_start3A_44] : memref<400x128xf32, #tpu.memory_space<vmem>> -> memref<80x128xf32, #tpu.memory_space<vmem>>
    %dma_start3A_46 = arith.constant 0 : i32
    %dma_start3A_47 = tpu.memref_slice %arg6[%dma_start3A_42, %dma_start3A_46] : memref<5x80xi32, #tpu.memory_space<vmem>> -> memref<1x80xi32, #tpu.memory_space<vmem>>
    %dma_start3A_48 = tpu.memref_squeeze %dma_start3A_47 : memref<1x80xi32, #tpu.memory_space<vmem>> -> memref<80xi32, #tpu.memory_space<vmem>>
    %dma_start3A_49 = arith.constant 0 : i32
    %dma_start3A_50 = arith.constant 0 : i32
    %dma_start3A_51 = tpu.memref_slice %arg2[%dma_start3A_49, %dma_start3A_50] : memref<10000x128xf32, #tpu.memory_space<hbm>> -> memref<10000x128xf32, #tpu.memory_space<hbm>>
    tpu.enqueue_indirect_dma source(%dma_start3A_51 : memref<10000x128xf32, #tpu.memory_space<hbm>>) target(%dma_start3A_45 : memref<80x128xf32, #tpu.memory_space<vmem>>) offsets(%dma_start3A_48 : memref<80xi32, #tpu.memory_space<vmem>>) semaphore(%arg10 : memref<!tpu.dma_semaphore, #tpu.memory_space<semaphore_mem>>)
    %scan3A = arith.constant 0 : i32
    %scan3A_52 = arith.constant 6 : i32
    %scan3A_53 = arith.addi %scan3A, %scan3A_52 : i32
    %scan3A_54 = arith.constant 1 : i32
    scf.for %scan3A_56 = %scan3A to %scan3A_53 step %scan3A_54  : i32 {
      %mul3A_57 = arith.constant 2 : i32
      %mul3A_58 = arith.muli %scan3A_56, %mul3A_57 : i32
      %add3A_59 = arith.constant 0 : i32
      %add3A_60 = arith.addi %add3A_59, %mul3A_58 : i32
      %add3A_61 = arith.constant 1 : i32
      %add3A_62 = arith.addi %add3A_60, %add3A_61 : i32
      %mul3A_63 = arith.constant 32 : i32
      %mul3A_64 = arith.muli %add3A_62, %mul3A_63 : i32
      %add3A_65 = arith.addi %mul3A_64, %add3A : i32
      "tpu.region"() ({
        %run_scoped3A = tpu.sem_alloc : memref<!tpu.dma_semaphore, #tpu.memory_space<semaphore_mem>>
        %dma_start3A_231 = arith.constant 0 : i32
        %dma_start3A_232 = arith.constant 0 : i32
        %dma_start3A_233 = tpu.memref_slice %arg3[%add3A_65, %dma_start3A_231, %dma_start3A_232] : memref<384x5x80xi32, #tpu.memory_space<hbm>> -> memref<1x5x80xi32, #tpu.memory_space<hbm>>
        %dma_start3A_234 = tpu.memref_squeeze %dma_start3A_233 : memref<1x5x80xi32, #tpu.memory_space<hbm>> -> memref<5x80xi32, #tpu.memory_space<hbm>>
        %dma_start3A_235 = arith.constant 0 : i32
        %dma_start3A_236 = arith.constant 0 : i32
        %dma_start3A_237 = tpu.memref_slice %arg3[%add3A_65, %dma_start3A_235, %dma_start3A_236] : memref<384x5x80xi32, #tpu.memory_space<hbm>> -> memref<1x5x80xi32, #tpu.memory_space<hbm>>
        %dma_start3A_238 = tpu.memref_squeeze %dma_start3A_237 : memref<1x5x80xi32, #tpu.memory_space<hbm>> -> memref<5x80xi32, #tpu.memory_space<hbm>>
        tpu.enqueue_dma source(%dma_start3A_238 : memref<5x80xi32, #tpu.memory_space<hbm>>) target(%arg7 : memref<5x80xi32, #tpu.memory_space<vmem>>) target_semaphore(%run_scoped3A : memref<!tpu.dma_semaphore, #tpu.memory_space<semaphore_mem>>)
        %dma_wait3A_239 = arith.constant 0 : i32
        %dma_wait3A_240 = arith.constant 0 : i32
        %dma_wait3A_241 = tpu.memref_slice %arg3[%add3A_65, %dma_wait3A_239, %dma_wait3A_240] : memref<384x5x80xi32, #tpu.memory_space<hbm>> -> memref<1x5x80xi32, #tpu.memory_space<hbm>>
        %dma_wait3A_242 = tpu.memref_squeeze %dma_wait3A_241 : memref<1x5x80xi32, #tpu.memory_space<hbm>> -> memref<5x80xi32, #tpu.memory_space<hbm>>
        %dma_wait3A_243 = arith.constant 0 : i32
        %dma_wait3A_244 = arith.constant 0 : i32
        %dma_wait3A_245 = tpu.memref_slice %arg3[%add3A_65, %dma_wait3A_243, %dma_wait3A_244] : memref<384x5x80xi32, #tpu.memory_space<hbm>> -> memref<1x5x80xi32, #tpu.memory_space<hbm>>
        %dma_wait3A_246 = tpu.memref_squeeze %dma_wait3A_245 : memref<1x5x80xi32, #tpu.memory_space<hbm>> -> memref<5x80xi32, #tpu.memory_space<hbm>>
        tpu.wait_dma2 semaphore(%run_scoped3A : memref<!tpu.dma_semaphore, #tpu.memory_space<semaphore_mem>>) src(%dma_wait3A_246 : memref<5x80xi32, #tpu.memory_space<hbm>>) dst(%arg7 : memref<5x80xi32, #tpu.memory_space<vmem>>)
        tpu.yield
      }) : () -> ()
      %dma_start3A_66 = arith.constant 0 : i32
      %dma_start3A_67 = arith.constant 0 : i32
      %dma_start3A_68 = arith.constant 0 : i32
      %dma_start3A_69 = tpu.memref_slice %arg9[%dma_start3A_67, %dma_start3A_68] : memref<400x128xf32, #tpu.memory_space<vmem>> -> memref<80x128xf32, #tpu.memory_space<vmem>>
      %dma_start3A_70 = arith.constant 0 : i32
      %dma_start3A_71 = tpu.memref_slice %arg7[%dma_start3A_66, %dma_start3A_70] : memref<5x80xi32, #tpu.memory_space<vmem>> -> memref<1x80xi32, #tpu.memory_space<vmem>>
      %dma_start3A_72 = tpu.memref_squeeze %dma_start3A_71 : memref<1x80xi32, #tpu.memory_space<vmem>> -> memref<80xi32, #tpu.memory_space<vmem>>
      %dma_start3A_73 = arith.constant 0 : i32
      %dma_start3A_74 = arith.constant 0 : i32
      %dma_start3A_75 = tpu.memref_slice %arg2[%dma_start3A_73, %dma_start3A_74] : memref<10000x128xf32, #tpu.memory_space<hbm>> -> memref<10000x128xf32, #tpu.memory_space<hbm>>
      tpu.enqueue_indirect_dma source(%dma_start3A_75 : memref<10000x128xf32, #tpu.memory_space<hbm>>) target(%dma_start3A_69 : memref<80x128xf32, #tpu.memory_space<vmem>>) offsets(%dma_start3A_72 : memref<80xi32, #tpu.memory_space<vmem>>) semaphore(%arg11 : memref<!tpu.dma_semaphore, #tpu.memory_space<semaphore_mem>>)
      %dma_start3A_76 = arith.constant 1 : i32
      %dma_start3A_77 = arith.constant 80 : i32
      %dma_start3A_78 = arith.constant 0 : i32
      %dma_start3A_79 = tpu.memref_slice %arg9[%dma_start3A_77, %dma_start3A_78] : memref<400x128xf32, #tpu.memory_space<vmem>> -> memref<80x128xf32, #tpu.memory_space<vmem>>
      %dma_start3A_80 = arith.constant 0 : i32
      %dma_start3A_81 = tpu.memref_slice %arg7[%dma_start3A_76, %dma_start3A_80] : memref<5x80xi32, #tpu.memory_space<vmem>> -> memref<1x80xi32, #tpu.memory_space<vmem>>
      %dma_start3A_82 = tpu.memref_squeeze %dma_start3A_81 : memref<1x80xi32, #tpu.memory_space<vmem>> -> memref<80xi32, #tpu.memory_space<vmem>>
      %dma_start3A_83 = arith.constant 0 : i32
      %dma_start3A_84 = arith.constant 0 : i32
      %dma_start3A_85 = tpu.memref_slice %arg2[%dma_start3A_83, %dma_start3A_84] : memref<10000x128xf32, #tpu.memory_space<hbm>> -> memref<10000x128xf32, #tpu.memory_space<hbm>>
      tpu.enqueue_indirect_dma source(%dma_start3A_85 : memref<10000x128xf32, #tpu.memory_space<hbm>>) target(%dma_start3A_79 : memref<80x128xf32, #tpu.memory_space<vmem>>) offsets(%dma_start3A_82 : memref<80xi32, #tpu.memory_space<vmem>>) semaphore(%arg11 : memref<!tpu.dma_semaphore, #tpu.memory_space<semaphore_mem>>)
      %dma_start3A_86 = arith.constant 2 : i32
      %dma_start3A_87 = arith.constant 160 : i32
      %dma_start3A_88 = arith.constant 0 : i32
      %dma_start3A_89 = tpu.memref_slice %arg9[%dma_start3A_87, %dma_start3A_88] : memref<400x128xf32, #tpu.memory_space<vmem>> -> memref<80x128xf32, #tpu.memory_space<vmem>>
      %dma_start3A_90 = arith.constant 0 : i32
      %dma_start3A_91 = tpu.memref_slice %arg7[%dma_start3A_86, %dma_start3A_90] : memref<5x80xi32, #tpu.memory_space<vmem>> -> memref<1x80xi32, #tpu.memory_space<vmem>>
      %dma_start3A_92 = tpu.memref_squeeze %dma_start3A_91 : memref<1x80xi32, #tpu.memory_space<vmem>> -> memref<80xi32, #tpu.memory_space<vmem>>
      %dma_start3A_93 = arith.constant 0 : i32
      %dma_start3A_94 = arith.constant 0 : i32
      %dma_start3A_95 = tpu.memref_slice %arg2[%dma_start3A_93, %dma_start3A_94] : memref<10000x128xf32, #tpu.memory_space<hbm>> -> memref<10000x128xf32, #tpu.memory_space<hbm>>
      tpu.enqueue_indirect_dma source(%dma_start3A_95 : memref<10000x128xf32, #tpu.memory_space<hbm>>) target(%dma_start3A_89 : memref<80x128xf32, #tpu.memory_space<vmem>>) offsets(%dma_start3A_92 : memref<80xi32, #tpu.memory_space<vmem>>) semaphore(%arg11 : memref<!tpu.dma_semaphore, #tpu.memory_space<semaphore_mem>>)
      %dma_start3A_96 = arith.constant 3 : i32
      %dma_start3A_97 = arith.constant 240 : i32
      %dma_start3A_98 = arith.constant 0 : i32
      %dma_start3A_99 = tpu.memref_slice %arg9[%dma_start3A_97, %dma_start3A_98] : memref<400x128xf32, #tpu.memory_space<vmem>> -> memref<80x128xf32, #tpu.memory_space<vmem>>
      %dma_start3A_100 = arith.constant 0 : i32
      %dma_start3A_101 = tpu.memref_slice %arg7[%dma_start3A_96, %dma_start3A_100] : memref<5x80xi32, #tpu.memory_space<vmem>> -> memref<1x80xi32, #tpu.memory_space<vmem>>
      %dma_start3A_102 = tpu.memref_squeeze %dma_start3A_101 : memref<1x80xi32, #tpu.memory_space<vmem>> -> memref<80xi32, #tpu.memory_space<vmem>>
      %dma_start3A_103 = arith.constant 0 : i32
      %dma_start3A_104 = arith.constant 0 : i32
      %dma_start3A_105 = tpu.memref_slice %arg2[%dma_start3A_103, %dma_start3A_104] : memref<10000x128xf32, #tpu.memory_space<hbm>> -> memref<10000x128xf32, #tpu.memory_space<hbm>>
      tpu.enqueue_indirect_dma source(%dma_start3A_105 : memref<10000x128xf32, #tpu.memory_space<hbm>>) target(%dma_start3A_99 : memref<80x128xf32, #tpu.memory_space<vmem>>) offsets(%dma_start3A_102 : memref<80xi32, #tpu.memory_space<vmem>>) semaphore(%arg11 : memref<!tpu.dma_semaphore, #tpu.memory_space<semaphore_mem>>)
      %dma_start3A_106 = arith.constant 4 : i32
      %dma_start3A_107 = arith.constant 320 : i32
      %dma_start3A_108 = arith.constant 0 : i32
      %dma_start3A_109 = tpu.memref_slice %arg9[%dma_start3A_107, %dma_start3A_108] : memref<400x128xf32, #tpu.memory_space<vmem>> -> memref<80x128xf32, #tpu.memory_space<vmem>>
      %dma_start3A_110 = arith.constant 0 : i32
      %dma_start3A_111 = tpu.memref_slice %arg7[%dma_start3A_106, %dma_start3A_110] : memref<5x80xi32, #tpu.memory_space<vmem>> -> memref<1x80xi32, #tpu.memory_space<vmem>>
      %dma_start3A_112 = tpu.memref_squeeze %dma_start3A_111 : memref<1x80xi32, #tpu.memory_space<vmem>> -> memref<80xi32, #tpu.memory_space<vmem>>
      %dma_start3A_113 = arith.constant 0 : i32
      %dma_start3A_114 = arith.constant 0 : i32
      %dma_start3A_115 = tpu.memref_slice %arg2[%dma_start3A_113, %dma_start3A_114] : memref<10000x128xf32, #tpu.memory_space<hbm>> -> memref<10000x128xf32, #tpu.memory_space<hbm>>
      tpu.enqueue_indirect_dma source(%dma_start3A_115 : memref<10000x128xf32, #tpu.memory_space<hbm>>) target(%dma_start3A_109 : memref<80x128xf32, #tpu.memory_space<vmem>>) offsets(%dma_start3A_112 : memref<80xi32, #tpu.memory_space<vmem>>) semaphore(%arg11 : memref<!tpu.dma_semaphore, #tpu.memory_space<semaphore_mem>>)
      %mul3A_116 = arith.constant 32 : i32
      %mul3A_117 = arith.muli %add3A_60, %mul3A_116 : i32
      %add3A_118 = arith.addi %mul3A_117, %add3A : i32
      %dma_wait3A = arith.constant 0 : i32
      %dma_wait3A_119 = arith.constant 0 : i32
      %dma_wait3A_120 = arith.constant 0 : i32
      %dma_wait3A_121 = tpu.memref_slice %arg8[%dma_wait3A_119, %dma_wait3A_120] : memref<400x128xf32, #tpu.memory_space<vmem>> -> memref<80x128xf32, #tpu.memory_space<vmem>>
      %dma_wait3A_122 = arith.constant 0 : i32
      %dma_wait3A_123 = tpu.memref_slice %arg6[%dma_wait3A, %dma_wait3A_122] : memref<5x80xi32, #tpu.memory_space<vmem>> -> memref<1x80xi32, #tpu.memory_space<vmem>>
      %dma_wait3A_124 = tpu.memref_squeeze %dma_wait3A_123 : memref<1x80xi32, #tpu.memory_space<vmem>> -> memref<80xi32, #tpu.memory_space<vmem>>
      %dma_wait3A_125 = arith.constant 0 : i32
      %dma_wait3A_126 = arith.constant 0 : i32
      %dma_wait3A_127 = tpu.memref_slice %arg2[%dma_wait3A_125, %dma_wait3A_126] : memref<10000x128xf32, #tpu.memory_space<hbm>> -> memref<10000x128xf32, #tpu.memory_space<hbm>>
      tpu.wait_indirect_dma semaphore(%arg10 : memref<!tpu.dma_semaphore, #tpu.memory_space<semaphore_mem>>) src(%dma_wait3A_127 : memref<10000x128xf32, #tpu.memory_space<hbm>>) dst(%dma_wait3A_121 : memref<80x128xf32, #tpu.memory_space<vmem>>)
      %dma_wait3A_128 = arith.constant 1 : i32
      %dma_wait3A_129 = arith.constant 80 : i32
      %dma_wait3A_130 = arith.constant 0 : i32
      %dma_wait3A_131 = tpu.memref_slice %arg8[%dma_wait3A_129, %dma_wait3A_130] : memref<400x128xf32, #tpu.memory_space<vmem>> -> memref<80x128xf32, #tpu.memory_space<vmem>>
      %dma_wait3A_132 = arith.constant 0 : i32
      %dma_wait3A_133 = tpu.memref_slice %arg6[%dma_wait3A_128, %dma_wait3A_132] : memref<5x80xi32, #tpu.memory_space<vmem>> -> memref<1x80xi32, #tpu.memory_space<vmem>>
      %dma_wait3A_134 = tpu.memref_squeeze %dma_wait3A_133 : memref<1x80xi32, #tpu.memory_space<vmem>> -> memref<80xi32, #tpu.memory_space<vmem>>
      %dma_wait3A_135 = arith.constant 0 : i32
      %dma_wait3A_136 = arith.constant 0 : i32
      %dma_wait3A_137 = tpu.memref_slice %arg2[%dma_wait3A_135, %dma_wait3A_136] : memref<10000x128xf32, #tpu.memory_space<hbm>> -> memref<10000x128xf32, #tpu.memory_space<hbm>>
      tpu.wait_indirect_dma semaphore(%arg10 : memref<!tpu.dma_semaphore, #tpu.memory_space<semaphore_mem>>) src(%dma_wait3A_137 : memref<10000x128xf32, #tpu.memory_space<hbm>>) dst(%dma_wait3A_131 : memref<80x128xf32, #tpu.memory_space<vmem>>)
      %dma_wait3A_138 = arith.constant 2 : i32
      %dma_wait3A_139 = arith.constant 160 : i32
      %dma_wait3A_140 = arith.constant 0 : i32
      %dma_wait3A_141 = tpu.memref_slice %arg8[%dma_wait3A_139, %dma_wait3A_140] : memref<400x128xf32, #tpu.memory_space<vmem>> -> memref<80x128xf32, #tpu.memory_space<vmem>>
      %dma_wait3A_142 = arith.constant 0 : i32
      %dma_wait3A_143 = tpu.memref_slice %arg6[%dma_wait3A_138, %dma_wait3A_142] : memref<5x80xi32, #tpu.memory_space<vmem>> -> memref<1x80xi32, #tpu.memory_space<vmem>>
      %dma_wait3A_144 = tpu.memref_squeeze %dma_wait3A_143 : memref<1x80xi32, #tpu.memory_space<vmem>> -> memref<80xi32, #tpu.memory_space<vmem>>
      %dma_wait3A_145 = arith.constant 0 : i32
      %dma_wait3A_146 = arith.constant 0 : i32
      %dma_wait3A_147 = tpu.memref_slice %arg2[%dma_wait3A_145, %dma_wait3A_146] : memref<10000x128xf32, #tpu.memory_space<hbm>> -> memref<10000x128xf32, #tpu.memory_space<hbm>>
      tpu.wait_indirect_dma semaphore(%arg10 : memref<!tpu.dma_semaphore, #tpu.memory_space<semaphore_mem>>) src(%dma_wait3A_147 : memref<10000x128xf32, #tpu.memory_space<hbm>>) dst(%dma_wait3A_141 : memref<80x128xf32, #tpu.memory_space<vmem>>)
      %dma_wait3A_148 = arith.constant 3 : i32
      %dma_wait3A_149 = arith.constant 240 : i32
      %dma_wait3A_150 = arith.constant 0 : i32
      %dma_wait3A_151 = tpu.memref_slice %arg8[%dma_wait3A_149, %dma_wait3A_150] : memref<400x128xf32, #tpu.memory_space<vmem>> -> memref<80x128xf32, #tpu.memory_space<vmem>>
      %dma_wait3A_152 = arith.constant 0 : i32
      %dma_wait3A_153 = tpu.memref_slice %arg6[%dma_wait3A_148, %dma_wait3A_152] : memref<5x80xi32, #tpu.memory_space<vmem>> -> memref<1x80xi32, #tpu.memory_space<vmem>>
      %dma_wait3A_154 = tpu.memref_squeeze %dma_wait3A_153 : memref<1x80xi32, #tpu.memory_space<vmem>> -> memref<80xi32, #tpu.memory_space<vmem>>
      %dma_wait3A_155 = arith.constant 0 : i32
      %dma_wait3A_156 = arith.constant 0 : i32
      %dma_wait3A_157 = tpu.memref_slice %arg2[%dma_wait3A_155, %dma_wait3A_156] : memref<10000x128xf32, #tpu.memory_space<hbm>> -> memref<10000x128xf32, #tpu.memory_space<hbm>>
      tpu.wait_indirect_dma semaphore(%arg10 : memref<!tpu.dma_semaphore, #tpu.memory_space<semaphore_mem>>) src(%dma_wait3A_157 : memref<10000x128xf32, #tpu.memory_space<hbm>>) dst(%dma_wait3A_151 : memref<80x128xf32, #tpu.memory_space<vmem>>)
      %dma_wait3A_158 = arith.constant 4 : i32
      %dma_wait3A_159 = arith.constant 320 : i32
      %dma_wait3A_160 = arith.constant 0 : i32
      %dma_wait3A_161 = tpu.memref_slice %arg8[%dma_wait3A_159, %dma_wait3A_160] : memref<400x128xf32, #tpu.memory_space<vmem>> -> memref<80x128xf32, #tpu.memory_space<vmem>>
      %dma_wait3A_162 = arith.constant 0 : i32
      %dma_wait3A_163 = tpu.memref_slice %arg6[%dma_wait3A_158, %dma_wait3A_162] : memref<5x80xi32, #tpu.memory_space<vmem>> -> memref<1x80xi32, #tpu.memory_space<vmem>>
      %dma_wait3A_164 = tpu.memref_squeeze %dma_wait3A_163 : memref<1x80xi32, #tpu.memory_space<vmem>> -> memref<80xi32, #tpu.memory_space<vmem>>
      %dma_wait3A_165 = arith.constant 0 : i32
      %dma_wait3A_166 = arith.constant 0 : i32
      %dma_wait3A_167 = tpu.memref_slice %arg2[%dma_wait3A_165, %dma_wait3A_166] : memref<10000x128xf32, #tpu.memory_space<hbm>> -> memref<10000x128xf32, #tpu.memory_space<hbm>>
      tpu.wait_indirect_dma semaphore(%arg10 : memref<!tpu.dma_semaphore, #tpu.memory_space<semaphore_mem>>) src(%dma_wait3A_167 : memref<10000x128xf32, #tpu.memory_space<hbm>>) dst(%dma_wait3A_161 : memref<80x128xf32, #tpu.memory_space<vmem>>)
      %mul3A_168 = arith.constant 400 : i32
      %mul3A_169 = arith.muli %add3A_118, %mul3A_168 : i32
      "tpu.region"() ({
        %run_scoped3A = tpu.sem_alloc : memref<!tpu.dma_semaphore, #tpu.memory_space<semaphore_mem>>
        %dma_start3A_231 = arith.constant 0 : i32
        %dma_start3A_232 = tpu.memref_slice %arg5[%mul3A_169, %dma_start3A_231] : memref<153600x128xf32, #tpu.memory_space<hbm>> -> memref<400x128xf32, #tpu.memory_space<hbm>>
        %dma_start3A_233 = arith.constant 0 : i32
        %dma_start3A_234 = tpu.memref_slice %arg5[%mul3A_169, %dma_start3A_233] : memref<153600x128xf32, #tpu.memory_space<hbm>> -> memref<400x128xf32, #tpu.memory_space<hbm>>
        tpu.enqueue_dma source(%arg8 : memref<400x128xf32, #tpu.memory_space<vmem>>) target(%dma_start3A_234 : memref<400x128xf32, #tpu.memory_space<hbm>>) target_semaphore(%run_scoped3A : memref<!tpu.dma_semaphore, #tpu.memory_space<semaphore_mem>>)
        %dma_wait3A_235 = arith.constant 0 : i32
        %dma_wait3A_236 = tpu.memref_slice %arg5[%mul3A_169, %dma_wait3A_235] : memref<153600x128xf32, #tpu.memory_space<hbm>> -> memref<400x128xf32, #tpu.memory_space<hbm>>
        %dma_wait3A_237 = arith.constant 0 : i32
        %dma_wait3A_238 = tpu.memref_slice %arg5[%mul3A_169, %dma_wait3A_237] : memref<153600x128xf32, #tpu.memory_space<hbm>> -> memref<400x128xf32, #tpu.memory_space<hbm>>
        tpu.wait_dma2 semaphore(%run_scoped3A : memref<!tpu.dma_semaphore, #tpu.memory_space<semaphore_mem>>) src(%arg8 : memref<400x128xf32, #tpu.memory_space<vmem>>) dst(%dma_wait3A_238 : memref<400x128xf32, #tpu.memory_space<hbm>>)
        tpu.yield
      }) : () -> ()
      %add3A_170 = arith.constant 2 : i32
      %add3A_171 = arith.addi %add3A_60, %add3A_170 : i32
      %lt3A = arith.constant 12 : i32
      %lt3A_172 = arith.cmpi slt, %add3A_171, %lt3A : i32
      %convert_element_type3A = arith.extui %lt3A_172 : i1 to i32
      %cond3A = arith.constant 0 : i32
      %cond3A_173 = arith.cmpi ne, %convert_element_type3A, %cond3A : i32
      scf.if %cond3A_173 {
        %add3A_231 = arith.constant 2 : i32
        %add3A_232 = arith.addi %add3A_60, %add3A_231 : i32
        %mul3A_233 = arith.constant 32 : i32
        %mul3A_234 = arith.muli %add3A_232, %mul3A_233 : i32
        %add3A_235 = arith.addi %mul3A_234, %add3A : i32
        "tpu.region"() ({
          %run_scoped3A = tpu.sem_alloc : memref<!tpu.dma_semaphore, #tpu.memory_space<semaphore_mem>>
          %dma_start3A_286 = arith.constant 0 : i32
          %dma_start3A_287 = arith.constant 0 : i32
          %dma_start3A_288 = tpu.memref_slice %arg3[%add3A_235, %dma_start3A_286, %dma_start3A_287] : memref<384x5x80xi32, #tpu.memory_space<hbm>> -> memref<1x5x80xi32, #tpu.memory_space<hbm>>
          %dma_start3A_289 = tpu.memref_squeeze %dma_start3A_288 : memref<1x5x80xi32, #tpu.memory_space<hbm>> -> memref<5x80xi32, #tpu.memory_space<hbm>>
          %dma_start3A_290 = arith.constant 0 : i32
          %dma_start3A_291 = arith.constant 0 : i32
          %dma_start3A_292 = tpu.memref_slice %arg3[%add3A_235, %dma_start3A_290, %dma_start3A_291] : memref<384x5x80xi32, #tpu.memory_space<hbm>> -> memref<1x5x80xi32, #tpu.memory_space<hbm>>
          %dma_start3A_293 = tpu.memref_squeeze %dma_start3A_292 : memref<1x5x80xi32, #tpu.memory_space<hbm>> -> memref<5x80xi32, #tpu.memory_space<hbm>>
          tpu.enqueue_dma source(%dma_start3A_293 : memref<5x80xi32, #tpu.memory_space<hbm>>) target(%arg6 : memref<5x80xi32, #tpu.memory_space<vmem>>) target_semaphore(%run_scoped3A : memref<!tpu.dma_semaphore, #tpu.memory_space<semaphore_mem>>)
          %dma_wait3A_294 = arith.constant 0 : i32
          %dma_wait3A_295 = arith.constant 0 : i32
          %dma_wait3A_296 = tpu.memref_slice %arg3[%add3A_235, %dma_wait3A_294, %dma_wait3A_295] : memref<384x5x80xi32, #tpu.memory_space<hbm>> -> memref<1x5x80xi32, #tpu.memory_space<hbm>>
          %dma_wait3A_297 = tpu.memref_squeeze %dma_wait3A_296 : memref<1x5x80xi32, #tpu.memory_space<hbm>> -> memref<5x80xi32, #tpu.memory_space<hbm>>
          %dma_wait3A_298 = arith.constant 0 : i32
          %dma_wait3A_299 = arith.constant 0 : i32
          %dma_wait3A_300 = tpu.memref_slice %arg3[%add3A_235, %dma_wait3A_298, %dma_wait3A_299] : memref<384x5x80xi32, #tpu.memory_space<hbm>> -> memref<1x5x80xi32, #tpu.memory_space<hbm>>
          %dma_wait3A_301 = tpu.memref_squeeze %dma_wait3A_300 : memref<1x5x80xi32, #tpu.memory_space<hbm>> -> memref<5x80xi32, #tpu.memory_space<hbm>>
          tpu.wait_dma2 semaphore(%run_scoped3A : memref<!tpu.dma_semaphore, #tpu.memory_space<semaphore_mem>>) src(%dma_wait3A_301 : memref<5x80xi32, #tpu.memory_space<hbm>>) dst(%arg6 : memref<5x80xi32, #tpu.memory_space<vmem>>)
          tpu.yield
        }) : () -> ()
        %dma_start3A_236 = arith.constant 0 : i32
        %dma_start3A_237 = arith.constant 0 : i32
        %dma_start3A_238 = arith.constant 0 : i32
        %dma_start3A_239 = tpu.memref_slice %arg8[%dma_start3A_237, %dma_start3A_238] : memref<400x128xf32, #tpu.memory_space<vmem>> -> memref<80x128xf32, #tpu.memory_space<vmem>>
        %dma_start3A_240 = arith.constant 0 : i32
        %dma_start3A_241 = tpu.memref_slice %arg6[%dma_start3A_236, %dma_start3A_240] : memref<5x80xi32, #tpu.memory_space<vmem>> -> memref<1x80xi32, #tpu.memory_space<vmem>>
        %dma_start3A_242 = tpu.memref_squeeze %dma_start3A_241 : memref<1x80xi32, #tpu.memory_space<vmem>> -> memref<80xi32, #tpu.memory_space<vmem>>
        %dma_start3A_243 = arith.constant 0 : i32
        %dma_start3A_244 = arith.constant 0 : i32
        %dma_start3A_245 = tpu.memref_slice %arg2[%dma_start3A_243, %dma_start3A_244] : memref<10000x128xf32, #tpu.memory_space<hbm>> -> memref<10000x128xf32, #tpu.memory_space<hbm>>
        tpu.enqueue_indirect_dma source(%dma_start3A_245 : memref<10000x128xf32, #tpu.memory_space<hbm>>) target(%dma_start3A_239 : memref<80x128xf32, #tpu.memory_space<vmem>>) offsets(%dma_start3A_242 : memref<80xi32, #tpu.memory_space<vmem>>) semaphore(%arg10 : memref<!tpu.dma_semaphore, #tpu.memory_space<semaphore_mem>>)
        %dma_start3A_246 = arith.constant 1 : i32
        %dma_start3A_247 = arith.constant 80 : i32
        %dma_start3A_248 = arith.constant 0 : i32
        %dma_start3A_249 = tpu.memref_slice %arg8[%dma_start3A_247, %dma_start3A_248] : memref<400x128xf32, #tpu.memory_space<vmem>> -> memref<80x128xf32, #tpu.memory_space<vmem>>
        %dma_start3A_250 = arith.constant 0 : i32
        %dma_start3A_251 = tpu.memref_slice %arg6[%dma_start3A_246, %dma_start3A_250] : memref<5x80xi32, #tpu.memory_space<vmem>> -> memref<1x80xi32, #tpu.memory_space<vmem>>
        %dma_start3A_252 = tpu.memref_squeeze %dma_start3A_251 : memref<1x80xi32, #tpu.memory_space<vmem>> -> memref<80xi32, #tpu.memory_space<vmem>>
        %dma_start3A_253 = arith.constant 0 : i32
        %dma_start3A_254 = arith.constant 0 : i32
        %dma_start3A_255 = tpu.memref_slice %arg2[%dma_start3A_253, %dma_start3A_254] : memref<10000x128xf32, #tpu.memory_space<hbm>> -> memref<10000x128xf32, #tpu.memory_space<hbm>>
        tpu.enqueue_indirect_dma source(%dma_start3A_255 : memref<10000x128xf32, #tpu.memory_space<hbm>>) target(%dma_start3A_249 : memref<80x128xf32, #tpu.memory_space<vmem>>) offsets(%dma_start3A_252 : memref<80xi32, #tpu.memory_space<vmem>>) semaphore(%arg10 : memref<!tpu.dma_semaphore, #tpu.memory_space<semaphore_mem>>)
        %dma_start3A_256 = arith.constant 2 : i32
        %dma_start3A_257 = arith.constant 160 : i32
        %dma_start3A_258 = arith.constant 0 : i32
        %dma_start3A_259 = tpu.memref_slice %arg8[%dma_start3A_257, %dma_start3A_258] : memref<400x128xf32, #tpu.memory_space<vmem>> -> memref<80x128xf32, #tpu.memory_space<vmem>>
        %dma_start3A_260 = arith.constant 0 : i32
        %dma_start3A_261 = tpu.memref_slice %arg6[%dma_start3A_256, %dma_start3A_260] : memref<5x80xi32, #tpu.memory_space<vmem>> -> memref<1x80xi32, #tpu.memory_space<vmem>>
        %dma_start3A_262 = tpu.memref_squeeze %dma_start3A_261 : memref<1x80xi32, #tpu.memory_space<vmem>> -> memref<80xi32, #tpu.memory_space<vmem>>
        %dma_start3A_263 = arith.constant 0 : i32
        %dma_start3A_264 = arith.constant 0 : i32
        %dma_start3A_265 = tpu.memref_slice %arg2[%dma_start3A_263, %dma_start3A_264] : memref<10000x128xf32, #tpu.memory_space<hbm>> -> memref<10000x128xf32, #tpu.memory_space<hbm>>
        tpu.enqueue_indirect_dma source(%dma_start3A_265 : memref<10000x128xf32, #tpu.memory_space<hbm>>) target(%dma_start3A_259 : memref<80x128xf32, #tpu.memory_space<vmem>>) offsets(%dma_start3A_262 : memref<80xi32, #tpu.memory_space<vmem>>) semaphore(%arg10 : memref<!tpu.dma_semaphore, #tpu.memory_space<semaphore_mem>>)
        %dma_start3A_266 = arith.constant 3 : i32
        %dma_start3A_267 = arith.constant 240 : i32
        %dma_start3A_268 = arith.constant 0 : i32
        %dma_start3A_269 = tpu.memref_slice %arg8[%dma_start3A_267, %dma_start3A_268] : memref<400x128xf32, #tpu.memory_space<vmem>> -> memref<80x128xf32, #tpu.memory_space<vmem>>
        %dma_start3A_270 = arith.constant 0 : i32
        %dma_start3A_271 = tpu.memref_slice %arg6[%dma_start3A_266, %dma_start3A_270] : memref<5x80xi32, #tpu.memory_space<vmem>> -> memref<1x80xi32, #tpu.memory_space<vmem>>
        %dma_start3A_272 = tpu.memref_squeeze %dma_start3A_271 : memref<1x80xi32, #tpu.memory_space<vmem>> -> memref<80xi32, #tpu.memory_space<vmem>>
        %dma_start3A_273 = arith.constant 0 : i32
        %dma_start3A_274 = arith.constant 0 : i32
        %dma_start3A_275 = tpu.memref_slice %arg2[%dma_start3A_273, %dma_start3A_274] : memref<10000x128xf32, #tpu.memory_space<hbm>> -> memref<10000x128xf32, #tpu.memory_space<hbm>>
        tpu.enqueue_indirect_dma source(%dma_start3A_275 : memref<10000x128xf32, #tpu.memory_space<hbm>>) target(%dma_start3A_269 : memref<80x128xf32, #tpu.memory_space<vmem>>) offsets(%dma_start3A_272 : memref<80xi32, #tpu.memory_space<vmem>>) semaphore(%arg10 : memref<!tpu.dma_semaphore, #tpu.memory_space<semaphore_mem>>)
        %dma_start3A_276 = arith.constant 4 : i32
        %dma_start3A_277 = arith.constant 320 : i32
        %dma_start3A_278 = arith.constant 0 : i32
        %dma_start3A_279 = tpu.memref_slice %arg8[%dma_start3A_277, %dma_start3A_278] : memref<400x128xf32, #tpu.memory_space<vmem>> -> memref<80x128xf32, #tpu.memory_space<vmem>>
        %dma_start3A_280 = arith.constant 0 : i32
        %dma_start3A_281 = tpu.memref_slice %arg6[%dma_start3A_276, %dma_start3A_280] : memref<5x80xi32, #tpu.memory_space<vmem>> -> memref<1x80xi32, #tpu.memory_space<vmem>>
        %dma_start3A_282 = tpu.memref_squeeze %dma_start3A_281 : memref<1x80xi32, #tpu.memory_space<vmem>> -> memref<80xi32, #tpu.memory_space<vmem>>
        %dma_start3A_283 = arith.constant 0 : i32
        %dma_start3A_284 = arith.constant 0 : i32
        %dma_start3A_285 = tpu.memref_slice %arg2[%dma_start3A_283, %dma_start3A_284] : memref<10000x128xf32, #tpu.memory_space<hbm>> -> memref<10000x128xf32, #tpu.memory_space<hbm>>
        tpu.enqueue_indirect_dma source(%dma_start3A_285 : memref<10000x128xf32, #tpu.memory_space<hbm>>) target(%dma_start3A_279 : memref<80x128xf32, #tpu.memory_space<vmem>>) offsets(%dma_start3A_282 : memref<80xi32, #tpu.memory_space<vmem>>) semaphore(%arg10 : memref<!tpu.dma_semaphore, #tpu.memory_space<semaphore_mem>>)
      } else {
      }
      %add3A_174 = arith.constant 1 : i32
      %add3A_175 = arith.addi %add3A_60, %add3A_174 : i32
      %mul3A_176 = arith.constant 32 : i32
      %mul3A_177 = arith.muli %add3A_175, %mul3A_176 : i32
      %add3A_178 = arith.addi %mul3A_177, %add3A : i32
      %dma_wait3A_179 = arith.constant 0 : i32
      %dma_wait3A_180 = arith.constant 0 : i32
      %dma_wait3A_181 = arith.constant 0 : i32
      %dma_wait3A_182 = tpu.memref_slice %arg9[%dma_wait3A_180, %dma_wait3A_181] : memref<400x128xf32, #tpu.memory_space<vmem>> -> memref<80x128xf32, #tpu.memory_space<vmem>>
      %dma_wait3A_183 = arith.constant 0 : i32
      %dma_wait3A_184 = tpu.memref_slice %arg7[%dma_wait3A_179, %dma_wait3A_183] : memref<5x80xi32, #tpu.memory_space<vmem>> -> memref<1x80xi32, #tpu.memory_space<vmem>>
      %dma_wait3A_185 = tpu.memref_squeeze %dma_wait3A_184 : memref<1x80xi32, #tpu.memory_space<vmem>> -> memref<80xi32, #tpu.memory_space<vmem>>
      %dma_wait3A_186 = arith.constant 0 : i32
      %dma_wait3A_187 = arith.constant 0 : i32
      %dma_wait3A_188 = tpu.memref_slice %arg2[%dma_wait3A_186, %dma_wait3A_187] : memref<10000x128xf32, #tpu.memory_space<hbm>> -> memref<10000x128xf32, #tpu.memory_space<hbm>>
      tpu.wait_indirect_dma semaphore(%arg11 : memref<!tpu.dma_semaphore, #tpu.memory_space<semaphore_mem>>) src(%dma_wait3A_188 : memref<10000x128xf32, #tpu.memory_space<hbm>>) dst(%dma_wait3A_182 : memref<80x128xf32, #tpu.memory_space<vmem>>)
      %dma_wait3A_189 = arith.constant 1 : i32
      %dma_wait3A_190 = arith.constant 80 : i32
      %dma_wait3A_191 = arith.constant 0 : i32
      %dma_wait3A_192 = tpu.memref_slice %arg9[%dma_wait3A_190, %dma_wait3A_191] : memref<400x128xf32, #tpu.memory_space<vmem>> -> memref<80x128xf32, #tpu.memory_space<vmem>>
      %dma_wait3A_193 = arith.constant 0 : i32
      %dma_wait3A_194 = tpu.memref_slice %arg7[%dma_wait3A_189, %dma_wait3A_193] : memref<5x80xi32, #tpu.memory_space<vmem>> -> memref<1x80xi32, #tpu.memory_space<vmem>>
      %dma_wait3A_195 = tpu.memref_squeeze %dma_wait3A_194 : memref<1x80xi32, #tpu.memory_space<vmem>> -> memref<80xi32, #tpu.memory_space<vmem>>
      %dma_wait3A_196 = arith.constant 0 : i32
      %dma_wait3A_197 = arith.constant 0 : i32
      %dma_wait3A_198 = tpu.memref_slice %arg2[%dma_wait3A_196, %dma_wait3A_197] : memref<10000x128xf32, #tpu.memory_space<hbm>> -> memref<10000x128xf32, #tpu.memory_space<hbm>>
      tpu.wait_indirect_dma semaphore(%arg11 : memref<!tpu.dma_semaphore, #tpu.memory_space<semaphore_mem>>) src(%dma_wait3A_198 : memref<10000x128xf32, #tpu.memory_space<hbm>>) dst(%dma_wait3A_192 : memref<80x128xf32, #tpu.memory_space<vmem>>)
      %dma_wait3A_199 = arith.constant 2 : i32
      %dma_wait3A_200 = arith.constant 160 : i32
      %dma_wait3A_201 = arith.constant 0 : i32
      %dma_wait3A_202 = tpu.memref_slice %arg9[%dma_wait3A_200, %dma_wait3A_201] : memref<400x128xf32, #tpu.memory_space<vmem>> -> memref<80x128xf32, #tpu.memory_space<vmem>>
      %dma_wait3A_203 = arith.constant 0 : i32
      %dma_wait3A_204 = tpu.memref_slice %arg7[%dma_wait3A_199, %dma_wait3A_203] : memref<5x80xi32, #tpu.memory_space<vmem>> -> memref<1x80xi32, #tpu.memory_space<vmem>>
      %dma_wait3A_205 = tpu.memref_squeeze %dma_wait3A_204 : memref<1x80xi32, #tpu.memory_space<vmem>> -> memref<80xi32, #tpu.memory_space<vmem>>
      %dma_wait3A_206 = arith.constant 0 : i32
      %dma_wait3A_207 = arith.constant 0 : i32
      %dma_wait3A_208 = tpu.memref_slice %arg2[%dma_wait3A_206, %dma_wait3A_207] : memref<10000x128xf32, #tpu.memory_space<hbm>> -> memref<10000x128xf32, #tpu.memory_space<hbm>>
      tpu.wait_indirect_dma semaphore(%arg11 : memref<!tpu.dma_semaphore, #tpu.memory_space<semaphore_mem>>) src(%dma_wait3A_208 : memref<10000x128xf32, #tpu.memory_space<hbm>>) dst(%dma_wait3A_202 : memref<80x128xf32, #tpu.memory_space<vmem>>)
      %dma_wait3A_209 = arith.constant 3 : i32
      %dma_wait3A_210 = arith.constant 240 : i32
      %dma_wait3A_211 = arith.constant 0 : i32
      %dma_wait3A_212 = tpu.memref_slice %arg9[%dma_wait3A_210, %dma_wait3A_211] : memref<400x128xf32, #tpu.memory_space<vmem>> -> memref<80x128xf32, #tpu.memory_space<vmem>>
      %dma_wait3A_213 = arith.constant 0 : i32
      %dma_wait3A_214 = tpu.memref_slice %arg7[%dma_wait3A_209, %dma_wait3A_213] : memref<5x80xi32, #tpu.memory_space<vmem>> -> memref<1x80xi32, #tpu.memory_space<vmem>>
      %dma_wait3A_215 = tpu.memref_squeeze %dma_wait3A_214 : memref<1x80xi32, #tpu.memory_space<vmem>> -> memref<80xi32, #tpu.memory_space<vmem>>
      %dma_wait3A_216 = arith.constant 0 : i32
      %dma_wait3A_217 = arith.constant 0 : i32
      %dma_wait3A_218 = tpu.memref_slice %arg2[%dma_wait3A_216, %dma_wait3A_217] : memref<10000x128xf32, #tpu.memory_space<hbm>> -> memref<10000x128xf32, #tpu.memory_space<hbm>>
      tpu.wait_indirect_dma semaphore(%arg11 : memref<!tpu.dma_semaphore, #tpu.memory_space<semaphore_mem>>) src(%dma_wait3A_218 : memref<10000x128xf32, #tpu.memory_space<hbm>>) dst(%dma_wait3A_212 : memref<80x128xf32, #tpu.memory_space<vmem>>)
      %dma_wait3A_219 = arith.constant 4 : i32
      %dma_wait3A_220 = arith.constant 320 : i32
      %dma_wait3A_221 = arith.constant 0 : i32
      %dma_wait3A_222 = tpu.memref_slice %arg9[%dma_wait3A_220, %dma_wait3A_221] : memref<400x128xf32, #tpu.memory_space<vmem>> -> memref<80x128xf32, #tpu.memory_space<vmem>>
      %dma_wait3A_223 = arith.constant 0 : i32
      %dma_wait3A_224 = tpu.memref_slice %arg7[%dma_wait3A_219, %dma_wait3A_223] : memref<5x80xi32, #tpu.memory_space<vmem>> -> memref<1x80xi32, #tpu.memory_space<vmem>>
      %dma_wait3A_225 = tpu.memref_squeeze %dma_wait3A_224 : memref<1x80xi32, #tpu.memory_space<vmem>> -> memref<80xi32, #tpu.memory_space<vmem>>
      %dma_wait3A_226 = arith.constant 0 : i32
      %dma_wait3A_227 = arith.constant 0 : i32
      %dma_wait3A_228 = tpu.memref_slice %arg2[%dma_wait3A_226, %dma_wait3A_227] : memref<10000x128xf32, #tpu.memory_space<hbm>> -> memref<10000x128xf32, #tpu.memory_space<hbm>>
      tpu.wait_indirect_dma semaphore(%arg11 : memref<!tpu.dma_semaphore, #tpu.memory_space<semaphore_mem>>) src(%dma_wait3A_228 : memref<10000x128xf32, #tpu.memory_space<hbm>>) dst(%dma_wait3A_222 : memref<80x128xf32, #tpu.memory_space<vmem>>)
      %mul3A_229 = arith.constant 400 : i32
      %mul3A_230 = arith.muli %add3A_178, %mul3A_229 : i32
      "tpu.region"() ({
        %run_scoped3A = tpu.sem_alloc : memref<!tpu.dma_semaphore, #tpu.memory_space<semaphore_mem>>
        %dma_start3A_231 = arith.constant 0 : i32
        %dma_start3A_232 = tpu.memref_slice %arg5[%mul3A_230, %dma_start3A_231] : memref<153600x128xf32, #tpu.memory_space<hbm>> -> memref<400x128xf32, #tpu.memory_space<hbm>>
        %dma_start3A_233 = arith.constant 0 : i32
        %dma_start3A_234 = tpu.memref_slice %arg5[%mul3A_230, %dma_start3A_233] : memref<153600x128xf32, #tpu.memory_space<hbm>> -> memref<400x128xf32, #tpu.memory_space<hbm>>
        tpu.enqueue_dma source(%arg9 : memref<400x128xf32, #tpu.memory_space<vmem>>) target(%dma_start3A_234 : memref<400x128xf32, #tpu.memory_space<hbm>>) target_semaphore(%run_scoped3A : memref<!tpu.dma_semaphore, #tpu.memory_space<semaphore_mem>>)
        %dma_wait3A_235 = arith.constant 0 : i32
        %dma_wait3A_236 = tpu.memref_slice %arg5[%mul3A_230, %dma_wait3A_235] : memref<153600x128xf32, #tpu.memory_space<hbm>> -> memref<400x128xf32, #tpu.memory_space<hbm>>
        %dma_wait3A_237 = arith.constant 0 : i32
        %dma_wait3A_238 = tpu.memref_slice %arg5[%mul3A_230, %dma_wait3A_237] : memref<153600x128xf32, #tpu.memory_space<hbm>> -> memref<400x128xf32, #tpu.memory_space<hbm>>
        tpu.wait_dma2 semaphore(%run_scoped3A : memref<!tpu.dma_semaphore, #tpu.memory_space<semaphore_mem>>) src(%arg9 : memref<400x128xf32, #tpu.memory_space<vmem>>) dst(%dma_wait3A_238 : memref<400x128xf32, #tpu.memory_space<hbm>>)
        tpu.yield
      }) : () -> ()
    }
    %scan3A_55 = arith.constant 6 : i32
    return
  }
}

#map = affine_map<(d0, d1) -> (0, 0)>
#map1 = affine_map<(d0, d1) -> (0, 0, 0)>
module attributes {stable_mosaic.version = 14 : i64} {
  func.func @k(%arg0: i32, %arg1: i32, %arg2: memref<10000x128xf32, #tpu.memory_space<hbm>>, %arg3: memref<416x5x80xi32, #tpu.memory_space<hbm>>, %arg4: memref<1x128xf32, #tpu.memory_space<hbm>>, %arg5: memref<166400x128xf32, #tpu.memory_space<hbm>>, %arg6: memref<5x80xi32, #tpu.memory_space<vmem>>, %arg7: memref<5x80xi32, #tpu.memory_space<vmem>>, %arg8: memref<400x128xf32, #tpu.memory_space<vmem>>, %arg9: memref<400x128xf32, #tpu.memory_space<vmem>>, %arg10: memref<!tpu.dma_semaphore, #tpu.memory_space<semaphore_mem>>, %arg11: memref<!tpu.dma_semaphore, #tpu.memory_space<semaphore_mem>>) attributes {dimension_semantics = [#tpu.dimension_semantics<core_parallel>, #tpu.dimension_semantics<subcore_parallel>], iteration_bounds = array<i64: 2, 16>, scalar_prefetch = 0 : i64, scratch_operands = 6 : i64, tpu.core_type = #tpu.core_type<sc_vector_subcore>, window_params = [{transform_indices = #map}, {transform_indices = #map1}, {transform_indices = #map}, {transform_indices = #map}]} {
    %mul3A = arith.constant 2 : i32
    %mul3A_0 = arith.muli %arg1, %mul3A : i32
    %add3A = arith.addi %mul3A_0, %arg0 : i32
    %add3A_1 = arith.constant 0 : i32
    %add3A_2 = arith.addi %add3A_1, %add3A : i32
    "tpu.region"() ({
      %run_scoped3A = tpu.sem_alloc : memref<!tpu.dma_semaphore, #tpu.memory_space<semaphore_mem>>
      %dma_start3A_109 = arith.constant 0 : i32
      %dma_start3A_110 = arith.constant 0 : i32
      %dma_start3A_111 = tpu.memref_slice %arg3[%add3A_2, %dma_start3A_109, %dma_start3A_110] : memref<416x5x80xi32, #tpu.memory_space<hbm>> -> memref<1x5x80xi32, #tpu.memory_space<hbm>>
      %dma_start3A_112 = tpu.memref_squeeze %dma_start3A_111 : memref<1x5x80xi32, #tpu.memory_space<hbm>> -> memref<5x80xi32, #tpu.memory_space<hbm>>
      %dma_start3A_113 = arith.constant 0 : i32
      %dma_start3A_114 = arith.constant 0 : i32
      %dma_start3A_115 = tpu.memref_slice %arg3[%add3A_2, %dma_start3A_113, %dma_start3A_114] : memref<416x5x80xi32, #tpu.memory_space<hbm>> -> memref<1x5x80xi32, #tpu.memory_space<hbm>>
      %dma_start3A_116 = tpu.memref_squeeze %dma_start3A_115 : memref<1x5x80xi32, #tpu.memory_space<hbm>> -> memref<5x80xi32, #tpu.memory_space<hbm>>
      tpu.enqueue_dma source(%dma_start3A_116 : memref<5x80xi32, #tpu.memory_space<hbm>>) target(%arg6 : memref<5x80xi32, #tpu.memory_space<vmem>>) target_semaphore(%run_scoped3A : memref<!tpu.dma_semaphore, #tpu.memory_space<semaphore_mem>>)
      %dma_wait3A_117 = arith.constant 0 : i32
      %dma_wait3A_118 = arith.constant 0 : i32
      %dma_wait3A_119 = tpu.memref_slice %arg3[%add3A_2, %dma_wait3A_117, %dma_wait3A_118] : memref<416x5x80xi32, #tpu.memory_space<hbm>> -> memref<1x5x80xi32, #tpu.memory_space<hbm>>
      %dma_wait3A_120 = tpu.memref_squeeze %dma_wait3A_119 : memref<1x5x80xi32, #tpu.memory_space<hbm>> -> memref<5x80xi32, #tpu.memory_space<hbm>>
      %dma_wait3A_121 = arith.constant 0 : i32
      %dma_wait3A_122 = arith.constant 0 : i32
      %dma_wait3A_123 = tpu.memref_slice %arg3[%add3A_2, %dma_wait3A_121, %dma_wait3A_122] : memref<416x5x80xi32, #tpu.memory_space<hbm>> -> memref<1x5x80xi32, #tpu.memory_space<hbm>>
      %dma_wait3A_124 = tpu.memref_squeeze %dma_wait3A_123 : memref<1x5x80xi32, #tpu.memory_space<hbm>> -> memref<5x80xi32, #tpu.memory_space<hbm>>
      tpu.wait_dma2 semaphore(%run_scoped3A : memref<!tpu.dma_semaphore, #tpu.memory_space<semaphore_mem>>) src(%dma_wait3A_124 : memref<5x80xi32, #tpu.memory_space<hbm>>) dst(%arg6 : memref<5x80xi32, #tpu.memory_space<vmem>>)
      tpu.yield
    }) : () -> ()
    %dma_start3A = arith.constant 0 : i32
    %dma_start3A_3 = arith.constant 0 : i32
    %dma_start3A_4 = arith.constant 0 : i32
    %dma_start3A_5 = tpu.memref_slice %arg8[%dma_start3A_3, %dma_start3A_4] : memref<400x128xf32, #tpu.memory_space<vmem>> -> memref<80x128xf32, #tpu.memory_space<vmem>>
    %dma_start3A_6 = arith.constant 0 : i32
    %dma_start3A_7 = tpu.memref_slice %arg6[%dma_start3A, %dma_start3A_6] : memref<5x80xi32, #tpu.memory_space<vmem>> -> memref<1x80xi32, #tpu.memory_space<vmem>>
    %dma_start3A_8 = tpu.memref_squeeze %dma_start3A_7 : memref<1x80xi32, #tpu.memory_space<vmem>> -> memref<80xi32, #tpu.memory_space<vmem>>
    %dma_start3A_9 = arith.constant 0 : i32
    %dma_start3A_10 = arith.constant 0 : i32
    %dma_start3A_11 = tpu.memref_slice %arg2[%dma_start3A_9, %dma_start3A_10] : memref<10000x128xf32, #tpu.memory_space<hbm>> -> memref<10000x128xf32, #tpu.memory_space<hbm>>
    tpu.enqueue_indirect_dma source(%dma_start3A_11 : memref<10000x128xf32, #tpu.memory_space<hbm>>) target(%dma_start3A_5 : memref<80x128xf32, #tpu.memory_space<vmem>>) offsets(%dma_start3A_8 : memref<80xi32, #tpu.memory_space<vmem>>) semaphore(%arg10 : memref<!tpu.dma_semaphore, #tpu.memory_space<semaphore_mem>>)
    %dma_start3A_12 = arith.constant 1 : i32
    %dma_start3A_13 = arith.constant 80 : i32
    %dma_start3A_14 = arith.constant 0 : i32
    %dma_start3A_15 = tpu.memref_slice %arg8[%dma_start3A_13, %dma_start3A_14] : memref<400x128xf32, #tpu.memory_space<vmem>> -> memref<80x128xf32, #tpu.memory_space<vmem>>
    %dma_start3A_16 = arith.constant 0 : i32
    %dma_start3A_17 = tpu.memref_slice %arg6[%dma_start3A_12, %dma_start3A_16] : memref<5x80xi32, #tpu.memory_space<vmem>> -> memref<1x80xi32, #tpu.memory_space<vmem>>
    %dma_start3A_18 = tpu.memref_squeeze %dma_start3A_17 : memref<1x80xi32, #tpu.memory_space<vmem>> -> memref<80xi32, #tpu.memory_space<vmem>>
    %dma_start3A_19 = arith.constant 0 : i32
    %dma_start3A_20 = arith.constant 0 : i32
    %dma_start3A_21 = tpu.memref_slice %arg2[%dma_start3A_19, %dma_start3A_20] : memref<10000x128xf32, #tpu.memory_space<hbm>> -> memref<10000x128xf32, #tpu.memory_space<hbm>>
    tpu.enqueue_indirect_dma source(%dma_start3A_21 : memref<10000x128xf32, #tpu.memory_space<hbm>>) target(%dma_start3A_15 : memref<80x128xf32, #tpu.memory_space<vmem>>) offsets(%dma_start3A_18 : memref<80xi32, #tpu.memory_space<vmem>>) semaphore(%arg10 : memref<!tpu.dma_semaphore, #tpu.memory_space<semaphore_mem>>)
    %dma_start3A_22 = arith.constant 2 : i32
    %dma_start3A_23 = arith.constant 160 : i32
    %dma_start3A_24 = arith.constant 0 : i32
    %dma_start3A_25 = tpu.memref_slice %arg8[%dma_start3A_23, %dma_start3A_24] : memref<400x128xf32, #tpu.memory_space<vmem>> -> memref<80x128xf32, #tpu.memory_space<vmem>>
    %dma_start3A_26 = arith.constant 0 : i32
    %dma_start3A_27 = tpu.memref_slice %arg6[%dma_start3A_22, %dma_start3A_26] : memref<5x80xi32, #tpu.memory_space<vmem>> -> memref<1x80xi32, #tpu.memory_space<vmem>>
    %dma_start3A_28 = tpu.memref_squeeze %dma_start3A_27 : memref<1x80xi32, #tpu.memory_space<vmem>> -> memref<80xi32, #tpu.memory_space<vmem>>
    %dma_start3A_29 = arith.constant 0 : i32
    %dma_start3A_30 = arith.constant 0 : i32
    %dma_start3A_31 = tpu.memref_slice %arg2[%dma_start3A_29, %dma_start3A_30] : memref<10000x128xf32, #tpu.memory_space<hbm>> -> memref<10000x128xf32, #tpu.memory_space<hbm>>
    tpu.enqueue_indirect_dma source(%dma_start3A_31 : memref<10000x128xf32, #tpu.memory_space<hbm>>) target(%dma_start3A_25 : memref<80x128xf32, #tpu.memory_space<vmem>>) offsets(%dma_start3A_28 : memref<80xi32, #tpu.memory_space<vmem>>) semaphore(%arg10 : memref<!tpu.dma_semaphore, #tpu.memory_space<semaphore_mem>>)
    %dma_start3A_32 = arith.constant 3 : i32
    %dma_start3A_33 = arith.constant 240 : i32
    %dma_start3A_34 = arith.constant 0 : i32
    %dma_start3A_35 = tpu.memref_slice %arg8[%dma_start3A_33, %dma_start3A_34] : memref<400x128xf32, #tpu.memory_space<vmem>> -> memref<80x128xf32, #tpu.memory_space<vmem>>
    %dma_start3A_36 = arith.constant 0 : i32
    %dma_start3A_37 = tpu.memref_slice %arg6[%dma_start3A_32, %dma_start3A_36] : memref<5x80xi32, #tpu.memory_space<vmem>> -> memref<1x80xi32, #tpu.memory_space<vmem>>
    %dma_start3A_38 = tpu.memref_squeeze %dma_start3A_37 : memref<1x80xi32, #tpu.memory_space<vmem>> -> memref<80xi32, #tpu.memory_space<vmem>>
    %dma_start3A_39 = arith.constant 0 : i32
    %dma_start3A_40 = arith.constant 0 : i32
    %dma_start3A_41 = tpu.memref_slice %arg2[%dma_start3A_39, %dma_start3A_40] : memref<10000x128xf32, #tpu.memory_space<hbm>> -> memref<10000x128xf32, #tpu.memory_space<hbm>>
    tpu.enqueue_indirect_dma source(%dma_start3A_41 : memref<10000x128xf32, #tpu.memory_space<hbm>>) target(%dma_start3A_35 : memref<80x128xf32, #tpu.memory_space<vmem>>) offsets(%dma_start3A_38 : memref<80xi32, #tpu.memory_space<vmem>>) semaphore(%arg10 : memref<!tpu.dma_semaphore, #tpu.memory_space<semaphore_mem>>)
    %dma_start3A_42 = arith.constant 4 : i32
    %dma_start3A_43 = arith.constant 320 : i32
    %dma_start3A_44 = arith.constant 0 : i32
    %dma_start3A_45 = tpu.memref_slice %arg8[%dma_start3A_43, %dma_start3A_44] : memref<400x128xf32, #tpu.memory_space<vmem>> -> memref<80x128xf32, #tpu.memory_space<vmem>>
    %dma_start3A_46 = arith.constant 0 : i32
    %dma_start3A_47 = tpu.memref_slice %arg6[%dma_start3A_42, %dma_start3A_46] : memref<5x80xi32, #tpu.memory_space<vmem>> -> memref<1x80xi32, #tpu.memory_space<vmem>>
    %dma_start3A_48 = tpu.memref_squeeze %dma_start3A_47 : memref<1x80xi32, #tpu.memory_space<vmem>> -> memref<80xi32, #tpu.memory_space<vmem>>
    %dma_start3A_49 = arith.constant 0 : i32
    %dma_start3A_50 = arith.constant 0 : i32
    %dma_start3A_51 = tpu.memref_slice %arg2[%dma_start3A_49, %dma_start3A_50] : memref<10000x128xf32, #tpu.memory_space<hbm>> -> memref<10000x128xf32, #tpu.memory_space<hbm>>
    tpu.enqueue_indirect_dma source(%dma_start3A_51 : memref<10000x128xf32, #tpu.memory_space<hbm>>) target(%dma_start3A_45 : memref<80x128xf32, #tpu.memory_space<vmem>>) offsets(%dma_start3A_48 : memref<80xi32, #tpu.memory_space<vmem>>) semaphore(%arg10 : memref<!tpu.dma_semaphore, #tpu.memory_space<semaphore_mem>>)
    %scan3A = arith.constant 0 : i32
    %scan3A_52 = arith.constant 6 : i32
    %scan3A_53 = arith.addi %scan3A, %scan3A_52 : i32
    %scan3A_54 = arith.constant 1 : i32
    scf.for %scan3A_109 = %scan3A to %scan3A_53 step %scan3A_54  : i32 {
      %mul3A_110 = arith.constant 2 : i32
      %mul3A_111 = arith.muli %scan3A_109, %mul3A_110 : i32
      %add3A_112 = arith.constant 0 : i32
      %add3A_113 = arith.addi %add3A_112, %mul3A_111 : i32
      %add3A_114 = arith.constant 1 : i32
      %add3A_115 = arith.addi %add3A_113, %add3A_114 : i32
      %mul3A_116 = arith.constant 32 : i32
      %mul3A_117 = arith.muli %add3A_115, %mul3A_116 : i32
      %add3A_118 = arith.addi %mul3A_117, %add3A : i32
      "tpu.region"() ({
        %run_scoped3A = tpu.sem_alloc : memref<!tpu.dma_semaphore, #tpu.memory_space<semaphore_mem>>
        %dma_start3A_285 = arith.constant 0 : i32
        %dma_start3A_286 = arith.constant 0 : i32
        %dma_start3A_287 = tpu.memref_slice %arg3[%add3A_118, %dma_start3A_285, %dma_start3A_286] : memref<416x5x80xi32, #tpu.memory_space<hbm>> -> memref<1x5x80xi32, #tpu.memory_space<hbm>>
        %dma_start3A_288 = tpu.memref_squeeze %dma_start3A_287 : memref<1x5x80xi32, #tpu.memory_space<hbm>> -> memref<5x80xi32, #tpu.memory_space<hbm>>
        %dma_start3A_289 = arith.constant 0 : i32
        %dma_start3A_290 = arith.constant 0 : i32
        %dma_start3A_291 = tpu.memref_slice %arg3[%add3A_118, %dma_start3A_289, %dma_start3A_290] : memref<416x5x80xi32, #tpu.memory_space<hbm>> -> memref<1x5x80xi32, #tpu.memory_space<hbm>>
        %dma_start3A_292 = tpu.memref_squeeze %dma_start3A_291 : memref<1x5x80xi32, #tpu.memory_space<hbm>> -> memref<5x80xi32, #tpu.memory_space<hbm>>
        tpu.enqueue_dma source(%dma_start3A_292 : memref<5x80xi32, #tpu.memory_space<hbm>>) target(%arg7 : memref<5x80xi32, #tpu.memory_space<vmem>>) target_semaphore(%run_scoped3A : memref<!tpu.dma_semaphore, #tpu.memory_space<semaphore_mem>>)
        %dma_wait3A_293 = arith.constant 0 : i32
        %dma_wait3A_294 = arith.constant 0 : i32
        %dma_wait3A_295 = tpu.memref_slice %arg3[%add3A_118, %dma_wait3A_293, %dma_wait3A_294] : memref<416x5x80xi32, #tpu.memory_space<hbm>> -> memref<1x5x80xi32, #tpu.memory_space<hbm>>
        %dma_wait3A_296 = tpu.memref_squeeze %dma_wait3A_295 : memref<1x5x80xi32, #tpu.memory_space<hbm>> -> memref<5x80xi32, #tpu.memory_space<hbm>>
        %dma_wait3A_297 = arith.constant 0 : i32
        %dma_wait3A_298 = arith.constant 0 : i32
        %dma_wait3A_299 = tpu.memref_slice %arg3[%add3A_118, %dma_wait3A_297, %dma_wait3A_298] : memref<416x5x80xi32, #tpu.memory_space<hbm>> -> memref<1x5x80xi32, #tpu.memory_space<hbm>>
        %dma_wait3A_300 = tpu.memref_squeeze %dma_wait3A_299 : memref<1x5x80xi32, #tpu.memory_space<hbm>> -> memref<5x80xi32, #tpu.memory_space<hbm>>
        tpu.wait_dma2 semaphore(%run_scoped3A : memref<!tpu.dma_semaphore, #tpu.memory_space<semaphore_mem>>) src(%dma_wait3A_300 : memref<5x80xi32, #tpu.memory_space<hbm>>) dst(%arg7 : memref<5x80xi32, #tpu.memory_space<vmem>>)
        tpu.yield
      }) : () -> ()
      %dma_start3A_119 = arith.constant 0 : i32
      %dma_start3A_120 = arith.constant 0 : i32
      %dma_start3A_121 = arith.constant 0 : i32
      %dma_start3A_122 = tpu.memref_slice %arg9[%dma_start3A_120, %dma_start3A_121] : memref<400x128xf32, #tpu.memory_space<vmem>> -> memref<80x128xf32, #tpu.memory_space<vmem>>
      %dma_start3A_123 = arith.constant 0 : i32
      %dma_start3A_124 = tpu.memref_slice %arg7[%dma_start3A_119, %dma_start3A_123] : memref<5x80xi32, #tpu.memory_space<vmem>> -> memref<1x80xi32, #tpu.memory_space<vmem>>
      %dma_start3A_125 = tpu.memref_squeeze %dma_start3A_124 : memref<1x80xi32, #tpu.memory_space<vmem>> -> memref<80xi32, #tpu.memory_space<vmem>>
      %dma_start3A_126 = arith.constant 0 : i32
      %dma_start3A_127 = arith.constant 0 : i32
      %dma_start3A_128 = tpu.memref_slice %arg2[%dma_start3A_126, %dma_start3A_127] : memref<10000x128xf32, #tpu.memory_space<hbm>> -> memref<10000x128xf32, #tpu.memory_space<hbm>>
      tpu.enqueue_indirect_dma source(%dma_start3A_128 : memref<10000x128xf32, #tpu.memory_space<hbm>>) target(%dma_start3A_122 : memref<80x128xf32, #tpu.memory_space<vmem>>) offsets(%dma_start3A_125 : memref<80xi32, #tpu.memory_space<vmem>>) semaphore(%arg11 : memref<!tpu.dma_semaphore, #tpu.memory_space<semaphore_mem>>)
      %dma_start3A_129 = arith.constant 1 : i32
      %dma_start3A_130 = arith.constant 80 : i32
      %dma_start3A_131 = arith.constant 0 : i32
      %dma_start3A_132 = tpu.memref_slice %arg9[%dma_start3A_130, %dma_start3A_131] : memref<400x128xf32, #tpu.memory_space<vmem>> -> memref<80x128xf32, #tpu.memory_space<vmem>>
      %dma_start3A_133 = arith.constant 0 : i32
      %dma_start3A_134 = tpu.memref_slice %arg7[%dma_start3A_129, %dma_start3A_133] : memref<5x80xi32, #tpu.memory_space<vmem>> -> memref<1x80xi32, #tpu.memory_space<vmem>>
      %dma_start3A_135 = tpu.memref_squeeze %dma_start3A_134 : memref<1x80xi32, #tpu.memory_space<vmem>> -> memref<80xi32, #tpu.memory_space<vmem>>
      %dma_start3A_136 = arith.constant 0 : i32
      %dma_start3A_137 = arith.constant 0 : i32
      %dma_start3A_138 = tpu.memref_slice %arg2[%dma_start3A_136, %dma_start3A_137] : memref<10000x128xf32, #tpu.memory_space<hbm>> -> memref<10000x128xf32, #tpu.memory_space<hbm>>
      tpu.enqueue_indirect_dma source(%dma_start3A_138 : memref<10000x128xf32, #tpu.memory_space<hbm>>) target(%dma_start3A_132 : memref<80x128xf32, #tpu.memory_space<vmem>>) offsets(%dma_start3A_135 : memref<80xi32, #tpu.memory_space<vmem>>) semaphore(%arg11 : memref<!tpu.dma_semaphore, #tpu.memory_space<semaphore_mem>>)
      %dma_start3A_139 = arith.constant 2 : i32
      %dma_start3A_140 = arith.constant 160 : i32
      %dma_start3A_141 = arith.constant 0 : i32
      %dma_start3A_142 = tpu.memref_slice %arg9[%dma_start3A_140, %dma_start3A_141] : memref<400x128xf32, #tpu.memory_space<vmem>> -> memref<80x128xf32, #tpu.memory_space<vmem>>
      %dma_start3A_143 = arith.constant 0 : i32
      %dma_start3A_144 = tpu.memref_slice %arg7[%dma_start3A_139, %dma_start3A_143] : memref<5x80xi32, #tpu.memory_space<vmem>> -> memref<1x80xi32, #tpu.memory_space<vmem>>
      %dma_start3A_145 = tpu.memref_squeeze %dma_start3A_144 : memref<1x80xi32, #tpu.memory_space<vmem>> -> memref<80xi32, #tpu.memory_space<vmem>>
      %dma_start3A_146 = arith.constant 0 : i32
      %dma_start3A_147 = arith.constant 0 : i32
      %dma_start3A_148 = tpu.memref_slice %arg2[%dma_start3A_146, %dma_start3A_147] : memref<10000x128xf32, #tpu.memory_space<hbm>> -> memref<10000x128xf32, #tpu.memory_space<hbm>>
      tpu.enqueue_indirect_dma source(%dma_start3A_148 : memref<10000x128xf32, #tpu.memory_space<hbm>>) target(%dma_start3A_142 : memref<80x128xf32, #tpu.memory_space<vmem>>) offsets(%dma_start3A_145 : memref<80xi32, #tpu.memory_space<vmem>>) semaphore(%arg11 : memref<!tpu.dma_semaphore, #tpu.memory_space<semaphore_mem>>)
      %dma_start3A_149 = arith.constant 3 : i32
      %dma_start3A_150 = arith.constant 240 : i32
      %dma_start3A_151 = arith.constant 0 : i32
      %dma_start3A_152 = tpu.memref_slice %arg9[%dma_start3A_150, %dma_start3A_151] : memref<400x128xf32, #tpu.memory_space<vmem>> -> memref<80x128xf32, #tpu.memory_space<vmem>>
      %dma_start3A_153 = arith.constant 0 : i32
      %dma_start3A_154 = tpu.memref_slice %arg7[%dma_start3A_149, %dma_start3A_153] : memref<5x80xi32, #tpu.memory_space<vmem>> -> memref<1x80xi32, #tpu.memory_space<vmem>>
      %dma_start3A_155 = tpu.memref_squeeze %dma_start3A_154 : memref<1x80xi32, #tpu.memory_space<vmem>> -> memref<80xi32, #tpu.memory_space<vmem>>
      %dma_start3A_156 = arith.constant 0 : i32
      %dma_start3A_157 = arith.constant 0 : i32
      %dma_start3A_158 = tpu.memref_slice %arg2[%dma_start3A_156, %dma_start3A_157] : memref<10000x128xf32, #tpu.memory_space<hbm>> -> memref<10000x128xf32, #tpu.memory_space<hbm>>
      tpu.enqueue_indirect_dma source(%dma_start3A_158 : memref<10000x128xf32, #tpu.memory_space<hbm>>) target(%dma_start3A_152 : memref<80x128xf32, #tpu.memory_space<vmem>>) offsets(%dma_start3A_155 : memref<80xi32, #tpu.memory_space<vmem>>) semaphore(%arg11 : memref<!tpu.dma_semaphore, #tpu.memory_space<semaphore_mem>>)
      %dma_start3A_159 = arith.constant 4 : i32
      %dma_start3A_160 = arith.constant 320 : i32
      %dma_start3A_161 = arith.constant 0 : i32
      %dma_start3A_162 = tpu.memref_slice %arg9[%dma_start3A_160, %dma_start3A_161] : memref<400x128xf32, #tpu.memory_space<vmem>> -> memref<80x128xf32, #tpu.memory_space<vmem>>
      %dma_start3A_163 = arith.constant 0 : i32
      %dma_start3A_164 = tpu.memref_slice %arg7[%dma_start3A_159, %dma_start3A_163] : memref<5x80xi32, #tpu.memory_space<vmem>> -> memref<1x80xi32, #tpu.memory_space<vmem>>
      %dma_start3A_165 = tpu.memref_squeeze %dma_start3A_164 : memref<1x80xi32, #tpu.memory_space<vmem>> -> memref<80xi32, #tpu.memory_space<vmem>>
      %dma_start3A_166 = arith.constant 0 : i32
      %dma_start3A_167 = arith.constant 0 : i32
      %dma_start3A_168 = tpu.memref_slice %arg2[%dma_start3A_166, %dma_start3A_167] : memref<10000x128xf32, #tpu.memory_space<hbm>> -> memref<10000x128xf32, #tpu.memory_space<hbm>>
      tpu.enqueue_indirect_dma source(%dma_start3A_168 : memref<10000x128xf32, #tpu.memory_space<hbm>>) target(%dma_start3A_162 : memref<80x128xf32, #tpu.memory_space<vmem>>) offsets(%dma_start3A_165 : memref<80xi32, #tpu.memory_space<vmem>>) semaphore(%arg11 : memref<!tpu.dma_semaphore, #tpu.memory_space<semaphore_mem>>)
      %mul3A_169 = arith.constant 32 : i32
      %mul3A_170 = arith.muli %add3A_113, %mul3A_169 : i32
      %add3A_171 = arith.addi %mul3A_170, %add3A : i32
      %dma_wait3A_172 = arith.constant 0 : i32
      %dma_wait3A_173 = arith.constant 0 : i32
      %dma_wait3A_174 = arith.constant 0 : i32
      %dma_wait3A_175 = tpu.memref_slice %arg8[%dma_wait3A_173, %dma_wait3A_174] : memref<400x128xf32, #tpu.memory_space<vmem>> -> memref<80x128xf32, #tpu.memory_space<vmem>>
      %dma_wait3A_176 = arith.constant 0 : i32
      %dma_wait3A_177 = tpu.memref_slice %arg6[%dma_wait3A_172, %dma_wait3A_176] : memref<5x80xi32, #tpu.memory_space<vmem>> -> memref<1x80xi32, #tpu.memory_space<vmem>>
      %dma_wait3A_178 = tpu.memref_squeeze %dma_wait3A_177 : memref<1x80xi32, #tpu.memory_space<vmem>> -> memref<80xi32, #tpu.memory_space<vmem>>
      %dma_wait3A_179 = arith.constant 0 : i32
      %dma_wait3A_180 = arith.constant 0 : i32
      %dma_wait3A_181 = tpu.memref_slice %arg2[%dma_wait3A_179, %dma_wait3A_180] : memref<10000x128xf32, #tpu.memory_space<hbm>> -> memref<10000x128xf32, #tpu.memory_space<hbm>>
      tpu.wait_indirect_dma semaphore(%arg10 : memref<!tpu.dma_semaphore, #tpu.memory_space<semaphore_mem>>) src(%dma_wait3A_181 : memref<10000x128xf32, #tpu.memory_space<hbm>>) dst(%dma_wait3A_175 : memref<80x128xf32, #tpu.memory_space<vmem>>)
      %dma_wait3A_182 = arith.constant 1 : i32
      %dma_wait3A_183 = arith.constant 80 : i32
      %dma_wait3A_184 = arith.constant 0 : i32
      %dma_wait3A_185 = tpu.memref_slice %arg8[%dma_wait3A_183, %dma_wait3A_184] : memref<400x128xf32, #tpu.memory_space<vmem>> -> memref<80x128xf32, #tpu.memory_space<vmem>>
      %dma_wait3A_186 = arith.constant 0 : i32
      %dma_wait3A_187 = tpu.memref_slice %arg6[%dma_wait3A_182, %dma_wait3A_186] : memref<5x80xi32, #tpu.memory_space<vmem>> -> memref<1x80xi32, #tpu.memory_space<vmem>>
      %dma_wait3A_188 = tpu.memref_squeeze %dma_wait3A_187 : memref<1x80xi32, #tpu.memory_space<vmem>> -> memref<80xi32, #tpu.memory_space<vmem>>
      %dma_wait3A_189 = arith.constant 0 : i32
      %dma_wait3A_190 = arith.constant 0 : i32
      %dma_wait3A_191 = tpu.memref_slice %arg2[%dma_wait3A_189, %dma_wait3A_190] : memref<10000x128xf32, #tpu.memory_space<hbm>> -> memref<10000x128xf32, #tpu.memory_space<hbm>>
      tpu.wait_indirect_dma semaphore(%arg10 : memref<!tpu.dma_semaphore, #tpu.memory_space<semaphore_mem>>) src(%dma_wait3A_191 : memref<10000x128xf32, #tpu.memory_space<hbm>>) dst(%dma_wait3A_185 : memref<80x128xf32, #tpu.memory_space<vmem>>)
      %dma_wait3A_192 = arith.constant 2 : i32
      %dma_wait3A_193 = arith.constant 160 : i32
      %dma_wait3A_194 = arith.constant 0 : i32
      %dma_wait3A_195 = tpu.memref_slice %arg8[%dma_wait3A_193, %dma_wait3A_194] : memref<400x128xf32, #tpu.memory_space<vmem>> -> memref<80x128xf32, #tpu.memory_space<vmem>>
      %dma_wait3A_196 = arith.constant 0 : i32
      %dma_wait3A_197 = tpu.memref_slice %arg6[%dma_wait3A_192, %dma_wait3A_196] : memref<5x80xi32, #tpu.memory_space<vmem>> -> memref<1x80xi32, #tpu.memory_space<vmem>>
      %dma_wait3A_198 = tpu.memref_squeeze %dma_wait3A_197 : memref<1x80xi32, #tpu.memory_space<vmem>> -> memref<80xi32, #tpu.memory_space<vmem>>
      %dma_wait3A_199 = arith.constant 0 : i32
      %dma_wait3A_200 = arith.constant 0 : i32
      %dma_wait3A_201 = tpu.memref_slice %arg2[%dma_wait3A_199, %dma_wait3A_200] : memref<10000x128xf32, #tpu.memory_space<hbm>> -> memref<10000x128xf32, #tpu.memory_space<hbm>>
      tpu.wait_indirect_dma semaphore(%arg10 : memref<!tpu.dma_semaphore, #tpu.memory_space<semaphore_mem>>) src(%dma_wait3A_201 : memref<10000x128xf32, #tpu.memory_space<hbm>>) dst(%dma_wait3A_195 : memref<80x128xf32, #tpu.memory_space<vmem>>)
      %dma_wait3A_202 = arith.constant 3 : i32
      %dma_wait3A_203 = arith.constant 240 : i32
      %dma_wait3A_204 = arith.constant 0 : i32
      %dma_wait3A_205 = tpu.memref_slice %arg8[%dma_wait3A_203, %dma_wait3A_204] : memref<400x128xf32, #tpu.memory_space<vmem>> -> memref<80x128xf32, #tpu.memory_space<vmem>>
      %dma_wait3A_206 = arith.constant 0 : i32
      %dma_wait3A_207 = tpu.memref_slice %arg6[%dma_wait3A_202, %dma_wait3A_206] : memref<5x80xi32, #tpu.memory_space<vmem>> -> memref<1x80xi32, #tpu.memory_space<vmem>>
      %dma_wait3A_208 = tpu.memref_squeeze %dma_wait3A_207 : memref<1x80xi32, #tpu.memory_space<vmem>> -> memref<80xi32, #tpu.memory_space<vmem>>
      %dma_wait3A_209 = arith.constant 0 : i32
      %dma_wait3A_210 = arith.constant 0 : i32
      %dma_wait3A_211 = tpu.memref_slice %arg2[%dma_wait3A_209, %dma_wait3A_210] : memref<10000x128xf32, #tpu.memory_space<hbm>> -> memref<10000x128xf32, #tpu.memory_space<hbm>>
      tpu.wait_indirect_dma semaphore(%arg10 : memref<!tpu.dma_semaphore, #tpu.memory_space<semaphore_mem>>) src(%dma_wait3A_211 : memref<10000x128xf32, #tpu.memory_space<hbm>>) dst(%dma_wait3A_205 : memref<80x128xf32, #tpu.memory_space<vmem>>)
      %dma_wait3A_212 = arith.constant 4 : i32
      %dma_wait3A_213 = arith.constant 320 : i32
      %dma_wait3A_214 = arith.constant 0 : i32
      %dma_wait3A_215 = tpu.memref_slice %arg8[%dma_wait3A_213, %dma_wait3A_214] : memref<400x128xf32, #tpu.memory_space<vmem>> -> memref<80x128xf32, #tpu.memory_space<vmem>>
      %dma_wait3A_216 = arith.constant 0 : i32
      %dma_wait3A_217 = tpu.memref_slice %arg6[%dma_wait3A_212, %dma_wait3A_216] : memref<5x80xi32, #tpu.memory_space<vmem>> -> memref<1x80xi32, #tpu.memory_space<vmem>>
      %dma_wait3A_218 = tpu.memref_squeeze %dma_wait3A_217 : memref<1x80xi32, #tpu.memory_space<vmem>> -> memref<80xi32, #tpu.memory_space<vmem>>
      %dma_wait3A_219 = arith.constant 0 : i32
      %dma_wait3A_220 = arith.constant 0 : i32
      %dma_wait3A_221 = tpu.memref_slice %arg2[%dma_wait3A_219, %dma_wait3A_220] : memref<10000x128xf32, #tpu.memory_space<hbm>> -> memref<10000x128xf32, #tpu.memory_space<hbm>>
      tpu.wait_indirect_dma semaphore(%arg10 : memref<!tpu.dma_semaphore, #tpu.memory_space<semaphore_mem>>) src(%dma_wait3A_221 : memref<10000x128xf32, #tpu.memory_space<hbm>>) dst(%dma_wait3A_215 : memref<80x128xf32, #tpu.memory_space<vmem>>)
      %mul3A_222 = arith.constant 400 : i32
      %mul3A_223 = arith.muli %add3A_171, %mul3A_222 : i32
      "tpu.region"() ({
        %run_scoped3A = tpu.sem_alloc : memref<!tpu.dma_semaphore, #tpu.memory_space<semaphore_mem>>
        %dma_start3A_285 = arith.constant 0 : i32
        %dma_start3A_286 = tpu.memref_slice %arg5[%mul3A_223, %dma_start3A_285] : memref<166400x128xf32, #tpu.memory_space<hbm>> -> memref<400x128xf32, #tpu.memory_space<hbm>>
        %dma_start3A_287 = arith.constant 0 : i32
        %dma_start3A_288 = tpu.memref_slice %arg5[%mul3A_223, %dma_start3A_287] : memref<166400x128xf32, #tpu.memory_space<hbm>> -> memref<400x128xf32, #tpu.memory_space<hbm>>
        tpu.enqueue_dma source(%arg8 : memref<400x128xf32, #tpu.memory_space<vmem>>) target(%dma_start3A_288 : memref<400x128xf32, #tpu.memory_space<hbm>>) target_semaphore(%run_scoped3A : memref<!tpu.dma_semaphore, #tpu.memory_space<semaphore_mem>>)
        %dma_wait3A_289 = arith.constant 0 : i32
        %dma_wait3A_290 = tpu.memref_slice %arg5[%mul3A_223, %dma_wait3A_289] : memref<166400x128xf32, #tpu.memory_space<hbm>> -> memref<400x128xf32, #tpu.memory_space<hbm>>
        %dma_wait3A_291 = arith.constant 0 : i32
        %dma_wait3A_292 = tpu.memref_slice %arg5[%mul3A_223, %dma_wait3A_291] : memref<166400x128xf32, #tpu.memory_space<hbm>> -> memref<400x128xf32, #tpu.memory_space<hbm>>
        tpu.wait_dma2 semaphore(%run_scoped3A : memref<!tpu.dma_semaphore, #tpu.memory_space<semaphore_mem>>) src(%arg8 : memref<400x128xf32, #tpu.memory_space<vmem>>) dst(%dma_wait3A_292 : memref<400x128xf32, #tpu.memory_space<hbm>>)
        tpu.yield
      }) : () -> ()
      %add3A_224 = arith.constant 2 : i32
      %add3A_225 = arith.addi %add3A_113, %add3A_224 : i32
      %lt3A = arith.constant 13 : i32
      %lt3A_226 = arith.cmpi slt, %add3A_225, %lt3A : i32
      %convert_element_type3A = arith.extui %lt3A_226 : i1 to i32
      %cond3A = arith.constant 0 : i32
      %cond3A_227 = arith.cmpi ne, %convert_element_type3A, %cond3A : i32
      scf.if %cond3A_227 {
        %add3A_285 = arith.constant 2 : i32
        %add3A_286 = arith.addi %add3A_113, %add3A_285 : i32
        %mul3A_287 = arith.constant 32 : i32
        %mul3A_288 = arith.muli %add3A_286, %mul3A_287 : i32
        %add3A_289 = arith.addi %mul3A_288, %add3A : i32
        "tpu.region"() ({
          %run_scoped3A = tpu.sem_alloc : memref<!tpu.dma_semaphore, #tpu.memory_space<semaphore_mem>>
          %dma_start3A_340 = arith.constant 0 : i32
          %dma_start3A_341 = arith.constant 0 : i32
          %dma_start3A_342 = tpu.memref_slice %arg3[%add3A_289, %dma_start3A_340, %dma_start3A_341] : memref<416x5x80xi32, #tpu.memory_space<hbm>> -> memref<1x5x80xi32, #tpu.memory_space<hbm>>
          %dma_start3A_343 = tpu.memref_squeeze %dma_start3A_342 : memref<1x5x80xi32, #tpu.memory_space<hbm>> -> memref<5x80xi32, #tpu.memory_space<hbm>>
          %dma_start3A_344 = arith.constant 0 : i32
          %dma_start3A_345 = arith.constant 0 : i32
          %dma_start3A_346 = tpu.memref_slice %arg3[%add3A_289, %dma_start3A_344, %dma_start3A_345] : memref<416x5x80xi32, #tpu.memory_space<hbm>> -> memref<1x5x80xi32, #tpu.memory_space<hbm>>
          %dma_start3A_347 = tpu.memref_squeeze %dma_start3A_346 : memref<1x5x80xi32, #tpu.memory_space<hbm>> -> memref<5x80xi32, #tpu.memory_space<hbm>>
          tpu.enqueue_dma source(%dma_start3A_347 : memref<5x80xi32, #tpu.memory_space<hbm>>) target(%arg6 : memref<5x80xi32, #tpu.memory_space<vmem>>) target_semaphore(%run_scoped3A : memref<!tpu.dma_semaphore, #tpu.memory_space<semaphore_mem>>)
          %dma_wait3A_348 = arith.constant 0 : i32
          %dma_wait3A_349 = arith.constant 0 : i32
          %dma_wait3A_350 = tpu.memref_slice %arg3[%add3A_289, %dma_wait3A_348, %dma_wait3A_349] : memref<416x5x80xi32, #tpu.memory_space<hbm>> -> memref<1x5x80xi32, #tpu.memory_space<hbm>>
          %dma_wait3A_351 = tpu.memref_squeeze %dma_wait3A_350 : memref<1x5x80xi32, #tpu.memory_space<hbm>> -> memref<5x80xi32, #tpu.memory_space<hbm>>
          %dma_wait3A_352 = arith.constant 0 : i32
          %dma_wait3A_353 = arith.constant 0 : i32
          %dma_wait3A_354 = tpu.memref_slice %arg3[%add3A_289, %dma_wait3A_352, %dma_wait3A_353] : memref<416x5x80xi32, #tpu.memory_space<hbm>> -> memref<1x5x80xi32, #tpu.memory_space<hbm>>
          %dma_wait3A_355 = tpu.memref_squeeze %dma_wait3A_354 : memref<1x5x80xi32, #tpu.memory_space<hbm>> -> memref<5x80xi32, #tpu.memory_space<hbm>>
          tpu.wait_dma2 semaphore(%run_scoped3A : memref<!tpu.dma_semaphore, #tpu.memory_space<semaphore_mem>>) src(%dma_wait3A_355 : memref<5x80xi32, #tpu.memory_space<hbm>>) dst(%arg6 : memref<5x80xi32, #tpu.memory_space<vmem>>)
          tpu.yield
        }) : () -> ()
        %dma_start3A_290 = arith.constant 0 : i32
        %dma_start3A_291 = arith.constant 0 : i32
        %dma_start3A_292 = arith.constant 0 : i32
        %dma_start3A_293 = tpu.memref_slice %arg8[%dma_start3A_291, %dma_start3A_292] : memref<400x128xf32, #tpu.memory_space<vmem>> -> memref<80x128xf32, #tpu.memory_space<vmem>>
        %dma_start3A_294 = arith.constant 0 : i32
        %dma_start3A_295 = tpu.memref_slice %arg6[%dma_start3A_290, %dma_start3A_294] : memref<5x80xi32, #tpu.memory_space<vmem>> -> memref<1x80xi32, #tpu.memory_space<vmem>>
        %dma_start3A_296 = tpu.memref_squeeze %dma_start3A_295 : memref<1x80xi32, #tpu.memory_space<vmem>> -> memref<80xi32, #tpu.memory_space<vmem>>
        %dma_start3A_297 = arith.constant 0 : i32
        %dma_start3A_298 = arith.constant 0 : i32
        %dma_start3A_299 = tpu.memref_slice %arg2[%dma_start3A_297, %dma_start3A_298] : memref<10000x128xf32, #tpu.memory_space<hbm>> -> memref<10000x128xf32, #tpu.memory_space<hbm>>
        tpu.enqueue_indirect_dma source(%dma_start3A_299 : memref<10000x128xf32, #tpu.memory_space<hbm>>) target(%dma_start3A_293 : memref<80x128xf32, #tpu.memory_space<vmem>>) offsets(%dma_start3A_296 : memref<80xi32, #tpu.memory_space<vmem>>) semaphore(%arg10 : memref<!tpu.dma_semaphore, #tpu.memory_space<semaphore_mem>>)
        %dma_start3A_300 = arith.constant 1 : i32
        %dma_start3A_301 = arith.constant 80 : i32
        %dma_start3A_302 = arith.constant 0 : i32
        %dma_start3A_303 = tpu.memref_slice %arg8[%dma_start3A_301, %dma_start3A_302] : memref<400x128xf32, #tpu.memory_space<vmem>> -> memref<80x128xf32, #tpu.memory_space<vmem>>
        %dma_start3A_304 = arith.constant 0 : i32
        %dma_start3A_305 = tpu.memref_slice %arg6[%dma_start3A_300, %dma_start3A_304] : memref<5x80xi32, #tpu.memory_space<vmem>> -> memref<1x80xi32, #tpu.memory_space<vmem>>
        %dma_start3A_306 = tpu.memref_squeeze %dma_start3A_305 : memref<1x80xi32, #tpu.memory_space<vmem>> -> memref<80xi32, #tpu.memory_space<vmem>>
        %dma_start3A_307 = arith.constant 0 : i32
        %dma_start3A_308 = arith.constant 0 : i32
        %dma_start3A_309 = tpu.memref_slice %arg2[%dma_start3A_307, %dma_start3A_308] : memref<10000x128xf32, #tpu.memory_space<hbm>> -> memref<10000x128xf32, #tpu.memory_space<hbm>>
        tpu.enqueue_indirect_dma source(%dma_start3A_309 : memref<10000x128xf32, #tpu.memory_space<hbm>>) target(%dma_start3A_303 : memref<80x128xf32, #tpu.memory_space<vmem>>) offsets(%dma_start3A_306 : memref<80xi32, #tpu.memory_space<vmem>>) semaphore(%arg10 : memref<!tpu.dma_semaphore, #tpu.memory_space<semaphore_mem>>)
        %dma_start3A_310 = arith.constant 2 : i32
        %dma_start3A_311 = arith.constant 160 : i32
        %dma_start3A_312 = arith.constant 0 : i32
        %dma_start3A_313 = tpu.memref_slice %arg8[%dma_start3A_311, %dma_start3A_312] : memref<400x128xf32, #tpu.memory_space<vmem>> -> memref<80x128xf32, #tpu.memory_space<vmem>>
        %dma_start3A_314 = arith.constant 0 : i32
        %dma_start3A_315 = tpu.memref_slice %arg6[%dma_start3A_310, %dma_start3A_314] : memref<5x80xi32, #tpu.memory_space<vmem>> -> memref<1x80xi32, #tpu.memory_space<vmem>>
        %dma_start3A_316 = tpu.memref_squeeze %dma_start3A_315 : memref<1x80xi32, #tpu.memory_space<vmem>> -> memref<80xi32, #tpu.memory_space<vmem>>
        %dma_start3A_317 = arith.constant 0 : i32
        %dma_start3A_318 = arith.constant 0 : i32
        %dma_start3A_319 = tpu.memref_slice %arg2[%dma_start3A_317, %dma_start3A_318] : memref<10000x128xf32, #tpu.memory_space<hbm>> -> memref<10000x128xf32, #tpu.memory_space<hbm>>
        tpu.enqueue_indirect_dma source(%dma_start3A_319 : memref<10000x128xf32, #tpu.memory_space<hbm>>) target(%dma_start3A_313 : memref<80x128xf32, #tpu.memory_space<vmem>>) offsets(%dma_start3A_316 : memref<80xi32, #tpu.memory_space<vmem>>) semaphore(%arg10 : memref<!tpu.dma_semaphore, #tpu.memory_space<semaphore_mem>>)
        %dma_start3A_320 = arith.constant 3 : i32
        %dma_start3A_321 = arith.constant 240 : i32
        %dma_start3A_322 = arith.constant 0 : i32
        %dma_start3A_323 = tpu.memref_slice %arg8[%dma_start3A_321, %dma_start3A_322] : memref<400x128xf32, #tpu.memory_space<vmem>> -> memref<80x128xf32, #tpu.memory_space<vmem>>
        %dma_start3A_324 = arith.constant 0 : i32
        %dma_start3A_325 = tpu.memref_slice %arg6[%dma_start3A_320, %dma_start3A_324] : memref<5x80xi32, #tpu.memory_space<vmem>> -> memref<1x80xi32, #tpu.memory_space<vmem>>
        %dma_start3A_326 = tpu.memref_squeeze %dma_start3A_325 : memref<1x80xi32, #tpu.memory_space<vmem>> -> memref<80xi32, #tpu.memory_space<vmem>>
        %dma_start3A_327 = arith.constant 0 : i32
        %dma_start3A_328 = arith.constant 0 : i32
        %dma_start3A_329 = tpu.memref_slice %arg2[%dma_start3A_327, %dma_start3A_328] : memref<10000x128xf32, #tpu.memory_space<hbm>> -> memref<10000x128xf32, #tpu.memory_space<hbm>>
        tpu.enqueue_indirect_dma source(%dma_start3A_329 : memref<10000x128xf32, #tpu.memory_space<hbm>>) target(%dma_start3A_323 : memref<80x128xf32, #tpu.memory_space<vmem>>) offsets(%dma_start3A_326 : memref<80xi32, #tpu.memory_space<vmem>>) semaphore(%arg10 : memref<!tpu.dma_semaphore, #tpu.memory_space<semaphore_mem>>)
        %dma_start3A_330 = arith.constant 4 : i32
        %dma_start3A_331 = arith.constant 320 : i32
        %dma_start3A_332 = arith.constant 0 : i32
        %dma_start3A_333 = tpu.memref_slice %arg8[%dma_start3A_331, %dma_start3A_332] : memref<400x128xf32, #tpu.memory_space<vmem>> -> memref<80x128xf32, #tpu.memory_space<vmem>>
        %dma_start3A_334 = arith.constant 0 : i32
        %dma_start3A_335 = tpu.memref_slice %arg6[%dma_start3A_330, %dma_start3A_334] : memref<5x80xi32, #tpu.memory_space<vmem>> -> memref<1x80xi32, #tpu.memory_space<vmem>>
        %dma_start3A_336 = tpu.memref_squeeze %dma_start3A_335 : memref<1x80xi32, #tpu.memory_space<vmem>> -> memref<80xi32, #tpu.memory_space<vmem>>
        %dma_start3A_337 = arith.constant 0 : i32
        %dma_start3A_338 = arith.constant 0 : i32
        %dma_start3A_339 = tpu.memref_slice %arg2[%dma_start3A_337, %dma_start3A_338] : memref<10000x128xf32, #tpu.memory_space<hbm>> -> memref<10000x128xf32, #tpu.memory_space<hbm>>
        tpu.enqueue_indirect_dma source(%dma_start3A_339 : memref<10000x128xf32, #tpu.memory_space<hbm>>) target(%dma_start3A_333 : memref<80x128xf32, #tpu.memory_space<vmem>>) offsets(%dma_start3A_336 : memref<80xi32, #tpu.memory_space<vmem>>) semaphore(%arg10 : memref<!tpu.dma_semaphore, #tpu.memory_space<semaphore_mem>>)
      } else {
      }
      %add3A_228 = arith.constant 1 : i32
      %add3A_229 = arith.addi %add3A_113, %add3A_228 : i32
      %mul3A_230 = arith.constant 32 : i32
      %mul3A_231 = arith.muli %add3A_229, %mul3A_230 : i32
      %add3A_232 = arith.addi %mul3A_231, %add3A : i32
      %dma_wait3A_233 = arith.constant 0 : i32
      %dma_wait3A_234 = arith.constant 0 : i32
      %dma_wait3A_235 = arith.constant 0 : i32
      %dma_wait3A_236 = tpu.memref_slice %arg9[%dma_wait3A_234, %dma_wait3A_235] : memref<400x128xf32, #tpu.memory_space<vmem>> -> memref<80x128xf32, #tpu.memory_space<vmem>>
      %dma_wait3A_237 = arith.constant 0 : i32
      %dma_wait3A_238 = tpu.memref_slice %arg7[%dma_wait3A_233, %dma_wait3A_237] : memref<5x80xi32, #tpu.memory_space<vmem>> -> memref<1x80xi32, #tpu.memory_space<vmem>>
      %dma_wait3A_239 = tpu.memref_squeeze %dma_wait3A_238 : memref<1x80xi32, #tpu.memory_space<vmem>> -> memref<80xi32, #tpu.memory_space<vmem>>
      %dma_wait3A_240 = arith.constant 0 : i32
      %dma_wait3A_241 = arith.constant 0 : i32
      %dma_wait3A_242 = tpu.memref_slice %arg2[%dma_wait3A_240, %dma_wait3A_241] : memref<10000x128xf32, #tpu.memory_space<hbm>> -> memref<10000x128xf32, #tpu.memory_space<hbm>>
      tpu.wait_indirect_dma semaphore(%arg11 : memref<!tpu.dma_semaphore, #tpu.memory_space<semaphore_mem>>) src(%dma_wait3A_242 : memref<10000x128xf32, #tpu.memory_space<hbm>>) dst(%dma_wait3A_236 : memref<80x128xf32, #tpu.memory_space<vmem>>)
      %dma_wait3A_243 = arith.constant 1 : i32
      %dma_wait3A_244 = arith.constant 80 : i32
      %dma_wait3A_245 = arith.constant 0 : i32
      %dma_wait3A_246 = tpu.memref_slice %arg9[%dma_wait3A_244, %dma_wait3A_245] : memref<400x128xf32, #tpu.memory_space<vmem>> -> memref<80x128xf32, #tpu.memory_space<vmem>>
      %dma_wait3A_247 = arith.constant 0 : i32
      %dma_wait3A_248 = tpu.memref_slice %arg7[%dma_wait3A_243, %dma_wait3A_247] : memref<5x80xi32, #tpu.memory_space<vmem>> -> memref<1x80xi32, #tpu.memory_space<vmem>>
      %dma_wait3A_249 = tpu.memref_squeeze %dma_wait3A_248 : memref<1x80xi32, #tpu.memory_space<vmem>> -> memref<80xi32, #tpu.memory_space<vmem>>
      %dma_wait3A_250 = arith.constant 0 : i32
      %dma_wait3A_251 = arith.constant 0 : i32
      %dma_wait3A_252 = tpu.memref_slice %arg2[%dma_wait3A_250, %dma_wait3A_251] : memref<10000x128xf32, #tpu.memory_space<hbm>> -> memref<10000x128xf32, #tpu.memory_space<hbm>>
      tpu.wait_indirect_dma semaphore(%arg11 : memref<!tpu.dma_semaphore, #tpu.memory_space<semaphore_mem>>) src(%dma_wait3A_252 : memref<10000x128xf32, #tpu.memory_space<hbm>>) dst(%dma_wait3A_246 : memref<80x128xf32, #tpu.memory_space<vmem>>)
      %dma_wait3A_253 = arith.constant 2 : i32
      %dma_wait3A_254 = arith.constant 160 : i32
      %dma_wait3A_255 = arith.constant 0 : i32
      %dma_wait3A_256 = tpu.memref_slice %arg9[%dma_wait3A_254, %dma_wait3A_255] : memref<400x128xf32, #tpu.memory_space<vmem>> -> memref<80x128xf32, #tpu.memory_space<vmem>>
      %dma_wait3A_257 = arith.constant 0 : i32
      %dma_wait3A_258 = tpu.memref_slice %arg7[%dma_wait3A_253, %dma_wait3A_257] : memref<5x80xi32, #tpu.memory_space<vmem>> -> memref<1x80xi32, #tpu.memory_space<vmem>>
      %dma_wait3A_259 = tpu.memref_squeeze %dma_wait3A_258 : memref<1x80xi32, #tpu.memory_space<vmem>> -> memref<80xi32, #tpu.memory_space<vmem>>
      %dma_wait3A_260 = arith.constant 0 : i32
      %dma_wait3A_261 = arith.constant 0 : i32
      %dma_wait3A_262 = tpu.memref_slice %arg2[%dma_wait3A_260, %dma_wait3A_261] : memref<10000x128xf32, #tpu.memory_space<hbm>> -> memref<10000x128xf32, #tpu.memory_space<hbm>>
      tpu.wait_indirect_dma semaphore(%arg11 : memref<!tpu.dma_semaphore, #tpu.memory_space<semaphore_mem>>) src(%dma_wait3A_262 : memref<10000x128xf32, #tpu.memory_space<hbm>>) dst(%dma_wait3A_256 : memref<80x128xf32, #tpu.memory_space<vmem>>)
      %dma_wait3A_263 = arith.constant 3 : i32
      %dma_wait3A_264 = arith.constant 240 : i32
      %dma_wait3A_265 = arith.constant 0 : i32
      %dma_wait3A_266 = tpu.memref_slice %arg9[%dma_wait3A_264, %dma_wait3A_265] : memref<400x128xf32, #tpu.memory_space<vmem>> -> memref<80x128xf32, #tpu.memory_space<vmem>>
      %dma_wait3A_267 = arith.constant 0 : i32
      %dma_wait3A_268 = tpu.memref_slice %arg7[%dma_wait3A_263, %dma_wait3A_267] : memref<5x80xi32, #tpu.memory_space<vmem>> -> memref<1x80xi32, #tpu.memory_space<vmem>>
      %dma_wait3A_269 = tpu.memref_squeeze %dma_wait3A_268 : memref<1x80xi32, #tpu.memory_space<vmem>> -> memref<80xi32, #tpu.memory_space<vmem>>
      %dma_wait3A_270 = arith.constant 0 : i32
      %dma_wait3A_271 = arith.constant 0 : i32
      %dma_wait3A_272 = tpu.memref_slice %arg2[%dma_wait3A_270, %dma_wait3A_271] : memref<10000x128xf32, #tpu.memory_space<hbm>> -> memref<10000x128xf32, #tpu.memory_space<hbm>>
      tpu.wait_indirect_dma semaphore(%arg11 : memref<!tpu.dma_semaphore, #tpu.memory_space<semaphore_mem>>) src(%dma_wait3A_272 : memref<10000x128xf32, #tpu.memory_space<hbm>>) dst(%dma_wait3A_266 : memref<80x128xf32, #tpu.memory_space<vmem>>)
      %dma_wait3A_273 = arith.constant 4 : i32
      %dma_wait3A_274 = arith.constant 320 : i32
      %dma_wait3A_275 = arith.constant 0 : i32
      %dma_wait3A_276 = tpu.memref_slice %arg9[%dma_wait3A_274, %dma_wait3A_275] : memref<400x128xf32, #tpu.memory_space<vmem>> -> memref<80x128xf32, #tpu.memory_space<vmem>>
      %dma_wait3A_277 = arith.constant 0 : i32
      %dma_wait3A_278 = tpu.memref_slice %arg7[%dma_wait3A_273, %dma_wait3A_277] : memref<5x80xi32, #tpu.memory_space<vmem>> -> memref<1x80xi32, #tpu.memory_space<vmem>>
      %dma_wait3A_279 = tpu.memref_squeeze %dma_wait3A_278 : memref<1x80xi32, #tpu.memory_space<vmem>> -> memref<80xi32, #tpu.memory_space<vmem>>
      %dma_wait3A_280 = arith.constant 0 : i32
      %dma_wait3A_281 = arith.constant 0 : i32
      %dma_wait3A_282 = tpu.memref_slice %arg2[%dma_wait3A_280, %dma_wait3A_281] : memref<10000x128xf32, #tpu.memory_space<hbm>> -> memref<10000x128xf32, #tpu.memory_space<hbm>>
      tpu.wait_indirect_dma semaphore(%arg11 : memref<!tpu.dma_semaphore, #tpu.memory_space<semaphore_mem>>) src(%dma_wait3A_282 : memref<10000x128xf32, #tpu.memory_space<hbm>>) dst(%dma_wait3A_276 : memref<80x128xf32, #tpu.memory_space<vmem>>)
      %mul3A_283 = arith.constant 400 : i32
      %mul3A_284 = arith.muli %add3A_232, %mul3A_283 : i32
      "tpu.region"() ({
        %run_scoped3A = tpu.sem_alloc : memref<!tpu.dma_semaphore, #tpu.memory_space<semaphore_mem>>
        %dma_start3A_285 = arith.constant 0 : i32
        %dma_start3A_286 = tpu.memref_slice %arg5[%mul3A_284, %dma_start3A_285] : memref<166400x128xf32, #tpu.memory_space<hbm>> -> memref<400x128xf32, #tpu.memory_space<hbm>>
        %dma_start3A_287 = arith.constant 0 : i32
        %dma_start3A_288 = tpu.memref_slice %arg5[%mul3A_284, %dma_start3A_287] : memref<166400x128xf32, #tpu.memory_space<hbm>> -> memref<400x128xf32, #tpu.memory_space<hbm>>
        tpu.enqueue_dma source(%arg9 : memref<400x128xf32, #tpu.memory_space<vmem>>) target(%dma_start3A_288 : memref<400x128xf32, #tpu.memory_space<hbm>>) target_semaphore(%run_scoped3A : memref<!tpu.dma_semaphore, #tpu.memory_space<semaphore_mem>>)
        %dma_wait3A_289 = arith.constant 0 : i32
        %dma_wait3A_290 = tpu.memref_slice %arg5[%mul3A_284, %dma_wait3A_289] : memref<166400x128xf32, #tpu.memory_space<hbm>> -> memref<400x128xf32, #tpu.memory_space<hbm>>
        %dma_wait3A_291 = arith.constant 0 : i32
        %dma_wait3A_292 = tpu.memref_slice %arg5[%mul3A_284, %dma_wait3A_291] : memref<166400x128xf32, #tpu.memory_space<hbm>> -> memref<400x128xf32, #tpu.memory_space<hbm>>
        tpu.wait_dma2 semaphore(%run_scoped3A : memref<!tpu.dma_semaphore, #tpu.memory_space<semaphore_mem>>) src(%arg9 : memref<400x128xf32, #tpu.memory_space<vmem>>) dst(%dma_wait3A_292 : memref<400x128xf32, #tpu.memory_space<hbm>>)
        tpu.yield
      }) : () -> ()
    }
    %scan3A_55 = arith.constant 6 : i32
    %add3A_56 = arith.constant 384 : i32
    %add3A_57 = arith.addi %add3A_56, %add3A : i32
    %dma_wait3A = arith.constant 0 : i32
    %dma_wait3A_58 = arith.constant 0 : i32
    %dma_wait3A_59 = arith.constant 0 : i32
    %dma_wait3A_60 = tpu.memref_slice %arg8[%dma_wait3A_58, %dma_wait3A_59] : memref<400x128xf32, #tpu.memory_space<vmem>> -> memref<80x128xf32, #tpu.memory_space<vmem>>
    %dma_wait3A_61 = arith.constant 0 : i32
    %dma_wait3A_62 = tpu.memref_slice %arg6[%dma_wait3A, %dma_wait3A_61] : memref<5x80xi32, #tpu.memory_space<vmem>> -> memref<1x80xi32, #tpu.memory_space<vmem>>
    %dma_wait3A_63 = tpu.memref_squeeze %dma_wait3A_62 : memref<1x80xi32, #tpu.memory_space<vmem>> -> memref<80xi32, #tpu.memory_space<vmem>>
    %dma_wait3A_64 = arith.constant 0 : i32
    %dma_wait3A_65 = arith.constant 0 : i32
    %dma_wait3A_66 = tpu.memref_slice %arg2[%dma_wait3A_64, %dma_wait3A_65] : memref<10000x128xf32, #tpu.memory_space<hbm>> -> memref<10000x128xf32, #tpu.memory_space<hbm>>
    tpu.wait_indirect_dma semaphore(%arg10 : memref<!tpu.dma_semaphore, #tpu.memory_space<semaphore_mem>>) src(%dma_wait3A_66 : memref<10000x128xf32, #tpu.memory_space<hbm>>) dst(%dma_wait3A_60 : memref<80x128xf32, #tpu.memory_space<vmem>>)
    %dma_wait3A_67 = arith.constant 1 : i32
    %dma_wait3A_68 = arith.constant 80 : i32
    %dma_wait3A_69 = arith.constant 0 : i32
    %dma_wait3A_70 = tpu.memref_slice %arg8[%dma_wait3A_68, %dma_wait3A_69] : memref<400x128xf32, #tpu.memory_space<vmem>> -> memref<80x128xf32, #tpu.memory_space<vmem>>
    %dma_wait3A_71 = arith.constant 0 : i32
    %dma_wait3A_72 = tpu.memref_slice %arg6[%dma_wait3A_67, %dma_wait3A_71] : memref<5x80xi32, #tpu.memory_space<vmem>> -> memref<1x80xi32, #tpu.memory_space<vmem>>
    %dma_wait3A_73 = tpu.memref_squeeze %dma_wait3A_72 : memref<1x80xi32, #tpu.memory_space<vmem>> -> memref<80xi32, #tpu.memory_space<vmem>>
    %dma_wait3A_74 = arith.constant 0 : i32
    %dma_wait3A_75 = arith.constant 0 : i32
    %dma_wait3A_76 = tpu.memref_slice %arg2[%dma_wait3A_74, %dma_wait3A_75] : memref<10000x128xf32, #tpu.memory_space<hbm>> -> memref<10000x128xf32, #tpu.memory_space<hbm>>
    tpu.wait_indirect_dma semaphore(%arg10 : memref<!tpu.dma_semaphore, #tpu.memory_space<semaphore_mem>>) src(%dma_wait3A_76 : memref<10000x128xf32, #tpu.memory_space<hbm>>) dst(%dma_wait3A_70 : memref<80x128xf32, #tpu.memory_space<vmem>>)
    %dma_wait3A_77 = arith.constant 2 : i32
    %dma_wait3A_78 = arith.constant 160 : i32
    %dma_wait3A_79 = arith.constant 0 : i32
    %dma_wait3A_80 = tpu.memref_slice %arg8[%dma_wait3A_78, %dma_wait3A_79] : memref<400x128xf32, #tpu.memory_space<vmem>> -> memref<80x128xf32, #tpu.memory_space<vmem>>
    %dma_wait3A_81 = arith.constant 0 : i32
    %dma_wait3A_82 = tpu.memref_slice %arg6[%dma_wait3A_77, %dma_wait3A_81] : memref<5x80xi32, #tpu.memory_space<vmem>> -> memref<1x80xi32, #tpu.memory_space<vmem>>
    %dma_wait3A_83 = tpu.memref_squeeze %dma_wait3A_82 : memref<1x80xi32, #tpu.memory_space<vmem>> -> memref<80xi32, #tpu.memory_space<vmem>>
    %dma_wait3A_84 = arith.constant 0 : i32
    %dma_wait3A_85 = arith.constant 0 : i32
    %dma_wait3A_86 = tpu.memref_slice %arg2[%dma_wait3A_84, %dma_wait3A_85] : memref<10000x128xf32, #tpu.memory_space<hbm>> -> memref<10000x128xf32, #tpu.memory_space<hbm>>
    tpu.wait_indirect_dma semaphore(%arg10 : memref<!tpu.dma_semaphore, #tpu.memory_space<semaphore_mem>>) src(%dma_wait3A_86 : memref<10000x128xf32, #tpu.memory_space<hbm>>) dst(%dma_wait3A_80 : memref<80x128xf32, #tpu.memory_space<vmem>>)
    %dma_wait3A_87 = arith.constant 3 : i32
    %dma_wait3A_88 = arith.constant 240 : i32
    %dma_wait3A_89 = arith.constant 0 : i32
    %dma_wait3A_90 = tpu.memref_slice %arg8[%dma_wait3A_88, %dma_wait3A_89] : memref<400x128xf32, #tpu.memory_space<vmem>> -> memref<80x128xf32, #tpu.memory_space<vmem>>
    %dma_wait3A_91 = arith.constant 0 : i32
    %dma_wait3A_92 = tpu.memref_slice %arg6[%dma_wait3A_87, %dma_wait3A_91] : memref<5x80xi32, #tpu.memory_space<vmem>> -> memref<1x80xi32, #tpu.memory_space<vmem>>
    %dma_wait3A_93 = tpu.memref_squeeze %dma_wait3A_92 : memref<1x80xi32, #tpu.memory_space<vmem>> -> memref<80xi32, #tpu.memory_space<vmem>>
    %dma_wait3A_94 = arith.constant 0 : i32
    %dma_wait3A_95 = arith.constant 0 : i32
    %dma_wait3A_96 = tpu.memref_slice %arg2[%dma_wait3A_94, %dma_wait3A_95] : memref<10000x128xf32, #tpu.memory_space<hbm>> -> memref<10000x128xf32, #tpu.memory_space<hbm>>
    tpu.wait_indirect_dma semaphore(%arg10 : memref<!tpu.dma_semaphore, #tpu.memory_space<semaphore_mem>>) src(%dma_wait3A_96 : memref<10000x128xf32, #tpu.memory_space<hbm>>) dst(%dma_wait3A_90 : memref<80x128xf32, #tpu.memory_space<vmem>>)
    %dma_wait3A_97 = arith.constant 4 : i32
    %dma_wait3A_98 = arith.constant 320 : i32
    %dma_wait3A_99 = arith.constant 0 : i32
    %dma_wait3A_100 = tpu.memref_slice %arg8[%dma_wait3A_98, %dma_wait3A_99] : memref<400x128xf32, #tpu.memory_space<vmem>> -> memref<80x128xf32, #tpu.memory_space<vmem>>
    %dma_wait3A_101 = arith.constant 0 : i32
    %dma_wait3A_102 = tpu.memref_slice %arg6[%dma_wait3A_97, %dma_wait3A_101] : memref<5x80xi32, #tpu.memory_space<vmem>> -> memref<1x80xi32, #tpu.memory_space<vmem>>
    %dma_wait3A_103 = tpu.memref_squeeze %dma_wait3A_102 : memref<1x80xi32, #tpu.memory_space<vmem>> -> memref<80xi32, #tpu.memory_space<vmem>>
    %dma_wait3A_104 = arith.constant 0 : i32
    %dma_wait3A_105 = arith.constant 0 : i32
    %dma_wait3A_106 = tpu.memref_slice %arg2[%dma_wait3A_104, %dma_wait3A_105] : memref<10000x128xf32, #tpu.memory_space<hbm>> -> memref<10000x128xf32, #tpu.memory_space<hbm>>
    tpu.wait_indirect_dma semaphore(%arg10 : memref<!tpu.dma_semaphore, #tpu.memory_space<semaphore_mem>>) src(%dma_wait3A_106 : memref<10000x128xf32, #tpu.memory_space<hbm>>) dst(%dma_wait3A_100 : memref<80x128xf32, #tpu.memory_space<vmem>>)
    %mul3A_107 = arith.constant 400 : i32
    %mul3A_108 = arith.muli %add3A_57, %mul3A_107 : i32
    "tpu.region"() ({
      %run_scoped3A = tpu.sem_alloc : memref<!tpu.dma_semaphore, #tpu.memory_space<semaphore_mem>>
      %dma_start3A_109 = arith.constant 0 : i32
      %dma_start3A_110 = tpu.memref_slice %arg5[%mul3A_108, %dma_start3A_109] : memref<166400x128xf32, #tpu.memory_space<hbm>> -> memref<400x128xf32, #tpu.memory_space<hbm>>
      %dma_start3A_111 = arith.constant 0 : i32
      %dma_start3A_112 = tpu.memref_slice %arg5[%mul3A_108, %dma_start3A_111] : memref<166400x128xf32, #tpu.memory_space<hbm>> -> memref<400x128xf32, #tpu.memory_space<hbm>>
      tpu.enqueue_dma source(%arg8 : memref<400x128xf32, #tpu.memory_space<vmem>>) target(%dma_start3A_112 : memref<400x128xf32, #tpu.memory_space<hbm>>) target_semaphore(%run_scoped3A : memref<!tpu.dma_semaphore, #tpu.memory_space<semaphore_mem>>)
      %dma_wait3A_113 = arith.constant 0 : i32
      %dma_wait3A_114 = tpu.memref_slice %arg5[%mul3A_108, %dma_wait3A_113] : memref<166400x128xf32, #tpu.memory_space<hbm>> -> memref<400x128xf32, #tpu.memory_space<hbm>>
      %dma_wait3A_115 = arith.constant 0 : i32
      %dma_wait3A_116 = tpu.memref_slice %arg5[%mul3A_108, %dma_wait3A_115] : memref<166400x128xf32, #tpu.memory_space<hbm>> -> memref<400x128xf32, #tpu.memory_space<hbm>>
      tpu.wait_dma2 semaphore(%run_scoped3A : memref<!tpu.dma_semaphore, #tpu.memory_space<semaphore_mem>>) src(%arg8 : memref<400x128xf32, #tpu.memory_space<vmem>>) dst(%dma_wait3A_116 : memref<400x128xf32, #tpu.memory_space<hbm>>)
      tpu.yield
    }) : () -> ()
    return
  }
}

module attributes {stable_mosaic.version = 14 : i64} {
  func.func @k(%arg0: i32, %arg1: memref<2560x128xf32, #tpu.memory_space<vmem>>, %arg2: memref<2560x128xf32, #tpu.memory_space<vmem>>, %arg3: memref<256x256xf32, #tpu.memory_space<vmem>>, %arg4: memref<1x256xf32, #tpu.memory_space<vmem>>, %arg5: memref<256x256xf32, #tpu.memory_space<vmem>>, %arg6: memref<1x256xf32, #tpu.memory_space<vmem>>, %arg7: memref<2560x256xf32, #tpu.memory_space<vmem>>) attributes {dimension_semantics = [#tpu.dimension_semantics<arbitrary>], iteration_bounds = array<i64: 65>, scalar_prefetch = 0 : i64, scratch_operands = 0 : i64, tpu.core_type = #tpu.core_type<tc>, window_params = [{transform_indices = @transform_0, window_bounds = array<i64: 2560, 128>}, {transform_indices = @transform_1, window_bounds = array<i64: 2560, 128>}, {pipeline_mode = #tpu.pipeline_mode<synchronous>, transform_indices = @transform_2, window_bounds = array<i64: 256, 256>}, {pipeline_mode = #tpu.pipeline_mode<synchronous>, transform_indices = @transform_3, window_bounds = array<i64: 1, 256>}, {pipeline_mode = #tpu.pipeline_mode<synchronous>, transform_indices = @transform_4, window_bounds = array<i64: 256, 256>}, {pipeline_mode = #tpu.pipeline_mode<synchronous>, transform_indices = @transform_5, window_bounds = array<i64: 1, 256>}, {transform_indices = @transform_6, window_bounds = array<i64: 2560, 256>}]} {
    %get3A = arith.constant 0 : index
    %get3A_0 = arith.constant 0 : index
    %get3A_1 = vector.load %arg3[%get3A, %get3A_0] : memref<256x256xf32, #tpu.memory_space<vmem>>, vector<256x256xf32>
    %convert_element_type3A = arith.truncf %get3A_1 : vector<256x256xf32> to vector<256x256xbf16>
    %get3A_2 = arith.constant 0 : index
    %get3A_3 = arith.constant 0 : index
    %get3A_4 = vector.load %arg1[%get3A_2, %get3A_3] : memref<2560x128xf32, #tpu.memory_space<vmem>>, vector<2560x128xf32>
    %convert_element_type3A_5 = arith.truncf %get3A_4 : vector<2560x128xf32> to vector<2560x128xbf16>
    %slice3A = vector.extract_strided_slice %convert_element_type3A {offsets = [0, 0], sizes = [256, 128], strides = [1, 1]} : vector<256x256xbf16> to vector<256x128xbf16>
    %dot_general3A = arith.constant dense<0.000000e+00> : vector<2560x256xf32>
    %dot_general3A_6 = tpu.matmul %convert_element_type3A_5, %slice3A, %dot_general3A {dimension_numbers = #tpu.dot_dimension_numbers<[1], [1], [0], [0], [0, 0, 1, 0], [], []>, transpose_lhs_hint = false} : vector<2560x128xbf16>, vector<256x128xbf16>, vector<2560x256xf32> -> vector<2560x256xf32>
    %get3A_7 = arith.constant 0 : index
    %get3A_8 = arith.constant 0 : index
    %get3A_9 = vector.load %arg2[%get3A_7, %get3A_8] : memref<2560x128xf32, #tpu.memory_space<vmem>>, vector<2560x128xf32>
    %convert_element_type3A_10 = arith.truncf %get3A_9 : vector<2560x128xf32> to vector<2560x128xbf16>
    %slice3A_11 = vector.extract_strided_slice %convert_element_type3A {offsets = [0, 128], sizes = [256, 128], strides = [1, 1]} : vector<256x256xbf16> to vector<256x128xbf16>
    %dot_general3A_12 = arith.constant dense<0.000000e+00> : vector<2560x256xf32>
    %dot_general3A_13 = tpu.matmul %convert_element_type3A_10, %slice3A_11, %dot_general3A_12 {dimension_numbers = #tpu.dot_dimension_numbers<[1], [1], [0], [0], [0, 0, 1, 0], [], []>, transpose_lhs_hint = false} : vector<2560x128xbf16>, vector<256x128xbf16>, vector<2560x256xf32> -> vector<2560x256xf32>
    %add3A = arith.addf %dot_general3A_6, %dot_general3A_13 : vector<2560x256xf32>
    %get3A_14 = arith.constant 0 : index
    %get3A_15 = arith.constant 0 : index
    %get3A_16 = vector.load %arg4[%get3A_14, %get3A_15] : memref<1x256xf32, #tpu.memory_space<vmem>>, vector<1x256xf32>
    %add3A_17 = vector.broadcast %get3A_16 : vector<1x256xf32> to vector<2560x256xf32>
    %add3A_18 = arith.addf %add3A, %add3A_17 : vector<2560x256xf32>
    %ge3A = arith.constant 0.000000e+00 : f32
    %ge3A_19 = vector.broadcast %ge3A : f32 to vector<2560x256xf32>
    %ge3A_20 = arith.cmpf oge, %add3A_18, %ge3A_19 : vector<2560x256xf32>
    %mul3A = arith.constant 1.000000e-01 : f32
    %mul3A_21 = vector.broadcast %mul3A : f32 to vector<2560x256xf32>
    %mul3A_22 = arith.mulf %mul3A_21, %add3A_18 : vector<2560x256xf32>
    %select_n3A = arith.select %ge3A_20, %add3A_18, %mul3A_22 : vector<2560x256xi1>, vector<2560x256xf32>
    %convert_element_type3A_23 = arith.truncf %select_n3A : vector<2560x256xf32> to vector<2560x256xbf16>
    %get3A_24 = arith.constant 0 : index
    %get3A_25 = arith.constant 0 : index
    %get3A_26 = vector.load %arg5[%get3A_24, %get3A_25] : memref<256x256xf32, #tpu.memory_space<vmem>>, vector<256x256xf32>
    %convert_element_type3A_27 = arith.truncf %get3A_26 : vector<256x256xf32> to vector<256x256xbf16>
    %dot_general3A_28 = arith.constant dense<0.000000e+00> : vector<2560x256xf32>
    %dot_general3A_29 = tpu.matmul %convert_element_type3A_23, %convert_element_type3A_27, %dot_general3A_28 {dimension_numbers = #tpu.dot_dimension_numbers<[1], [1], [0], [0], [0, 0, 1, 0], [], []>, transpose_lhs_hint = false} : vector<2560x256xbf16>, vector<256x256xbf16>, vector<2560x256xf32> -> vector<2560x256xf32>
    %get3A_30 = arith.constant 0 : index
    %get3A_31 = arith.constant 0 : index
    %get3A_32 = vector.load %arg6[%get3A_30, %get3A_31] : memref<1x256xf32, #tpu.memory_space<vmem>>, vector<1x256xf32>
    %add3A_33 = vector.broadcast %get3A_32 : vector<1x256xf32> to vector<2560x256xf32>
    %add3A_34 = arith.addf %dot_general3A_29, %add3A_33 : vector<2560x256xf32>
    %swap3A = arith.constant 0 : index
    %swap3A_35 = arith.constant 0 : index
    %swap3A_36 = vector.load %arg7[%swap3A, %swap3A_35] : memref<2560x256xf32, #tpu.memory_space<vmem>>, vector<2560x256xf32>
    tpu.vector_store %arg7[%swap3A, %swap3A_35], %add3A_34 {strides = array<i32>} : memref<2560x256xf32, #tpu.memory_space<vmem>>, vector<2560x256xf32>,
    return
  }
  func.func @transform_0(%arg0: i32) -> (i32, i32) {
    %c0_i32 = arith.constant 0 : i32
    %c0_i32_0 = arith.constant 0 : i32
    return %arg0, %c0_i32 : i32, i32
  }
  func.func @transform_1(%arg0: i32) -> (i32, i32) {
    %add3A = arith.constant 0 : i32
    %add3A_0 = arith.addi %add3A, %arg0 : i32
    %c0_i32 = arith.constant 0 : i32
    %c0_i32_1 = arith.constant 0 : i32
    return %add3A_0, %c0_i32 : i32, i32
  }
  func.func @transform_2(%arg0: i32) -> (i32, i32) {
    %c0_i32 = arith.constant 0 : i32
    %c0_i32_0 = arith.constant 0 : i32
    %c0_i32_1 = arith.constant 0 : i32
    return %c0_i32, %c0_i32_0 : i32, i32
  }
  func.func @transform_3(%arg0: i32) -> (i32, i32) {
    %c0_i32 = arith.constant 0 : i32
    %c0_i32_0 = arith.constant 0 : i32
    %c0_i32_1 = arith.constant 0 : i32
    return %c0_i32, %c0_i32_0 : i32, i32
  }
  func.func @transform_4(%arg0: i32) -> (i32, i32) {
    %c0_i32 = arith.constant 0 : i32
    %c0_i32_0 = arith.constant 0 : i32
    %c0_i32_1 = arith.constant 0 : i32
    return %c0_i32, %c0_i32_0 : i32, i32
  }
  func.func @transform_5(%arg0: i32) -> (i32, i32) {
    %c0_i32 = arith.constant 0 : i32
    %c0_i32_0 = arith.constant 0 : i32
    %c0_i32_1 = arith.constant 0 : i32
    return %c0_i32, %c0_i32_0 : i32, i32
  }
  func.func @transform_6(%arg0: i32) -> (i32, i32) {
    %c0_i32 = arith.constant 0 : i32
    %c0_i32_0 = arith.constant 0 : i32
    return %arg0, %c0_i32 : i32, i32
  }
}

module attributes {stable_mosaic.version = 14 : i64} {
  func.func @k(%arg0: i32, %arg1: memref<2560x128xf32, #tpu.memory_space<vmem>>, %arg2: memref<2560x128xf32, #tpu.memory_space<vmem>>, %arg3: memref<256x256xf32, #tpu.memory_space<vmem>>, %arg4: memref<1x256xf32, #tpu.memory_space<vmem>>, %arg5: memref<256x256xf32, #tpu.memory_space<vmem>>, %arg6: memref<1x256xf32, #tpu.memory_space<vmem>>, %arg7: memref<2560x256xf32, #tpu.memory_space<vmem>>) attributes {dimension_semantics = [#tpu.dimension_semantics<arbitrary>], iteration_bounds = array<i64: 60>, scalar_prefetch = 0 : i64, scratch_operands = 0 : i64, tpu.core_type = #tpu.core_type<tc>, window_params = [{transform_indices = @transform_0, window_bounds = array<i64: 2560, 128>}, {transform_indices = @transform_1, window_bounds = array<i64: 2560, 128>}, {pipeline_mode = #tpu.pipeline_mode<synchronous>, transform_indices = @transform_2, window_bounds = array<i64: 256, 256>}, {pipeline_mode = #tpu.pipeline_mode<synchronous>, transform_indices = @transform_3, window_bounds = array<i64: 1, 256>}, {pipeline_mode = #tpu.pipeline_mode<synchronous>, transform_indices = @transform_4, window_bounds = array<i64: 256, 256>}, {pipeline_mode = #tpu.pipeline_mode<synchronous>, transform_indices = @transform_5, window_bounds = array<i64: 1, 256>}, {transform_indices = @transform_6, window_bounds = array<i64: 2560, 256>}]} {
    %get3A = arith.constant 0 : index
    %get3A_0 = arith.constant 0 : index
    %get3A_1 = vector.load %arg3[%get3A, %get3A_0] : memref<256x256xf32, #tpu.memory_space<vmem>>, vector<256x256xf32>
    %convert_element_type3A = arith.truncf %get3A_1 : vector<256x256xf32> to vector<256x256xbf16>
    %get3A_2 = arith.constant 0 : index
    %get3A_3 = arith.constant 0 : index
    %get3A_4 = vector.load %arg1[%get3A_2, %get3A_3] : memref<2560x128xf32, #tpu.memory_space<vmem>>, vector<2560x128xf32>
    %convert_element_type3A_5 = arith.truncf %get3A_4 : vector<2560x128xf32> to vector<2560x128xbf16>
    %slice3A = vector.extract_strided_slice %convert_element_type3A {offsets = [0, 0], sizes = [256, 128], strides = [1, 1]} : vector<256x256xbf16> to vector<256x128xbf16>
    %dot_general3A = arith.constant dense<0.000000e+00> : vector<2560x256xf32>
    %dot_general3A_6 = tpu.matmul %convert_element_type3A_5, %slice3A, %dot_general3A {dimension_numbers = #tpu.dot_dimension_numbers<[1], [1], [0], [0], [0, 0, 1, 0], [], []>, transpose_lhs_hint = false} : vector<2560x128xbf16>, vector<256x128xbf16>, vector<2560x256xf32> -> vector<2560x256xf32>
    %get3A_7 = arith.constant 0 : index
    %get3A_8 = arith.constant 0 : index
    %get3A_9 = vector.load %arg2[%get3A_7, %get3A_8] : memref<2560x128xf32, #tpu.memory_space<vmem>>, vector<2560x128xf32>
    %convert_element_type3A_10 = arith.truncf %get3A_9 : vector<2560x128xf32> to vector<2560x128xbf16>
    %slice3A_11 = vector.extract_strided_slice %convert_element_type3A {offsets = [0, 128], sizes = [256, 128], strides = [1, 1]} : vector<256x256xbf16> to vector<256x128xbf16>
    %dot_general3A_12 = arith.constant dense<0.000000e+00> : vector<2560x256xf32>
    %dot_general3A_13 = tpu.matmul %convert_element_type3A_10, %slice3A_11, %dot_general3A_12 {dimension_numbers = #tpu.dot_dimension_numbers<[1], [1], [0], [0], [0, 0, 1, 0], [], []>, transpose_lhs_hint = false} : vector<2560x128xbf16>, vector<256x128xbf16>, vector<2560x256xf32> -> vector<2560x256xf32>
    %add3A = arith.addf %dot_general3A_6, %dot_general3A_13 : vector<2560x256xf32>
    %get3A_14 = arith.constant 0 : index
    %get3A_15 = arith.constant 0 : index
    %get3A_16 = vector.load %arg4[%get3A_14, %get3A_15] : memref<1x256xf32, #tpu.memory_space<vmem>>, vector<1x256xf32>
    %add3A_17 = vector.broadcast %get3A_16 : vector<1x256xf32> to vector<2560x256xf32>
    %add3A_18 = arith.addf %add3A, %add3A_17 : vector<2560x256xf32>
    %ge3A = arith.constant 0.000000e+00 : f32
    %ge3A_19 = vector.broadcast %ge3A : f32 to vector<2560x256xf32>
    %ge3A_20 = arith.cmpf oge, %add3A_18, %ge3A_19 : vector<2560x256xf32>
    %mul3A = arith.constant 1.000000e-01 : f32
    %mul3A_21 = vector.broadcast %mul3A : f32 to vector<2560x256xf32>
    %mul3A_22 = arith.mulf %mul3A_21, %add3A_18 : vector<2560x256xf32>
    %select_n3A = arith.select %ge3A_20, %add3A_18, %mul3A_22 : vector<2560x256xi1>, vector<2560x256xf32>
    %convert_element_type3A_23 = arith.truncf %select_n3A : vector<2560x256xf32> to vector<2560x256xbf16>
    %get3A_24 = arith.constant 0 : index
    %get3A_25 = arith.constant 0 : index
    %get3A_26 = vector.load %arg5[%get3A_24, %get3A_25] : memref<256x256xf32, #tpu.memory_space<vmem>>, vector<256x256xf32>
    %convert_element_type3A_27 = arith.truncf %get3A_26 : vector<256x256xf32> to vector<256x256xbf16>
    %dot_general3A_28 = arith.constant dense<0.000000e+00> : vector<2560x256xf32>
    %dot_general3A_29 = tpu.matmul %convert_element_type3A_23, %convert_element_type3A_27, %dot_general3A_28 {dimension_numbers = #tpu.dot_dimension_numbers<[1], [1], [0], [0], [0, 0, 1, 0], [], []>, transpose_lhs_hint = false} : vector<2560x256xbf16>, vector<256x256xbf16>, vector<2560x256xf32> -> vector<2560x256xf32>
    %get3A_30 = arith.constant 0 : index
    %get3A_31 = arith.constant 0 : index
    %get3A_32 = vector.load %arg6[%get3A_30, %get3A_31] : memref<1x256xf32, #tpu.memory_space<vmem>>, vector<1x256xf32>
    %add3A_33 = vector.broadcast %get3A_32 : vector<1x256xf32> to vector<2560x256xf32>
    %add3A_34 = arith.addf %dot_general3A_29, %add3A_33 : vector<2560x256xf32>
    %swap3A = arith.constant 0 : index
    %swap3A_35 = arith.constant 0 : index
    %swap3A_36 = vector.load %arg7[%swap3A, %swap3A_35] : memref<2560x256xf32, #tpu.memory_space<vmem>>, vector<2560x256xf32>
    tpu.vector_store %arg7[%swap3A, %swap3A_35], %add3A_34 {strides = array<i32>} : memref<2560x256xf32, #tpu.memory_space<vmem>>, vector<2560x256xf32>,
    return
  }
  func.func @transform_0(%arg0: i32) -> (i32, i32) {
    %c0_i32 = arith.constant 0 : i32
    %c0_i32_0 = arith.constant 0 : i32
    return %arg0, %c0_i32 : i32, i32
  }
  func.func @transform_1(%arg0: i32) -> (i32, i32) {
    %add3A = arith.constant 65 : i32
    %add3A_0 = arith.addi %add3A, %arg0 : i32
    %c0_i32 = arith.constant 0 : i32
    %c0_i32_1 = arith.constant 0 : i32
    return %add3A_0, %c0_i32 : i32, i32
  }
  func.func @transform_2(%arg0: i32) -> (i32, i32) {
    %c0_i32 = arith.constant 0 : i32
    %c0_i32_0 = arith.constant 0 : i32
    %c0_i32_1 = arith.constant 0 : i32
    return %c0_i32, %c0_i32_0 : i32, i32
  }
  func.func @transform_3(%arg0: i32) -> (i32, i32) {
    %c0_i32 = arith.constant 0 : i32
    %c0_i32_0 = arith.constant 0 : i32
    %c0_i32_1 = arith.constant 0 : i32
    return %c0_i32, %c0_i32_0 : i32, i32
  }
  func.func @transform_4(%arg0: i32) -> (i32, i32) {
    %c0_i32 = arith.constant 0 : i32
    %c0_i32_0 = arith.constant 0 : i32
    %c0_i32_1 = arith.constant 0 : i32
    return %c0_i32, %c0_i32_0 : i32, i32
  }
  func.func @transform_5(%arg0: i32) -> (i32, i32) {
    %c0_i32 = arith.constant 0 : i32
    %c0_i32_0 = arith.constant 0 : i32
    %c0_i32_1 = arith.constant 0 : i32
    return %c0_i32, %c0_i32_0 : i32, i32
  }
  func.func @transform_6(%arg0: i32) -> (i32, i32) {
    %c0_i32 = arith.constant 0 : i32
    %c0_i32_0 = arith.constant 0 : i32
    return %arg0, %c0_i32 : i32, i32
  }
}

module attributes {stable_mosaic.version = 14 : i64} {
  func.func @k(%arg0: i32, %arg1: memref<2000x128xf32, #tpu.memory_space<vmem>>, %arg2: memref<2000x256xf32, #tpu.memory_space<vmem>>, %arg3: memref<2000x256xf32, #tpu.memory_space<vmem>>, %arg4: memref<1x128xf32, #tpu.memory_space<vmem>>, %arg5: memref<512x512xf32, #tpu.memory_space<vmem>>, %arg6: memref<1x512xf32, #tpu.memory_space<vmem>>, %arg7: memref<128x512xf32, #tpu.memory_space<vmem>>, %arg8: memref<1x128xf32, #tpu.memory_space<vmem>>, %arg9: memref<2000x128xf32, #tpu.memory_space<vmem>>, %arg10: memref<8x128xf32, #tpu.memory_space<vmem>>, %arg11: memref<8x128xf32, #tpu.memory_space<vmem>>) attributes {dimension_semantics = [#tpu.dimension_semantics<arbitrary>], iteration_bounds = array<i64: 5>, scalar_prefetch = 0 : i64, scratch_operands = 0 : i64, tpu.core_type = #tpu.core_type<tc>, window_params = [{transform_indices = @transform_0, window_bounds = array<i64: 2000, 128>}, {transform_indices = @transform_1, window_bounds = array<i64: 2000, 256>}, {transform_indices = @transform_2, window_bounds = array<i64: 2000, 256>}, {pipeline_mode = #tpu.pipeline_mode<synchronous>, transform_indices = @transform_3, window_bounds = array<i64: 1, 128>}, {pipeline_mode = #tpu.pipeline_mode<synchronous>, transform_indices = @transform_4, window_bounds = array<i64: 512, 512>}, {pipeline_mode = #tpu.pipeline_mode<synchronous>, transform_indices = @transform_5, window_bounds = array<i64: 1, 512>}, {pipeline_mode = #tpu.pipeline_mode<synchronous>, transform_indices = @transform_6, window_bounds = array<i64: 128, 512>}, {pipeline_mode = #tpu.pipeline_mode<synchronous>, transform_indices = @transform_7, window_bounds = array<i64: 1, 128>}, {transform_indices = @transform_8, window_bounds = array<i64: 2000, 128>}, {pipeline_mode = #tpu.pipeline_mode<synchronous>, transform_indices = @transform_9, window_bounds = array<i64: 8, 128>}, {pipeline_mode = #tpu.pipeline_mode<synchronous>, transform_indices = @transform_10, window_bounds = array<i64: 8, 128>}]} {
    %get3A = arith.constant 0 : index
    %get3A_0 = arith.constant 0 : index
    %get3A_1 = vector.load %arg2[%get3A, %get3A_0] : memref<2000x256xf32, #tpu.memory_space<vmem>>, vector<2000x256xf32>
    %get3A_2 = arith.constant 0 : index
    %get3A_3 = arith.constant 0 : index
    %get3A_4 = vector.load %arg3[%get3A_2, %get3A_3] : memref<2000x256xf32, #tpu.memory_space<vmem>>, vector<2000x256xf32>
    %add3A = arith.addf %get3A_1, %get3A_4 : vector<2000x256xf32>
    %get3A_5 = arith.constant 0 : index
    %get3A_6 = arith.constant 0 : index
    %get3A_7 = vector.load %arg5[%get3A_5, %get3A_6] : memref<512x512xf32, #tpu.memory_space<vmem>>, vector<512x512xf32>
    %convert_element_type3A = arith.truncf %get3A_7 : vector<512x512xf32> to vector<512x512xbf16>
    %slice3A = vector.extract_strided_slice %convert_element_type3A {offsets = [0, 0], sizes = [512, 128], strides = [1, 1]} : vector<512x512xbf16> to vector<512x128xbf16>
    %slice3A_8 = vector.extract_strided_slice %convert_element_type3A {offsets = [0, 128], sizes = [512, 256], strides = [1, 1]} : vector<512x512xbf16> to vector<512x256xbf16>
    %slice3A_9 = vector.extract_strided_slice %convert_element_type3A {offsets = [0, 384], sizes = [512, 128], strides = [1, 1]} : vector<512x512xbf16> to vector<512x128xbf16>
    %get3A_10 = arith.constant 0 : index
    %get3A_11 = arith.constant 0 : index
    %get3A_12 = vector.load %arg4[%get3A_10, %get3A_11] : memref<1x128xf32, #tpu.memory_space<vmem>>, vector<1x128xf32>
    %convert_element_type3A_13 = arith.truncf %get3A_12 : vector<1x128xf32> to vector<1x128xbf16>
    %dot_general3A = arith.constant dense<0.000000e+00> : vector<1x512xf32>
    %dot_general3A_14 = tpu.matmul %convert_element_type3A_13, %slice3A_9, %dot_general3A {dimension_numbers = #tpu.dot_dimension_numbers<[1], [1], [0], [0], [0, 0, 1, 0], [], []>, transpose_lhs_hint = false} : vector<1x128xbf16>, vector<512x128xbf16>, vector<1x512xf32> -> vector<1x512xf32>
    %get3A_15 = arith.constant 0 : index
    %get3A_16 = arith.constant 0 : index
    %get3A_17 = vector.load %arg6[%get3A_15, %get3A_16] : memref<1x512xf32, #tpu.memory_space<vmem>>, vector<1x512xf32>
    %add3A_18 = arith.addf %dot_general3A_14, %get3A_17 : vector<1x512xf32>
    %get3A_19 = arith.constant 0 : index
    %get3A_20 = arith.constant 0 : index
    %get3A_21 = vector.load %arg1[%get3A_19, %get3A_20] : memref<2000x128xf32, #tpu.memory_space<vmem>>, vector<2000x128xf32>
    %convert_element_type3A_22 = arith.truncf %get3A_21 : vector<2000x128xf32> to vector<2000x128xbf16>
    %dot_general3A_23 = arith.constant dense<0.000000e+00> : vector<2000x512xf32>
    %dot_general3A_24 = tpu.matmul %convert_element_type3A_22, %slice3A, %dot_general3A_23 {dimension_numbers = #tpu.dot_dimension_numbers<[1], [1], [0], [0], [0, 0, 1, 0], [], []>, transpose_lhs_hint = false} : vector<2000x128xbf16>, vector<512x128xbf16>, vector<2000x512xf32> -> vector<2000x512xf32>
    %convert_element_type3A_25 = arith.truncf %add3A : vector<2000x256xf32> to vector<2000x256xbf16>
    %dot_general3A_26 = arith.constant dense<0.000000e+00> : vector<2000x512xf32>
    %dot_general3A_27 = tpu.matmul %convert_element_type3A_25, %slice3A_8, %dot_general3A_26 {dimension_numbers = #tpu.dot_dimension_numbers<[1], [1], [0], [0], [0, 0, 1, 0], [], []>, transpose_lhs_hint = false} : vector<2000x256xbf16>, vector<512x256xbf16>, vector<2000x512xf32> -> vector<2000x512xf32>
    %add3A_28 = arith.addf %dot_general3A_24, %dot_general3A_27 : vector<2000x512xf32>
    %add3A_29 = vector.broadcast %add3A_18 : vector<1x512xf32> to vector<2000x512xf32>
    %add3A_30 = arith.addf %add3A_28, %add3A_29 : vector<2000x512xf32>
    %ge3A = arith.constant 0.000000e+00 : f32
    %ge3A_31 = vector.broadcast %ge3A : f32 to vector<2000x512xf32>
    %ge3A_32 = arith.cmpf oge, %add3A_30, %ge3A_31 : vector<2000x512xf32>
    %mul3A = arith.constant 1.000000e-01 : f32
    %mul3A_33 = vector.broadcast %mul3A : f32 to vector<2000x512xf32>
    %mul3A_34 = arith.mulf %mul3A_33, %add3A_30 : vector<2000x512xf32>
    %select_n3A = arith.select %ge3A_32, %add3A_30, %mul3A_34 : vector<2000x512xi1>, vector<2000x512xf32>
    %convert_element_type3A_35 = arith.truncf %select_n3A : vector<2000x512xf32> to vector<2000x512xbf16>
    %get3A_36 = arith.constant 0 : index
    %get3A_37 = arith.constant 0 : index
    %get3A_38 = vector.load %arg7[%get3A_36, %get3A_37] : memref<128x512xf32, #tpu.memory_space<vmem>>, vector<128x512xf32>
    %convert_element_type3A_39 = arith.truncf %get3A_38 : vector<128x512xf32> to vector<128x512xbf16>
    %dot_general3A_40 = arith.constant dense<0.000000e+00> : vector<2000x128xf32>
    %dot_general3A_41 = tpu.matmul %convert_element_type3A_35, %convert_element_type3A_39, %dot_general3A_40 {dimension_numbers = #tpu.dot_dimension_numbers<[1], [1], [0], [0], [0, 0, 1, 0], [], []>, transpose_lhs_hint = false} : vector<2000x512xbf16>, vector<128x512xbf16>, vector<2000x128xf32> -> vector<2000x128xf32>
    %get3A_42 = arith.constant 0 : index
    %get3A_43 = arith.constant 0 : index
    %get3A_44 = vector.load %arg8[%get3A_42, %get3A_43] : memref<1x128xf32, #tpu.memory_space<vmem>>, vector<1x128xf32>
    %add3A_45 = vector.broadcast %get3A_44 : vector<1x128xf32> to vector<2000x128xf32>
    %add3A_46 = arith.addf %dot_general3A_41, %add3A_45 : vector<2000x128xf32>
    %swap3A = arith.constant 0 : index
    %swap3A_47 = arith.constant 0 : index
    %swap3A_48 = vector.load %arg9[%swap3A, %swap3A_47] : memref<2000x128xf32, #tpu.memory_space<vmem>>, vector<2000x128xf32>
    tpu.vector_store %arg9[%swap3A, %swap3A_47], %add3A_46 {strides = array<i32>} : memref<2000x128xf32, #tpu.memory_space<vmem>>, vector<2000x128xf32>,
    %eq3A = arith.constant 0 : i32
    %eq3A_49 = arith.cmpi eq, %arg0, %eq3A : i32
    %convert_element_type3A_50 = arith.extui %eq3A_49 : i1 to i32
    %cond3A = arith.constant 0 : i32
    %cond3A_51 = arith.cmpi ne, %convert_element_type3A_50, %cond3A : i32
    scf.if %cond3A_51 {
      %broadcast_in_dim3A_75 = arith.constant 0.000000e+00 : f32
      %broadcast_in_dim3A_76 = vector.broadcast %broadcast_in_dim3A_75 : f32 to vector<8x128xf32>
      %swap3A_77 = arith.constant 0 : index
      %swap3A_78 = arith.constant 0 : index
      %swap3A_79 = vector.load %arg10[%swap3A_77, %swap3A_78] : memref<8x128xf32, #tpu.memory_space<vmem>>, vector<8x128xf32>
      tpu.vector_store %arg10[%swap3A_77, %swap3A_78], %broadcast_in_dim3A_76 {strides = array<i32>} : memref<8x128xf32, #tpu.memory_space<vmem>>, vector<8x128xf32>,
      %broadcast_in_dim3A_80 = arith.constant 0.000000e+00 : f32
      %broadcast_in_dim3A_81 = vector.broadcast %broadcast_in_dim3A_80 : f32 to vector<8x128xf32>
      %swap3A_82 = arith.constant 0 : index
      %swap3A_83 = arith.constant 0 : index
      %swap3A_84 = vector.load %arg11[%swap3A_82, %swap3A_83] : memref<8x128xf32, #tpu.memory_space<vmem>>, vector<8x128xf32>
      tpu.vector_store %arg11[%swap3A_82, %swap3A_83], %broadcast_in_dim3A_81 {strides = array<i32>} : memref<8x128xf32, #tpu.memory_space<vmem>>, vector<8x128xf32>,
    } else {
    }
    %get3A_52 = arith.constant 0 : index
    %get3A_53 = arith.constant 0 : index
    %get3A_54 = vector.load %arg10[%get3A_52, %get3A_53] : memref<8x128xf32, #tpu.memory_space<vmem>>, vector<8x128xf32>
    %reduce_sum3A = arith.constant dense<0.000000e+00> : vector<128xf32>
    %reduce_sum3A_55 = vector.multi_reduction <add>, %add3A_46, %reduce_sum3A [0] : vector<2000x128xf32> to vector<128xf32>
    %broadcast_in_dim3A = vector.shape_cast %reduce_sum3A_55 : vector<128xf32> to vector<1x128xf32>
    %broadcast_in_dim3A_56 = vector.shape_cast %broadcast_in_dim3A : vector<1x128xf32> to vector<1x128xf32>
    %broadcast_in_dim3A_57 = vector.broadcast %broadcast_in_dim3A_56 : vector<1x128xf32> to vector<8x128xf32>
    %add3A_58 = arith.addf %get3A_54, %broadcast_in_dim3A_57 : vector<8x128xf32>
    %swap3A_59 = arith.constant 0 : index
    %swap3A_60 = arith.constant 0 : index
    %swap3A_61 = vector.load %arg10[%swap3A_59, %swap3A_60] : memref<8x128xf32, #tpu.memory_space<vmem>>, vector<8x128xf32>
    tpu.vector_store %arg10[%swap3A_59, %swap3A_60], %add3A_58 {strides = array<i32>} : memref<8x128xf32, #tpu.memory_space<vmem>>, vector<8x128xf32>,
    %get3A_62 = arith.constant 0 : index
    %get3A_63 = arith.constant 0 : index
    %get3A_64 = vector.load %arg11[%get3A_62, %get3A_63] : memref<8x128xf32, #tpu.memory_space<vmem>>, vector<8x128xf32>
    %mul3A_65 = arith.mulf %add3A_46, %add3A_46 : vector<2000x128xf32>
    %reduce_sum3A_66 = arith.constant dense<0.000000e+00> : vector<128xf32>
    %reduce_sum3A_67 = vector.multi_reduction <add>, %mul3A_65, %reduce_sum3A_66 [0] : vector<2000x128xf32> to vector<128xf32>
    %broadcast_in_dim3A_68 = vector.shape_cast %reduce_sum3A_67 : vector<128xf32> to vector<1x128xf32>
    %broadcast_in_dim3A_69 = vector.shape_cast %broadcast_in_dim3A_68 : vector<1x128xf32> to vector<1x128xf32>
    %broadcast_in_dim3A_70 = vector.broadcast %broadcast_in_dim3A_69 : vector<1x128xf32> to vector<8x128xf32>
    %add3A_71 = arith.addf %get3A_64, %broadcast_in_dim3A_70 : vector<8x128xf32>
    %swap3A_72 = arith.constant 0 : index
    %swap3A_73 = arith.constant 0 : index
    %swap3A_74 = vector.load %arg11[%swap3A_72, %swap3A_73] : memref<8x128xf32, #tpu.memory_space<vmem>>, vector<8x128xf32>
    tpu.vector_store %arg11[%swap3A_72, %swap3A_73], %add3A_71 {strides = array<i32>} : memref<8x128xf32, #tpu.memory_space<vmem>>, vector<8x128xf32>,
    return
  }
  func.func @transform_0(%arg0: i32) -> (i32, i32) {
    %c0_i32 = arith.constant 0 : i32
    %c0_i32_0 = arith.constant 0 : i32
    return %arg0, %c0_i32 : i32, i32
  }
  func.func @transform_1(%arg0: i32) -> (i32, i32) {
    %c0_i32 = arith.constant 0 : i32
    %c0_i32_0 = arith.constant 0 : i32
    return %arg0, %c0_i32 : i32, i32
  }
  func.func @transform_2(%arg0: i32) -> (i32, i32) {
    %c0_i32 = arith.constant 0 : i32
    %c0_i32_0 = arith.constant 0 : i32
    return %arg0, %c0_i32 : i32, i32
  }
  func.func @transform_3(%arg0: i32) -> (i32, i32) {
    %c0_i32 = arith.constant 0 : i32
    %c0_i32_0 = arith.constant 0 : i32
    %c0_i32_1 = arith.constant 0 : i32
    return %c0_i32, %c0_i32_0 : i32, i32
  }
  func.func @transform_4(%arg0: i32) -> (i32, i32) {
    %c0_i32 = arith.constant 0 : i32
    %c0_i32_0 = arith.constant 0 : i32
    %c0_i32_1 = arith.constant 0 : i32
    return %c0_i32, %c0_i32_0 : i32, i32
  }
  func.func @transform_5(%arg0: i32) -> (i32, i32) {
    %c0_i32 = arith.constant 0 : i32
    %c0_i32_0 = arith.constant 0 : i32
    %c0_i32_1 = arith.constant 0 : i32
    return %c0_i32, %c0_i32_0 : i32, i32
  }
  func.func @transform_6(%arg0: i32) -> (i32, i32) {
    %c0_i32 = arith.constant 0 : i32
    %c0_i32_0 = arith.constant 0 : i32
    %c0_i32_1 = arith.constant 0 : i32
    return %c0_i32, %c0_i32_0 : i32, i32
  }
  func.func @transform_7(%arg0: i32) -> (i32, i32) {
    %c0_i32 = arith.constant 0 : i32
    %c0_i32_0 = arith.constant 0 : i32
    %c0_i32_1 = arith.constant 0 : i32
    return %c0_i32, %c0_i32_0 : i32, i32
  }
  func.func @transform_8(%arg0: i32) -> (i32, i32) {
    %c0_i32 = arith.constant 0 : i32
    %c0_i32_0 = arith.constant 0 : i32
    return %arg0, %c0_i32 : i32, i32
  }
  func.func @transform_9(%arg0: i32) -> (i32, i32) {
    %c0_i32 = arith.constant 0 : i32
    %c0_i32_0 = arith.constant 0 : i32
    %c0_i32_1 = arith.constant 0 : i32
    return %c0_i32, %c0_i32_0 : i32, i32
  }
  func.func @transform_10(%arg0: i32) -> (i32, i32) {
    %c0_i32 = arith.constant 0 : i32
    %c0_i32_0 = arith.constant 0 : i32
    %c0_i32_1 = arith.constant 0 : i32
    return %c0_i32, %c0_i32_0 : i32, i32
  }
}

module attributes {stable_mosaic.version = 14 : i64} {
  func.func @k(%arg0: i32, %arg1: memref<2000x128xf32, #tpu.memory_space<vmem>>, %arg2: memref<8x128xf32, #tpu.memory_space<vmem>>, %arg3: memref<8x128xf32, #tpu.memory_space<vmem>>, %arg4: memref<1x128xf32, #tpu.memory_space<vmem>>, %arg5: memref<1x128xf32, #tpu.memory_space<vmem>>, %arg6: memref<2000x128xf32, #tpu.memory_space<vmem>>) attributes {dimension_semantics = [#tpu.dimension_semantics<arbitrary>], iteration_bounds = array<i64: 5>, scalar_prefetch = 0 : i64, scratch_operands = 0 : i64, tpu.core_type = #tpu.core_type<tc>, window_params = [{transform_indices = @transform_0, window_bounds = array<i64: 2000, 128>}, {pipeline_mode = #tpu.pipeline_mode<synchronous>, transform_indices = @transform_1, window_bounds = array<i64: 8, 128>}, {pipeline_mode = #tpu.pipeline_mode<synchronous>, transform_indices = @transform_2, window_bounds = array<i64: 8, 128>}, {pipeline_mode = #tpu.pipeline_mode<synchronous>, transform_indices = @transform_3, window_bounds = array<i64: 1, 128>}, {pipeline_mode = #tpu.pipeline_mode<synchronous>, transform_indices = @transform_4, window_bounds = array<i64: 1, 128>}, {transform_indices = @transform_5, window_bounds = array<i64: 2000, 128>}]} {
    %get3A = arith.constant 0 : index
    %get3A_0 = arith.constant 0 : index
    %get3A_1 = vector.load %arg2[%get3A, %get3A_0] : memref<8x128xf32, #tpu.memory_space<vmem>>, vector<1x128xf32>
    %div3A = arith.constant 1.000000e+04 : f32
    %div3A_2 = vector.broadcast %div3A : f32 to vector<1x128xf32>
    %div3A_3 = arith.divf %get3A_1, %div3A_2 : vector<1x128xf32>
    %get3A_4 = arith.constant 0 : index
    %get3A_5 = arith.constant 0 : index
    %get3A_6 = vector.load %arg3[%get3A_4, %get3A_5] : memref<8x128xf32, #tpu.memory_space<vmem>>, vector<1x128xf32>
    %div3A_7 = arith.constant 1.000000e+04 : f32
    %div3A_8 = vector.broadcast %div3A_7 : f32 to vector<1x128xf32>
    %div3A_9 = arith.divf %get3A_6, %div3A_8 : vector<1x128xf32>
    %mul3A = arith.mulf %div3A_3, %div3A_3 : vector<1x128xf32>
    %sub3A = arith.subf %div3A_9, %mul3A : vector<1x128xf32>
    %get3A_10 = arith.constant 0 : index
    %get3A_11 = arith.constant 0 : index
    %get3A_12 = vector.load %arg4[%get3A_10, %get3A_11] : memref<1x128xf32, #tpu.memory_space<vmem>>, vector<1x128xf32>
    %add3A = arith.constant 9.99999974E-6 : f32
    %add3A_13 = vector.broadcast %add3A : f32 to vector<1x128xf32>
    %add3A_14 = arith.addf %sub3A, %add3A_13 : vector<1x128xf32>
    %rsqrt3A = math.rsqrt %add3A_14 : vector<1x128xf32>
    %mul3A_15 = arith.mulf %get3A_12, %rsqrt3A : vector<1x128xf32>
    %get3A_16 = arith.constant 0 : index
    %get3A_17 = arith.constant 0 : index
    %get3A_18 = vector.load %arg5[%get3A_16, %get3A_17] : memref<1x128xf32, #tpu.memory_space<vmem>>, vector<1x128xf32>
    %mul3A_19 = arith.mulf %div3A_3, %mul3A_15 : vector<1x128xf32>
    %sub3A_20 = arith.subf %get3A_18, %mul3A_19 : vector<1x128xf32>
    %get3A_21 = arith.constant 0 : index
    %get3A_22 = arith.constant 0 : index
    %get3A_23 = vector.load %arg1[%get3A_21, %get3A_22] : memref<2000x128xf32, #tpu.memory_space<vmem>>, vector<2000x128xf32>
    %mul3A_24 = vector.broadcast %mul3A_15 : vector<1x128xf32> to vector<2000x128xf32>
    %mul3A_25 = arith.mulf %get3A_23, %mul3A_24 : vector<2000x128xf32>
    %add3A_26 = vector.broadcast %sub3A_20 : vector<1x128xf32> to vector<2000x128xf32>
    %add3A_27 = arith.addf %mul3A_25, %add3A_26 : vector<2000x128xf32>
    %swap3A = arith.constant 0 : index
    %swap3A_28 = arith.constant 0 : index
    %swap3A_29 = vector.load %arg6[%swap3A, %swap3A_28] : memref<2000x128xf32, #tpu.memory_space<vmem>>, vector<2000x128xf32>
    tpu.vector_store %arg6[%swap3A, %swap3A_28], %add3A_27 {strides = array<i32>} : memref<2000x128xf32, #tpu.memory_space<vmem>>, vector<2000x128xf32>,
    return
  }
  func.func @transform_0(%arg0: i32) -> (i32, i32) {
    %c0_i32 = arith.constant 0 : i32
    %c0_i32_0 = arith.constant 0 : i32
    return %arg0, %c0_i32 : i32, i32
  }
  func.func @transform_1(%arg0: i32) -> (i32, i32) {
    %c0_i32 = arith.constant 0 : i32
    %c0_i32_0 = arith.constant 0 : i32
    %c0_i32_1 = arith.constant 0 : i32
    return %c0_i32, %c0_i32_0 : i32, i32
  }
  func.func @transform_2(%arg0: i32) -> (i32, i32) {
    %c0_i32 = arith.constant 0 : i32
    %c0_i32_0 = arith.constant 0 : i32
    %c0_i32_1 = arith.constant 0 : i32
    return %c0_i32, %c0_i32_0 : i32, i32
  }
  func.func @transform_3(%arg0: i32) -> (i32, i32) {
    %c0_i32 = arith.constant 0 : i32
    %c0_i32_0 = arith.constant 0 : i32
    %c0_i32_1 = arith.constant 0 : i32
    return %c0_i32, %c0_i32_0 : i32, i32
  }
  func.func @transform_4(%arg0: i32) -> (i32, i32) {
    %c0_i32 = arith.constant 0 : i32
    %c0_i32_0 = arith.constant 0 : i32
    %c0_i32_1 = arith.constant 0 : i32
    return %c0_i32, %c0_i32_0 : i32, i32
  }
  func.func @transform_5(%arg0: i32) -> (i32, i32) {
    %c0_i32 = arith.constant 0 : i32
    %c0_i32_0 = arith.constant 0 : i32
    return %arg0, %c0_i32 : i32, i32
  }
}

</mosaic_0001>

<sc_bundles>
// kernel: kernel.10.cloned.1.call-start
scs
__scs_entry_jumppad:
0x0: {  	(pc) =	sbr.rel $0x88, $3  }
0x1: {  	(tag) =	ssettag $0x0;
	lr =	simm.s32 $0x1  }
0x2: {  	[smem:$0x3F92] =	sst lr;
	_ =	strace $0xD0000000  }
0x3: {  	_ = 	snop  }
0x4: {  	_ = 	snop  }
0x5: {  	_ = 	snop  }
0x6: {  	_ = 	snop  }
0x7: {  	_ = 	snop  }
__scs_overlays_trampoline_lowered:
0x8: {  	[smem:$0x3FA1] =	sst s0  }
0x9: {  	[smem:$0x3FA2] =	sst s1  }
0xa: {  	[smem:$0x3FA3] =	sst s2  }
0xb: {  	[smem:$0x3FA4] =	sst s3  }
0xc: {  	[smem:$0x3FA5] =	sst s4  }
0xd: {  	[smem:$0x3FA6] =	sst s5  }
0xe: {  	[smem:$0x3FA7] =	sst s6  }
0xf: {  	[smem:$0x3FA8] =	sst s7  }
0x10: {  	[smem:$0x3FA9] =	sst s8  }
0x11: {  	[smem:$0x3FAA] =	sst s9;
	s0 =	simm.s32 @!p0 $0x0  }
0x12: {  	s1 =	sld [smem:$0x3F90];
	s0 =	simm.s32 @p0 $0x1  }
0x13: {  	[smem:$0x3FAB] =	sst s0;
	s0 =	simm.s32 @!p1 $0x0  }
0x14: {  	s2 =	sld [smem:$0x3F8F];
	s0 =	simm.s32 @p1 $0x1  }
0x15: {  	[smem:$0x3FAC] =	sst s0;
	s0 =	simm.s32 @!p2 $0x0  }
0x16: {  	s3 =	sld [smem:$0x3FDB];
	s0 =	simm.s32 @p2 $0x1  }
0x17: {  	s4 =	simm.s32 $0x1BF5;
	[smem:$0x3FAE] =	sst s0  }
0x18: {  	s0 =	sld [smem:$0x3F91];
	_ =	swait.ge [sflag:s4], $0x0  }
0x19: {  	s7 =	sld [smem:$0x3F92]  }
0x1a: {  	s8 =	sadd.s32 $0xFFFFE003, lr  }
0x1b: {  	s9 =	sadd.s32 $0xFFFFFEF7, lr;
	s5 =	simm.s32 $0xFFFFFFFF;
	p2 =	slt.u32 s8, $0xFFFFF086  }
0x1c: {  	p1 =	slt.u32 s9, $0xF7A;
	s5 =	simm.s32 @!p2 $0x0  }
0x1d: {  	s5 =	simm.s32 @p1 $0x1;
	p0 =	seq.s32 s7, s2  }
0x1e: {  	s7 =	smul.u32 @!p0 $0xF7A, s2;
	p2 =	seq.s32 @!p0 s5, $0x0  }
0x1f: {  	s9 =	smul.u32 $0xF7A, s1;
	s8 =	simm.s32 @!p0 $0x1BF5;
	p2 =	por !p2, p0  }
0x20: {  	[sflag:s8] =	ssyncset.s32 @!p0 $0xFFFFF086;
	s6 =	sadd.s32 @!p0 s3, s7;
	s7 =	simm.s32 @!p0 $0x108  }
0x21: {  	s3 =	sadd.s32 s3, s9;
	s6 =	sadd.s32 @!p0 $0x88, s6;
	s7 =	simm.s32 @p2 $0x1082  }
0x22: {  	[simem:s7], [sflag:s8] =	dma.local @!p0 [hbm:s6], $0xF7A  }
0x23: {  	s9 =	sor.u32 $0xD0000000, s2;
	s6 =	simm.s32 $0x108;
	_ =	swait.ge @!p0 [sflag:s8], $0x0  }
0x24: {  	s3 =	sadd.s32 $0x88, s3;
	s6 =	simm.s32 @!p1 $0x1082;
	[sflag:s4] =	ssyncset.s32 $0xFFFFF086  }
0x25: {  	[simem:s6], [sflag:s4] =	dma.local [hbm:s3], $0xF7A  }
0x26: {  	[smem:$0x3F92] =	sst s1;
	(tag) =	ssettag s2;
	_ =	strace s9  }
0x27: {  	s1 =	sld [smem:$0x3FA2]  }
0x28: {  	s2 =	sld [smem:$0x3FA3]  }
0x29: {  	s4 =	sld [smem:$0x3FA5]  }
0x2a: {  	p0 =	seq.s32 s5, $0x0;
	s5 =	sld [smem:$0x3FA6]  }
0x2b: {  	s6 =	sld [smem:$0x3FA7]  }
0x2c: {  	s7 =	sld [smem:$0x3FA8]  }
0x2d: {  	s3 =	simm.s32 $0x108;
	s8 =	sld [smem:$0x3FA9]  }
0x2e: {  	s3 =	simm.s32 @!p0 $0x1082;
	s9 =	sld [smem:$0x3FAA]  }
0x2f: {  	lr =	sadd.s32 s0, s3;
	s0 =	sld [smem:$0x3FA1]  }
0x30: {  	s3 =	sld [smem:$0x3FA4]  }
0x31: {  	[smem:$0x3FAD] =	sst s10  }
0x32: {  	s10 =	sld [smem:$0x3FAB];
	_ =	sdelay $0x3  }
0x33: {  	p0 =	seq.s32 s10, $0x1;
	s10 =	sld [smem:$0x3FAD];
	_ =	sdelay $0x3  }
0x34: {  	[smem:$0x3FAD] =	sst s10  }
0x35: {  	s10 =	sld [smem:$0x3FAC];
	_ =	sdelay $0x3  }
0x36: {  	p1 =	seq.s32 s10, $0x1;
	s10 =	sld [smem:$0x3FAD];
	_ =	sdelay $0x3  }
0x37: {  	[smem:$0x3FAD] =	sst s10  }
0x38: {  	s10 =	sld [smem:$0x3FAE]  }
0x39: {  	_ = 	snop;
	(pc) =	sbr.ind lr, $3  }
0x3a: {  	_ = 	snop  }
0x3b: {  	_ = 	snop  }
0x3c: {  	p2 =	seq.s32 s10, $0x1;
	s10 =	sld [smem:$0x3FAD]  }
0x3d: {  	_ =	shalt  }
0x3e: {  	_ =	shalt  }
0x3f: {  	_ =	shalt  }
0x40: {  	_ =	shalt  }
0x41: {  	_ =	shalt  }
0x42: {  	_ =	shalt  }
0x43: {  	_ =	shalt  }
0x44: {  	_ =	shalt  }
0x45: {  	_ =	shalt  }
0x46: {  	_ =	shalt  }
0x47: {  	_ =	shalt  }
0x48: {  	_ =	shalt  }
0x49: {  	_ =	shalt  }
0x4a: {  	_ =	shalt  }
0x4b: {  	_ =	shalt  }
0x4c: {  	_ =	shalt  }
0x4d: {  	_ =	shalt  }
0x4e: {  	_ =	shalt  }
0x4f: {  	_ =	shalt  }
0x50: {  	_ =	shalt  }
0x51: {  	_ =	shalt  }
0x52: {  	_ =	shalt  }
0x53: {  	_ =	shalt  }
0x54: {  	_ =	shalt  }
0x55: {  	_ =	shalt  }
0x56: {  	_ =	shalt  }
0x57: {  	_ =	shalt  }
0x58: {  	_ =	shalt  }
0x59: {  	_ =	shalt  }
0x5a: {  	_ =	shalt  }
0x5b: {  	_ =	shalt  }
0x5c: {  	_ =	shalt  }
0x5d: {  	_ =	shalt  }
0x5e: {  	_ =	shalt  }
0x5f: {  	_ =	shalt  }
0x60: {  	_ =	shalt  }
0x61: {  	_ =	shalt  }
0x62: {  	_ =	shalt  }
0x63: {  	_ =	shalt  }
0x64: {  	_ =	shalt  }
0x65: {  	_ =	shalt  }
0x66: {  	_ =	shalt  }
0x67: {  	_ =	shalt  }
0x68: {  	_ =	shalt  }
0x69: {  	_ =	shalt  }
0x6a: {  	_ =	shalt  }
0x6b: {  	_ =	shalt  }
0x6c: {  	_ =	shalt  }
0x6d: {  	_ =	shalt  }
0x6e: {  	_ =	shalt  }
0x6f: {  	_ =	shalt  }
0x70: {  	_ =	shalt  }
0x71: {  	_ =	shalt  }
0x72: {  	_ =	shalt  }
0x73: {  	_ =	shalt  }
0x74: {  	_ =	shalt  }
0x75: {  	_ =	shalt  }
0x76: {  	_ =	shalt  }
0x77: {  	_ =	shalt  }
0x78: {  	_ =	shalt  }
0x79: {  	_ =	shalt  }
0x7a: {  	_ =	shalt  }
0x7b: {  	_ =	shalt  }
0x7c: {  	_ =	shalt  }
0x7d: {  	_ =	shalt  }
0x7e: {  	_ =	shalt  }
0x7f: {  	_ =	shalt  }
0x80: {  	_ =	shalt  }
0x81: {  	_ =	shalt  }
0x82: {  	_ =	shalt  }
0x83: {  	_ =	shalt  }
0x84: {  	_ =	shalt  }
0x85: {  	_ =	shalt  }
0x86: {  	_ =	shalt  }
0x87: {  	_ =	shalt  }
.Lfunc_end0:
.L_simem_size_0:
called_computation_lowered:
.L_overlay_start_0:
0x88: {  	s2 =	sld [smem:$0x3FD9]  }
0x89: {  	s3 =	sld [smem:$0x3FFE];
	_ =	sdelay $0x1  }
0x8a: {  	s1 =	srdreg.scid  }
0x8b: {  	s0 =	sand.u32 $0x1, s1  }
0x8c: {  	s17 =	sshll.u32 s0, $0xA;
	s2 =	sadd.s32 s3, s2  }
0x8d: {  	s2 =	sadd.s32 s2, s17  }
0x8e: {  	[smem:$0x3FB9] =	sst s2  }
0x8f: {  	_ = 	snop  }
0x90: {  	s2 =	sld [smem:$0x3FC9]  }
0x91: {  	s18 =	sld [smem:$0x3FD0];
	(tm) =	ssettm $0x1  }
0x92: {  	s4 =	sld [smem:$0x3FFB];
	_ =	sdelay $0x3  }
0x93: {  	_ =	strace s4  }
0x94: {  	s4 =	sld [smem:$0x3FFC];
	_ =	sdelay $0x3  }
0x95: {  	_ =	strace s4  }
0x96: {  	s4 =	sld [smem:$0x3FFD];
	_ =	sdelay $0x3  }
0x97: {  	_ =	strace s4  }
0x98: {  	_ =	strace $0x8FFFFFFF  }
0x99: {  	s19 =	sld [smem:$0x3FDB];
	_ =	sdelay $0x1  }
0x9a: {  	s5 =	simm.s32 $_scs_section_size  }
0x9b: {  	s6 =	simm.s32 $_size__tile_overlayer_lowered;
	s7 =	simm.s32 $_tile_overlayer_lowered  }
0x9c: {  	s22 =	simm.s32 $0x1BFF;
	s21 =	sshll.u32 s7, $0x1;
	s4 =	sadd.s32 s5, s19  }
0x9d: {  	s8 =	simm.s32 $0x0;
	s20 =	sshll.u32 s6, $0x1;
	s6 =	sadd.s32 s21, s4  }
0x9e: {  	[timem:s8], [sflag:s22] =	dma.local [hbm:s6], s20  }
0x9f: {  	_ =	swait.ge [sflag:s22], s20  }
0xa0: {  	s5 =	ssub.s32 $0x0, s20;
	[sflag:s22] =	ssyncset.done $0x0  }
0xa1: {  	[sflag:s22] =	ssyncadd.s32 s5;
	_ =	sdelay $0x1  }
0xa2: {  	s23 =	simm.s32 $0x1B8B  }
0xa3: {  	_ =	swait.ge [sflag:s23], $0x1  }
0xa4: {  	[sflag:s23] =	ssyncset.done $0x0  }
0xa5: {  	s25 =	simm.s32 $0x1B8E;
	s24 =	sld [smem:$0x3FFE];
	[sflag:s23] =	ssyncadd.s32 $0xFFFFFFFF  }
0xa6: {  	s26 =	simm.s32 $execute0_lowered;
	[smem:$0x3FD2] =	sst s25  }
0xa7: {  	s6 =	sshll.u32 s26, $0x1;
	_ =	strace $0x80000046;
	[dreg:$0x1] =	wrdreg $0xFFFFFFFF  }
0xa8: {  	s28 =	simm.s32 $_size_execute0_lowered;
	s4 =	sadd.s32 s4, s6;
	[dreg:$0x0] =	wrdreg $0x0  }
0xa9: {  	s6 =	sshll.u32 s28, $0x1;
	[dreg:$0x2] =	wrdreg s4  }
0xaa: {  	[dreg:$0x3] =	wrdreg s6  }
0xab: {  	[dreg:$0x4] =	wrdreg $0xC0  }
0xac: {  	_ =	task [dreg:s8], $0x5FFFF  }
0xad: {  	[dreg:$0x1] =	wrdreg $0xFFFFFFFF  }
0xae: {  	[dreg:$0x0] =	wrdreg $0x60  }
0xaf: {  	[dreg:$0x2] =	wrdreg s2  }
0xb0: {  	[dreg:$0x3] =	wrdreg s18  }
0xb1: {  	[dreg:$0x4] =	wrdreg s24  }
0xb2: {  	[dreg:$0x5] =	wrdreg $0x9  }
0xb3: {  	_ =	task.clear_ibuf [dreg:s8], $0x6FFFF;
	_ =	strace $0x90000046  }
0xb4: {  	s29 =	simm.s32 $0x9;
	_ =	strace $0x80000048  }
0xb5: {  	_ =	swait.ge [sflag:s29], $0x1  }
0xb6: {  	[sflag:s29] =	ssyncadd.s32 $0xFFFFFFFF  }
0xb7: {  	_ =	strace $0x90000048  }
0xb8: {  	_ =	sfence  }
0xb9: {  	s30 =	sld [smem:$0x0];
	_ =	sdelay $0x2  }
0xba: {  	s31 =	sshll.u32 s1, $0xD;
	s1 =	sshrl.u32 s1, $0x2  }
0xbb: {  	s3 =	sand.u32 $0x4000, s31;
	s1 =	sadd.s32 s1, s30  }
0xbc: {  	s0 =	sor.u32 s3, s0;
	s1 =	sshll.u32 s1, $0x11  }
0xbd: {  	s0 =	sor.u32 s1, s0  }
0xbe: {  	s0 =	sadd.s32 $0x8F2B, s0  }
0xbf: {  	[sflag:s0] =	ssyncadd.remote.s32 $0x1  }
0xc0: {  	_ =	sfence.sel $0xFFFF  }
0xc1: {  	[dreg:$0x0] =	wrdreg $0xFFFFFFFF;
	(pc) =	sbr.abs _section_cstart, $3  }
0xc2: {  	[dreg:$0x1] =	wrdreg $0xFFFFFFFF  }
0xc3: {  	_ =	task.clear_ibuf [dreg:s8], $0x2FFFF;
	_ =	strace $0x9FFFFFFF  }
0xc4: {  	(tm) =	ssettm $0x7FFFFFFF  }
0xc5: {  	_ =	shalt  }
tec
execute0_lowered:
.L_overlay_start_1:
0x0: {  	(tag) =	ssettag $0x1  }
0x1: {  	s1 =	rddreg [dreg:$0x0]  }
0x2: {  	s0 =	rddreg [dreg:$0x1]  }
0x3: {  	s2 =	srdreg.scid;
	s9 =	stileid.u32  }
0x4: {  	s4 =	rddreg [dreg:$0x2];
	s3 =	simm.s32 $0x0;
	s10 =	simm.s32 $0x800  }
0x5: {  	s11 =	simm.s32 $0x80;
	s12 =	simm.s32 $0x3000;
	s13 =	simm.s32 $0x100  }
0x6: {  	s14 =	simm.s32 $0x5800;
	s15 =	simm.s32 $0x180;
	s16 =	simm.s32 $0x8000  }
0x7: {  	s17 =	simm.s32 $0x200;
	s18 =	simm.s32 $0xA800;
	s19 =	simm.s32 $0x400  }
0x8: {  	s26 =	simm.s32 $0x480;
	s28 =	simm.s32 $0x17000;
	s29 =	simm.s32 $0x1  }
0x9: {  	s30 =	simm.s32 $0x2;
	s31 =	simm.s32 $0x0;
	s2 =	sand.u32 $0x1, s2  }
0xa: {  	s5 =	sshll.u32 s9, $0x1;
	[smem:$0x7FF] =	sst s3;
	s4 =	sadd.s32 $0x7A00, s4  }
0xb: {  	s21 =	sshll.u32 s9, $0x8;
	s25 =	smul.u32 $0x3200, s9;
	s9 =	simm.s32 $0x50  }
0xc: {  	s5 =	sor.u32 s2, s5;
	_ =	strace $0x80000047;
	s7 =	ssub.s32 $0x2, s2  }
0xd: {  	s23 =	sadd.s32 s21, s0;
	s24 =	sshll.u32 s2, $0x7;
	s2 =	smul.u32 $0x1900, s2  }
0xe: {  	[dreg:$0x6] =	wrdreg s26;
	s6 =	smul.u32 $0xC800, s5;
	s8 =	sshrl.u32 s7, $0x1  }
0xf: {  	s26 =	simm.s32 $0x600;
	s5 =	sshll.u32 s5, $0x7;
	s7 =	ssub.s32 s7, s8  }
0x10: {  	s5 =	sadd.s32 s0, s5;
	s8 =	simm.s32 $0x3;
	s6 =	sshrl.u32 s6, $0x3  }
0x11: {  	[dreg:$0x7] =	wrdreg s5;
	s22 =	smax.u32 s7, $0x1;
	s5 =	sor.u32 s24, s21  }
0x12: {  	s21 =	simm.s32 $0xF800;
	s6 =	sadd.s32 s4, s6;
	[dreg:$0x9] =	wrdreg s22  }
0x13: {  	s0 =	sadd.s32 s5, s0;
	s4 =	sadd.s32 s25, s4;
	s22 =	simm.s32 $0x500  }
0x14: {  	s25 =	simm.s32 $0x14800;
	s20 =	sadd.s32 $0x258000, s6;
	s6 =	sadd.s32 s24, s23  }
0x15: {  	s5 =	sadd.s32 $0x1000, s0;
	s0 =	sadd.s32 s2, s4;
	[dreg:$0x8] =	wrdreg s20  }
0x16: {  	s23 =	simm.s32 $0x12000;
	s6 =	sadd.s32 $0x2000, s6;
	[dreg:$0x5] =	wrdreg s5  }
0x17: {  	s24 =	simm.s32 $0x580;
	s20 =	simm.s32 $0xD000;
	[dreg:$0x4] =	wrdreg s6  }
.LBB2_1:
0x18: {  	s2 =	rddreg [dreg:$0x7]  }
0x19: {  	[tilespmem:s3], [sflag:$0x3] =	stream.linear.gather [hbm4b:s2+s3], $0x280, $0x38;
	[tilespmem:$0x19800] =	vst v63  }
0x1a: {  	_ =	swait.ge [sflag:s8], $0x280  }
0x1b: {  	[sflag:s8] =	ssyncset.done $0x0  }
0x1c: {  	[sflag:s8] =	ssyncadd.s32 $0xFFFFFD80  }
0x1d: {  	[tilespmem:s10], [sflag:$0x1] =	stream.indirect.gather [hbm4b:s1+s9], $0x80, s3, s9, $0xb8;
	[tilespmem:$0x19800] =	vst v63  }
0x1e: {  	_ = 	snop  }
0x1f: {  	[tilespmem:s12], [sflag:$0x1] =	stream.indirect.gather [hbm4b:s1+s9], $0x80, s11, s9, $0xb8;
	[tilespmem:$0x19800] =	vst v63  }
0x20: {  	_ = 	snop  }
0x21: {  	[tilespmem:s14], [sflag:$0x1] =	stream.indirect.gather [hbm4b:s1+s9], $0x80, s13, s9, $0xb8;
	[tilespmem:$0x19800] =	vst v63  }
0x22: {  	_ = 	snop  }
0x23: {  	[tilespmem:s16], [sflag:$0x1] =	stream.indirect.gather [hbm4b:s1+s9], $0x80, s15, s9, $0xb8;
	[tilespmem:$0x19800] =	vst v63  }
0x24: {  	s4 =	rddreg [dreg:$0x5]  }
0x25: {  	[tilespmem:s18], [sflag:$0x1] =	stream.indirect.gather [hbm4b:s1+s9], $0x80, s17, s9, $0xb8;
	[tilespmem:$0x19800] =	vst v63  }
0x26: {  	s2 =	sadd.s32 $0x0, s4  }
0x27: {  	[tilespmem:s19], [sflag:$0x3] =	stream.linear.gather [hbm4b:s2+s3], $0x280, $0x38;
	[tilespmem:$0x19800] =	vst v63  }
0x28: {  	_ =	swait.ge [sflag:s8], $0x280  }
0x29: {  	[sflag:s8] =	ssyncset.done $0x0  }
0x2a: {  	[sflag:s8] =	ssyncadd.s32 $0xFFFFFD80  }
0x2b: {  	[tilespmem:s20], [sflag:$0x2] =	stream.indirect.gather [hbm4b:s1+s9], $0x80, s19, s9, $0xb8;
	[tilespmem:$0x19800] =	vst v63  }
0x2c: {  	s5 =	rddreg [dreg:$0x6]  }
0x2d: {  	[tilespmem:s21], [sflag:$0x2] =	stream.indirect.gather [hbm4b:s1+s9], $0x80, s5, s9, $0xb8;
	[tilespmem:$0x19800] =	vst v63  }
0x2e: {  	_ = 	snop  }
0x2f: {  	[tilespmem:s23], [sflag:$0x2] =	stream.indirect.gather [hbm4b:s1+s9], $0x80, s22, s9, $0xb8;
	[tilespmem:$0x19800] =	vst v63  }
0x30: {  	_ = 	snop  }
0x31: {  	[tilespmem:s25], [sflag:$0x2] =	stream.indirect.gather [hbm4b:s1+s9], $0x80, s24, s9, $0xb8;
	[tilespmem:$0x19800] =	vst v63  }
0x32: {  	_ = 	snop  }
0x33: {  	[tilespmem:s28], [sflag:$0x2] =	stream.indirect.gather [hbm4b:s1+s9], $0x80, s26, s9, $0xb8;
	[tilespmem:$0x19800] =	vst v63  }
0x34: {  	_ =	swait.ge [sflag:s29], $0x2800  }
0x35: {  	[sflag:s29] =	ssyncset.done $0x0  }
0x36: {  	[sflag:s29] =	ssyncadd.s32 $0xFFFFD800  }
0x37: {  	_ =	swait.ge [sflag:s29], $0x2800  }
0x38: {  	[sflag:s29] =	ssyncset.done $0x0  }
0x39: {  	[sflag:s29] =	ssyncadd.s32 $0xFFFFD800  }
0x3a: {  	_ =	swait.ge [sflag:s29], $0x2800  }
0x3b: {  	[sflag:s29] =	ssyncset.done $0x0  }
0x3c: {  	[sflag:s29] =	ssyncadd.s32 $0xFFFFD800  }
0x3d: {  	_ =	swait.ge [sflag:s29], $0x2800  }
0x3e: {  	[sflag:s29] =	ssyncset.done $0x0  }
0x3f: {  	[sflag:s29] =	ssyncadd.s32 $0xFFFFD800  }
0x40: {  	_ =	swait.ge [sflag:s29], $0x2800  }
0x41: {  	[sflag:s29] =	ssyncset.done $0x0  }
0x42: {  	[sflag:s29] =	ssyncadd.s32 $0xFFFFD800  }
0x43: {  	[hbm4b:s0+s3] =	stream.linear.scatter [tilespmem:s10], [sflag:$0x3], $0xC800, $0x38;
	[tilespmem:$0x19800] =	vst v63  }
0x44: {  	_ =	swait.ge [sflag:s8], $0xC800  }
0x45: {  	s6 =	rddreg [dreg:$0x4];
	[sflag:s8] =	ssyncset.done $0x0  }
0x46: {  	[sflag:s8] =	ssyncadd.s32 $0xFFFF3800;
	s2 =	sadd.s32 $0x0, s6  }
0x47: {  	[tilespmem:s3], [sflag:$0x3] =	stream.linear.gather [hbm4b:s2+s3], $0x280, $0x38;
	[tilespmem:$0x19800] =	vst v63  }
0x48: {  	_ =	swait.ge [sflag:s8], $0x280  }
0x49: {  	[sflag:s8] =	ssyncset.done $0x0  }
0x4a: {  	[sflag:s8] =	ssyncadd.s32 $0xFFFFFD80  }
0x4b: {  	[tilespmem:s10], [sflag:$0x1] =	stream.indirect.gather [hbm4b:s1+s9], $0x80, s3, s9, $0xb8;
	[tilespmem:$0x19800] =	vst v63  }
0x4c: {  	_ = 	snop  }
0x4d: {  	[tilespmem:s12], [sflag:$0x1] =	stream.indirect.gather [hbm4b:s1+s9], $0x80, s11, s9, $0xb8;
	[tilespmem:$0x19800] =	vst v63  }
0x4e: {  	_ = 	snop  }
0x4f: {  	[tilespmem:s14], [sflag:$0x1] =	stream.indirect.gather [hbm4b:s1+s9], $0x80, s13, s9, $0xb8;
	[tilespmem:$0x19800] =	vst v63  }
0x50: {  	_ = 	snop  }
0x51: {  	[tilespmem:s16], [sflag:$0x1] =	stream.indirect.gather [hbm4b:s1+s9], $0x80, s15, s9, $0xb8;
	[tilespmem:$0x19800] =	vst v63  }
0x52: {  	_ = 	snop  }
0x53: {  	[tilespmem:s18], [sflag:$0x1] =	stream.indirect.gather [hbm4b:s1+s9], $0x80, s17, s9, $0xb8;
	[tilespmem:$0x19800] =	vst v63  }
0x54: {  	_ =	swait.ge [sflag:s30], $0x2800  }
0x55: {  	[sflag:s30] =	ssyncset.done $0x0  }
0x56: {  	[sflag:s30] =	ssyncadd.s32 $0xFFFFD800  }
0x57: {  	_ =	swait.ge [sflag:s30], $0x2800  }
0x58: {  	[sflag:s30] =	ssyncset.done $0x0  }
0x59: {  	[sflag:s30] =	ssyncadd.s32 $0xFFFFD800  }
0x5a: {  	_ =	swait.ge [sflag:s30], $0x2800  }
0x5b: {  	[sflag:s30] =	ssyncset.done $0x0  }
0x5c: {  	[sflag:s30] =	ssyncadd.s32 $0xFFFFD800  }
0x5d: {  	_ =	swait.ge [sflag:s30], $0x2800  }
0x5e: {  	[sflag:s30] =	ssyncset.done $0x0  }
0x5f: {  	[sflag:s30] =	ssyncadd.s32 $0xFFFFD800  }
0x60: {  	_ =	swait.ge [sflag:s30], $0x2800  }
0x61: {  	[sflag:s30] =	ssyncset.done $0x0  }
0x62: {  	s7 =	sadd.s32 $0x32000, s0;
	[sflag:s30] =	ssyncadd.s32 $0xFFFFD800  }
0x63: {  	[hbm4b:s7+s3] =	stream.linear.scatter [tilespmem:s20], [sflag:$0x3], $0xC800, $0x38;
	[tilespmem:$0x19800] =	vst v63  }
0x64: {  	s4 =	simm.s32 $0x4000;
	s2 =	simm.s32 $0x2000;
	_ =	swait.ge [sflag:s8], $0xC800  }
0x65: {  	s7 =	smov.u32 s0;
	s6 =	rddreg [dreg:$0x5];
	[sflag:s8] =	ssyncset.done $0x0  }
.LBB2_2:
0x66: {  	[sflag:s8] =	ssyncadd.s32 $0xFFFF3800;
	s6 =	sadd.s32 s2, s6  }
0x67: {  	[tilespmem:s19], [sflag:$0x3] =	stream.linear.gather [hbm4b:s6+s3], $0x280, $0x38;
	[tilespmem:$0x19800] =	vst v63  }
0x68: {  	_ =	swait.ge [sflag:s8], $0x280  }
0x69: {  	[sflag:s8] =	ssyncset.done $0x0  }
0x6a: {  	[sflag:s8] =	ssyncadd.s32 $0xFFFFFD80  }
0x6b: {  	[tilespmem:s20], [sflag:$0x2] =	stream.indirect.gather [hbm4b:s1+s9], $0x80, s19, s9, $0xb8;
	[tilespmem:$0x19800] =	vst v63  }
0x6c: {  	s6 =	rddreg [dreg:$0x6]  }
0x6d: {  	[tilespmem:s21], [sflag:$0x2] =	stream.indirect.gather [hbm4b:s1+s9], $0x80, s6, s9, $0xb8;
	[tilespmem:$0x19800] =	vst v63  }
0x6e: {  	_ = 	snop  }
0x6f: {  	[tilespmem:s23], [sflag:$0x2] =	stream.indirect.gather [hbm4b:s1+s9], $0x80, s22, s9, $0xb8;
	[tilespmem:$0x19800] =	vst v63  }
0x70: {  	_ = 	snop  }
0x71: {  	[tilespmem:s25], [sflag:$0x2] =	stream.indirect.gather [hbm4b:s1+s9], $0x80, s24, s9, $0xb8;
	[tilespmem:$0x19800] =	vst v63  }
0x72: {  	_ = 	snop  }
0x73: {  	[tilespmem:s28], [sflag:$0x2] =	stream.indirect.gather [hbm4b:s1+s9], $0x80, s26, s9, $0xb8;
	[tilespmem:$0x19800] =	vst v63  }
0x74: {  	_ =	swait.ge [sflag:s29], $0x2800  }
0x75: {  	[sflag:s29] =	ssyncset.done $0x0  }
0x76: {  	[sflag:s29] =	ssyncadd.s32 $0xFFFFD800  }
0x77: {  	_ =	swait.ge [sflag:s29], $0x2800  }
0x78: {  	[sflag:s29] =	ssyncset.done $0x0  }
0x79: {  	[sflag:s29] =	ssyncadd.s32 $0xFFFFD800  }
0x7a: {  	_ =	swait.ge [sflag:s29], $0x2800  }
0x7b: {  	[sflag:s29] =	ssyncset.done $0x0  }
0x7c: {  	[sflag:s29] =	ssyncadd.s32 $0xFFFFD800  }
0x7d: {  	_ =	swait.ge [sflag:s29], $0x2800  }
0x7e: {  	[sflag:s29] =	ssyncset.done $0x0  }
0x7f: {  	[sflag:s29] =	ssyncadd.s32 $0xFFFFD800  }
0x80: {  	_ =	swait.ge [sflag:s29], $0x2800  }
0x81: {  	[sflag:s29] =	ssyncset.done $0x0  }
0x82: {  	s7 =	sadd.s32 $0x64000, s7;
	[sflag:s29] =	ssyncadd.s32 $0xFFFFD800  }
0x83: {  	[hbm4b:s7+s3] =	stream.linear.scatter [tilespmem:s10], [sflag:$0x3], $0xC800, $0x38;
	[tilespmem:$0x19800] =	vst v63  }
0x84: {  	_ =	swait.ge [sflag:s8], $0xC800  }
0x85: {  	s6 =	rddreg [dreg:$0x4];
	[sflag:s8] =	ssyncset.done $0x0  }
0x86: {  	[sflag:s8] =	ssyncadd.s32 $0xFFFF3800;
	s6 =	sadd.s32 s2, s6  }
0x87: {  	[tilespmem:s3], [sflag:$0x3] =	stream.linear.gather [hbm4b:s6+s3], $0x280, $0x38;
	[tilespmem:$0x19800] =	vst v63  }
0x88: {  	_ =	swait.ge [sflag:s8], $0x280  }
0x89: {  	[sflag:s8] =	ssyncset.done $0x0  }
0x8a: {  	[sflag:s8] =	ssyncadd.s32 $0xFFFFFD80  }
0x8b: {  	[tilespmem:s10], [sflag:$0x1] =	stream.indirect.gather [hbm4b:s1+s9], $0x80, s3, s9, $0xb8;
	[tilespmem:$0x19800] =	vst v63  }
0x8c: {  	_ = 	snop  }
0x8d: {  	[tilespmem:s12], [sflag:$0x1] =	stream.indirect.gather [hbm4b:s1+s9], $0x80, s11, s9, $0xb8;
	[tilespmem:$0x19800] =	vst v63  }
0x8e: {  	_ = 	snop  }
0x8f: {  	[tilespmem:s14], [sflag:$0x1] =	stream.indirect.gather [hbm4b:s1+s9], $0x80, s13, s9, $0xb8;
	[tilespmem:$0x19800] =	vst v63  }
0x90: {  	_ = 	snop  }
0x91: {  	[tilespmem:s16], [sflag:$0x1] =	stream.indirect.gather [hbm4b:s1+s9], $0x80, s15, s9, $0xb8;
	[tilespmem:$0x19800] =	vst v63  }
0x92: {  	_ = 	snop  }
0x93: {  	[tilespmem:s18], [sflag:$0x1] =	stream.indirect.gather [hbm4b:s1+s9], $0x80, s17, s9, $0xb8;
	[tilespmem:$0x19800] =	vst v63  }
0x94: {  	_ =	swait.ge [sflag:s30], $0x2800  }
0x95: {  	[sflag:s30] =	ssyncset.done $0x0  }
0x96: {  	[sflag:s30] =	ssyncadd.s32 $0xFFFFD800  }
0x97: {  	_ =	swait.ge [sflag:s30], $0x2800  }
0x98: {  	[sflag:s30] =	ssyncset.done $0x0  }
0x99: {  	[sflag:s30] =	ssyncadd.s32 $0xFFFFD800  }
0x9a: {  	_ =	swait.ge [sflag:s30], $0x2800  }
0x9b: {  	[sflag:s30] =	ssyncset.done $0x0  }
0x9c: {  	[sflag:s30] =	ssyncadd.s32 $0xFFFFD800  }
0x9d: {  	_ =	swait.ge [sflag:s30], $0x2800  }
0x9e: {  	[sflag:s30] =	ssyncset.done $0x0  }
0x9f: {  	[sflag:s30] =	ssyncadd.s32 $0xFFFFD800  }
0xa0: {  	p0 =	sne.s32 s4, $0xA000;
	_ =	swait.ge [sflag:s30], $0x2800  }
.Ltmp0:
0xa1: {  	[sflag:s30] =	ssyncset.done $0x0;
	(pc) =	sbr.rel @p0 .LBB2_2-.Ltmp0, $4  }
0xa2: {  	s6 =	sadd.s32 $0x32000, s7;
	[sflag:s30] =	ssyncadd.s32 $0xFFFFD800  }
0xa3: {  	[hbm4b:s6+s3] =	stream.linear.scatter [tilespmem:s20], [sflag:$0x3], $0xC800, $0x38;
	[tilespmem:$0x19800] =	vst v63  }
0xa4: {  	s5 =	smov.u32 s4;
	s4 =	sadd.s32 $0x2000, s4;
	_ =	swait.ge [sflag:s8], $0xC800  }
0xa5: {  	s2 =	smov.u32 s5;
	s6 =	rddreg [dreg:$0x5];
	[sflag:s8] =	ssyncset.done $0x0  }
0xa6: {  	[sflag:s8] =	ssyncadd.s32 $0xFFFF3800;
	s4 =	sadd.s32 s2, s6  }
0xa7: {  	[tilespmem:s19], [sflag:$0x3] =	stream.linear.gather [hbm4b:s4+s3], $0x280, $0x38;
	[tilespmem:$0x19800] =	vst v63  }
0xa8: {  	_ =	swait.ge [sflag:s8], $0x280  }
0xa9: {  	[sflag:s8] =	ssyncset.done $0x0  }
0xaa: {  	[sflag:s8] =	ssyncadd.s32 $0xFFFFFD80  }
0xab: {  	[tilespmem:s20], [sflag:$0x2] =	stream.indirect.gather [hbm4b:s1+s9], $0x80, s19, s9, $0xb8;
	[tilespmem:$0x19800] =	vst v63  }
0xac: {  	s5 =	rddreg [dreg:$0x6]  }
0xad: {  	[tilespmem:s21], [sflag:$0x2] =	stream.indirect.gather [hbm4b:s1+s9], $0x80, s5, s9, $0xb8;
	[tilespmem:$0x19800] =	vst v63  }
0xae: {  	_ = 	snop  }
0xaf: {  	[tilespmem:s23], [sflag:$0x2] =	stream.indirect.gather [hbm4b:s1+s9], $0x80, s22, s9, $0xb8;
	[tilespmem:$0x19800] =	vst v63  }
0xb0: {  	_ = 	snop  }
0xb1: {  	[tilespmem:s25], [sflag:$0x2] =	stream.indirect.gather [hbm4b:s1+s9], $0x80, s24, s9, $0xb8;
	[tilespmem:$0x19800] =	vst v63  }
0xb2: {  	_ = 	snop  }
0xb3: {  	[tilespmem:s28], [sflag:$0x2] =	stream.indirect.gather [hbm4b:s1+s9], $0x80, s26, s9, $0xb8;
	[tilespmem:$0x19800] =	vst v63  }
0xb4: {  	_ =	swait.ge [sflag:s29], $0x2800  }
0xb5: {  	[sflag:s29] =	ssyncset.done $0x0  }
0xb6: {  	[sflag:s29] =	ssyncadd.s32 $0xFFFFD800  }
0xb7: {  	_ =	swait.ge [sflag:s29], $0x2800  }
0xb8: {  	[sflag:s29] =	ssyncset.done $0x0  }
0xb9: {  	[sflag:s29] =	ssyncadd.s32 $0xFFFFD800  }
0xba: {  	_ =	swait.ge [sflag:s29], $0x2800  }
0xbb: {  	[sflag:s29] =	ssyncset.done $0x0  }
0xbc: {  	[sflag:s29] =	ssyncadd.s32 $0xFFFFD800  }
0xbd: {  	_ =	swait.ge [sflag:s29], $0x2800  }
0xbe: {  	[sflag:s29] =	ssyncset.done $0x0  }
0xbf: {  	[sflag:s29] =	ssyncadd.s32 $0xFFFFD800  }
0xc0: {  	_ =	swait.ge [sflag:s29], $0x2800  }
0xc1: {  	[sflag:s29] =	ssyncset.done $0x0  }
0xc2: {  	s6 =	sadd.s32 $0x64000, s7;
	[sflag:s29] =	ssyncadd.s32 $0xFFFFD800  }
0xc3: {  	[hbm4b:s6+s3] =	stream.linear.scatter [tilespmem:s10], [sflag:$0x3], $0xC800, $0x38;
	[tilespmem:$0x19800] =	vst v63  }
0xc4: {  	_ =	swait.ge [sflag:s8], $0xC800  }
0xc5: {  	s5 =	rddreg [dreg:$0x4];
	[sflag:s8] =	ssyncset.done $0x0  }
0xc6: {  	s7 =	sadd.s32 s2, s5;
	[sflag:s8] =	ssyncadd.s32 $0xFFFF3800  }
0xc7: {  	[tilespmem:s3], [sflag:$0x3] =	stream.linear.gather [hbm4b:s7+s3], $0x280, $0x38;
	[tilespmem:$0x19800] =	vst v63  }
0xc8: {  	_ =	swait.ge [sflag:s8], $0x280  }
0xc9: {  	[sflag:s8] =	ssyncset.done $0x0  }
0xca: {  	[sflag:s8] =	ssyncadd.s32 $0xFFFFFD80  }
0xcb: {  	[tilespmem:s10], [sflag:$0x1] =	stream.indirect.gather [hbm4b:s1+s9], $0x80, s3, s9, $0xb8;
	[tilespmem:$0x19800] =	vst v63  }
0xcc: {  	_ = 	snop  }
0xcd: {  	[tilespmem:s12], [sflag:$0x1] =	stream.indirect.gather [hbm4b:s1+s9], $0x80, s11, s9, $0xb8;
	[tilespmem:$0x19800] =	vst v63  }
0xce: {  	_ = 	snop  }
0xcf: {  	[tilespmem:s14], [sflag:$0x1] =	stream.indirect.gather [hbm4b:s1+s9], $0x80, s13, s9, $0xb8;
	[tilespmem:$0x19800] =	vst v63  }
0xd0: {  	_ = 	snop  }
0xd1: {  	[tilespmem:s16], [sflag:$0x1] =	stream.indirect.gather [hbm4b:s1+s9], $0x80, s15, s9, $0xb8;
	[tilespmem:$0x19800] =	vst v63  }
0xd2: {  	_ = 	snop  }
0xd3: {  	[tilespmem:s18], [sflag:$0x1] =	stream.indirect.gather [hbm4b:s1+s9], $0x80, s17, s9, $0xb8;
	[tilespmem:$0x19800] =	vst v63  }
0xd4: {  	_ =	swait.ge [sflag:s30], $0x2800  }
0xd5: {  	[sflag:s30] =	ssyncset.done $0x0  }
0xd6: {  	[sflag:s30] =	ssyncadd.s32 $0xFFFFD800  }
0xd7: {  	_ =	swait.ge [sflag:s30], $0x2800  }
0xd8: {  	[sflag:s30] =	ssyncset.done $0x0  }
0xd9: {  	[sflag:s30] =	ssyncadd.s32 $0xFFFFD800  }
0xda: {  	_ =	swait.ge [sflag:s30], $0x2800  }
0xdb: {  	[sflag:s30] =	ssyncset.done $0x0  }
0xdc: {  	[sflag:s30] =	ssyncadd.s32 $0xFFFFD800  }
0xdd: {  	_ =	swait.ge [sflag:s30], $0x2800  }
0xde: {  	[sflag:s30] =	ssyncset.done $0x0  }
0xdf: {  	[sflag:s30] =	ssyncadd.s32 $0xFFFFD800  }
0xe0: {  	_ =	swait.ge [sflag:s30], $0x2800  }
0xe1: {  	[sflag:s30] =	ssyncset.done $0x0  }
0xe2: {  	s5 =	sadd.s32 $0x32000, s6;
	[sflag:s30] =	ssyncadd.s32 $0xFFFFD800  }
0xe3: {  	[hbm4b:s5+s3] =	stream.linear.scatter [tilespmem:s20], [sflag:$0x3], $0xC800, $0x38;
	[tilespmem:$0x19800] =	vst v63  }
0xe4: {  	_ =	swait.ge [sflag:s8], $0xC800  }
0xe5: {  	[sflag:s8] =	ssyncset.done $0x0  }
0xe6: {  	[sflag:s8] =	ssyncadd.s32 $0xFFFF3800  }
0xe7: {  	_ =	swait.ge [sflag:s29], $0x2800  }
0xe8: {  	[sflag:s29] =	ssyncset.done $0x0  }
0xe9: {  	[sflag:s29] =	ssyncadd.s32 $0xFFFFD800  }
0xea: {  	_ =	swait.ge [sflag:s29], $0x2800  }
0xeb: {  	[sflag:s29] =	ssyncset.done $0x0  }
0xec: {  	[sflag:s29] =	ssyncadd.s32 $0xFFFFD800  }
0xed: {  	_ =	swait.ge [sflag:s29], $0x2800  }
0xee: {  	[sflag:s29] =	ssyncset.done $0x0  }
0xef: {  	[sflag:s29] =	ssyncadd.s32 $0xFFFFD800  }
0xf0: {  	_ =	swait.ge [sflag:s29], $0x2800  }
0xf1: {  	[sflag:s29] =	ssyncset.done $0x0  }
0xf2: {  	[sflag:s29] =	ssyncadd.s32 $0xFFFFD800  }
0xf3: {  	_ =	swait.ge [sflag:s29], $0x2800  }
0xf4: {  	[sflag:s29] =	ssyncset.done $0x0  }
0xf5: {  	s6 =	rddreg [dreg:$0x8];
	[sflag:s29] =	ssyncadd.s32 $0xFFFFD800  }
0xf6: {  	[hbm4b:s6+s3] =	stream.linear.scatter [tilespmem:s10], [sflag:$0x3], $0xC800, $0x38;
	[tilespmem:$0x19800] =	vst v63  }
0xf7: {  	_ =	swait.ge [sflag:s8], $0xC800  }
0xf8: {  	s31 =	sadd.s32 $0x1, s31;
	s7 =	rddreg [dreg:$0x9]  }
0xf9: {  	p0 =	sne.s32 s31, s7  }
.Ltmp1:
0xfa: {  	_ = 	snop;
	(pc) =	sbr.rel @p0 .LBB2_1-.Ltmp1, $3  }
0xfb: {  	_ =	sdelay $0x1  }
0xfc: {  	[sflag:s8] =	ssyncset.done $0x0  }
0xfd: {  	[sflag:s8] =	ssyncadd.s32 $0xFFFF3800  }
0xfe: {  	_ =	sfence.sel $0x180000  }
0xff: {  	[bflag:$0x0] =	sbarrier.arrive $0xFFFF  }
0x100: {  	_ =	strace $0x90000047  }
0x101: {  	s0 =	stileid.u32;
	[bflag:$0x2] =	sbarrier.arrive $0xFFFF  }
0x102: {  	p0 =	sne.s32 s0, $0x0;
	s0 =	rddreg [dreg:$0x3]  }
0x103: {  	s0 =	sadd.s32 @!p0 $0x100000, s0  }
0x104: {  	[sflag:s0] =	ssyncadd.tile.s32 @!p0 $0x1;
	_ =	shalt  }
.Lfunc_end2:
_tile_overlayer_lowered:
.L_overlay_start_2:
0x105: {  	(tag) =	ssettag $0x2  }
0x106: {  	s0 =	rddreg [dreg:$0x0];
	s2 =	stileid.u32  }
0x107: {  	s1 =	rddreg [dreg:$0x1];
	p0 =	sne.s32 s2, $0x0  }
0x108: {  	s3 =	rddreg [dreg:$0x2];
	[bflag:$0x3] =	sbarrier.arrive $0xFFFF;
	s2 =	simm.s32 @!p0 $0x1C03  }
0x109: {  	[timem:s3], [sflag:s2] =	dma.local @!p0 [hbm:s0], s1  }
0x10a: {  	s0 =	simm.s32 @!p0 $0x3  }
0x10b: {  	_ =	swait.ge @!p0 [sflag:s0], s1  }
0x10c: {  	s1 =	ssub.s32 @!p0 $0x0, s1;
	[sflag:s0] =	ssyncset.done @!p0 $0x0  }
0x10d: {  	[sflag:s0] =	ssyncadd.s32 @!p0 s1  }
0x10e: {  	[bflag:$0x3] =	sbarrier.arrive $0xFFFF  }
0x10f: {  	_ =	shalt  }

// kernel: kernel.13.cloned.1.call-start
scs
__scs_entry_jumppad:
0x0: {  	(pc) =	sbr.rel $0x88, $3  }
0x1: {  	(tag) =	ssettag $0x0;
	lr =	simm.s32 $0x1  }
0x2: {  	[smem:$0x3F92] =	sst lr;
	_ =	strace $0xD0000000  }
0x3: {  	_ = 	snop  }
0x4: {  	_ = 	snop  }
0x5: {  	_ = 	snop  }
0x6: {  	_ = 	snop  }
0x7: {  	_ = 	snop  }
__scs_overlays_trampoline_lowered:
0x8: {  	[smem:$0x3FA1] =	sst s0  }
0x9: {  	[smem:$0x3FA2] =	sst s1  }
0xa: {  	[smem:$0x3FA3] =	sst s2  }
0xb: {  	[smem:$0x3FA4] =	sst s3  }
0xc: {  	[smem:$0x3FA5] =	sst s4  }
0xd: {  	[smem:$0x3FA6] =	sst s5  }
0xe: {  	[smem:$0x3FA7] =	sst s6  }
0xf: {  	[smem:$0x3FA8] =	sst s7  }
0x10: {  	[smem:$0x3FA9] =	sst s8  }
0x11: {  	[smem:$0x3FAA] =	sst s9;
	s0 =	simm.s32 @!p0 $0x0  }
0x12: {  	s1 =	sld [smem:$0x3F90];
	s0 =	simm.s32 @p0 $0x1  }
0x13: {  	[smem:$0x3FAB] =	sst s0;
	s0 =	simm.s32 @!p1 $0x0  }
0x14: {  	s2 =	sld [smem:$0x3F8F];
	s0 =	simm.s32 @p1 $0x1  }
0x15: {  	[smem:$0x3FAC] =	sst s0;
	s0 =	simm.s32 @!p2 $0x0  }
0x16: {  	s3 =	sld [smem:$0x3FDB];
	s0 =	simm.s32 @p2 $0x1  }
0x17: {  	s4 =	simm.s32 $0x1BF5;
	[smem:$0x3FAE] =	sst s0  }
0x18: {  	s0 =	sld [smem:$0x3F91];
	_ =	swait.ge [sflag:s4], $0x0  }
0x19: {  	s7 =	sld [smem:$0x3F92]  }
0x1a: {  	s8 =	sadd.s32 $0xFFFFE003, lr  }
0x1b: {  	s9 =	sadd.s32 $0xFFFFFEF7, lr;
	s5 =	simm.s32 $0xFFFFFFFF;
	p2 =	slt.u32 s8, $0xFFFFF086  }
0x1c: {  	p1 =	slt.u32 s9, $0xF7A;
	s5 =	simm.s32 @!p2 $0x0  }
0x1d: {  	s5 =	simm.s32 @p1 $0x1;
	p0 =	seq.s32 s7, s2  }
0x1e: {  	s7 =	smul.u32 @!p0 $0xF7A, s2;
	p2 =	seq.s32 @!p0 s5, $0x0  }
0x1f: {  	s9 =	smul.u32 $0xF7A, s1;
	s8 =	simm.s32 @!p0 $0x1BF5;
	p2 =	por !p2, p0  }
0x20: {  	[sflag:s8] =	ssyncset.s32 @!p0 $0xFFFFF086;
	s6 =	sadd.s32 @!p0 s3, s7;
	s7 =	simm.s32 @!p0 $0x108  }
0x21: {  	s3 =	sadd.s32 s3, s9;
	s6 =	sadd.s32 @!p0 $0x88, s6;
	s7 =	simm.s32 @p2 $0x1082  }
0x22: {  	[simem:s7], [sflag:s8] =	dma.local @!p0 [hbm:s6], $0xF7A  }
0x23: {  	s9 =	sor.u32 $0xD0000000, s2;
	s6 =	simm.s32 $0x108;
	_ =	swait.ge @!p0 [sflag:s8], $0x0  }
0x24: {  	s3 =	sadd.s32 $0x88, s3;
	s6 =	simm.s32 @!p1 $0x1082;
	[sflag:s4] =	ssyncset.s32 $0xFFFFF086  }
0x25: {  	[simem:s6], [sflag:s4] =	dma.local [hbm:s3], $0xF7A  }
0x26: {  	[smem:$0x3F92] =	sst s1;
	(tag) =	ssettag s2;
	_ =	strace s9  }
0x27: {  	s1 =	sld [smem:$0x3FA2]  }
0x28: {  	s2 =	sld [smem:$0x3FA3]  }
0x29: {  	s4 =	sld [smem:$0x3FA5]  }
0x2a: {  	p0 =	seq.s32 s5, $0x0;
	s5 =	sld [smem:$0x3FA6]  }
0x2b: {  	s6 =	sld [smem:$0x3FA7]  }
0x2c: {  	s7 =	sld [smem:$0x3FA8]  }
0x2d: {  	s3 =	simm.s32 $0x108;
	s8 =	sld [smem:$0x3FA9]  }
0x2e: {  	s3 =	simm.s32 @!p0 $0x1082;
	s9 =	sld [smem:$0x3FAA]  }
0x2f: {  	lr =	sadd.s32 s0, s3;
	s0 =	sld [smem:$0x3FA1]  }
0x30: {  	s3 =	sld [smem:$0x3FA4]  }
0x31: {  	[smem:$0x3FAD] =	sst s10  }
0x32: {  	s10 =	sld [smem:$0x3FAB];
	_ =	sdelay $0x3  }
0x33: {  	p0 =	seq.s32 s10, $0x1;
	s10 =	sld [smem:$0x3FAD];
	_ =	sdelay $0x3  }
0x34: {  	[smem:$0x3FAD] =	sst s10  }
0x35: {  	s10 =	sld [smem:$0x3FAC];
	_ =	sdelay $0x3  }
0x36: {  	p1 =	seq.s32 s10, $0x1;
	s10 =	sld [smem:$0x3FAD];
	_ =	sdelay $0x3  }
0x37: {  	[smem:$0x3FAD] =	sst s10  }
0x38: {  	s10 =	sld [smem:$0x3FAE]  }
0x39: {  	_ = 	snop;
	(pc) =	sbr.ind lr, $3  }
0x3a: {  	_ = 	snop  }
0x3b: {  	_ = 	snop  }
0x3c: {  	p2 =	seq.s32 s10, $0x1;
	s10 =	sld [smem:$0x3FAD]  }
0x3d: {  	_ =	shalt  }
0x3e: {  	_ =	shalt  }
0x3f: {  	_ =	shalt  }
0x40: {  	_ =	shalt  }
0x41: {  	_ =	shalt  }
0x42: {  	_ =	shalt  }
0x43: {  	_ =	shalt  }
0x44: {  	_ =	shalt  }
0x45: {  	_ =	shalt  }
0x46: {  	_ =	shalt  }
0x47: {  	_ =	shalt  }
0x48: {  	_ =	shalt  }
0x49: {  	_ =	shalt  }
0x4a: {  	_ =	shalt  }
0x4b: {  	_ =	shalt  }
0x4c: {  	_ =	shalt  }
0x4d: {  	_ =	shalt  }
0x4e: {  	_ =	shalt  }
0x4f: {  	_ =	shalt  }
0x50: {  	_ =	shalt  }
0x51: {  	_ =	shalt  }
0x52: {  	_ =	shalt  }
0x53: {  	_ =	shalt  }
0x54: {  	_ =	shalt  }
0x55: {  	_ =	shalt  }
0x56: {  	_ =	shalt  }
0x57: {  	_ =	shalt  }
0x58: {  	_ =	shalt  }
0x59: {  	_ =	shalt  }
0x5a: {  	_ =	shalt  }
0x5b: {  	_ =	shalt  }
0x5c: {  	_ =	shalt  }
0x5d: {  	_ =	shalt  }
0x5e: {  	_ =	shalt  }
0x5f: {  	_ =	shalt  }
0x60: {  	_ =	shalt  }
0x61: {  	_ =	shalt  }
0x62: {  	_ =	shalt  }
0x63: {  	_ =	shalt  }
0x64: {  	_ =	shalt  }
0x65: {  	_ =	shalt  }
0x66: {  	_ =	shalt  }
0x67: {  	_ =	shalt  }
0x68: {  	_ =	shalt  }
0x69: {  	_ =	shalt  }
0x6a: {  	_ =	shalt  }
0x6b: {  	_ =	shalt  }
0x6c: {  	_ =	shalt  }
0x6d: {  	_ =	shalt  }
0x6e: {  	_ =	shalt  }
0x6f: {  	_ =	shalt  }
0x70: {  	_ =	shalt  }
0x71: {  	_ =	shalt  }
0x72: {  	_ =	shalt  }
0x73: {  	_ =	shalt  }
0x74: {  	_ =	shalt  }
0x75: {  	_ =	shalt  }
0x76: {  	_ =	shalt  }
0x77: {  	_ =	shalt  }
0x78: {  	_ =	shalt  }
0x79: {  	_ =	shalt  }
0x7a: {  	_ =	shalt  }
0x7b: {  	_ =	shalt  }
0x7c: {  	_ =	shalt  }
0x7d: {  	_ =	shalt  }
0x7e: {  	_ =	shalt  }
0x7f: {  	_ =	shalt  }
0x80: {  	_ =	shalt  }
0x81: {  	_ =	shalt  }
0x82: {  	_ =	shalt  }
0x83: {  	_ =	shalt  }
0x84: {  	_ =	shalt  }
0x85: {  	_ =	shalt  }
0x86: {  	_ =	shalt  }
0x87: {  	_ =	shalt  }
.Lfunc_end0:
.L_simem_size_0:
called_computation.1_lowered:
.L_overlay_start_0:
0x88: {  	s2 =	sld [smem:$0x3FD9]  }
0x89: {  	s3 =	sld [smem:$0x3FFE];
	_ =	sdelay $0x1  }
0x8a: {  	s1 =	srdreg.scid  }
0x8b: {  	s0 =	sand.u32 $0x1, s1  }
0x8c: {  	s17 =	sshll.u32 s0, $0xA;
	s2 =	sadd.s32 s3, s2  }
0x8d: {  	s2 =	sadd.s32 s2, s17  }
0x8e: {  	[smem:$0x3FB9] =	sst s2  }
0x8f: {  	_ = 	snop  }
0x90: {  	s2 =	sld [smem:$0x3FC9];
	(tm) =	ssettm $0x1  }
0x91: {  	s18 =	sld [smem:$0x3FFB];
	_ =	sdelay $0x3  }
0x92: {  	_ =	strace s18  }
0x93: {  	s3 =	sld [smem:$0x3FFC];
	_ =	sdelay $0x3  }
0x94: {  	_ =	strace s3  }
0x95: {  	s3 =	sld [smem:$0x3FFD];
	_ =	sdelay $0x3  }
0x96: {  	_ =	strace s3  }
0x97: {  	_ =	strace $0x8FFFFFFF  }
0x98: {  	s19 =	sld [smem:$0x3FDB];
	_ =	sdelay $0x1  }
0x99: {  	s4 =	simm.s32 $_scs_section_size  }
0x9a: {  	s5 =	simm.s32 $_size__tile_overlayer_lowered;
	s6 =	simm.s32 $_tile_overlayer_lowered  }
0x9b: {  	s22 =	simm.s32 $0x1BFF;
	s21 =	sshll.u32 s6, $0x1;
	s3 =	sadd.s32 s4, s19  }
0x9c: {  	s7 =	simm.s32 $0x0;
	s20 =	sshll.u32 s5, $0x1;
	s5 =	sadd.s32 s21, s3  }
0x9d: {  	[timem:s7], [sflag:s22] =	dma.local [hbm:s5], s20  }
0x9e: {  	_ =	swait.ge [sflag:s22], s20  }
0x9f: {  	s4 =	ssub.s32 $0x0, s20;
	[sflag:s22] =	ssyncset.done $0x0  }
0xa0: {  	[sflag:s22] =	ssyncadd.s32 s4;
	_ =	sdelay $0x1  }
0xa1: {  	s23 =	simm.s32 $0x1B8B  }
0xa2: {  	_ =	swait.ge [sflag:s23], $0x1  }
0xa3: {  	[sflag:s23] =	ssyncset.done $0x0  }
0xa4: {  	s25 =	simm.s32 $0x1B8E;
	s24 =	sld [smem:$0x3FFE];
	[sflag:s23] =	ssyncadd.s32 $0xFFFFFFFF  }
0xa5: {  	s26 =	simm.s32 $execute0_lowered;
	[smem:$0x3FD2] =	sst s25  }
0xa6: {  	s5 =	sshll.u32 s26, $0x1;
	_ =	strace $0x80000049;
	[dreg:$0x1] =	wrdreg $0xFFFFFFFF  }
0xa7: {  	s28 =	simm.s32 $_size_execute0_lowered;
	s3 =	sadd.s32 s3, s5;
	[dreg:$0x0] =	wrdreg $0x0  }
0xa8: {  	s5 =	sshll.u32 s28, $0x1;
	[dreg:$0x2] =	wrdreg s3  }
0xa9: {  	[dreg:$0x3] =	wrdreg s5  }
0xaa: {  	[dreg:$0x4] =	wrdreg $0xC0  }
0xab: {  	_ =	task [dreg:s7], $0x5FFFF  }
0xac: {  	[dreg:$0x1] =	wrdreg $0xFFFFFFFF  }
0xad: {  	[dreg:$0x0] =	wrdreg $0x60  }
0xae: {  	[dreg:$0x2] =	wrdreg s2  }
0xaf: {  	[dreg:$0x3] =	wrdreg s24  }
0xb0: {  	[dreg:$0x4] =	wrdreg $0x9  }
0xb1: {  	_ =	task.clear_ibuf [dreg:s7], $0x5FFFF;
	_ =	strace $0x90000049  }
0xb2: {  	s29 =	simm.s32 $0x9;
	_ =	strace $0x8000004B  }
0xb3: {  	_ =	swait.ge [sflag:s29], $0x1  }
0xb4: {  	[sflag:s29] =	ssyncadd.s32 $0xFFFFFFFF  }
0xb5: {  	_ =	strace $0x9000004B  }
0xb6: {  	_ =	sfence  }
0xb7: {  	s30 =	sld [smem:$0x0];
	_ =	sdelay $0x2  }
0xb8: {  	s31 =	sshll.u32 s1, $0xD;
	s1 =	sshrl.u32 s1, $0x2  }
0xb9: {  	s3 =	sand.u32 $0x4000, s31;
	s1 =	sadd.s32 s1, s30  }
0xba: {  	s0 =	sor.u32 s3, s0;
	s1 =	sshll.u32 s1, $0x11  }
0xbb: {  	s0 =	sor.u32 s1, s0  }
0xbc: {  	s0 =	sadd.s32 $0x8F2B, s0  }
0xbd: {  	[sflag:s0] =	ssyncadd.remote.s32 $0x1  }
0xbe: {  	_ =	sfence.sel $0xFFFF  }
0xbf: {  	[dreg:$0x0] =	wrdreg $0xFFFFFFFF;
	(pc) =	sbr.abs _section_cstart, $3  }
0xc0: {  	[dreg:$0x1] =	wrdreg $0xFFFFFFFF  }
0xc1: {  	_ =	task.clear_ibuf [dreg:s7], $0x2FFFF;
	_ =	strace $0x9FFFFFFF  }
0xc2: {  	(tm) =	ssettm $0x7FFFFFFF  }
0xc3: {  	_ =	shalt  }
tec
execute0_lowered:
.L_overlay_start_1:
0x0: {  	(tag) =	ssettag $0x1  }
0x1: {  	s1 =	rddreg [dreg:$0x0]  }
0x2: {  	s0 =	rddreg [dreg:$0x1]  }
0x3: {  	s3 =	simm.s32 $0x0;
	s7 =	stileid.u32;
	s4 =	srdreg.scid  }
0x4: {  	s14 =	simm.s32 $0x180;
	s15 =	simm.s32 $0x8000;
	s16 =	simm.s32 $0x200  }
0x5: {  	s30 =	simm.s32 $0x480;
	s17 =	simm.s32 $0xA800;
	s31 =	simm.s32 $0xF800  }
0x6: {  	s18 =	simm.s32 $0x400;
	s19 =	simm.s32 $0xD000;
	s20 =	simm.s32 $0x500  }
0x7: {  	s21 =	simm.s32 $0x12000;
	s22 =	simm.s32 $0x580;
	s28 =	simm.s32 $0x2  }
0x8: {  	s29 =	simm.s32 $0x0;
	[smem:$0x7FF] =	sst s3;
	s2 =	smul.u32 $0x3200, s7  }
0x9: {  	s4 =	sand.u32 $0x1, s4;
	s5 =	sadd.s32 $0x29B800, s0;
	s7 =	sshll.u32 s7, $0x8  }
0xa: {  	_ =	strace $0x8000004A;
	s23 =	ssub.s32 $0x2, s4;
	[dreg:$0x5] =	wrdreg s30  }
0xb: {  	s8 =	sshll.u32 s4, $0x7;
	s10 =	smul.u32 $0x1900, s4;
	[dreg:$0x6] =	wrdreg s31  }
0xc: {  	s0 =	sadd.s32 s2, s0;
	s6 =	sshrl.u32 s23, $0x1;
	s9 =	sor.u32 s8, s7  }
0xd: {  	s7 =	sadd.s32 s7, s5;
	s2 =	ssub.s32 s23, s6;
	s4 =	sadd.s32 s5, s9  }
0xe: {  	s24 =	sadd.s32 s8, s7;
	s0 =	sadd.s32 s10, s0;
	s7 =	simm.s32 $0x3  }
0xf: {  	s8 =	simm.s32 $0x50;
	s9 =	simm.s32 $0x800;
	s23 =	simm.s32 $0x14800  }
0x10: {  	s5 =	smax.u32 s2, $0x1;
	s25 =	sadd.s32 $0x2000, s24;
	s6 =	sadd.s32 $0x2A7800, s0  }
0x11: {  	s26 =	sadd.s32 $0x1000, s4;
	s24 =	simm.s32 $0x600;
	[dreg:$0x3] =	wrdreg s25  }
0x12: {  	[dreg:$0x4] =	wrdreg s26;
	s25 =	simm.s32 $0x17000;
	s26 =	simm.s32 $0x1  }
.LBB2_1:
0x13: {  	[tilespmem:s3], [sflag:$0x3] =	stream.linear.gather [hbm4b:s4+s3], $0x280, $0x38;
	[tilespmem:$0x19800] =	vst v63  }
0x14: {  	_ =	swait.ge [sflag:s7], $0x280  }
0x15: {  	[sflag:s7] =	ssyncset.done $0x0  }
0x16: {  	[sflag:s7] =	ssyncadd.s32 $0xFFFFFD80  }
0x17: {  	[tilespmem:s9], [sflag:$0x1] =	stream.indirect.gather [hbm4b:s1+s8], $0x80, s3, s8, $0xb8;
	[tilespmem:$0x19800] =	vst v63  }
0x18: {  	s0 =	simm.s32 $0x80;
	s2 =	simm.s32 $0x3000  }
0x19: {  	[tilespmem:s2], [sflag:$0x1] =	stream.indirect.gather [hbm4b:s1+s8], $0x80, s0, s8, $0xb8;
	[tilespmem:$0x19800] =	vst v63  }
0x1a: {  	s12 =	simm.s32 $0x100;
	s13 =	simm.s32 $0x5800  }
0x1b: {  	[tilespmem:s13], [sflag:$0x1] =	stream.indirect.gather [hbm4b:s1+s8], $0x80, s12, s8, $0xb8;
	[tilespmem:$0x19800] =	vst v63  }
0x1c: {  	_ = 	snop  }
0x1d: {  	[tilespmem:s15], [sflag:$0x1] =	stream.indirect.gather [hbm4b:s1+s8], $0x80, s14, s8, $0xb8;
	[tilespmem:$0x19800] =	vst v63  }
0x1e: {  	s10 =	rddreg [dreg:$0x4]  }
0x1f: {  	[tilespmem:s17], [sflag:$0x1] =	stream.indirect.gather [hbm4b:s1+s8], $0x80, s16, s8, $0xb8;
	[tilespmem:$0x19800] =	vst v63  }
0x20: {  	s0 =	sadd.s32 $0x0, s10  }
0x21: {  	[tilespmem:s18], [sflag:$0x3] =	stream.linear.gather [hbm4b:s0+s3], $0x280, $0x38;
	[tilespmem:$0x19800] =	vst v63  }
0x22: {  	_ =	swait.ge [sflag:s7], $0x280  }
0x23: {  	[sflag:s7] =	ssyncset.done $0x0  }
0x24: {  	s11 =	rddreg [dreg:$0x5];
	[sflag:s7] =	ssyncadd.s32 $0xFFFFFD80  }
0x25: {  	[tilespmem:s19], [sflag:$0x2] =	stream.indirect.gather [hbm4b:s1+s8], $0x80, s18, s8, $0xb8;
	[tilespmem:$0x19800] =	vst v63  }
0x26: {  	s12 =	rddreg [dreg:$0x6]  }
0x27: {  	[tilespmem:s12], [sflag:$0x2] =	stream.indirect.gather [hbm4b:s1+s8], $0x80, s11, s8, $0xb8;
	[tilespmem:$0x19800] =	vst v63  }
0x28: {  	_ = 	snop  }
0x29: {  	[tilespmem:s21], [sflag:$0x2] =	stream.indirect.gather [hbm4b:s1+s8], $0x80, s20, s8, $0xb8;
	[tilespmem:$0x19800] =	vst v63  }
0x2a: {  	_ = 	snop  }
0x2b: {  	[tilespmem:s23], [sflag:$0x2] =	stream.indirect.gather [hbm4b:s1+s8], $0x80, s22, s8, $0xb8;
	[tilespmem:$0x19800] =	vst v63  }
0x2c: {  	_ = 	snop  }
0x2d: {  	[tilespmem:s25], [sflag:$0x2] =	stream.indirect.gather [hbm4b:s1+s8], $0x80, s24, s8, $0xb8;
	[tilespmem:$0x19800] =	vst v63  }
0x2e: {  	_ =	swait.ge [sflag:s26], $0x2800  }
0x2f: {  	[sflag:s26] =	ssyncset.done $0x0  }
0x30: {  	[sflag:s26] =	ssyncadd.s32 $0xFFFFD800  }
0x31: {  	_ =	swait.ge [sflag:s26], $0x2800  }
0x32: {  	[sflag:s26] =	ssyncset.done $0x0  }
0x33: {  	[sflag:s26] =	ssyncadd.s32 $0xFFFFD800  }
0x34: {  	_ =	swait.ge [sflag:s26], $0x2800  }
0x35: {  	[sflag:s26] =	ssyncset.done $0x0  }
0x36: {  	[sflag:s26] =	ssyncadd.s32 $0xFFFFD800  }
0x37: {  	_ =	swait.ge [sflag:s26], $0x2800  }
0x38: {  	[sflag:s26] =	ssyncset.done $0x0  }
0x39: {  	[sflag:s26] =	ssyncadd.s32 $0xFFFFD800  }
0x3a: {  	_ =	swait.ge [sflag:s26], $0x2800  }
0x3b: {  	[sflag:s26] =	ssyncset.done $0x0  }
0x3c: {  	[sflag:s26] =	ssyncadd.s32 $0xFFFFD800  }
0x3d: {  	[hbm4b:s6+s3] =	stream.linear.scatter [tilespmem:s9], [sflag:$0x3], $0xC800, $0x38;
	[tilespmem:$0x19800] =	vst v63  }
0x3e: {  	p0 =	por $0x0, $0x0;
	_ =	swait.ge [sflag:s7], $0xC800  }
0x3f: {  	s30 =	simm.s32 @!p0 $0x3;
	s0 =	rddreg [dreg:$0x3];
	[sflag:s7] =	ssyncset.done $0x0  }
0x40: {  	s2 =	simm.s32 @!p0 $0x0;
	[sflag:s7] =	ssyncadd.s32 $0xFFFF3800;
	s0 =	sadd.s32 @!p0 $0x0, s0  }
0x41: {  	[tilespmem:s2], [sflag:$0x3] =	stream.linear.gather @!p0 [hbm4b:s0+s2], $0x280, $0x38;
	[tilespmem:$0x19800] =	vst v63  }
0x42: {  	_ =	swait.ge @!p0 [sflag:s30], $0x280  }
0x43: {  	[sflag:s30] =	ssyncset.done @!p0 $0x0  }
0x44: {  	s0 =	simm.s32 @!p0 $0x50;
	[sflag:s30] =	ssyncadd.s32 @!p0 $0xFFFFFD80;
	s30 =	simm.s32 @!p0 $0x800  }
0x45: {  	[tilespmem:s30], [sflag:$0x1] =	stream.indirect.gather @!p0 [hbm4b:s1+s0], $0x80, s2, s0, $0xb8;
	[tilespmem:$0x19800] =	vst v63  }
0x46: {  	s2 =	simm.s32 @!p0 $0x80;
	s30 =	simm.s32 @!p0 $0x3000  }
0x47: {  	[tilespmem:s30], [sflag:$0x1] =	stream.indirect.gather @!p0 [hbm4b:s1+s0], $0x80, s2, s0, $0xb8;
	[tilespmem:$0x19800] =	vst v63  }
0x48: {  	s2 =	simm.s32 @!p0 $0x100;
	s30 =	simm.s32 @!p0 $0x5800  }
0x49: {  	[tilespmem:s30], [sflag:$0x1] =	stream.indirect.gather @!p0 [hbm4b:s1+s0], $0x80, s2, s0, $0xb8;
	[tilespmem:$0x19800] =	vst v63  }
0x4a: {  	s2 =	simm.s32 @!p0 $0x180;
	s30 =	simm.s32 @!p0 $0x8000  }
0x4b: {  	[tilespmem:s30], [sflag:$0x1] =	stream.indirect.gather @!p0 [hbm4b:s1+s0], $0x80, s2, s0, $0xb8;
	[tilespmem:$0x19800] =	vst v63  }
0x4c: {  	s2 =	simm.s32 @!p0 $0x200;
	s30 =	simm.s32 @!p0 $0xA800  }
0x4d: {  	[tilespmem:s30], [sflag:$0x1] =	stream.indirect.gather @!p0 [hbm4b:s1+s0], $0x80, s2, s0, $0xb8;
	[tilespmem:$0x19800] =	vst v63  }
0x4e: {  	_ =	swait.ge [sflag:s28], $0x2800  }
0x4f: {  	[sflag:s28] =	ssyncset.done $0x0  }
0x50: {  	[sflag:s28] =	ssyncadd.s32 $0xFFFFD800  }
0x51: {  	_ =	swait.ge [sflag:s28], $0x2800  }
0x52: {  	[sflag:s28] =	ssyncset.done $0x0  }
0x53: {  	[sflag:s28] =	ssyncadd.s32 $0xFFFFD800  }
0x54: {  	_ =	swait.ge [sflag:s28], $0x2800  }
0x55: {  	[sflag:s28] =	ssyncset.done $0x0  }
0x56: {  	[sflag:s28] =	ssyncadd.s32 $0xFFFFD800  }
0x57: {  	_ =	swait.ge [sflag:s28], $0x2800  }
0x58: {  	[sflag:s28] =	ssyncset.done $0x0  }
0x59: {  	[sflag:s28] =	ssyncadd.s32 $0xFFFFD800  }
0x5a: {  	_ =	swait.ge [sflag:s28], $0x2800  }
0x5b: {  	[sflag:s28] =	ssyncset.done $0x0  }
0x5c: {  	s31 =	simm.s32 $0x2000;
	s13 =	sadd.s32 $0x32000, s6;
	[sflag:s28] =	ssyncadd.s32 $0xFFFFD800  }
0x5d: {  	[hbm4b:s13+s3] =	stream.linear.scatter [tilespmem:s19], [sflag:$0x3], $0xC800, $0x38;
	[tilespmem:$0x19800] =	vst v63  }
0x5e: {  	s0 =	simm.s32 $0x4000;
	s30 =	sadd.s32 $0x64000, s6;
	_ =	swait.ge [sflag:s7], $0xC800  }
.LBB2_2:
0x5f: {  	s10 =	rddreg [dreg:$0x4];
	[sflag:s7] =	ssyncset.done $0x0  }
0x60: {  	[sflag:s7] =	ssyncadd.s32 $0xFFFF3800;
	s10 =	sadd.s32 s31, s10  }
0x61: {  	[tilespmem:s18], [sflag:$0x3] =	stream.linear.gather [hbm4b:s10+s3], $0x280, $0x38;
	[tilespmem:$0x19800] =	vst v63  }
0x62: {  	_ =	swait.ge [sflag:s7], $0x280  }
0x63: {  	[sflag:s7] =	ssyncset.done $0x0  }
0x64: {  	s12 =	rddreg [dreg:$0x5];
	[sflag:s7] =	ssyncadd.s32 $0xFFFFFD80  }
0x65: {  	[tilespmem:s19], [sflag:$0x2] =	stream.indirect.gather [hbm4b:s1+s8], $0x80, s18, s8, $0xb8;
	[tilespmem:$0x19800] =	vst v63  }
0x66: {  	s11 =	rddreg [dreg:$0x6]  }
0x67: {  	[tilespmem:s11], [sflag:$0x2] =	stream.indirect.gather [hbm4b:s1+s8], $0x80, s12, s8, $0xb8;
	[tilespmem:$0x19800] =	vst v63  }
0x68: {  	_ = 	snop  }
0x69: {  	[tilespmem:s21], [sflag:$0x2] =	stream.indirect.gather [hbm4b:s1+s8], $0x80, s20, s8, $0xb8;
	[tilespmem:$0x19800] =	vst v63  }
0x6a: {  	_ = 	snop  }
0x6b: {  	[tilespmem:s23], [sflag:$0x2] =	stream.indirect.gather [hbm4b:s1+s8], $0x80, s22, s8, $0xb8;
	[tilespmem:$0x19800] =	vst v63  }
0x6c: {  	_ = 	snop  }
0x6d: {  	[tilespmem:s25], [sflag:$0x2] =	stream.indirect.gather [hbm4b:s1+s8], $0x80, s24, s8, $0xb8;
	[tilespmem:$0x19800] =	vst v63  }
0x6e: {  	_ =	swait.ge [sflag:s26], $0x2800  }
0x6f: {  	[sflag:s26] =	ssyncset.done $0x0  }
0x70: {  	[sflag:s26] =	ssyncadd.s32 $0xFFFFD800  }
0x71: {  	_ =	swait.ge [sflag:s26], $0x2800  }
0x72: {  	[sflag:s26] =	ssyncset.done $0x0  }
0x73: {  	[sflag:s26] =	ssyncadd.s32 $0xFFFFD800  }
0x74: {  	_ =	swait.ge [sflag:s26], $0x2800  }
0x75: {  	[sflag:s26] =	ssyncset.done $0x0  }
0x76: {  	[sflag:s26] =	ssyncadd.s32 $0xFFFFD800  }
0x77: {  	_ =	swait.ge [sflag:s26], $0x2800  }
0x78: {  	[sflag:s26] =	ssyncset.done $0x0  }
0x79: {  	[sflag:s26] =	ssyncadd.s32 $0xFFFFD800  }
0x7a: {  	_ =	swait.ge [sflag:s26], $0x2800  }
0x7b: {  	[sflag:s26] =	ssyncset.done $0x0  }
0x7c: {  	[sflag:s26] =	ssyncadd.s32 $0xFFFFD800  }
0x7d: {  	[hbm4b:s30+s3] =	stream.linear.scatter [tilespmem:s9], [sflag:$0x3], $0xC800, $0x38;
	[tilespmem:$0x19800] =	vst v63  }
0x7e: {  	p1 =	seq.s32 s31, $0xA000;
	_ =	swait.ge [sflag:s7], $0xC800  }
0x7f: {  	s11 =	simm.s32 @!p1 $0x0;
	s10 =	rddreg [dreg:$0x3];
	[sflag:s7] =	ssyncset.done $0x0  }
0x80: {  	s12 =	simm.s32 @!p1 $0x3;
	[sflag:s7] =	ssyncadd.s32 $0xFFFF3800;
	s10 =	sadd.s32 @!p1 s31, s10  }
0x81: {  	[tilespmem:s11], [sflag:$0x3] =	stream.linear.gather @!p1 [hbm4b:s10+s11], $0x280, $0x38;
	[tilespmem:$0x19800] =	vst v63  }
0x82: {  	s2 =	smov.u32 s0;
	_ =	swait.ge @!p1 [sflag:s12], $0x280  }
0x83: {  	s31 =	smov.u32 s2;
	[sflag:s12] =	ssyncset.done @!p1 $0x0  }
0x84: {  	s2 =	simm.s32 @!p1 $0x50;
	s10 =	simm.s32 @!p1 $0x800;
	[sflag:s12] =	ssyncadd.s32 @!p1 $0xFFFFFD80  }
0x85: {  	[tilespmem:s10], [sflag:$0x1] =	stream.indirect.gather @!p1 [hbm4b:s1+s2], $0x80, s11, s2, $0xb8;
	[tilespmem:$0x19800] =	vst v63  }
0x86: {  	s13 =	simm.s32 @!p1 $0x3000;
	s12 =	simm.s32 @!p1 $0x80  }
0x87: {  	[tilespmem:s13], [sflag:$0x1] =	stream.indirect.gather @!p1 [hbm4b:s1+s2], $0x80, s12, s2, $0xb8;
	[tilespmem:$0x19800] =	vst v63  }
0x88: {  	s10 =	simm.s32 @!p1 $0x100;
	s11 =	simm.s32 @!p1 $0x5800  }
0x89: {  	[tilespmem:s11], [sflag:$0x1] =	stream.indirect.gather @!p1 [hbm4b:s1+s2], $0x80, s10, s2, $0xb8;
	[tilespmem:$0x19800] =	vst v63  }
0x8a: {  	s12 =	simm.s32 @!p1 $0x180;
	s13 =	simm.s32 @!p1 $0x8000  }
0x8b: {  	[tilespmem:s13], [sflag:$0x1] =	stream.indirect.gather @!p1 [hbm4b:s1+s2], $0x80, s12, s2, $0xb8;
	[tilespmem:$0x19800] =	vst v63  }
0x8c: {  	s10 =	simm.s32 @!p1 $0x200;
	s11 =	simm.s32 @!p1 $0xA800  }
0x8d: {  	[tilespmem:s11], [sflag:$0x1] =	stream.indirect.gather @!p1 [hbm4b:s1+s2], $0x80, s10, s2, $0xb8;
	[tilespmem:$0x19800] =	vst v63  }
0x8e: {  	_ =	swait.ge [sflag:s28], $0x2800  }
0x8f: {  	[sflag:s28] =	ssyncset.done $0x0  }
0x90: {  	[sflag:s28] =	ssyncadd.s32 $0xFFFFD800  }
0x91: {  	_ =	swait.ge [sflag:s28], $0x2800  }
0x92: {  	[sflag:s28] =	ssyncset.done $0x0  }
0x93: {  	[sflag:s28] =	ssyncadd.s32 $0xFFFFD800  }
0x94: {  	_ =	swait.ge [sflag:s28], $0x2800  }
0x95: {  	[sflag:s28] =	ssyncset.done $0x0  }
0x96: {  	[sflag:s28] =	ssyncadd.s32 $0xFFFFD800  }
0x97: {  	_ =	swait.ge [sflag:s28], $0x2800  }
0x98: {  	s0 =	sadd.s32 $0x2000, s0;
	[sflag:s28] =	ssyncset.done $0x0  }
0x99: {  	p0 =	sne.s32 s0, $0xC000;
	[sflag:s28] =	ssyncadd.s32 $0xFFFFD800  }
.Ltmp0:
0x9a: {  	_ =	swait.ge [sflag:s28], $0x2800;
	(pc) =	sbr.rel @p0 .LBB2_2-.Ltmp0, $4  }
0x9b: {  	[sflag:s28] =	ssyncset.done $0x0  }
0x9c: {  	s13 =	sadd.s32 $0x32000, s30;
	[sflag:s28] =	ssyncadd.s32 $0xFFFFD800  }
0x9d: {  	[hbm4b:s13+s3] =	stream.linear.scatter [tilespmem:s19], [sflag:$0x3], $0xC800, $0x38;
	[tilespmem:$0x19800] =	vst v63  }
0x9e: {  	s30 =	sadd.s32 $0x64000, s30;
	_ =	swait.ge [sflag:s7], $0xC800  }
0x9f: {  	s0 =	rddreg [dreg:$0x4];
	[sflag:s7] =	ssyncset.done $0x0  }
0xa0: {  	[sflag:s7] =	ssyncadd.s32 $0xFFFF3800;
	s0 =	sadd.s32 s31, s0  }
0xa1: {  	[tilespmem:s18], [sflag:$0x3] =	stream.linear.gather [hbm4b:s0+s3], $0x280, $0x38;
	[tilespmem:$0x19800] =	vst v63  }
0xa2: {  	_ =	swait.ge [sflag:s7], $0x280  }
0xa3: {  	[sflag:s7] =	ssyncset.done $0x0  }
0xa4: {  	s13 =	rddreg [dreg:$0x5];
	[sflag:s7] =	ssyncadd.s32 $0xFFFFFD80  }
0xa5: {  	[tilespmem:s19], [sflag:$0x2] =	stream.indirect.gather [hbm4b:s1+s8], $0x80, s18, s8, $0xb8;
	[tilespmem:$0x19800] =	vst v63  }
0xa6: {  	s2 =	rddreg [dreg:$0x6]  }
0xa7: {  	[tilespmem:s2], [sflag:$0x2] =	stream.indirect.gather [hbm4b:s1+s8], $0x80, s13, s8, $0xb8;
	[tilespmem:$0x19800] =	vst v63  }
0xa8: {  	_ = 	snop  }
0xa9: {  	[tilespmem:s21], [sflag:$0x2] =	stream.indirect.gather [hbm4b:s1+s8], $0x80, s20, s8, $0xb8;
	[tilespmem:$0x19800] =	vst v63  }
0xaa: {  	_ = 	snop  }
0xab: {  	[tilespmem:s23], [sflag:$0x2] =	stream.indirect.gather [hbm4b:s1+s8], $0x80, s22, s8, $0xb8;
	[tilespmem:$0x19800] =	vst v63  }
0xac: {  	_ = 	snop  }
0xad: {  	[tilespmem:s25], [sflag:$0x2] =	stream.indirect.gather [hbm4b:s1+s8], $0x80, s24, s8, $0xb8;
	[tilespmem:$0x19800] =	vst v63  }
0xae: {  	_ =	swait.ge [sflag:s26], $0x2800  }
0xaf: {  	[sflag:s26] =	ssyncset.done $0x0  }
0xb0: {  	[sflag:s26] =	ssyncadd.s32 $0xFFFFD800  }
0xb1: {  	_ =	swait.ge [sflag:s26], $0x2800  }
0xb2: {  	[sflag:s26] =	ssyncset.done $0x0  }
0xb3: {  	[sflag:s26] =	ssyncadd.s32 $0xFFFFD800  }
0xb4: {  	_ =	swait.ge [sflag:s26], $0x2800  }
0xb5: {  	[sflag:s26] =	ssyncset.done $0x0  }
0xb6: {  	[sflag:s26] =	ssyncadd.s32 $0xFFFFD800  }
0xb7: {  	_ =	swait.ge [sflag:s26], $0x2800  }
0xb8: {  	[sflag:s26] =	ssyncset.done $0x0  }
0xb9: {  	[sflag:s26] =	ssyncadd.s32 $0xFFFFD800  }
0xba: {  	_ =	swait.ge [sflag:s26], $0x2800  }
0xbb: {  	[sflag:s26] =	ssyncset.done $0x0  }
0xbc: {  	[sflag:s26] =	ssyncadd.s32 $0xFFFFD800  }
0xbd: {  	[hbm4b:s30+s3] =	stream.linear.scatter [tilespmem:s9], [sflag:$0x3], $0xC800, $0x38;
	[tilespmem:$0x19800] =	vst v63  }
0xbe: {  	p0 =	seq.s32 s31, $0xA000;
	_ =	swait.ge [sflag:s7], $0xC800  }
0xbf: {  	s10 =	simm.s32 @!p0 $0x3;
	s0 =	rddreg [dreg:$0x3];
	[sflag:s7] =	ssyncset.done $0x0  }
0xc0: {  	s2 =	simm.s32 @!p0 $0x0;
	[sflag:s7] =	ssyncadd.s32 $0xFFFF3800;
	s0 =	sadd.s32 @!p0 s31, s0  }
0xc1: {  	[tilespmem:s2], [sflag:$0x3] =	stream.linear.gather @!p0 [hbm4b:s0+s2], $0x280, $0x38;
	[tilespmem:$0x19800] =	vst v63  }
0xc2: {  	_ =	swait.ge @!p0 [sflag:s10], $0x280  }
0xc3: {  	[sflag:s10] =	ssyncset.done @!p0 $0x0  }
0xc4: {  	s11 =	simm.s32 @!p0 $0x800;
	s0 =	simm.s32 @!p0 $0x50;
	[sflag:s10] =	ssyncadd.s32 @!p0 $0xFFFFFD80  }
0xc5: {  	[tilespmem:s11], [sflag:$0x1] =	stream.indirect.gather @!p0 [hbm4b:s1+s0], $0x80, s2, s0, $0xb8;
	[tilespmem:$0x19800] =	vst v63  }
0xc6: {  	s10 =	simm.s32 @!p0 $0x3000;
	s2 =	simm.s32 @!p0 $0x80  }
0xc7: {  	[tilespmem:s10], [sflag:$0x1] =	stream.indirect.gather @!p0 [hbm4b:s1+s0], $0x80, s2, s0, $0xb8;
	[tilespmem:$0x19800] =	vst v63  }
0xc8: {  	s2 =	simm.s32 @!p0 $0x100;
	s10 =	simm.s32 @!p0 $0x5800  }
0xc9: {  	[tilespmem:s10], [sflag:$0x1] =	stream.indirect.gather @!p0 [hbm4b:s1+s0], $0x80, s2, s0, $0xb8;
	[tilespmem:$0x19800] =	vst v63  }
0xca: {  	s2 =	simm.s32 @!p0 $0x180;
	s10 =	simm.s32 @!p0 $0x8000  }
0xcb: {  	[tilespmem:s10], [sflag:$0x1] =	stream.indirect.gather @!p0 [hbm4b:s1+s0], $0x80, s2, s0, $0xb8;
	[tilespmem:$0x19800] =	vst v63  }
0xcc: {  	s2 =	simm.s32 @!p0 $0x200;
	s10 =	simm.s32 @!p0 $0xA800  }
0xcd: {  	[tilespmem:s10], [sflag:$0x1] =	stream.indirect.gather @!p0 [hbm4b:s1+s0], $0x80, s2, s0, $0xb8;
	[tilespmem:$0x19800] =	vst v63  }
0xce: {  	_ =	swait.ge [sflag:s28], $0x2800  }
0xcf: {  	[sflag:s28] =	ssyncset.done $0x0  }
0xd0: {  	[sflag:s28] =	ssyncadd.s32 $0xFFFFD800  }
0xd1: {  	_ =	swait.ge [sflag:s28], $0x2800  }
0xd2: {  	[sflag:s28] =	ssyncset.done $0x0  }
0xd3: {  	[sflag:s28] =	ssyncadd.s32 $0xFFFFD800  }
0xd4: {  	_ =	swait.ge [sflag:s28], $0x2800  }
0xd5: {  	[sflag:s28] =	ssyncset.done $0x0  }
0xd6: {  	[sflag:s28] =	ssyncadd.s32 $0xFFFFD800  }
0xd7: {  	_ =	swait.ge [sflag:s28], $0x2800  }
0xd8: {  	[sflag:s28] =	ssyncset.done $0x0  }
0xd9: {  	[sflag:s28] =	ssyncadd.s32 $0xFFFFD800  }
0xda: {  	s29 =	sadd.s32 $0x1, s29;
	_ =	swait.ge [sflag:s28], $0x2800  }
0xdb: {  	p0 =	sne.s32 s29, s5;
	[sflag:s28] =	ssyncset.done $0x0  }
.Ltmp1:
0xdc: {  	s31 =	sadd.s32 $0x32000, s30;
	[sflag:s28] =	ssyncadd.s32 $0xFFFFD800;
	(pc) =	sbr.rel @p0 .LBB2_1-.Ltmp1, $4  }
0xdd: {  	[hbm4b:s31+s3] =	stream.linear.scatter [tilespmem:s19], [sflag:$0x3], $0xC800, $0x38;
	[tilespmem:$0x19800] =	vst v63  }
0xde: {  	_ =	swait.ge [sflag:s7], $0xC800  }
0xdf: {  	[sflag:s7] =	ssyncset.done $0x0  }
0xe0: {  	[sflag:s7] =	ssyncadd.s32 $0xFFFF3800  }
0xe1: {  	_ =	sfence.sel $0x180000  }
0xe2: {  	[bflag:$0x0] =	sbarrier.arrive $0xFFFF  }
0xe3: {  	_ =	strace $0x9000004A  }
0xe4: {  	s0 =	stileid.u32;
	[bflag:$0x2] =	sbarrier.arrive $0xFFFF  }
0xe5: {  	p0 =	sne.s32 s0, $0x0;
	s0 =	rddreg [dreg:$0x2]  }
0xe6: {  	s0 =	sadd.s32 @!p0 $0x100000, s0  }
0xe7: {  	[sflag:s0] =	ssyncadd.tile.s32 @!p0 $0x1;
	_ =	shalt  }
.Lfunc_end2:
_tile_overlayer_lowered:
.L_overlay_start_2:
0xe8: {  	(tag) =	ssettag $0x2  }
0xe9: {  	s0 =	rddreg [dreg:$0x0];
	s2 =	stileid.u32  }
0xea: {  	s1 =	rddreg [dreg:$0x1];
	p0 =	sne.s32 s2, $0x0  }
0xeb: {  	s3 =	rddreg [dreg:$0x2];
	[bflag:$0x3] =	sbarrier.arrive $0xFFFF;
	s2 =	simm.s32 @!p0 $0x1C03  }
0xec: {  	[timem:s3], [sflag:s2] =	dma.local @!p0 [hbm:s0], s1  }
0xed: {  	s0 =	simm.s32 @!p0 $0x3  }
0xee: {  	_ =	swait.ge @!p0 [sflag:s0], s1  }
0xef: {  	s1 =	ssub.s32 @!p0 $0x0, s1;
	[sflag:s0] =	ssyncset.done @!p0 $0x0  }
0xf0: {  	[sflag:s0] =	ssyncadd.s32 @!p0 s1  }
0xf1: {  	[bflag:$0x3] =	sbarrier.arrive $0xFFFF  }
0xf2: {  	_ =	shalt  }

// kernel: kernel.16.cloned.1.call-start
scs
__scs_entry_jumppad:
0x0: {  	(pc) =	sbr.rel $0x88, $3  }
0x1: {  	(tag) =	ssettag $0x0;
	lr =	simm.s32 $0x1  }
0x2: {  	[smem:$0x3F92] =	sst lr;
	_ =	strace $0xD0000000  }
0x3: {  	_ = 	snop  }
0x4: {  	_ = 	snop  }
0x5: {  	_ = 	snop  }
0x6: {  	_ = 	snop  }
0x7: {  	_ = 	snop  }
__scs_overlays_trampoline_lowered:
0x8: {  	[smem:$0x3FA1] =	sst s0  }
0x9: {  	[smem:$0x3FA2] =	sst s1  }
0xa: {  	[smem:$0x3FA3] =	sst s2  }
0xb: {  	[smem:$0x3FA4] =	sst s3  }
0xc: {  	[smem:$0x3FA5] =	sst s4  }
0xd: {  	[smem:$0x3FA6] =	sst s5  }
0xe: {  	[smem:$0x3FA7] =	sst s6  }
0xf: {  	[smem:$0x3FA8] =	sst s7  }
0x10: {  	[smem:$0x3FA9] =	sst s8  }
0x11: {  	[smem:$0x3FAA] =	sst s9;
	s0 =	simm.s32 @!p0 $0x0  }
0x12: {  	s1 =	sld [smem:$0x3F90];
	s0 =	simm.s32 @p0 $0x1  }
0x13: {  	[smem:$0x3FAB] =	sst s0;
	s0 =	simm.s32 @!p1 $0x0  }
0x14: {  	s2 =	sld [smem:$0x3F8F];
	s0 =	simm.s32 @p1 $0x1  }
0x15: {  	[smem:$0x3FAC] =	sst s0;
	s0 =	simm.s32 @!p2 $0x0  }
0x16: {  	s3 =	sld [smem:$0x3FDB];
	s0 =	simm.s32 @p2 $0x1  }
0x17: {  	s4 =	simm.s32 $0x1BF5;
	[smem:$0x3FAE] =	sst s0  }
0x18: {  	s0 =	sld [smem:$0x3F91];
	_ =	swait.ge [sflag:s4], $0x0  }
0x19: {  	s7 =	sld [smem:$0x3F92]  }
0x1a: {  	s8 =	sadd.s32 $0xFFFFE003, lr  }
0x1b: {  	s9 =	sadd.s32 $0xFFFFFEF7, lr;
	s5 =	simm.s32 $0xFFFFFFFF;
	p2 =	slt.u32 s8, $0xFFFFF086  }
0x1c: {  	p1 =	slt.u32 s9, $0xF7A;
	s5 =	simm.s32 @!p2 $0x0  }
0x1d: {  	s5 =	simm.s32 @p1 $0x1;
	p0 =	seq.s32 s7, s2  }
0x1e: {  	s7 =	smul.u32 @!p0 $0xF7A, s2;
	p2 =	seq.s32 @!p0 s5, $0x0  }
0x1f: {  	s9 =	smul.u32 $0xF7A, s1;
	s8 =	simm.s32 @!p0 $0x1BF5;
	p2 =	por !p2, p0  }
0x20: {  	[sflag:s8] =	ssyncset.s32 @!p0 $0xFFFFF086;
	s6 =	sadd.s32 @!p0 s3, s7;
	s7 =	simm.s32 @!p0 $0x108  }
0x21: {  	s3 =	sadd.s32 s3, s9;
	s6 =	sadd.s32 @!p0 $0x88, s6;
	s7 =	simm.s32 @p2 $0x1082  }
0x22: {  	[simem:s7], [sflag:s8] =	dma.local @!p0 [hbm:s6], $0xF7A  }
0x23: {  	s9 =	sor.u32 $0xD0000000, s2;
	s6 =	simm.s32 $0x108;
	_ =	swait.ge @!p0 [sflag:s8], $0x0  }
0x24: {  	s3 =	sadd.s32 $0x88, s3;
	s6 =	simm.s32 @!p1 $0x1082;
	[sflag:s4] =	ssyncset.s32 $0xFFFFF086  }
0x25: {  	[simem:s6], [sflag:s4] =	dma.local [hbm:s3], $0xF7A  }
0x26: {  	[smem:$0x3F92] =	sst s1;
	(tag) =	ssettag s2;
	_ =	strace s9  }
0x27: {  	s1 =	sld [smem:$0x3FA2]  }
0x28: {  	s2 =	sld [smem:$0x3FA3]  }
0x29: {  	s4 =	sld [smem:$0x3FA5]  }
0x2a: {  	p0 =	seq.s32 s5, $0x0;
	s5 =	sld [smem:$0x3FA6]  }
0x2b: {  	s6 =	sld [smem:$0x3FA7]  }
0x2c: {  	s7 =	sld [smem:$0x3FA8]  }
0x2d: {  	s3 =	simm.s32 $0x108;
	s8 =	sld [smem:$0x3FA9]  }
0x2e: {  	s3 =	simm.s32 @!p0 $0x1082;
	s9 =	sld [smem:$0x3FAA]  }
0x2f: {  	lr =	sadd.s32 s0, s3;
	s0 =	sld [smem:$0x3FA1]  }
0x30: {  	s3 =	sld [smem:$0x3FA4]  }
0x31: {  	[smem:$0x3FAD] =	sst s10  }
0x32: {  	s10 =	sld [smem:$0x3FAB];
	_ =	sdelay $0x3  }
0x33: {  	p0 =	seq.s32 s10, $0x1;
	s10 =	sld [smem:$0x3FAD];
	_ =	sdelay $0x3  }
0x34: {  	[smem:$0x3FAD] =	sst s10  }
0x35: {  	s10 =	sld [smem:$0x3FAC];
	_ =	sdelay $0x3  }
0x36: {  	p1 =	seq.s32 s10, $0x1;
	s10 =	sld [smem:$0x3FAD];
	_ =	sdelay $0x3  }
0x37: {  	[smem:$0x3FAD] =	sst s10  }
0x38: {  	s10 =	sld [smem:$0x3FAE]  }
0x39: {  	_ = 	snop;
	(pc) =	sbr.ind lr, $3  }
0x3a: {  	_ = 	snop  }
0x3b: {  	_ = 	snop  }
0x3c: {  	p2 =	seq.s32 s10, $0x1;
	s10 =	sld [smem:$0x3FAD]  }
0x3d: {  	_ =	shalt  }
0x3e: {  	_ =	shalt  }
0x3f: {  	_ =	shalt  }
0x40: {  	_ =	shalt  }
0x41: {  	_ =	shalt  }
0x42: {  	_ =	shalt  }
0x43: {  	_ =	shalt  }
0x44: {  	_ =	shalt  }
0x45: {  	_ =	shalt  }
0x46: {  	_ =	shalt  }
0x47: {  	_ =	shalt  }
0x48: {  	_ =	shalt  }
0x49: {  	_ =	shalt  }
0x4a: {  	_ =	shalt  }
0x4b: {  	_ =	shalt  }
0x4c: {  	_ =	shalt  }
0x4d: {  	_ =	shalt  }
0x4e: {  	_ =	shalt  }
0x4f: {  	_ =	shalt  }
0x50: {  	_ =	shalt  }
0x51: {  	_ =	shalt  }
0x52: {  	_ =	shalt  }
0x53: {  	_ =	shalt  }
0x54: {  	_ =	shalt  }
0x55: {  	_ =	shalt  }
0x56: {  	_ =	shalt  }
0x57: {  	_ =	shalt  }
0x58: {  	_ =	shalt  }
0x59: {  	_ =	shalt  }
0x5a: {  	_ =	shalt  }
0x5b: {  	_ =	shalt  }
0x5c: {  	_ =	shalt  }
0x5d: {  	_ =	shalt  }
0x5e: {  	_ =	shalt  }
0x5f: {  	_ =	shalt  }
0x60: {  	_ =	shalt  }
0x61: {  	_ =	shalt  }
0x62: {  	_ =	shalt  }
0x63: {  	_ =	shalt  }
0x64: {  	_ =	shalt  }
0x65: {  	_ =	shalt  }
0x66: {  	_ =	shalt  }
0x67: {  	_ =	shalt  }
0x68: {  	_ =	shalt  }
0x69: {  	_ =	shalt  }
0x6a: {  	_ =	shalt  }
0x6b: {  	_ =	shalt  }
0x6c: {  	_ =	shalt  }
0x6d: {  	_ =	shalt  }
0x6e: {  	_ =	shalt  }
0x6f: {  	_ =	shalt  }
0x70: {  	_ =	shalt  }
0x71: {  	_ =	shalt  }
0x72: {  	_ =	shalt  }
0x73: {  	_ =	shalt  }
0x74: {  	_ =	shalt  }
0x75: {  	_ =	shalt  }
0x76: {  	_ =	shalt  }
0x77: {  	_ =	shalt  }
0x78: {  	_ =	shalt  }
0x79: {  	_ =	shalt  }
0x7a: {  	_ =	shalt  }
0x7b: {  	_ =	shalt  }
0x7c: {  	_ =	shalt  }
0x7d: {  	_ =	shalt  }
0x7e: {  	_ =	shalt  }
0x7f: {  	_ =	shalt  }
0x80: {  	_ =	shalt  }
0x81: {  	_ =	shalt  }
0x82: {  	_ =	shalt  }
0x83: {  	_ =	shalt  }
0x84: {  	_ =	shalt  }
0x85: {  	_ =	shalt  }
0x86: {  	_ =	shalt  }
0x87: {  	_ =	shalt  }
.Lfunc_end0:
.L_simem_size_0:
called_computation.2_lowered:
.L_overlay_start_0:
0x88: {  	s2 =	sld [smem:$0x3FD9]  }
0x89: {  	s3 =	sld [smem:$0x3FFE];
	_ =	sdelay $0x1  }
0x8a: {  	s1 =	srdreg.scid  }
0x8b: {  	s0 =	sand.u32 $0x1, s1  }
0x8c: {  	s17 =	sshll.u32 s0, $0xA;
	s2 =	sadd.s32 s3, s2  }
0x8d: {  	s2 =	sadd.s32 s2, s17  }
0x8e: {  	[smem:$0x3FB9] =	sst s2  }
0x8f: {  	_ = 	snop  }
0x90: {  	s2 =	sld [smem:$0x3FD0];
	(tm) =	ssettm $0x1  }
0x91: {  	s18 =	sld [smem:$0x3FFB];
	_ =	sdelay $0x3  }
0x92: {  	_ =	strace s18  }
0x93: {  	s3 =	sld [smem:$0x3FFC];
	_ =	sdelay $0x3  }
0x94: {  	_ =	strace s3  }
0x95: {  	s3 =	sld [smem:$0x3FFD];
	_ =	sdelay $0x3  }
0x96: {  	_ =	strace s3  }
0x97: {  	_ =	strace $0x8FFFFFFF  }
0x98: {  	s19 =	sld [smem:$0x3FDB];
	_ =	sdelay $0x1  }
0x99: {  	s4 =	simm.s32 $_scs_section_size  }
0x9a: {  	s5 =	simm.s32 $_size__tile_overlayer_lowered;
	s6 =	simm.s32 $_tile_overlayer_lowered  }
0x9b: {  	s22 =	simm.s32 $0x1BFF;
	s21 =	sshll.u32 s6, $0x1;
	s3 =	sadd.s32 s4, s19  }
0x9c: {  	s7 =	simm.s32 $0x0;
	s20 =	sshll.u32 s5, $0x1;
	s5 =	sadd.s32 s21, s3  }
0x9d: {  	[timem:s7], [sflag:s22] =	dma.local [hbm:s5], s20  }
0x9e: {  	_ =	swait.ge [sflag:s22], s20  }
0x9f: {  	s4 =	ssub.s32 $0x0, s20;
	[sflag:s22] =	ssyncset.done $0x0  }
0xa0: {  	[sflag:s22] =	ssyncadd.s32 s4;
	_ =	sdelay $0x1  }
0xa1: {  	s23 =	simm.s32 $0x1B8B  }
0xa2: {  	_ =	swait.ge [sflag:s23], $0x1  }
0xa3: {  	[sflag:s23] =	ssyncset.done $0x0  }
0xa4: {  	s25 =	simm.s32 $0x1B8E;
	s24 =	sld [smem:$0x3FFE];
	[sflag:s23] =	ssyncadd.s32 $0xFFFFFFFF  }
0xa5: {  	s26 =	simm.s32 $execute0_lowered;
	[smem:$0x3FD2] =	sst s25  }
0xa6: {  	s5 =	sshll.u32 s26, $0x1;
	_ =	strace $0x8000004C;
	[dreg:$0x1] =	wrdreg $0xFFFFFFFF  }
0xa7: {  	s28 =	simm.s32 $_size_execute0_lowered;
	s3 =	sadd.s32 s3, s5;
	[dreg:$0x0] =	wrdreg $0x0  }
0xa8: {  	s5 =	sshll.u32 s28, $0x1;
	[dreg:$0x2] =	wrdreg s3  }
0xa9: {  	[dreg:$0x3] =	wrdreg s5  }
0xaa: {  	[dreg:$0x4] =	wrdreg $0xC0  }
0xab: {  	_ =	task [dreg:s7], $0x5FFFF  }
0xac: {  	[dreg:$0x1] =	wrdreg $0xFFFFFFFF  }
0xad: {  	[dreg:$0x0] =	wrdreg $0x60  }
0xae: {  	[dreg:$0x2] =	wrdreg s24  }
0xaf: {  	[dreg:$0x3] =	wrdreg s2  }
0xb0: {  	[dreg:$0x4] =	wrdreg $0xBA000  }
0xb1: {  	[dreg:$0x5] =	wrdreg $0x9  }
0xb2: {  	_ =	task.clear_ibuf [dreg:s7], $0x6FFFF;
	_ =	strace $0x9000004C  }
0xb3: {  	s29 =	simm.s32 $0x9;
	_ =	strace $0x8000004E  }
0xb4: {  	_ =	swait.ge [sflag:s29], $0x1  }
0xb5: {  	[sflag:s29] =	ssyncadd.s32 $0xFFFFFFFF  }
0xb6: {  	_ =	strace $0x9000004E  }
0xb7: {  	_ =	sfence  }
0xb8: {  	s30 =	sld [smem:$0x0];
	_ =	sdelay $0x2  }
0xb9: {  	s31 =	sshll.u32 s1, $0xD;
	s1 =	sshrl.u32 s1, $0x2  }
0xba: {  	s3 =	sand.u32 $0x4000, s31;
	s1 =	sadd.s32 s1, s30  }
0xbb: {  	s0 =	sor.u32 s3, s0;
	s1 =	sshll.u32 s1, $0x11  }
0xbc: {  	s0 =	sor.u32 s1, s0  }
0xbd: {  	s0 =	sadd.s32 $0x8F2B, s0  }
0xbe: {  	[sflag:s0] =	ssyncadd.remote.s32 $0x1  }
0xbf: {  	_ =	sfence.sel $0xFFFF  }
0xc0: {  	[dreg:$0x0] =	wrdreg $0xFFFFFFFF;
	(pc) =	sbr.abs _section_cstart, $3  }
0xc1: {  	[dreg:$0x1] =	wrdreg $0xFFFFFFFF  }
0xc2: {  	_ =	task.clear_ibuf [dreg:s7], $0x2FFFF;
	_ =	strace $0x9FFFFFFF  }
0xc3: {  	(tm) =	ssettm $0x7FFFFFFF  }
tec
execute0_lowered:
.L_overlay_start_1:
0x0: {  	(tag) =	ssettag $0x1  }
0x1: {  	s0 =	rddreg [dreg:$0x0]  }
0x2: {  	s3 =	rddreg [dreg:$0x1]  }
0x3: {  	s1 =	rddreg [dreg:$0x2];
	s2 =	simm.s32 $0x0  }
0x4: {  	s4 =	srdreg.scid;
	s12 =	stileid.u32;
	s28 =	simm.s32 $0x3  }
0x5: {  	s29 =	simm.s32 $0x400;
	s30 =	simm.s32 $0x800;
	[smem:$0x7FF] =	sst s2  }
0x6: {  	s5 =	sand.u32 $0x1, s4;
	s4 =	sadd.s32 $0x4FF800, s0;
	s8 =	smul.u32 $0xA000, s12  }
0x7: {  	s25 =	sshll.u32 s12, $0x5;
	s6 =	ssub.s32 $0x2, s5;
	s9 =	sshll.u32 s5, $0xA  }
0x8: {  	s11 =	smul.u32 $0x4E000, s12;
	s7 =	sshrl.u32 s6, $0x1;
	s10 =	sor.u32 s9, s8  }
0x9: {  	_ =	strace $0x8000004D;
	s6 =	ssub.s32 s6, s7;
	s7 =	sshrl.u32 s10, $0x3  }
0xa: {  	s13 =	sadd.s32 s3, s25;
	s11 =	sshrl.u32 s11, $0x2;
	s3 =	sadd.s32 s4, s7  }
0xb: {  	s8 =	sadd.s32 s11, s1;
	s14 =	smax.u32 s6, $0x1;
	[dreg:$0x4] =	wrdreg s3  }
0xc: {  	s31 =	simm.s32 $0x200;
	s15 =	sadd.s32 $0x1800, s8;
	[dreg:$0x7] =	wrdreg s14  }
0xd: {  	s0 =	sadd.s32 $0x2800, s0;
	s16 =	sadd.s32 $0x3000, s8;
	[dreg:$0x8] =	wrdreg s15  }
0xe: {  	s26 =	smul.u32 $0x27000, s12;
	s17 =	sadd.s32 $0x4800, s8;
	[dreg:$0x9] =	wrdreg s16  }
0xf: {  	p0 =	sne.s32 s12, $0xF;
	s18 =	sadd.s32 $0x6000, s8;
	[dreg:$0xa] =	wrdreg s17  }
0x10: {  	s12 =	simm.s32 $0x2;
	s19 =	sadd.s32 $0x7800, s8;
	[dreg:$0xb] =	wrdreg s18  }
0x11: {  	s5 =	sshll.u32 s5, $0x7;
	s20 =	sadd.s32 $0x9000, s8;
	[dreg:$0xc] =	wrdreg s19  }
0x12: {  	s9 =	sor.u32 s9, s26;
	s21 =	sadd.s32 $0xA800, s8;
	[dreg:$0xd] =	wrdreg s20  }
0x13: {  	s24 =	sadd.s32 $0xA0000, s10;
	s22 =	sadd.s32 $0xC000, s8;
	[dreg:$0xe] =	wrdreg s21  }
0x14: {  	s11 =	simm.s32 $0x2A00;
	s23 =	sadd.s32 $0xD800, s8;
	[dreg:$0xf] =	wrdreg s22  }
0x15: {  	s7 =	sadd.s32 $0x138000, s1;
	s25 =	sadd.s32 $0xF000, s8;
	[dreg:$0x10] =	wrdreg s23  }
0x16: {  	s26 =	sadd.s32 $0x10800, s8;
	s6 =	simm.s32 $0x5200;
	[dreg:$0x11] =	wrdreg s25  }
0x17: {  	s3 =	sshrl.u32 s9, $0x3;
	[dreg:$0x12] =	wrdreg s26;
	s23 =	sadd.s32 $0x12000, s8  }
0x18: {  	s18 =	sadd.s32 $0x140000, s10;
	s21 =	smov.u32 s13;
	s17 =	sadd.s32 $0x200, s13  }
0x19: {  	s9 =	simm.s32 $0x50;
	s10 =	simm.s32 $0x80;
	s13 =	simm.s32 $0x180  }
0x1a: {  	s14 =	simm.s32 $0x7A00;
	s3 =	sadd.s32 s0, s3;
	s0 =	sadd.s32 s5, s0  }
0x1b: {  	s15 =	simm.s32 $0x0;
	[dreg:$0x5] =	wrdreg s3;
	s0 =	sadd.s32 $0x4E000, s0  }
0x1c: {  	s5 =	simm.s32 $0x1;
	[dreg:$0x6] =	wrdreg s0;
	s0 =	sshrl.u32 s24, $0x3  }
0x1d: {  	v0 =	vimm.f32 $0.0e+00;
	s3 =	simm.s32 $0x100;
	s24 =	sadd.s32 s0, s4;
	s0 =	simm.s32 $0xA200  }
.LBB2_1:
0x1e: {  	[tilespmem:s2], [sflag:$0x3] =	stream.linear.gather [hbm4b:s21+s2], $0x100, $0x38;
	[tilespmem:$0x1F280] =	vst v63  }
0x1f: {  	_ =	swait.ge [sflag:s28], $0x100  }
0x20: {  	[sflag:s28] =	ssyncset.done $0x0  }
0x21: {  	s16 =	rddreg [dreg:$0x4];
	[sflag:s28] =	ssyncadd.s32 $0xFFFFFF00  }
0x22: {  	[tilespmem:s31], [sflag:$0x1] =	stream.strided.gather [hbm4b:s16+s29], $0x5000, s30, s29, $0x38;
	[tilespmem:$0x1F280] =	vst v63  }
0x23: {  	s25 =	simm.s32 $0x3C0;
	s16 =	simm.s32 $0x70  }
.LBB2_2:
0x24: {  	p1 =	sne.s32 s25, $0x5FC0;
	[tilespmem:s16+$0xA200] =	vst v0  }
0x25: {  	[tilespmem:s16+$0xA190] =	vst v0  }
0x26: {  	[tilespmem:s16+$0xA1A0] =	vst v0  }
.Ltmp0:
0x27: {  	[tilespmem:s16+$0xA1B0] =	vst v0;
	(pc) =	sbr.rel @p1 .LBB2_2-.Ltmp0, $4  }
0x28: {  	[tilespmem:s16+$0xA1C0] =	vst v0  }
0x29: {  	[tilespmem:s16+$0xA1D0] =	vst v0  }
0x2a: {  	[tilespmem:s16+$0xA1E0] =	vst v0  }
0x2b: {  	[tilespmem:s16+$0xA1F0] =	vst v0;
	s16 =	sshra.s32 s25, $0x2;
	s25 =	sadd.s32 $0x200, s25  }
0x2c: {  	[tilespmem:s16+$0xA200] =	vst v0  }
0x2d: {  	[tilespmem:s16+$0xA190] =	vst v0  }
0x2e: {  	[tilespmem:s16+$0xA1A0] =	vst v0  }
0x2f: {  	[tilespmem:s16+$0xA1B0] =	vst v0  }
0x30: {  	[tilespmem:s16+$0xA1C0] =	vst v0  }
0x31: {  	[tilespmem:s16+$0xA1D0] =	vst v0  }
0x32: {  	[tilespmem:s16+$0xA1E0] =	vst v0  }
0x33: {  	[tilespmem:s16+$0xA1F0] =	vst v0  }
0x34: {  	[spmem:s8] =	stream.linear.scatter [tilespmem:s0], [sflag:$0x3], $0x1800, $0x38;
	[tilespmem:$0x1F280] =	vst v63  }
0x35: {  	_ =	swait.ge [sflag:s28], $0x1800  }
0x36: {  	[sflag:s28] =	ssyncset.done $0x0  }
0x37: {  	s20 =	rddreg [dreg:$0x8];
	[sflag:s28] =	ssyncadd.s32 $0xFFFFE800  }
0x38: {  	[spmem:s20] =	stream.linear.scatter [tilespmem:s0], [sflag:$0x3], $0x1800, $0x38;
	[tilespmem:$0x1F280] =	vst v63  }
0x39: {  	_ =	swait.ge [sflag:s28], $0x1800  }
0x3a: {  	[sflag:s28] =	ssyncset.done $0x0  }
0x3b: {  	s22 =	rddreg [dreg:$0x9];
	[sflag:s28] =	ssyncadd.s32 $0xFFFFE800  }
0x3c: {  	[spmem:s22] =	stream.linear.scatter [tilespmem:s0], [sflag:$0x3], $0x1800, $0x38;
	[tilespmem:$0x1F280] =	vst v63  }
0x3d: {  	_ =	swait.ge [sflag:s28], $0x1800  }
0x3e: {  	[sflag:s28] =	ssyncset.done $0x0  }
0x3f: {  	s25 =	rddreg [dreg:$0xa];
	[sflag:s28] =	ssyncadd.s32 $0xFFFFE800  }
0x40: {  	[spmem:s25] =	stream.linear.scatter [tilespmem:s0], [sflag:$0x3], $0x1800, $0x38;
	[tilespmem:$0x1F280] =	vst v63  }
0x41: {  	_ =	swait.ge [sflag:s28], $0x1800  }
0x42: {  	[sflag:s28] =	ssyncset.done $0x0  }
0x43: {  	s26 =	rddreg [dreg:$0xb];
	[sflag:s28] =	ssyncadd.s32 $0xFFFFE800  }
0x44: {  	[spmem:s26] =	stream.linear.scatter [tilespmem:s0], [sflag:$0x3], $0x1800, $0x38;
	[tilespmem:$0x1F280] =	vst v63  }
0x45: {  	_ =	swait.ge [sflag:s28], $0x1800  }
0x46: {  	[sflag:s28] =	ssyncset.done $0x0  }
0x47: {  	s19 =	rddreg [dreg:$0xc];
	[sflag:s28] =	ssyncadd.s32 $0xFFFFE800  }
0x48: {  	[spmem:s19] =	stream.linear.scatter [tilespmem:s0], [sflag:$0x3], $0x1800, $0x38;
	[tilespmem:$0x1F280] =	vst v63  }
0x49: {  	_ =	swait.ge [sflag:s28], $0x1800  }
0x4a: {  	[sflag:s28] =	ssyncset.done $0x0  }
0x4b: {  	s20 =	rddreg [dreg:$0xd];
	[sflag:s28] =	ssyncadd.s32 $0xFFFFE800  }
0x4c: {  	[spmem:s20] =	stream.linear.scatter [tilespmem:s0], [sflag:$0x3], $0x1800, $0x38;
	[tilespmem:$0x1F280] =	vst v63  }
0x4d: {  	_ =	swait.ge [sflag:s28], $0x1800  }
0x4e: {  	[sflag:s28] =	ssyncset.done $0x0  }
0x4f: {  	s22 =	rddreg [dreg:$0xe];
	[sflag:s28] =	ssyncadd.s32 $0xFFFFE800  }
0x50: {  	[spmem:s22] =	stream.linear.scatter [tilespmem:s0], [sflag:$0x3], $0x1800, $0x38;
	[tilespmem:$0x1F280] =	vst v63  }
0x51: {  	_ =	swait.ge [sflag:s28], $0x1800  }
0x52: {  	[sflag:s28] =	ssyncset.done $0x0  }
0x53: {  	s25 =	rddreg [dreg:$0xf];
	[sflag:s28] =	ssyncadd.s32 $0xFFFFE800  }
0x54: {  	[spmem:s25] =	stream.linear.scatter [tilespmem:s0], [sflag:$0x3], $0x1800, $0x38;
	[tilespmem:$0x1F280] =	vst v63  }
0x55: {  	_ =	swait.ge [sflag:s28], $0x1800  }
0x56: {  	[sflag:s28] =	ssyncset.done $0x0  }
0x57: {  	s26 =	rddreg [dreg:$0x10];
	[sflag:s28] =	ssyncadd.s32 $0xFFFFE800  }
0x58: {  	[spmem:s26] =	stream.linear.scatter [tilespmem:s0], [sflag:$0x3], $0x1800, $0x38;
	[tilespmem:$0x1F280] =	vst v63  }
0x59: {  	_ =	swait.ge [sflag:s28], $0x1800  }
0x5a: {  	[sflag:s28] =	ssyncset.done $0x0  }
0x5b: {  	s19 =	rddreg [dreg:$0x11];
	[sflag:s28] =	ssyncadd.s32 $0xFFFFE800  }
0x5c: {  	[spmem:s19] =	stream.linear.scatter [tilespmem:s0], [sflag:$0x3], $0x1800, $0x38;
	[tilespmem:$0x1F280] =	vst v63  }
0x5d: {  	_ =	swait.ge [sflag:s28], $0x1800  }
0x5e: {  	[sflag:s28] =	ssyncset.done $0x0  }
0x5f: {  	s20 =	rddreg [dreg:$0x12];
	[sflag:s28] =	ssyncadd.s32 $0xFFFFE800  }
0x60: {  	[spmem:s20] =	stream.linear.scatter [tilespmem:s0], [sflag:$0x3], $0x1800, $0x38;
	[tilespmem:$0x1F280] =	vst v63  }
0x61: {  	_ =	swait.ge [sflag:s28], $0x1800  }
0x62: {  	[sflag:s28] =	ssyncset.done $0x0  }
0x63: {  	[sflag:s28] =	ssyncadd.s32 $0xFFFFE800  }
0x64: {  	[spmem:s23] =	stream.linear.scatter [tilespmem:s0], [sflag:$0x3], $0x1800, $0x38;
	[tilespmem:$0x1F280] =	vst v63  }
0x65: {  	_ =	swait.ge [sflag:s28], $0x1800  }
0x66: {  	[sflag:s28] =	ssyncset.done $0x0  }
0x67: {  	s16 =	simm.s32 @!p0 $0xA200;
	[sflag:s28] =	ssyncadd.s32 $0xFFFFE800  }
0x68: {  	[spmem:s7] =	stream.linear.scatter @!p0 [tilespmem:s16], [sflag:$0x3], $0x800, $0x38;
	[tilespmem:$0x1F280] =	vst v63  }
0x69: {  	s16 =	simm.s32 @!p0 $0x3  }
0x6a: {  	_ =	swait.ge @!p0 [sflag:s16], $0x800  }
0x6b: {  	[sflag:s16] =	ssyncset.done @!p0 $0x0  }
0x6c: {  	[sflag:s16] =	ssyncadd.s32 @!p0 $0xFFFFF800  }
0x6d: {  	[bflag:$0x0] =	sbarrier.arrive $0xFFFF  }
0x6e: {  	[tilespmem:s3], [sflag:$0x3] =	stream.linear.gather [hbm4b:s17+s2], $0x100, $0x38;
	[tilespmem:$0x1F280] =	vst v63  }
0x6f: {  	_ =	swait.ge [sflag:s28], $0x100  }
0x70: {  	[sflag:s28] =	ssyncset.done $0x0  }
0x71: {  	s22 =	sadd.s32 $0x0, s24;
	[sflag:s28] =	ssyncadd.s32 $0xFFFFFF00  }
0x72: {  	[tilespmem:s6], [sflag:$0x2] =	stream.strided.gather [hbm4b:s22+s29], $0x5000, s30, s29, $0x38;
	[tilespmem:$0x1F280] =	vst v63  }
0x73: {  	_ =	swait.ge [sflag:s5], $0x5000  }
0x74: {  	[sflag:s5] =	ssyncset.done $0x0  }
0x75: {  	[sflag:s5] =	ssyncadd.s32 $0xFFFFB000  }
0x76: {  	[spmem:s1] =	stream.indirect.scatter.add.f32 [tilespmem:s31], [sflag:$0x3], $0x80, s2, s9, $0xb8;
	[tilespmem:$0x1F280] =	vst v63  }
0x77: {  	_ =	swait.ge [sflag:s28], $0x2800  }
0x78: {  	[sflag:s28] =	ssyncset.done $0x0  }
0x79: {  	[sflag:s28] =	ssyncadd.s32 $0xFFFFD800  }
0x7a: {  	[spmem:s1] =	stream.indirect.scatter.add.f32 [tilespmem:s11], [sflag:$0x3], $0x80, s10, s9, $0xb8;
	[tilespmem:$0x1F280] =	vst v63  }
0x7b: {  	_ =	swait.ge [sflag:s28], $0x2800  }
0x7c: {  	[sflag:s28] =	ssyncset.done $0x0  }
0x7d: {  	s25 =	sadd.s32 $0x200, s17;
	[sflag:s28] =	ssyncadd.s32 $0xFFFFD800  }
0x7e: {  	[tilespmem:s2], [sflag:$0x3] =	stream.linear.gather [hbm4b:s25+s2], $0x100, $0x38;
	[tilespmem:$0x1F280] =	vst v63  }
0x7f: {  	_ =	swait.ge [sflag:s28], $0x100  }
0x80: {  	s26 =	sshrl.u32 s18, $0x3;
	[sflag:s28] =	ssyncset.done $0x0  }
0x81: {  	s16 =	sadd.s32 s4, s26;
	[sflag:s28] =	ssyncadd.s32 $0xFFFFFF00  }
0x82: {  	[tilespmem:s31], [sflag:$0x1] =	stream.strided.gather [hbm4b:s16+s29], $0x5000, s30, s29, $0x38;
	[tilespmem:$0x1F280] =	vst v63  }
0x83: {  	_ =	swait.ge [sflag:s12], $0x5000  }
0x84: {  	[sflag:s12] =	ssyncset.done $0x0  }
0x85: {  	[sflag:s12] =	ssyncadd.s32 $0xFFFFB000  }
0x86: {  	[spmem:s1] =	stream.indirect.scatter.add.f32 [tilespmem:s6], [sflag:$0x3], $0x80, s3, s9, $0xb8;
	[tilespmem:$0x1F280] =	vst v63  }
0x87: {  	_ =	swait.ge [sflag:s28], $0x2800  }
0x88: {  	[sflag:s28] =	ssyncset.done $0x0  }
0x89: {  	[sflag:s28] =	ssyncadd.s32 $0xFFFFD800  }
0x8a: {  	[spmem:s1] =	stream.indirect.scatter.add.f32 [tilespmem:s14], [sflag:$0x3], $0x80, s13, s9, $0xb8;
	[tilespmem:$0x1F280] =	vst v63  }
0x8b: {  	s26 =	smov.u32 s17;
	_ =	swait.ge [sflag:s28], $0x2800  }
0x8c: {  	s25 =	smov.u32 s18;
	s16 =	simm.s32 $0x28000;
	[sflag:s28] =	ssyncset.done $0x0  }
.LBB2_4:
0x8d: {  	[sflag:s28] =	ssyncadd.s32 $0xFFFFD800  }
0x8e: {  	s26 =	sadd.s32 $0x400, s26;
	s25 =	sadd.s32 $0x140000, s25;
	s19 =	smov.u32 s16  }
0x8f: {  	[tilespmem:s3], [sflag:$0x3] =	stream.linear.gather [hbm4b:s26+s2], $0x100, $0x38;
	[tilespmem:$0x1F280] =	vst v63  }
0x90: {  	p1 =	sne.s32 s16, $0x4D8000;
	s16 =	sadd.s32 $0x28000, s16;
	_ =	swait.ge [sflag:s28], $0x100  }
0x91: {  	[sflag:s28] =	ssyncset.done $0x0  }
0x92: {  	s19 =	sadd.s32 s19, s24;
	[sflag:s28] =	ssyncadd.s32 $0xFFFFFF00  }
0x93: {  	[tilespmem:s6], [sflag:$0x2] =	stream.strided.gather [hbm4b:s19+s29], $0x5000, s30, s29, $0x38;
	[tilespmem:$0x1F280] =	vst v63  }
0x94: {  	_ =	swait.ge [sflag:s5], $0x5000  }
0x95: {  	[sflag:s5] =	ssyncset.done $0x0  }
0x96: {  	[sflag:s5] =	ssyncadd.s32 $0xFFFFB000  }
0x97: {  	[spmem:s1] =	stream.indirect.scatter.add.f32 [tilespmem:s31], [sflag:$0x3], $0x80, s2, s9, $0xb8;
	[tilespmem:$0x1F280] =	vst v63  }
0x98: {  	_ =	swait.ge [sflag:s28], $0x2800  }
0x99: {  	[sflag:s28] =	ssyncset.done $0x0  }
0x9a: {  	[sflag:s28] =	ssyncadd.s32 $0xFFFFD800  }
0x9b: {  	[spmem:s1] =	stream.indirect.scatter.add.f32 [tilespmem:s11], [sflag:$0x3], $0x80, s10, s9, $0xb8;
	[tilespmem:$0x1F280] =	vst v63  }
0x9c: {  	_ =	swait.ge [sflag:s28], $0x2800  }
0x9d: {  	[sflag:s28] =	ssyncset.done $0x0  }
0x9e: {  	s19 =	sadd.s32 $0x200, s26;
	[sflag:s28] =	ssyncadd.s32 $0xFFFFD800  }
0x9f: {  	[tilespmem:s2], [sflag:$0x3] =	stream.linear.gather [hbm4b:s19+s2], $0x100, $0x38;
	[tilespmem:$0x1F280] =	vst v63  }
0xa0: {  	_ =	swait.ge [sflag:s28], $0x100  }
0xa1: {  	s19 =	sshrl.u32 s25, $0x3;
	[sflag:s28] =	ssyncset.done $0x0  }
0xa2: {  	s19 =	sadd.s32 s4, s19;
	[sflag:s28] =	ssyncadd.s32 $0xFFFFFF00  }
0xa3: {  	[tilespmem:s31], [sflag:$0x1] =	stream.strided.gather [hbm4b:s19+s29], $0x5000, s30, s29, $0x38;
	[tilespmem:$0x1F280] =	vst v63  }
0xa4: {  	_ =	swait.ge [sflag:s12], $0x5000  }
0xa5: {  	[sflag:s12] =	ssyncset.done $0x0  }
0xa6: {  	[sflag:s12] =	ssyncadd.s32 $0xFFFFB000  }
0xa7: {  	[spmem:s1] =	stream.indirect.scatter.add.f32 [tilespmem:s6], [sflag:$0x3], $0x80, s3, s9, $0xb8;
	[tilespmem:$0x1F280] =	vst v63  }
0xa8: {  	_ =	swait.ge [sflag:s28], $0x2800  }
.Ltmp1:
0xa9: {  	[sflag:s28] =	ssyncset.done $0x0;
	(pc) =	sbr.rel @p1 .LBB2_4-.Ltmp1, $4  }
0xaa: {  	[sflag:s28] =	ssyncadd.s32 $0xFFFFD800  }
0xab: {  	[spmem:s1] =	stream.indirect.scatter.add.f32 [tilespmem:s14], [sflag:$0x3], $0x80, s13, s9, $0xb8;
	[tilespmem:$0x1F280] =	vst v63  }
0xac: {  	_ =	swait.ge [sflag:s28], $0x2800  }
0xad: {  	[sflag:s28] =	ssyncset.done $0x0  }
0xae: {  	[sflag:s28] =	ssyncadd.s32 $0xFFFFD800  }
0xaf: {  	_ =	swait.ge [sflag:s5], $0x5000  }
0xb0: {  	[sflag:s5] =	ssyncset.done $0x0  }
0xb1: {  	[sflag:s5] =	ssyncadd.s32 $0xFFFFB000  }
0xb2: {  	[spmem:s1] =	stream.indirect.scatter.add.f32 [tilespmem:s31], [sflag:$0x3], $0x80, s2, s9, $0xb8;
	[tilespmem:$0x1F280] =	vst v63  }
0xb3: {  	_ =	swait.ge [sflag:s28], $0x2800  }
0xb4: {  	[sflag:s28] =	ssyncset.done $0x0  }
0xb5: {  	[sflag:s28] =	ssyncadd.s32 $0xFFFFD800  }
0xb6: {  	[spmem:s1] =	stream.indirect.scatter.add.f32 [tilespmem:s11], [sflag:$0x3], $0x80, s10, s9, $0xb8;
	[tilespmem:$0x1F280] =	vst v63  }
0xb7: {  	_ =	swait.ge [sflag:s28], $0x2800  }
0xb8: {  	[sflag:s28] =	ssyncset.done $0x0  }
0xb9: {  	s16 =	stileid.u32;
	[sflag:s28] =	ssyncadd.s32 $0xFFFFD800  }
0xba: {  	s19 =	sshrl.u32 s8, $0x3;
	s16 =	sshll.u32 s16, $0x6;
	[bflag:$0x0] =	sbarrier.arrive $0xFFFF  }
0xbb: {  	s22 =	simm.s32 $0x8;
	s16 =	sor.u32 $0x1C03, s16;
	s20 =	rddreg [dreg:$0x5]  }
0xbc: {  	[hbm:s20@s3], [sflag:s16] =	dma.strided [spmem:s19@s10], $0x2700, s22, $0x10   }
0xbd: {  	s25 =	simm.s32 @!p0 $0x8;
	_ =	swait.ge [sflag:s28], $0x2700  }
0xbe: {  	s26 =	simm.s32 @!p0 $0x100;
	s19 =	sshrl.u32 @!p0 s7, $0x3;
	[sflag:s28] =	ssyncset.done $0x0  }
0xbf: {  	s20 =	simm.s32 @!p0 $0x80;
	s22 =	rddreg [dreg:$0x6];
	[sflag:s28] =	ssyncadd.s32 $0xFFFFD900  }
0xc0: {  	[hbm:s22@s26], [sflag:s16] =	dma.strided @!p0 [spmem:s19@s20], $0x100, s25, $0x10   }
0xc1: {  	s16 =	simm.s32 @!p0 $0x3  }
0xc2: {  	_ =	swait.ge @!p0 [sflag:s16], $0x100  }
0xc3: {  	s15 =	sadd.s32 $0x1, s15;
	s26 =	rddreg [dreg:$0x7]  }
0xc4: {  	p1 =	sne.s32 s15, s26  }
.Ltmp2:
0xc5: {  	_ = 	snop;
	(pc) =	sbr.rel @p1 .LBB2_1-.Ltmp2, $3  }
0xc6: {  	_ =	sdelay $0x1  }
0xc7: {  	[sflag:s16] =	ssyncset.done @!p0 $0x0  }
0xc8: {  	[sflag:s16] =	ssyncadd.s32 @!p0 $0xFFFFFF00  }
0xc9: {  	_ =	sfence.sel $0x180000  }
0xca: {  	[bflag:$0x0] =	sbarrier.arrive $0xFFFF  }
0xcb: {  	_ =	strace $0x9000004D  }
0xcc: {  	s0 =	stileid.u32;
	[bflag:$0x2] =	sbarrier.arrive $0xFFFF  }
0xcd: {  	p0 =	sne.s32 s0, $0x0;
	s0 =	rddreg [dreg:$0x3]  }
0xce: {  	s0 =	sadd.s32 @!p0 $0x100000, s0  }
0xcf: {  	[sflag:s0] =	ssyncadd.tile.s32 @!p0 $0x1;
	_ =	shalt  }
.Lfunc_end2:
_tile_overlayer_lowered:
.L_overlay_start_2:
0xd0: {  	(tag) =	ssettag $0x2  }
0xd1: {  	s0 =	rddreg [dreg:$0x0];
	s2 =	stileid.u32  }
0xd2: {  	s1 =	rddreg [dreg:$0x1];
	p0 =	sne.s32 s2, $0x0  }
0xd3: {  	s3 =	rddreg [dreg:$0x2];
	[bflag:$0x3] =	sbarrier.arrive $0xFFFF;
	s2 =	simm.s32 @!p0 $0x1C03  }
0xd4: {  	[timem:s3], [sflag:s2] =	dma.local @!p0 [hbm:s0], s1  }
0xd5: {  	s0 =	simm.s32 @!p0 $0x3  }
0xd6: {  	_ =	swait.ge @!p0 [sflag:s0], s1  }
0xd7: {  	s1 =	ssub.s32 @!p0 $0x0, s1;
	[sflag:s0] =	ssyncset.done @!p0 $0x0  }
0xd8: {  	[sflag:s0] =	ssyncadd.s32 @!p0 s1  }
0xd9: {  	[bflag:$0x3] =	sbarrier.arrive $0xFFFF  }
0xda: {  	_ =	shalt  }

// kernel: kernel.19.cloned.1.call-start
scs
__scs_entry_jumppad:
0x0: {  	(pc) =	sbr.rel $0x88, $3  }
0x1: {  	(tag) =	ssettag $0x0;
	lr =	simm.s32 $0x1  }
0x2: {  	[smem:$0x3F92] =	sst lr;
	_ =	strace $0xD0000000  }
0x3: {  	_ = 	snop  }
0x4: {  	_ = 	snop  }
0x5: {  	_ = 	snop  }
0x6: {  	_ = 	snop  }
0x7: {  	_ = 	snop  }
__scs_overlays_trampoline_lowered:
0x8: {  	[smem:$0x3FA1] =	sst s0  }
0x9: {  	[smem:$0x3FA2] =	sst s1  }
0xa: {  	[smem:$0x3FA3] =	sst s2  }
0xb: {  	[smem:$0x3FA4] =	sst s3  }
0xc: {  	[smem:$0x3FA5] =	sst s4  }
0xd: {  	[smem:$0x3FA6] =	sst s5  }
0xe: {  	[smem:$0x3FA7] =	sst s6  }
0xf: {  	[smem:$0x3FA8] =	sst s7  }
0x10: {  	[smem:$0x3FA9] =	sst s8  }
0x11: {  	[smem:$0x3FAA] =	sst s9;
	s0 =	simm.s32 @!p0 $0x0  }
0x12: {  	s1 =	sld [smem:$0x3F90];
	s0 =	simm.s32 @p0 $0x1  }
0x13: {  	[smem:$0x3FAB] =	sst s0;
	s0 =	simm.s32 @!p1 $0x0  }
0x14: {  	s2 =	sld [smem:$0x3F8F];
	s0 =	simm.s32 @p1 $0x1  }
0x15: {  	[smem:$0x3FAC] =	sst s0;
	s0 =	simm.s32 @!p2 $0x0  }
0x16: {  	s3 =	sld [smem:$0x3FDB];
	s0 =	simm.s32 @p2 $0x1  }
0x17: {  	s4 =	simm.s32 $0x1BF5;
	[smem:$0x3FAE] =	sst s0  }
0x18: {  	s0 =	sld [smem:$0x3F91];
	_ =	swait.ge [sflag:s4], $0x0  }
0x19: {  	s7 =	sld [smem:$0x3F92]  }
0x1a: {  	s8 =	sadd.s32 $0xFFFFE003, lr  }
0x1b: {  	s9 =	sadd.s32 $0xFFFFFEF7, lr;
	s5 =	simm.s32 $0xFFFFFFFF;
	p2 =	slt.u32 s8, $0xFFFFF086  }
0x1c: {  	p1 =	slt.u32 s9, $0xF7A;
	s5 =	simm.s32 @!p2 $0x0  }
0x1d: {  	s5 =	simm.s32 @p1 $0x1;
	p0 =	seq.s32 s7, s2  }
0x1e: {  	s7 =	smul.u32 @!p0 $0xF7A, s2;
	p2 =	seq.s32 @!p0 s5, $0x0  }
0x1f: {  	s9 =	smul.u32 $0xF7A, s1;
	s8 =	simm.s32 @!p0 $0x1BF5;
	p2 =	por !p2, p0  }
0x20: {  	[sflag:s8] =	ssyncset.s32 @!p0 $0xFFFFF086;
	s6 =	sadd.s32 @!p0 s3, s7;
	s7 =	simm.s32 @!p0 $0x108  }
0x21: {  	s3 =	sadd.s32 s3, s9;
	s6 =	sadd.s32 @!p0 $0x88, s6;
	s7 =	simm.s32 @p2 $0x1082  }
0x22: {  	[simem:s7], [sflag:s8] =	dma.local @!p0 [hbm:s6], $0xF7A  }
0x23: {  	s9 =	sor.u32 $0xD0000000, s2;
	s6 =	simm.s32 $0x108;
	_ =	swait.ge @!p0 [sflag:s8], $0x0  }
0x24: {  	s3 =	sadd.s32 $0x88, s3;
	s6 =	simm.s32 @!p1 $0x1082;
	[sflag:s4] =	ssyncset.s32 $0xFFFFF086  }
0x25: {  	[simem:s6], [sflag:s4] =	dma.local [hbm:s3], $0xF7A  }
0x26: {  	[smem:$0x3F92] =	sst s1;
	(tag) =	ssettag s2;
	_ =	strace s9  }
0x27: {  	s1 =	sld [smem:$0x3FA2]  }
0x28: {  	s2 =	sld [smem:$0x3FA3]  }
0x29: {  	s4 =	sld [smem:$0x3FA5]  }
0x2a: {  	p0 =	seq.s32 s5, $0x0;
	s5 =	sld [smem:$0x3FA6]  }
0x2b: {  	s6 =	sld [smem:$0x3FA7]  }
0x2c: {  	s7 =	sld [smem:$0x3FA8]  }
0x2d: {  	s3 =	simm.s32 $0x108;
	s8 =	sld [smem:$0x3FA9]  }
0x2e: {  	s3 =	simm.s32 @!p0 $0x1082;
	s9 =	sld [smem:$0x3FAA]  }
0x2f: {  	lr =	sadd.s32 s0, s3;
	s0 =	sld [smem:$0x3FA1]  }
0x30: {  	s3 =	sld [smem:$0x3FA4]  }
0x31: {  	[smem:$0x3FAD] =	sst s10  }
0x32: {  	s10 =	sld [smem:$0x3FAB];
	_ =	sdelay $0x3  }
0x33: {  	p0 =	seq.s32 s10, $0x1;
	s10 =	sld [smem:$0x3FAD];
	_ =	sdelay $0x3  }
0x34: {  	[smem:$0x3FAD] =	sst s10  }
0x35: {  	s10 =	sld [smem:$0x3FAC];
	_ =	sdelay $0x3  }
0x36: {  	p1 =	seq.s32 s10, $0x1;
	s10 =	sld [smem:$0x3FAD];
	_ =	sdelay $0x3  }
0x37: {  	[smem:$0x3FAD] =	sst s10  }
0x38: {  	s10 =	sld [smem:$0x3FAE]  }
0x39: {  	_ = 	snop;
	(pc) =	sbr.ind lr, $3  }
0x3a: {  	_ = 	snop  }
0x3b: {  	_ = 	snop  }
0x3c: {  	p2 =	seq.s32 s10, $0x1;
	s10 =	sld [smem:$0x3FAD]  }
0x3d: {  	_ =	shalt  }
0x3e: {  	_ =	shalt  }
0x3f: {  	_ =	shalt  }
0x40: {  	_ =	shalt  }
0x41: {  	_ =	shalt  }
0x42: {  	_ =	shalt  }
0x43: {  	_ =	shalt  }
0x44: {  	_ =	shalt  }
0x45: {  	_ =	shalt  }
0x46: {  	_ =	shalt  }
0x47: {  	_ =	shalt  }
0x48: {  	_ =	shalt  }
0x49: {  	_ =	shalt  }
0x4a: {  	_ =	shalt  }
0x4b: {  	_ =	shalt  }
0x4c: {  	_ =	shalt  }
0x4d: {  	_ =	shalt  }
0x4e: {  	_ =	shalt  }
0x4f: {  	_ =	shalt  }
0x50: {  	_ =	shalt  }
0x51: {  	_ =	shalt  }
0x52: {  	_ =	shalt  }
0x53: {  	_ =	shalt  }
0x54: {  	_ =	shalt  }
0x55: {  	_ =	shalt  }
0x56: {  	_ =	shalt  }
0x57: {  	_ =	shalt  }
0x58: {  	_ =	shalt  }
0x59: {  	_ =	shalt  }
0x5a: {  	_ =	shalt  }
0x5b: {  	_ =	shalt  }
0x5c: {  	_ =	shalt  }
0x5d: {  	_ =	shalt  }
0x5e: {  	_ =	shalt  }
0x5f: {  	_ =	shalt  }
0x60: {  	_ =	shalt  }
0x61: {  	_ =	shalt  }
0x62: {  	_ =	shalt  }
0x63: {  	_ =	shalt  }
0x64: {  	_ =	shalt  }
0x65: {  	_ =	shalt  }
0x66: {  	_ =	shalt  }
0x67: {  	_ =	shalt  }
0x68: {  	_ =	shalt  }
0x69: {  	_ =	shalt  }
0x6a: {  	_ =	shalt  }
0x6b: {  	_ =	shalt  }
0x6c: {  	_ =	shalt  }
0x6d: {  	_ =	shalt  }
0x6e: {  	_ =	shalt  }
0x6f: {  	_ =	shalt  }
0x70: {  	_ =	shalt  }
0x71: {  	_ =	shalt  }
0x72: {  	_ =	shalt  }
0x73: {  	_ =	shalt  }
0x74: {  	_ =	shalt  }
0x75: {  	_ =	shalt  }
0x76: {  	_ =	shalt  }
0x77: {  	_ =	shalt  }
0x78: {  	_ =	shalt  }
0x79: {  	_ =	shalt  }
0x7a: {  	_ =	shalt  }
0x7b: {  	_ =	shalt  }
0x7c: {  	_ =	shalt  }
0x7d: {  	_ =	shalt  }
0x7e: {  	_ =	shalt  }
0x7f: {  	_ =	shalt  }
0x80: {  	_ =	shalt  }
0x81: {  	_ =	shalt  }
0x82: {  	_ =	shalt  }
0x83: {  	_ =	shalt  }
0x84: {  	_ =	shalt  }
0x85: {  	_ =	shalt  }
0x86: {  	_ =	shalt  }
0x87: {  	_ =	shalt  }
.Lfunc_end0:
.L_simem_size_0:
called_computation.3_lowered:
.L_overlay_start_0:
0x88: {  	s2 =	sld [smem:$0x3FD9]  }
0x89: {  	s3 =	sld [smem:$0x3FFE];
	_ =	sdelay $0x1  }
0x8a: {  	s1 =	srdreg.scid  }
0x8b: {  	s0 =	sand.u32 $0x1, s1  }
0x8c: {  	s16 =	sshll.u32 s0, $0xA;
	s2 =	sadd.s32 s3, s2  }
0x8d: {  	s2 =	sadd.s32 s2, s16  }
0x8e: {  	[smem:$0x3FB9] =	sst s2  }
0x8f: {  	_ = 	snop  }
0x90: {  	(tm) =	ssettm $0x1  }
0x91: {  	s17 =	sld [smem:$0x3FFB];
	_ =	sdelay $0x3  }
0x92: {  	_ =	strace s17  }
0x93: {  	s2 =	sld [smem:$0x3FFC];
	_ =	sdelay $0x3  }
0x94: {  	_ =	strace s2  }
0x95: {  	s2 =	sld [smem:$0x3FFD];
	_ =	sdelay $0x3  }
0x96: {  	_ =	strace s2  }
0x97: {  	_ =	strace $0x8FFFFFFF  }
0x98: {  	s18 =	sld [smem:$0x3FDB];
	_ =	sdelay $0x1  }
0x99: {  	s19 =	simm.s32 $_scs_section_size  }
0x9a: {  	s4 =	simm.s32 $_size__tile_overlayer_lowered;
	s5 =	simm.s32 $_tile_overlayer_lowered  }
0x9b: {  	s22 =	simm.s32 $0x1BFF;
	s21 =	sshll.u32 s5, $0x1;
	s2 =	sadd.s32 s19, s18  }
0x9c: {  	s6 =	simm.s32 $0x0;
	s20 =	sshll.u32 s4, $0x1;
	s4 =	sadd.s32 s21, s2  }
0x9d: {  	[timem:s6], [sflag:s22] =	dma.local [hbm:s4], s20  }
0x9e: {  	_ =	swait.ge [sflag:s22], s20  }
0x9f: {  	s3 =	ssub.s32 $0x0, s20;
	[sflag:s22] =	ssyncset.done $0x0  }
0xa0: {  	[sflag:s22] =	ssyncadd.s32 s3;
	_ =	sdelay $0x1  }
0xa1: {  	s23 =	simm.s32 $0x1B8B  }
0xa2: {  	_ =	swait.ge [sflag:s23], $0x1  }
0xa3: {  	[sflag:s23] =	ssyncset.done $0x0  }
0xa4: {  	s25 =	simm.s32 $0x1B8E;
	s24 =	sld [smem:$0x3FFE];
	[sflag:s23] =	ssyncadd.s32 $0xFFFFFFFF  }
0xa5: {  	s26 =	simm.s32 $execute0_lowered;
	[smem:$0x3FD2] =	sst s25  }
0xa6: {  	s4 =	sshll.u32 s26, $0x1;
	_ =	strace $0x8000004F;
	[dreg:$0x1] =	wrdreg $0xFFFFFFFF  }
0xa7: {  	s28 =	simm.s32 $_size_execute0_lowered;
	s2 =	sadd.s32 s2, s4;
	[dreg:$0x0] =	wrdreg $0x0  }
0xa8: {  	s4 =	sshll.u32 s28, $0x1;
	[dreg:$0x2] =	wrdreg s2  }
0xa9: {  	[dreg:$0x3] =	wrdreg s4  }
0xaa: {  	[dreg:$0x4] =	wrdreg $0xC0  }
0xab: {  	_ =	task [dreg:s6], $0x5FFFF  }
0xac: {  	[dreg:$0x1] =	wrdreg $0xFFFFFFFF  }
0xad: {  	[dreg:$0x0] =	wrdreg $0x60  }
0xae: {  	[dreg:$0x2] =	wrdreg s24  }
0xaf: {  	[dreg:$0x3] =	wrdreg $0xBA000  }
0xb0: {  	[dreg:$0x4] =	wrdreg $0x9  }
0xb1: {  	_ =	task.clear_ibuf [dreg:s6], $0x5FFFF;
	_ =	strace $0x9000004F  }
0xb2: {  	s29 =	simm.s32 $0x9;
	_ =	strace $0x80000051  }
0xb3: {  	_ =	swait.ge [sflag:s29], $0x1  }
0xb4: {  	[sflag:s29] =	ssyncadd.s32 $0xFFFFFFFF  }
0xb5: {  	_ =	strace $0x90000051  }
0xb6: {  	_ =	sfence  }
0xb7: {  	s30 =	sld [smem:$0x0];
	_ =	sdelay $0x2  }
0xb8: {  	s31 =	sshll.u32 s1, $0xD;
	s1 =	sshrl.u32 s1, $0x2  }
0xb9: {  	s3 =	sand.u32 $0x4000, s31;
	s1 =	sadd.s32 s1, s30  }
0xba: {  	s0 =	sor.u32 s3, s0;
	s1 =	sshll.u32 s1, $0x11  }
0xbb: {  	s0 =	sor.u32 s1, s0  }
0xbc: {  	s0 =	sadd.s32 $0x8F2B, s0  }
0xbd: {  	[sflag:s0] =	ssyncadd.remote.s32 $0x1  }
0xbe: {  	_ =	sfence.sel $0xFFFF  }
0xbf: {  	[dreg:$0x0] =	wrdreg $0xFFFFFFFF;
	(pc) =	sbr.abs _section_cstart, $3  }
0xc0: {  	[dreg:$0x1] =	wrdreg $0xFFFFFFFF  }
0xc1: {  	_ =	task.clear_ibuf [dreg:s6], $0x2FFFF;
	_ =	strace $0x9FFFFFFF  }
0xc2: {  	(tm) =	ssettm $0x7FFFFFFF  }
0xc3: {  	_ =	shalt  }
tec
execute0_lowered:
.L_overlay_start_1:
0x0: {  	(tag) =	ssettag $0x1  }
0x1: {  	s0 =	rddreg [dreg:$0x0]  }
0x2: {  	s1 =	rddreg [dreg:$0x1];
	s3 =	simm.s32 $0x0;
	s2 =	srdreg.scid  }
0x3: {  	s12 =	stileid.u32;
	s30 =	simm.s32 $0x3;
	s31 =	simm.s32 $0x400  }
0x4: {  	[smem:$0x7FF] =	sst s3;
	s2 =	sand.u32 $0x1, s2;
	s6 =	smul.u32 $0xA000, s12  }
0x5: {  	s4 =	sadd.s32 $0xA13800, s0;
	s9 =	sadd.s32 $0x50A00, s0;
	s11 =	smul.u32 $0x27000, s12  }
0x6: {  	s0 =	sadd.s32 $0x58200, s0;
	s24 =	sshll.u32 s12, $0x5;
	s26 =	smul.u32 $0x4E000, s12  }
0x7: {  	s16 =	sor.u32 $0x3B0, s12;
	p0 =	sne.s32 s12, $0xF;
	s12 =	simm.s32 $0x80  }
0x8: {  	_ =	strace $0x80000050;
	s5 =	ssub.s32 $0x2, s2;
	s10 =	sshll.u32 s2, $0xA  }
0x9: {  	s13 =	sadd.s32 s9, s24;
	s2 =	sshll.u32 s2, $0x7;
	s19 =	smul.u32 $0xA000, s16  }
0xa: {  	s7 =	sshrl.u32 s5, $0x1;
	s6 =	sor.u32 s10, s6;
	s11 =	sor.u32 s10, s11  }
0xb: {  	s2 =	sadd.s32 s2, s0;
	s5 =	ssub.s32 s5, s7;
	s8 =	sshrl.u32 s6, $0x3  }
0xc: {  	s7 =	sadd.s32 $0x138000, s1;
	s11 =	sshrl.u32 s11, $0x3;
	s29 =	sadd.s32 $0x4E000, s2  }
0xd: {  	s23 =	sadd.s32 $0xA0000, s6;
	s25 =	sadd.s32 s4, s8;
	[dreg:$0x5] =	wrdreg s29  }
0xe: {  	s8 =	sshrl.u32 s26, $0x2;
	s0 =	sadd.s32 s0, s11;
	[dreg:$0x3] =	wrdreg s25  }
0xf: {  	s2 =	smax.u32 s5, $0x1;
	s8 =	sadd.s32 s8, s1;
	[dreg:$0x4] =	wrdreg s0  }
0x10: {  	[dreg:$0x6] =	wrdreg s2;
	s0 =	sshll.u32 s16, $0x5;
	s5 =	sadd.s32 $0x1800, s8  }
0x11: {  	s2 =	sor.u32 s10, s19;
	s11 =	sadd.s32 $0x3000, s8;
	[dreg:$0x7] =	wrdreg s5  }
0x12: {  	s25 =	sshrl.u32 s23, $0x3;
	s14 =	sadd.s32 $0x4800, s8;
	[dreg:$0x8] =	wrdreg s11  }
0x13: {  	s23 =	smov.u32 s13;
	s15 =	sadd.s32 $0x6000, s8;
	[dreg:$0x9] =	wrdreg s14  }
0x14: {  	s19 =	sadd.s32 $0x200, s13;
	s17 =	sadd.s32 $0x7800, s8;
	[dreg:$0xa] =	wrdreg s15  }
0x15: {  	s10 =	simm.s32 $0x1;
	s18 =	sadd.s32 $0x9000, s8;
	[dreg:$0xb] =	wrdreg s17  }
0x16: {  	s13 =	simm.s32 $0x2A00;
	s20 =	sadd.s32 $0xA800, s8;
	[dreg:$0xc] =	wrdreg s18  }
0x17: {  	s16 =	simm.s32 $0x7A00;
	s21 =	sadd.s32 $0xC000, s8;
	[dreg:$0xd] =	wrdreg s20  }
0x18: {  	s22 =	sadd.s32 $0xD800, s8;
	s0 =	sadd.s32 s9, s0;
	[dreg:$0xe] =	wrdreg s21  }
0x19: {  	s24 =	sshrl.u32 s2, $0x3;
	s26 =	sadd.s32 $0xF000, s8;
	[dreg:$0xf] =	wrdreg s22  }
0x1a: {  	s29 =	sadd.s32 $0x10800, s8;
	s28 =	sadd.s32 $0x12000, s8;
	[dreg:$0x10] =	wrdreg s0  }
0x1b: {  	s2 =	simm.s32 $0x200;
	s9 =	simm.s32 $0x100;
	[dreg:$0x11] =	wrdreg s26  }
0x1c: {  	s0 =	sadd.s32 s4, s24;
	s24 =	sadd.s32 s25, s4;
	s20 =	sadd.s32 $0x140000, s6  }
0x1d: {  	[dreg:$0x13] =	wrdreg s29;
	s6 =	simm.s32 $0xA200;
	s5 =	simm.s32 $0x5200  }
0x1e: {  	s11 =	simm.s32 $0x50;
	s14 =	simm.s32 $0x2;
	s15 =	simm.s32 $0x180  }
0x1f: {  	v0 =	vimm.f32 $0.0e+00;
	s17 =	simm.s32 $0x0;
	[dreg:$0x12] =	wrdreg s0;
	s0 =	simm.s32 $0x800  }
.LBB2_1:
0x20: {  	[tilespmem:s3], [sflag:$0x3] =	stream.linear.gather [hbm4b:s23+s3], $0x100, $0x38;
	[tilespmem:$0x1F280] =	vst v63  }
0x21: {  	_ =	swait.ge [sflag:s30], $0x100  }
0x22: {  	[sflag:s30] =	ssyncset.done $0x0  }
0x23: {  	s18 =	rddreg [dreg:$0x3];
	[sflag:s30] =	ssyncadd.s32 $0xFFFFFF00  }
0x24: {  	[tilespmem:s2], [sflag:$0x1] =	stream.strided.gather [hbm4b:s18+s31], $0x5000, s0, s31, $0x38;
	[tilespmem:$0x1F280] =	vst v63  }
0x25: {  	s25 =	simm.s32 $0x3C0;
	s18 =	simm.s32 $0x70  }
.LBB2_2:
0x26: {  	p1 =	sne.s32 s25, $0x5FC0;
	[tilespmem:s18+$0xA200] =	vst v0  }
0x27: {  	[tilespmem:s18+$0xA190] =	vst v0  }
0x28: {  	[tilespmem:s18+$0xA1A0] =	vst v0  }
.Ltmp0:
0x29: {  	[tilespmem:s18+$0xA1B0] =	vst v0;
	(pc) =	sbr.rel @p1 .LBB2_2-.Ltmp0, $4  }
0x2a: {  	[tilespmem:s18+$0xA1C0] =	vst v0  }
0x2b: {  	[tilespmem:s18+$0xA1D0] =	vst v0  }
0x2c: {  	[tilespmem:s18+$0xA1E0] =	vst v0  }
0x2d: {  	[tilespmem:s18+$0xA1F0] =	vst v0;
	s18 =	sshra.s32 s25, $0x2;
	s25 =	sadd.s32 $0x200, s25  }
0x2e: {  	[tilespmem:s18+$0xA200] =	vst v0  }
0x2f: {  	[tilespmem:s18+$0xA190] =	vst v0  }
0x30: {  	[tilespmem:s18+$0xA1A0] =	vst v0  }
0x31: {  	[tilespmem:s18+$0xA1B0] =	vst v0  }
0x32: {  	[tilespmem:s18+$0xA1C0] =	vst v0  }
0x33: {  	[tilespmem:s18+$0xA1D0] =	vst v0  }
0x34: {  	[tilespmem:s18+$0xA1E0] =	vst v0  }
0x35: {  	[tilespmem:s18+$0xA1F0] =	vst v0  }
0x36: {  	[spmem:s8] =	stream.linear.scatter [tilespmem:s6], [sflag:$0x3], $0x1800, $0x38;
	[tilespmem:$0x1F280] =	vst v63  }
0x37: {  	_ =	swait.ge [sflag:s30], $0x1800  }
0x38: {  	[sflag:s30] =	ssyncset.done $0x0  }
0x39: {  	s25 =	rddreg [dreg:$0x7];
	[sflag:s30] =	ssyncadd.s32 $0xFFFFE800  }
0x3a: {  	[spmem:s25] =	stream.linear.scatter [tilespmem:s6], [sflag:$0x3], $0x1800, $0x38;
	[tilespmem:$0x1F280] =	vst v63  }
0x3b: {  	_ =	swait.ge [sflag:s30], $0x1800  }
0x3c: {  	[sflag:s30] =	ssyncset.done $0x0  }
0x3d: {  	s26 =	rddreg [dreg:$0x8];
	[sflag:s30] =	ssyncadd.s32 $0xFFFFE800  }
0x3e: {  	[spmem:s26] =	stream.linear.scatter [tilespmem:s6], [sflag:$0x3], $0x1800, $0x38;
	[tilespmem:$0x1F280] =	vst v63  }
0x3f: {  	_ =	swait.ge [sflag:s30], $0x1800  }
0x40: {  	[sflag:s30] =	ssyncset.done $0x0  }
0x41: {  	s21 =	rddreg [dreg:$0x9];
	[sflag:s30] =	ssyncadd.s32 $0xFFFFE800  }
0x42: {  	[spmem:s21] =	stream.linear.scatter [tilespmem:s6], [sflag:$0x3], $0x1800, $0x38;
	[tilespmem:$0x1F280] =	vst v63  }
0x43: {  	_ =	swait.ge [sflag:s30], $0x1800  }
0x44: {  	[sflag:s30] =	ssyncset.done $0x0  }
0x45: {  	s22 =	rddreg [dreg:$0xa];
	[sflag:s30] =	ssyncadd.s32 $0xFFFFE800  }
0x46: {  	[spmem:s22] =	stream.linear.scatter [tilespmem:s6], [sflag:$0x3], $0x1800, $0x38;
	[tilespmem:$0x1F280] =	vst v63  }
0x47: {  	_ =	swait.ge [sflag:s30], $0x1800  }
0x48: {  	[sflag:s30] =	ssyncset.done $0x0  }
0x49: {  	s25 =	rddreg [dreg:$0xb];
	[sflag:s30] =	ssyncadd.s32 $0xFFFFE800  }
0x4a: {  	[spmem:s25] =	stream.linear.scatter [tilespmem:s6], [sflag:$0x3], $0x1800, $0x38;
	[tilespmem:$0x1F280] =	vst v63  }
0x4b: {  	_ =	swait.ge [sflag:s30], $0x1800  }
0x4c: {  	[sflag:s30] =	ssyncset.done $0x0  }
0x4d: {  	s26 =	rddreg [dreg:$0xc];
	[sflag:s30] =	ssyncadd.s32 $0xFFFFE800  }
0x4e: {  	[spmem:s26] =	stream.linear.scatter [tilespmem:s6], [sflag:$0x3], $0x1800, $0x38;
	[tilespmem:$0x1F280] =	vst v63  }
0x4f: {  	_ =	swait.ge [sflag:s30], $0x1800  }
0x50: {  	[sflag:s30] =	ssyncset.done $0x0  }
0x51: {  	s21 =	rddreg [dreg:$0xd];
	[sflag:s30] =	ssyncadd.s32 $0xFFFFE800  }
0x52: {  	[spmem:s21] =	stream.linear.scatter [tilespmem:s6], [sflag:$0x3], $0x1800, $0x38;
	[tilespmem:$0x1F280] =	vst v63  }
0x53: {  	_ =	swait.ge [sflag:s30], $0x1800  }
0x54: {  	[sflag:s30] =	ssyncset.done $0x0  }
0x55: {  	s22 =	rddreg [dreg:$0xe];
	[sflag:s30] =	ssyncadd.s32 $0xFFFFE800  }
0x56: {  	[spmem:s22] =	stream.linear.scatter [tilespmem:s6], [sflag:$0x3], $0x1800, $0x38;
	[tilespmem:$0x1F280] =	vst v63  }
0x57: {  	_ =	swait.ge [sflag:s30], $0x1800  }
0x58: {  	[sflag:s30] =	ssyncset.done $0x0  }
0x59: {  	s25 =	rddreg [dreg:$0xf];
	[sflag:s30] =	ssyncadd.s32 $0xFFFFE800  }
0x5a: {  	[spmem:s25] =	stream.linear.scatter [tilespmem:s6], [sflag:$0x3], $0x1800, $0x38;
	[tilespmem:$0x1F280] =	vst v63  }
0x5b: {  	_ =	swait.ge [sflag:s30], $0x1800  }
0x5c: {  	[sflag:s30] =	ssyncset.done $0x0  }
0x5d: {  	s26 =	rddreg [dreg:$0x11];
	[sflag:s30] =	ssyncadd.s32 $0xFFFFE800  }
0x5e: {  	[spmem:s26] =	stream.linear.scatter [tilespmem:s6], [sflag:$0x3], $0x1800, $0x38;
	[tilespmem:$0x1F280] =	vst v63  }
0x5f: {  	_ =	swait.ge [sflag:s30], $0x1800  }
0x60: {  	[sflag:s30] =	ssyncset.done $0x0  }
0x61: {  	s21 =	rddreg [dreg:$0x13];
	[sflag:s30] =	ssyncadd.s32 $0xFFFFE800  }
0x62: {  	[spmem:s21] =	stream.linear.scatter [tilespmem:s6], [sflag:$0x3], $0x1800, $0x38;
	[tilespmem:$0x1F280] =	vst v63  }
0x63: {  	_ =	swait.ge [sflag:s30], $0x1800  }
0x64: {  	[sflag:s30] =	ssyncset.done $0x0  }
0x65: {  	[sflag:s30] =	ssyncadd.s32 $0xFFFFE800  }
0x66: {  	[spmem:s28] =	stream.linear.scatter [tilespmem:s6], [sflag:$0x3], $0x1800, $0x38;
	[tilespmem:$0x1F280] =	vst v63  }
0x67: {  	_ =	swait.ge [sflag:s30], $0x1800  }
0x68: {  	[sflag:s30] =	ssyncset.done $0x0  }
0x69: {  	s18 =	simm.s32 @!p0 $0xA200;
	[sflag:s30] =	ssyncadd.s32 $0xFFFFE800  }
0x6a: {  	[spmem:s7] =	stream.linear.scatter @!p0 [tilespmem:s18], [sflag:$0x3], $0x800, $0x38;
	[tilespmem:$0x1F280] =	vst v63  }
0x6b: {  	s18 =	simm.s32 @!p0 $0x3  }
0x6c: {  	_ =	swait.ge @!p0 [sflag:s18], $0x800  }
0x6d: {  	[sflag:s18] =	ssyncset.done @!p0 $0x0  }
0x6e: {  	[sflag:s18] =	ssyncadd.s32 @!p0 $0xFFFFF800  }
0x6f: {  	[bflag:$0x0] =	sbarrier.arrive $0xFFFF  }
0x70: {  	[tilespmem:s9], [sflag:$0x3] =	stream.linear.gather [hbm4b:s19+s3], $0x100, $0x38;
	[tilespmem:$0x1F280] =	vst v63  }
0x71: {  	_ =	swait.ge [sflag:s30], $0x100  }
0x72: {  	[sflag:s30] =	ssyncset.done $0x0  }
0x73: {  	s22 =	sadd.s32 $0x0, s24;
	[sflag:s30] =	ssyncadd.s32 $0xFFFFFF00  }
0x74: {  	[tilespmem:s5], [sflag:$0x2] =	stream.strided.gather [hbm4b:s22+s31], $0x5000, s0, s31, $0x38;
	[tilespmem:$0x1F280] =	vst v63  }
0x75: {  	_ =	swait.ge [sflag:s10], $0x5000  }
0x76: {  	[sflag:s10] =	ssyncset.done $0x0  }
0x77: {  	[sflag:s10] =	ssyncadd.s32 $0xFFFFB000  }
0x78: {  	[spmem:s1] =	stream.indirect.scatter.add.f32 [tilespmem:s2], [sflag:$0x3], $0x80, s3, s11, $0xb8;
	[tilespmem:$0x1F280] =	vst v63  }
0x79: {  	_ =	swait.ge [sflag:s30], $0x2800  }
0x7a: {  	[sflag:s30] =	ssyncset.done $0x0  }
0x7b: {  	[sflag:s30] =	ssyncadd.s32 $0xFFFFD800  }
0x7c: {  	[spmem:s1] =	stream.indirect.scatter.add.f32 [tilespmem:s13], [sflag:$0x3], $0x80, s12, s11, $0xb8;
	[tilespmem:$0x1F280] =	vst v63  }
0x7d: {  	_ =	swait.ge [sflag:s30], $0x2800  }
0x7e: {  	[sflag:s30] =	ssyncset.done $0x0  }
0x7f: {  	s25 =	sadd.s32 $0x200, s19;
	[sflag:s30] =	ssyncadd.s32 $0xFFFFD800  }
0x80: {  	[tilespmem:s3], [sflag:$0x3] =	stream.linear.gather [hbm4b:s25+s3], $0x100, $0x38;
	[tilespmem:$0x1F280] =	vst v63  }
0x81: {  	_ =	swait.ge [sflag:s30], $0x100  }
0x82: {  	s26 =	sshrl.u32 s20, $0x3;
	[sflag:s30] =	ssyncset.done $0x0  }
0x83: {  	s18 =	sadd.s32 s4, s26;
	[sflag:s30] =	ssyncadd.s32 $0xFFFFFF00  }
0x84: {  	[tilespmem:s2], [sflag:$0x1] =	stream.strided.gather [hbm4b:s18+s31], $0x5000, s0, s31, $0x38;
	[tilespmem:$0x1F280] =	vst v63  }
0x85: {  	_ =	swait.ge [sflag:s14], $0x5000  }
0x86: {  	[sflag:s14] =	ssyncset.done $0x0  }
0x87: {  	[sflag:s14] =	ssyncadd.s32 $0xFFFFB000  }
0x88: {  	[spmem:s1] =	stream.indirect.scatter.add.f32 [tilespmem:s5], [sflag:$0x3], $0x80, s9, s11, $0xb8;
	[tilespmem:$0x1F280] =	vst v63  }
0x89: {  	_ =	swait.ge [sflag:s30], $0x2800  }
0x8a: {  	[sflag:s30] =	ssyncset.done $0x0  }
0x8b: {  	[sflag:s30] =	ssyncadd.s32 $0xFFFFD800  }
0x8c: {  	[spmem:s1] =	stream.indirect.scatter.add.f32 [tilespmem:s16], [sflag:$0x3], $0x80, s15, s11, $0xb8;
	[tilespmem:$0x1F280] =	vst v63  }
0x8d: {  	s29 =	smov.u32 s19;
	_ =	swait.ge [sflag:s30], $0x2800  }
0x8e: {  	s25 =	smov.u32 s20;
	s18 =	simm.s32 $0x28000;
	[sflag:s30] =	ssyncset.done $0x0  }
.LBB2_4:
0x8f: {  	[sflag:s30] =	ssyncadd.s32 $0xFFFFD800  }
0x90: {  	s29 =	sadd.s32 $0x400, s29;
	s25 =	sadd.s32 $0x140000, s25;
	s21 =	smov.u32 s18  }
0x91: {  	[tilespmem:s9], [sflag:$0x3] =	stream.linear.gather [hbm4b:s29+s3], $0x100, $0x38;
	[tilespmem:$0x1F280] =	vst v63  }
0x92: {  	p1 =	sne.s32 s18, $0x460000;
	s18 =	sadd.s32 $0x28000, s18;
	_ =	swait.ge [sflag:s30], $0x100  }
0x93: {  	[sflag:s30] =	ssyncset.done $0x0  }
0x94: {  	s21 =	sadd.s32 s21, s24;
	[sflag:s30] =	ssyncadd.s32 $0xFFFFFF00  }
0x95: {  	[tilespmem:s5], [sflag:$0x2] =	stream.strided.gather [hbm4b:s21+s31], $0x5000, s0, s31, $0x38;
	[tilespmem:$0x1F280] =	vst v63  }
0x96: {  	_ =	swait.ge [sflag:s10], $0x5000  }
0x97: {  	[sflag:s10] =	ssyncset.done $0x0  }
0x98: {  	[sflag:s10] =	ssyncadd.s32 $0xFFFFB000  }
0x99: {  	[spmem:s1] =	stream.indirect.scatter.add.f32 [tilespmem:s2], [sflag:$0x3], $0x80, s3, s11, $0xb8;
	[tilespmem:$0x1F280] =	vst v63  }
0x9a: {  	_ =	swait.ge [sflag:s30], $0x2800  }
0x9b: {  	[sflag:s30] =	ssyncset.done $0x0  }
0x9c: {  	[sflag:s30] =	ssyncadd.s32 $0xFFFFD800  }
0x9d: {  	[spmem:s1] =	stream.indirect.scatter.add.f32 [tilespmem:s13], [sflag:$0x3], $0x80, s12, s11, $0xb8;
	[tilespmem:$0x1F280] =	vst v63  }
0x9e: {  	_ =	swait.ge [sflag:s30], $0x2800  }
0x9f: {  	[sflag:s30] =	ssyncset.done $0x0  }
0xa0: {  	s21 =	sadd.s32 $0x200, s29;
	[sflag:s30] =	ssyncadd.s32 $0xFFFFD800  }
0xa1: {  	[tilespmem:s3], [sflag:$0x3] =	stream.linear.gather [hbm4b:s21+s3], $0x100, $0x38;
	[tilespmem:$0x1F280] =	vst v63  }
0xa2: {  	_ =	swait.ge [sflag:s30], $0x100  }
0xa3: {  	s21 =	sshrl.u32 s25, $0x3;
	[sflag:s30] =	ssyncset.done $0x0  }
0xa4: {  	s21 =	sadd.s32 s4, s21;
	[sflag:s30] =	ssyncadd.s32 $0xFFFFFF00  }
0xa5: {  	[tilespmem:s2], [sflag:$0x1] =	stream.strided.gather [hbm4b:s21+s31], $0x5000, s0, s31, $0x38;
	[tilespmem:$0x1F280] =	vst v63  }
0xa6: {  	_ =	swait.ge [sflag:s14], $0x5000  }
0xa7: {  	[sflag:s14] =	ssyncset.done $0x0  }
0xa8: {  	[sflag:s14] =	ssyncadd.s32 $0xFFFFB000  }
0xa9: {  	[spmem:s1] =	stream.indirect.scatter.add.f32 [tilespmem:s5], [sflag:$0x3], $0x80, s9, s11, $0xb8;
	[tilespmem:$0x1F280] =	vst v63  }
0xaa: {  	_ =	swait.ge [sflag:s30], $0x2800  }
.Ltmp1:
0xab: {  	[sflag:s30] =	ssyncset.done $0x0;
	(pc) =	sbr.rel @p1 .LBB2_4-.Ltmp1, $4  }
0xac: {  	[sflag:s30] =	ssyncadd.s32 $0xFFFFD800  }
0xad: {  	[spmem:s1] =	stream.indirect.scatter.add.f32 [tilespmem:s16], [sflag:$0x3], $0x80, s15, s11, $0xb8;
	[tilespmem:$0x1F280] =	vst v63  }
0xae: {  	_ =	swait.ge [sflag:s30], $0x2800  }
0xaf: {  	[sflag:s30] =	ssyncset.done $0x0  }
0xb0: {  	[sflag:s30] =	ssyncadd.s32 $0xFFFFD800;
	s18 =	rddreg [dreg:$0x10]  }
0xb1: {  	[tilespmem:s9], [sflag:$0x3] =	stream.linear.gather [hbm4b:s18+s3], $0x100, $0x38;
	[tilespmem:$0x1F280] =	vst v63  }
0xb2: {  	_ =	swait.ge [sflag:s30], $0x100  }
0xb3: {  	[sflag:s30] =	ssyncset.done $0x0  }
0xb4: {  	s25 =	rddreg [dreg:$0x12];
	[sflag:s30] =	ssyncadd.s32 $0xFFFFFF00  }
0xb5: {  	[tilespmem:s5], [sflag:$0x2] =	stream.strided.gather [hbm4b:s25+s31], $0x5000, s0, s31, $0x38;
	[tilespmem:$0x1F280] =	vst v63  }
0xb6: {  	_ =	swait.ge [sflag:s10], $0x5000  }
0xb7: {  	[sflag:s10] =	ssyncset.done $0x0  }
0xb8: {  	[sflag:s10] =	ssyncadd.s32 $0xFFFFB000  }
0xb9: {  	[spmem:s1] =	stream.indirect.scatter.add.f32 [tilespmem:s2], [sflag:$0x3], $0x80, s3, s11, $0xb8;
	[tilespmem:$0x1F280] =	vst v63  }
0xba: {  	_ =	swait.ge [sflag:s30], $0x2800  }
0xbb: {  	[sflag:s30] =	ssyncset.done $0x0  }
0xbc: {  	[sflag:s30] =	ssyncadd.s32 $0xFFFFD800  }
0xbd: {  	[spmem:s1] =	stream.indirect.scatter.add.f32 [tilespmem:s13], [sflag:$0x3], $0x80, s12, s11, $0xb8;
	[tilespmem:$0x1F280] =	vst v63  }
0xbe: {  	_ =	swait.ge [sflag:s30], $0x2800  }
0xbf: {  	[sflag:s30] =	ssyncset.done $0x0  }
0xc0: {  	[sflag:s30] =	ssyncadd.s32 $0xFFFFD800  }
0xc1: {  	_ =	swait.ge [sflag:s14], $0x5000  }
0xc2: {  	[sflag:s14] =	ssyncset.done $0x0  }
0xc3: {  	[sflag:s14] =	ssyncadd.s32 $0xFFFFB000  }
0xc4: {  	[spmem:s1] =	stream.indirect.scatter.add.f32 [tilespmem:s5], [sflag:$0x3], $0x80, s9, s11, $0xb8;
	[tilespmem:$0x1F280] =	vst v63  }
0xc5: {  	_ =	swait.ge [sflag:s30], $0x2800  }
0xc6: {  	[sflag:s30] =	ssyncset.done $0x0  }
0xc7: {  	[sflag:s30] =	ssyncadd.s32 $0xFFFFD800  }
0xc8: {  	[spmem:s1] =	stream.indirect.scatter.add.f32 [tilespmem:s16], [sflag:$0x3], $0x80, s15, s11, $0xb8;
	[tilespmem:$0x1F280] =	vst v63  }
0xc9: {  	_ =	swait.ge [sflag:s30], $0x2800  }
0xca: {  	[sflag:s30] =	ssyncset.done $0x0  }
0xcb: {  	s26 =	stileid.u32;
	[sflag:s30] =	ssyncadd.s32 $0xFFFFD800  }
0xcc: {  	s21 =	sshrl.u32 s8, $0x3;
	s18 =	sshll.u32 s26, $0x6;
	[bflag:$0x0] =	sbarrier.arrive $0xFFFF  }
0xcd: {  	s18 =	sor.u32 $0x1C03, s18;
	s25 =	simm.s32 $0x8;
	s22 =	rddreg [dreg:$0x4]  }
0xce: {  	[hbm:s22@s9], [sflag:s18] =	dma.strided [spmem:s21@s12], $0x2700, s25, $0x10   }
0xcf: {  	s29 =	simm.s32 @!p0 $0x100;
	_ =	swait.ge [sflag:s30], $0x2700  }
0xd0: {  	s21 =	sshrl.u32 @!p0 s7, $0x3;
	s25 =	simm.s32 @!p0 $0x8;
	[sflag:s30] =	ssyncset.done $0x0  }
0xd1: {  	s22 =	simm.s32 @!p0 $0x80;
	s26 =	rddreg [dreg:$0x5];
	[sflag:s30] =	ssyncadd.s32 $0xFFFFD900  }
0xd2: {  	[hbm:s26@s29], [sflag:s18] =	dma.strided @!p0 [spmem:s21@s22], $0x100, s25, $0x10   }
0xd3: {  	s18 =	simm.s32 @!p0 $0x3  }
0xd4: {  	_ =	swait.ge @!p0 [sflag:s18], $0x100  }
0xd5: {  	s17 =	sadd.s32 $0x1, s17;
	s29 =	rddreg [dreg:$0x6]  }
0xd6: {  	p1 =	sne.s32 s17, s29  }
.Ltmp2:
0xd7: {  	_ = 	snop;
	(pc) =	sbr.rel @p1 .LBB2_1-.Ltmp2, $3  }
0xd8: {  	_ =	sdelay $0x1  }
0xd9: {  	[sflag:s18] =	ssyncset.done @!p0 $0x0  }
0xda: {  	[sflag:s18] =	ssyncadd.s32 @!p0 $0xFFFFFF00  }
0xdb: {  	_ =	sfence.sel $0x180000  }
0xdc: {  	[bflag:$0x0] =	sbarrier.arrive $0xFFFF  }
0xdd: {  	_ =	strace $0x90000050  }
0xde: {  	s0 =	stileid.u32;
	[bflag:$0x2] =	sbarrier.arrive $0xFFFF  }
0xdf: {  	p0 =	sne.s32 s0, $0x0;
	s0 =	rddreg [dreg:$0x2]  }
0xe0: {  	s0 =	sadd.s32 @!p0 $0x100000, s0  }
0xe1: {  	[sflag:s0] =	ssyncadd.tile.s32 @!p0 $0x1;
	_ =	shalt  }
.Lfunc_end2:
_tile_overlayer_lowered:
.L_overlay_start_2:
0xe2: {  	(tag) =	ssettag $0x2  }
0xe3: {  	s0 =	rddreg [dreg:$0x0];
	s2 =	stileid.u32  }
0xe4: {  	s1 =	rddreg [dreg:$0x1];
	p0 =	sne.s32 s2, $0x0  }
0xe5: {  	s3 =	rddreg [dreg:$0x2];
	[bflag:$0x3] =	sbarrier.arrive $0xFFFF;
	s2 =	simm.s32 @!p0 $0x1C03  }
0xe6: {  	[timem:s3], [sflag:s2] =	dma.local @!p0 [hbm:s0], s1  }
0xe7: {  	s0 =	simm.s32 @!p0 $0x3  }
0xe8: {  	_ =	swait.ge @!p0 [sflag:s0], s1  }
0xe9: {  	s1 =	ssub.s32 @!p0 $0x0, s1;
	[sflag:s0] =	ssyncset.done @!p0 $0x0  }
0xea: {  	[sflag:s0] =	ssyncadd.s32 @!p0 s1  }
0xeb: {  	[bflag:$0x3] =	sbarrier.arrive $0xFFFF  }
0xec: {  	_ =	shalt  }

</sc_bundles>
